<compile_context>
chip_gen: v7x
topology: tpu7x:2x2x1
jax: 0.10.2.dev20260603
libtpu: 0.0.44.dev20260713+nightly
codegen_flags: <defaults>
</compile_context>

<pallas_src>
import functools

import jax
import jax.numpy as jnp
from jax import lax
from jax.experimental import pallas as pl
from jax.experimental.pallas import tpu as pltpu
from jax.experimental.pallas import tpu_sc as plsc

_A1 = 0.4
_A2 = 4.4
_P = 6400000
_PQ = _P // 4
_NC = 2
_NS = 16
_NW = _NC * _NS
_L = 16
_PER_W = _PQ // _NW
_CW = 2000
_G = _PER_W // _CW
_BP = 64000


def _pack_body(x0, x1, x2, x3, o):
    def code(x):
        return x[0, :] | (x[1, :] << 2)

    i = pl.program_id(0)
    o[pl.ds(i * _BP, _BP)] = (code(x0) | (code(x1) << 8)
                              | (code(x2) << 16) | (code(x3) << 24))


_pack = pl.pallas_call(
    _pack_body,
    grid=(_PQ // _BP,),
    in_specs=[
        pl.BlockSpec((2, _BP), lambda i, k=k: (0, k * (_PQ // _BP) + i))
        for k in range(4)
    ],
    out_specs=pl.BlockSpec((_PQ,), lambda i: (0,)),
    out_shape=jax.ShapeDtypeStruct((_PQ,), jnp.int32),
    compiler_params=pltpu.CompilerParams(
        dimension_semantics=("arbitrary",)),
)


def _body(code_hbm, dist_hbm, cr_hbm, out_hbm, table_v,
          ca, cb, da, db, oa, ob,
          in_sem0, in_sem1, out_sem0, out_sem1):
    wid = lax.axis_index("s") * _NC + lax.axis_index("c")

    pltpu.sync_copy(cr_hbm, table_v)
    t = table_v[...] * _A1 + _A2
    t2 = t * t
    table_v[...] = t2 * t2 * t2

    c_v = (ca, cb)
    d_v = (da, db)
    o_v = (oa, ob)
    in_sems = (in_sem0, in_sem1)
    out_sems = (out_sem0, out_sem1)

    def wbase_of(g):
        return pl.multiple_of(wid * _PER_W + g * _CW, 8)

    def in_copies(g, b):
        wbase = wbase_of(g)
        copies = [(code_hbm.at[pl.ds(wbase, _CW)], c_v[b], in_sems[b])]
        for k in range(4):
            copies.append((
                dist_hbm.at[pl.ds(wbase + k * _PQ, _CW)],
                d_v[b].at[pl.ds(k * _CW, _CW)],
                in_sems[b],
            ))
        return copies

    def out_copies(g, b):
        wbase = wbase_of(g)
        return [
            (o_v[b].at[pl.ds(k * _CW, _CW)],
             out_hbm.at[pl.ds(wbase + k * _PQ, _CW)],
             out_sems[b])
            for k in range(4)
        ]

    def start_in(g, b):
        for args in in_copies(g, b):
            pltpu.async_copy(*args)

    def wait_in(g, b):
        for args in in_copies(g, b):
            pltpu.make_async_copy(*args).wait()

    def start_out(g, b):
        for args in out_copies(g, b):
            pltpu.async_copy(*args)

    def wait_out(g, b):
        for args in out_copies(g, b):
            pltpu.make_async_copy(*args).wait()

    def compute(b):
        @plsc.parallel_loop(0, _CW, _L, unroll=4)
        def inner(w):
            c32 = c_v[b][pl.ds(w, _L)]
            for k in range(4):
                idx = (c32 >> (8 * k)) & 0xF
                damp = plsc.load_gather(table_v, [idx])
                d = d_v[b][pl.ds(k * _CW + w, _L)]
                d2 = d * d
                o_v[b][pl.ds(k * _CW + w, _L)] = d2 * d2 * d2 + damp

    start_in(0, 0)
    start_in(1, 1)
    for j in (0, 1):
        wait_in(j, j)
        compute(j)
        start_out(j, j)
        start_in(2 + j, j)

    def round_body(gp, carry):
        for j in (0, 1):
            g = gp * 2 + j
            wait_in(g, j)
            wait_out(g - 2, j)
            compute(j)
            start_out(g, j)
            start_in(g + 2, j)
        return carry

    lax.fori_loop(1, _G // 2 - 1, round_body, 0)

    for j in (0, 1):
        g = _G - 3 + j
        wait_in(g, j)
        wait_out(g - 2, j)
        compute(j)
        start_out(g, j)
        if g + 2 <= _G - 1:
            start_in(g + 2, j)

    g = _G - 1
    wait_in(g, 0)
    wait_out(g - 2, 0)
    compute(0)
    start_out(g, 0)

    wait_out(_G - 2, 1)
    wait_out(_G - 1, 0)


_damp = functools.partial(
    pl.kernel,
    out_type=jax.ShapeDtypeStruct((_P,), jnp.float32),
    mesh=plsc.VectorSubcoreMesh(core_axis_name="c", subcore_axis_name="s"),
    scratch_types=[
        pltpu.VMEM((16,), jnp.float32),
        pltpu.VMEM((_CW,), jnp.int32),
        pltpu.VMEM((_CW,), jnp.int32),
        pltpu.VMEM((4 * _CW,), jnp.float32),
        pltpu.VMEM((4 * _CW,), jnp.float32),
        pltpu.VMEM((4 * _CW,), jnp.float32),
        pltpu.VMEM((4 * _CW,), jnp.float32),
        pltpu.SemaphoreType.DMA,
        pltpu.SemaphoreType.DMA,
        pltpu.SemaphoreType.DMA,
        pltpu.SemaphoreType.DMA,
    ],
    compiler_params=pltpu.CompilerParams(needs_layout_passes=False),
)(_body)


@jax.jit
def kernel(species12, distances, cutoff_radii):
    codes = _pack(species12, species12, species12, species12)
    return _damp(codes, distances, cutoff_radii.T.reshape(-1))

# --- scband reference (transcript-rebuilt; emitter-appended) ---
"""Pipeline reference for scband-bjdamp-23630910062717 (READ-ONLY COPY).

The authoritative reference and input builder live on the scoring server;
editing this copy changes nothing except your own understanding.
"""

import jax, jax.numpy as jnp
import numpy as np

ORDER = 6
A1 = 0.4
A2 = 4.4
NUM_TYPES = 4  # len(symbols) = ["H","C","N","O"]
P = 6400000


def setup_inputs(seed: int = 0) -> dict:
    key = jax.random.key(seed)
    k1, k2 = jax.random.split(key)
    species12 = jax.random.randint(k1, (2, P), 0, NUM_TYPES, dtype=jnp.int64 if jax.config.jax_enable_x64 else jnp.int32).astype(jnp.int32)
    # positive interatomic distances (AU)
    distances = jax.random.uniform(k2, (P,), dtype=jnp.float32) * 4.0 + 0.5
    # Materialize the cutoff_radii buffer the way BJDamp.__init__ does:
    # sqrt of empirical charges per atomic number (stand-in constant table),
    # outer product, sqrt(3 * outer), then index by the atomic numbers of the symbols.
    sqrt_q = jnp.sqrt(jnp.arange(1.0, 11.0, dtype=jnp.float32))  # per-Z constant table
    znumbers = jnp.array([1, 6, 7, 8], dtype=jnp.int32)  # H, C, N, O
    outer_sqrt_q = jnp.outer(sqrt_q, sqrt_q)
    cutoff_radii = jnp.sqrt(3.0 * outer_sqrt_q)[znumbers][:, znumbers]
    assert cutoff_radii.shape == (NUM_TYPES, NUM_TYPES)
    return {"species12": species12, "distances": distances, "cutoff_radii": cutoff_radii}


def reference(species12, distances, cutoff_radii):
    # gather pairwise cutoff radii from the TxT table (embedding-style 2D lookup)
    cr = cutoff_radii[species12[0], species12[1]]
    damp_term = (A1 * cr + A2) ** ORDER
    return distances ** ORDER + damp_term

if __name__ == "__main__":
    import jax
    _d = setup_inputs()
    print(jax.jit(kernel)(*tuple(_d.values())))

</pallas_src>

<mosaic_0001>
#map = affine_map<(d0, d1) -> (0)>
module attributes {stable_mosaic.version = 14 : i64} {
  func.func @_body(%arg0: i32, %arg1: i32, %arg2: memref<1600000xi32, #tpu.memory_space<hbm>>, %arg3: memref<6400000xf32, #tpu.memory_space<hbm>>, %arg4: memref<16xf32, #tpu.memory_space<hbm>>, %arg5: memref<6400000xf32, #tpu.memory_space<hbm>>, %arg6: memref<16xf32, #tpu.memory_space<vmem>>, %arg7: memref<2000xi32, #tpu.memory_space<vmem>>, %arg8: memref<2000xi32, #tpu.memory_space<vmem>>, %arg9: memref<8000xf32, #tpu.memory_space<vmem>>, %arg10: memref<8000xf32, #tpu.memory_space<vmem>>, %arg11: memref<8000xf32, #tpu.memory_space<vmem>>, %arg12: memref<8000xf32, #tpu.memory_space<vmem>>, %arg13: memref<!tpu.dma_semaphore, #tpu.memory_space<semaphore_mem>>, %arg14: memref<!tpu.dma_semaphore, #tpu.memory_space<semaphore_mem>>, %arg15: memref<!tpu.dma_semaphore, #tpu.memory_space<semaphore_mem>>, %arg16: memref<!tpu.dma_semaphore, #tpu.memory_space<semaphore_mem>>) attributes {dimension_semantics = [#tpu.dimension_semantics<core_parallel>, #tpu.dimension_semantics<subcore_parallel>], iteration_bounds = array<i64: 2, 16>, scalar_prefetch = 0 : i64, scratch_operands = 11 : i64, tpu.core_type = #tpu.core_type<sc_vector_subcore>, window_params = [{transform_indices = #map}, {transform_indices = #map}, {transform_indices = #map}, {transform_indices = #map}]} {
    %mul3A = arith.constant 2 : i32
    %mul3A_0 = arith.muli %arg1, %mul3A : i32
    %add3A = arith.addi %mul3A_0, %arg0 : i32
    "tpu.region"() ({
      %run_scoped3A = tpu.sem_alloc : memref<!tpu.dma_semaphore, #tpu.memory_space<semaphore_mem>>
      tpu.enqueue_dma source(%arg4 : memref<16xf32, #tpu.memory_space<hbm>>) target(%arg6 : memref<16xf32, #tpu.memory_space<vmem>>) target_semaphore(%run_scoped3A : memref<!tpu.dma_semaphore, #tpu.memory_space<semaphore_mem>>)
      tpu.wait_dma2 semaphore(%run_scoped3A : memref<!tpu.dma_semaphore, #tpu.memory_space<semaphore_mem>>) src(%arg4 : memref<16xf32, #tpu.memory_space<hbm>>) dst(%arg6 : memref<16xf32, #tpu.memory_space<vmem>>)
      tpu.yield
    }) : () -> ()
    %get3A = arith.constant 0 : index
    %get3A_1 = tpu.vector_load %arg6[%get3A] {strides = array<i32>} : memref<16xf32, #tpu.memory_space<vmem>>, vector<16xf32>,
    %mul3A_2 = arith.constant 4.000000e-01 : f32
    %mul3A_3 = vector.broadcast %mul3A_2 : f32 to vector<16xf32>
    %mul3A_4 = arith.mulf %get3A_1, %mul3A_3 : vector<16xf32>
    %add3A_5 = arith.constant 4.400000e+00 : f32
    %add3A_6 = vector.broadcast %add3A_5 : f32 to vector<16xf32>
    %add3A_7 = arith.addf %mul3A_4, %add3A_6 : vector<16xf32>
    %mul3A_8 = arith.mulf %add3A_7, %add3A_7 : vector<16xf32>
    %mul3A_9 = arith.mulf %mul3A_8, %mul3A_8 : vector<16xf32>
    %mul3A_10 = arith.mulf %mul3A_9, %mul3A_8 : vector<16xf32>
    %swap3A = arith.constant 0 : index
    %swap3A_11 = tpu.vector_load %arg6[%swap3A] {strides = array<i32>} : memref<16xf32, #tpu.memory_space<vmem>>, vector<16xf32>,
    tpu.vector_store %arg6[%swap3A], %mul3A_10 {strides = array<i32>} : memref<16xf32, #tpu.memory_space<vmem>>, vector<16xf32>,
    %mul3A_12 = arith.constant 50000 : i32
    %mul3A_13 = arith.muli %add3A, %mul3A_12 : i32
    %add3A_14 = arith.constant 0 : i32
    %add3A_15 = arith.addi %mul3A_13, %add3A_14 : i32
    %multiple_of3A = tpu.assume_multiple %add3A_15, 8 : i32
    %add3A_16 = arith.constant 0 : i32
    %add3A_17 = arith.addi %multiple_of3A, %add3A_16 : i32
    %add3A_18 = arith.constant 1600000 : i32
    %add3A_19 = arith.addi %multiple_of3A, %add3A_18 : i32
    %add3A_20 = arith.constant 3200000 : i32
    %add3A_21 = arith.addi %multiple_of3A, %add3A_20 : i32
    %add3A_22 = arith.constant 4800000 : i32
    %add3A_23 = arith.addi %multiple_of3A, %add3A_22 : i32
    %dma_start3A = tpu.memref_slice %arg2[%multiple_of3A] : memref<1600000xi32, #tpu.memory_space<hbm>> -> memref<2000xi32, #tpu.memory_space<hbm>>
    %dma_start3A_24 = tpu.memref_slice %arg2[%multiple_of3A] : memref<1600000xi32, #tpu.memory_space<hbm>> -> memref<2000xi32, #tpu.memory_space<hbm>>
    tpu.enqueue_dma source(%dma_start3A_24 : memref<2000xi32, #tpu.memory_space<hbm>>) target(%arg7 : memref<2000xi32, #tpu.memory_space<vmem>>) target_semaphore(%arg13 : memref<!tpu.dma_semaphore, #tpu.memory_space<semaphore_mem>>)
    %dma_start3A_25 = arith.constant 0 : i32
    %dma_start3A_26 = tpu.memref_slice %arg9[%dma_start3A_25] : memref<8000xf32, #tpu.memory_space<vmem>> -> memref<2000xf32, #tpu.memory_space<vmem>>
    %dma_start3A_27 = tpu.memref_slice %arg3[%add3A_17] : memref<6400000xf32, #tpu.memory_space<hbm>> -> memref<2000xf32, #tpu.memory_space<hbm>>
    %dma_start3A_28 = arith.constant 0 : i32
    %dma_start3A_29 = tpu.memref_slice %arg9[%dma_start3A_28] : memref<8000xf32, #tpu.memory_space<vmem>> -> memref<2000xf32, #tpu.memory_space<vmem>>
    %dma_start3A_30 = tpu.memref_slice %arg3[%add3A_17] : memref<6400000xf32, #tpu.memory_space<hbm>> -> memref<2000xf32, #tpu.memory_space<hbm>>
    tpu.enqueue_dma source(%dma_start3A_30 : memref<2000xf32, #tpu.memory_space<hbm>>) target(%dma_start3A_29 : memref<2000xf32, #tpu.memory_space<vmem>>) target_semaphore(%arg13 : memref<!tpu.dma_semaphore, #tpu.memory_space<semaphore_mem>>)
    %dma_start3A_31 = arith.constant 2000 : i32
    %dma_start3A_32 = tpu.memref_slice %arg9[%dma_start3A_31] : memref<8000xf32, #tpu.memory_space<vmem>> -> memref<2000xf32, #tpu.memory_space<vmem>>
    %dma_start3A_33 = tpu.memref_slice %arg3[%add3A_19] : memref<6400000xf32, #tpu.memory_space<hbm>> -> memref<2000xf32, #tpu.memory_space<hbm>>
    %dma_start3A_34 = arith.constant 2000 : i32
    %dma_start3A_35 = tpu.memref_slice %arg9[%dma_start3A_34] : memref<8000xf32, #tpu.memory_space<vmem>> -> memref<2000xf32, #tpu.memory_space<vmem>>
    %dma_start3A_36 = tpu.memref_slice %arg3[%add3A_19] : memref<6400000xf32, #tpu.memory_space<hbm>> -> memref<2000xf32, #tpu.memory_space<hbm>>
    tpu.enqueue_dma source(%dma_start3A_36 : memref<2000xf32, #tpu.memory_space<hbm>>) target(%dma_start3A_35 : memref<2000xf32, #tpu.memory_space<vmem>>) target_semaphore(%arg13 : memref<!tpu.dma_semaphore, #tpu.memory_space<semaphore_mem>>)
    %dma_start3A_37 = arith.constant 4000 : i32
    %dma_start3A_38 = tpu.memref_slice %arg9[%dma_start3A_37] : memref<8000xf32, #tpu.memory_space<vmem>> -> memref<2000xf32, #tpu.memory_space<vmem>>
    %dma_start3A_39 = tpu.memref_slice %arg3[%add3A_21] : memref<6400000xf32, #tpu.memory_space<hbm>> -> memref<2000xf32, #tpu.memory_space<hbm>>
    %dma_start3A_40 = arith.constant 4000 : i32
    %dma_start3A_41 = tpu.memref_slice %arg9[%dma_start3A_40] : memref<8000xf32, #tpu.memory_space<vmem>> -> memref<2000xf32, #tpu.memory_space<vmem>>
    %dma_start3A_42 = tpu.memref_slice %arg3[%add3A_21] : memref<6400000xf32, #tpu.memory_space<hbm>> -> memref<2000xf32, #tpu.memory_space<hbm>>
    tpu.enqueue_dma source(%dma_start3A_42 : memref<2000xf32, #tpu.memory_space<hbm>>) target(%dma_start3A_41 : memref<2000xf32, #tpu.memory_space<vmem>>) target_semaphore(%arg13 : memref<!tpu.dma_semaphore, #tpu.memory_space<semaphore_mem>>)
    %dma_start3A_43 = arith.constant 6000 : i32
    %dma_start3A_44 = tpu.memref_slice %arg9[%dma_start3A_43] : memref<8000xf32, #tpu.memory_space<vmem>> -> memref<2000xf32, #tpu.memory_space<vmem>>
    %dma_start3A_45 = tpu.memref_slice %arg3[%add3A_23] : memref<6400000xf32, #tpu.memory_space<hbm>> -> memref<2000xf32, #tpu.memory_space<hbm>>
    %dma_start3A_46 = arith.constant 6000 : i32
    %dma_start3A_47 = tpu.memref_slice %arg9[%dma_start3A_46] : memref<8000xf32, #tpu.memory_space<vmem>> -> memref<2000xf32, #tpu.memory_space<vmem>>
    %dma_start3A_48 = tpu.memref_slice %arg3[%add3A_23] : memref<6400000xf32, #tpu.memory_space<hbm>> -> memref<2000xf32, #tpu.memory_space<hbm>>
    tpu.enqueue_dma source(%dma_start3A_48 : memref<2000xf32, #tpu.memory_space<hbm>>) target(%dma_start3A_47 : memref<2000xf32, #tpu.memory_space<vmem>>) target_semaphore(%arg13 : memref<!tpu.dma_semaphore, #tpu.memory_space<semaphore_mem>>)
    %mul3A_49 = arith.constant 50000 : i32
    %mul3A_50 = arith.muli %add3A, %mul3A_49 : i32
    %add3A_51 = arith.constant 2000 : i32
    %add3A_52 = arith.addi %mul3A_50, %add3A_51 : i32
    %multiple_of3A_53 = tpu.assume_multiple %add3A_52, 8 : i32
    %add3A_54 = arith.constant 0 : i32
    %add3A_55 = arith.addi %multiple_of3A_53, %add3A_54 : i32
    %add3A_56 = arith.constant 1600000 : i32
    %add3A_57 = arith.addi %multiple_of3A_53, %add3A_56 : i32
    %add3A_58 = arith.constant 3200000 : i32
    %add3A_59 = arith.addi %multiple_of3A_53, %add3A_58 : i32
    %add3A_60 = arith.constant 4800000 : i32
    %add3A_61 = arith.addi %multiple_of3A_53, %add3A_60 : i32
    %dma_start3A_62 = tpu.memref_slice %arg2[%multiple_of3A_53] : memref<1600000xi32, #tpu.memory_space<hbm>> -> memref<2000xi32, #tpu.memory_space<hbm>>
    %dma_start3A_63 = tpu.memref_slice %arg2[%multiple_of3A_53] : memref<1600000xi32, #tpu.memory_space<hbm>> -> memref<2000xi32, #tpu.memory_space<hbm>>
    tpu.enqueue_dma source(%dma_start3A_63 : memref<2000xi32, #tpu.memory_space<hbm>>) target(%arg8 : memref<2000xi32, #tpu.memory_space<vmem>>) target_semaphore(%arg14 : memref<!tpu.dma_semaphore, #tpu.memory_space<semaphore_mem>>)
    %dma_start3A_64 = arith.constant 0 : i32
    %dma_start3A_65 = tpu.memref_slice %arg10[%dma_start3A_64] : memref<8000xf32, #tpu.memory_space<vmem>> -> memref<2000xf32, #tpu.memory_space<vmem>>
    %dma_start3A_66 = tpu.memref_slice %arg3[%add3A_55] : memref<6400000xf32, #tpu.memory_space<hbm>> -> memref<2000xf32, #tpu.memory_space<hbm>>
    %dma_start3A_67 = arith.constant 0 : i32
    %dma_start3A_68 = tpu.memref_slice %arg10[%dma_start3A_67] : memref<8000xf32, #tpu.memory_space<vmem>> -> memref<2000xf32, #tpu.memory_space<vmem>>
    %dma_start3A_69 = tpu.memref_slice %arg3[%add3A_55] : memref<6400000xf32, #tpu.memory_space<hbm>> -> memref<2000xf32, #tpu.memory_space<hbm>>
    tpu.enqueue_dma source(%dma_start3A_69 : memref<2000xf32, #tpu.memory_space<hbm>>) target(%dma_start3A_68 : memref<2000xf32, #tpu.memory_space<vmem>>) target_semaphore(%arg14 : memref<!tpu.dma_semaphore, #tpu.memory_space<semaphore_mem>>)
    %dma_start3A_70 = arith.constant 2000 : i32
    %dma_start3A_71 = tpu.memref_slice %arg10[%dma_start3A_70] : memref<8000xf32, #tpu.memory_space<vmem>> -> memref<2000xf32, #tpu.memory_space<vmem>>
    %dma_start3A_72 = tpu.memref_slice %arg3[%add3A_57] : memref<6400000xf32, #tpu.memory_space<hbm>> -> memref<2000xf32, #tpu.memory_space<hbm>>
    %dma_start3A_73 = arith.constant 2000 : i32
    %dma_start3A_74 = tpu.memref_slice %arg10[%dma_start3A_73] : memref<8000xf32, #tpu.memory_space<vmem>> -> memref<2000xf32, #tpu.memory_space<vmem>>
    %dma_start3A_75 = tpu.memref_slice %arg3[%add3A_57] : memref<6400000xf32, #tpu.memory_space<hbm>> -> memref<2000xf32, #tpu.memory_space<hbm>>
    tpu.enqueue_dma source(%dma_start3A_75 : memref<2000xf32, #tpu.memory_space<hbm>>) target(%dma_start3A_74 : memref<2000xf32, #tpu.memory_space<vmem>>) target_semaphore(%arg14 : memref<!tpu.dma_semaphore, #tpu.memory_space<semaphore_mem>>)
    %dma_start3A_76 = arith.constant 4000 : i32
    %dma_start3A_77 = tpu.memref_slice %arg10[%dma_start3A_76] : memref<8000xf32, #tpu.memory_space<vmem>> -> memref<2000xf32, #tpu.memory_space<vmem>>
    %dma_start3A_78 = tpu.memref_slice %arg3[%add3A_59] : memref<6400000xf32, #tpu.memory_space<hbm>> -> memref<2000xf32, #tpu.memory_space<hbm>>
    %dma_start3A_79 = arith.constant 4000 : i32
    %dma_start3A_80 = tpu.memref_slice %arg10[%dma_start3A_79] : memref<8000xf32, #tpu.memory_space<vmem>> -> memref<2000xf32, #tpu.memory_space<vmem>>
    %dma_start3A_81 = tpu.memref_slice %arg3[%add3A_59] : memref<6400000xf32, #tpu.memory_space<hbm>> -> memref<2000xf32, #tpu.memory_space<hbm>>
    tpu.enqueue_dma source(%dma_start3A_81 : memref<2000xf32, #tpu.memory_space<hbm>>) target(%dma_start3A_80 : memref<2000xf32, #tpu.memory_space<vmem>>) target_semaphore(%arg14 : memref<!tpu.dma_semaphore, #tpu.memory_space<semaphore_mem>>)
    %dma_start3A_82 = arith.constant 6000 : i32
    %dma_start3A_83 = tpu.memref_slice %arg10[%dma_start3A_82] : memref<8000xf32, #tpu.memory_space<vmem>> -> memref<2000xf32, #tpu.memory_space<vmem>>
    %dma_start3A_84 = tpu.memref_slice %arg3[%add3A_61] : memref<6400000xf32, #tpu.memory_space<hbm>> -> memref<2000xf32, #tpu.memory_space<hbm>>
    %dma_start3A_85 = arith.constant 6000 : i32
    %dma_start3A_86 = tpu.memref_slice %arg10[%dma_start3A_85] : memref<8000xf32, #tpu.memory_space<vmem>> -> memref<2000xf32, #tpu.memory_space<vmem>>
    %dma_start3A_87 = tpu.memref_slice %arg3[%add3A_61] : memref<6400000xf32, #tpu.memory_space<hbm>> -> memref<2000xf32, #tpu.memory_space<hbm>>
    tpu.enqueue_dma source(%dma_start3A_87 : memref<2000xf32, #tpu.memory_space<hbm>>) target(%dma_start3A_86 : memref<2000xf32, #tpu.memory_space<vmem>>) target_semaphore(%arg14 : memref<!tpu.dma_semaphore, #tpu.memory_space<semaphore_mem>>)
    %mul3A_88 = arith.constant 50000 : i32
    %mul3A_89 = arith.muli %add3A, %mul3A_88 : i32
    %add3A_90 = arith.constant 0 : i32
    %add3A_91 = arith.addi %mul3A_89, %add3A_90 : i32
    %multiple_of3A_92 = tpu.assume_multiple %add3A_91, 8 : i32
    %add3A_93 = arith.constant 0 : i32
    %add3A_94 = arith.addi %multiple_of3A_92, %add3A_93 : i32
    %add3A_95 = arith.constant 1600000 : i32
    %add3A_96 = arith.addi %multiple_of3A_92, %add3A_95 : i32
    %add3A_97 = arith.constant 3200000 : i32
    %add3A_98 = arith.addi %multiple_of3A_92, %add3A_97 : i32
    %add3A_99 = arith.constant 4800000 : i32
    %add3A_100 = arith.addi %multiple_of3A_92, %add3A_99 : i32
    %dma_wait3A = tpu.memref_slice %arg2[%multiple_of3A_92] : memref<1600000xi32, #tpu.memory_space<hbm>> -> memref<2000xi32, #tpu.memory_space<hbm>>
    %dma_wait3A_101 = tpu.memref_slice %arg2[%multiple_of3A_92] : memref<1600000xi32, #tpu.memory_space<hbm>> -> memref<2000xi32, #tpu.memory_space<hbm>>
    tpu.wait_dma2 semaphore(%arg13 : memref<!tpu.dma_semaphore, #tpu.memory_space<semaphore_mem>>) src(%dma_wait3A_101 : memref<2000xi32, #tpu.memory_space<hbm>>) dst(%arg7 : memref<2000xi32, #tpu.memory_space<vmem>>)
    %dma_wait3A_102 = arith.constant 0 : i32
    %dma_wait3A_103 = tpu.memref_slice %arg9[%dma_wait3A_102] : memref<8000xf32, #tpu.memory_space<vmem>> -> memref<2000xf32, #tpu.memory_space<vmem>>
    %dma_wait3A_104 = tpu.memref_slice %arg3[%add3A_94] : memref<6400000xf32, #tpu.memory_space<hbm>> -> memref<2000xf32, #tpu.memory_space<hbm>>
    %dma_wait3A_105 = arith.constant 0 : i32
    %dma_wait3A_106 = tpu.memref_slice %arg9[%dma_wait3A_105] : memref<8000xf32, #tpu.memory_space<vmem>> -> memref<2000xf32, #tpu.memory_space<vmem>>
    %dma_wait3A_107 = tpu.memref_slice %arg3[%add3A_94] : memref<6400000xf32, #tpu.memory_space<hbm>> -> memref<2000xf32, #tpu.memory_space<hbm>>
    tpu.wait_dma2 semaphore(%arg13 : memref<!tpu.dma_semaphore, #tpu.memory_space<semaphore_mem>>) src(%dma_wait3A_107 : memref<2000xf32, #tpu.memory_space<hbm>>) dst(%dma_wait3A_106 : memref<2000xf32, #tpu.memory_space<vmem>>)
    %dma_wait3A_108 = arith.constant 2000 : i32
    %dma_wait3A_109 = tpu.memref_slice %arg9[%dma_wait3A_108] : memref<8000xf32, #tpu.memory_space<vmem>> -> memref<2000xf32, #tpu.memory_space<vmem>>
    %dma_wait3A_110 = tpu.memref_slice %arg3[%add3A_96] : memref<6400000xf32, #tpu.memory_space<hbm>> -> memref<2000xf32, #tpu.memory_space<hbm>>
    %dma_wait3A_111 = arith.constant 2000 : i32
    %dma_wait3A_112 = tpu.memref_slice %arg9[%dma_wait3A_111] : memref<8000xf32, #tpu.memory_space<vmem>> -> memref<2000xf32, #tpu.memory_space<vmem>>
    %dma_wait3A_113 = tpu.memref_slice %arg3[%add3A_96] : memref<6400000xf32, #tpu.memory_space<hbm>> -> memref<2000xf32, #tpu.memory_space<hbm>>
    tpu.wait_dma2 semaphore(%arg13 : memref<!tpu.dma_semaphore, #tpu.memory_space<semaphore_mem>>) src(%dma_wait3A_113 : memref<2000xf32, #tpu.memory_space<hbm>>) dst(%dma_wait3A_112 : memref<2000xf32, #tpu.memory_space<vmem>>)
    %dma_wait3A_114 = arith.constant 4000 : i32
    %dma_wait3A_115 = tpu.memref_slice %arg9[%dma_wait3A_114] : memref<8000xf32, #tpu.memory_space<vmem>> -> memref<2000xf32, #tpu.memory_space<vmem>>
    %dma_wait3A_116 = tpu.memref_slice %arg3[%add3A_98] : memref<6400000xf32, #tpu.memory_space<hbm>> -> memref<2000xf32, #tpu.memory_space<hbm>>
    %dma_wait3A_117 = arith.constant 4000 : i32
    %dma_wait3A_118 = tpu.memref_slice %arg9[%dma_wait3A_117] : memref<8000xf32, #tpu.memory_space<vmem>> -> memref<2000xf32, #tpu.memory_space<vmem>>
    %dma_wait3A_119 = tpu.memref_slice %arg3[%add3A_98] : memref<6400000xf32, #tpu.memory_space<hbm>> -> memref<2000xf32, #tpu.memory_space<hbm>>
    tpu.wait_dma2 semaphore(%arg13 : memref<!tpu.dma_semaphore, #tpu.memory_space<semaphore_mem>>) src(%dma_wait3A_119 : memref<2000xf32, #tpu.memory_space<hbm>>) dst(%dma_wait3A_118 : memref<2000xf32, #tpu.memory_space<vmem>>)
    %dma_wait3A_120 = arith.constant 6000 : i32
    %dma_wait3A_121 = tpu.memref_slice %arg9[%dma_wait3A_120] : memref<8000xf32, #tpu.memory_space<vmem>> -> memref<2000xf32, #tpu.memory_space<vmem>>
    %dma_wait3A_122 = tpu.memref_slice %arg3[%add3A_100] : memref<6400000xf32, #tpu.memory_space<hbm>> -> memref<2000xf32, #tpu.memory_space<hbm>>
    %dma_wait3A_123 = arith.constant 6000 : i32
    %dma_wait3A_124 = tpu.memref_slice %arg9[%dma_wait3A_123] : memref<8000xf32, #tpu.memory_space<vmem>> -> memref<2000xf32, #tpu.memory_space<vmem>>
    %dma_wait3A_125 = tpu.memref_slice %arg3[%add3A_100] : memref<6400000xf32, #tpu.memory_space<hbm>> -> memref<2000xf32, #tpu.memory_space<hbm>>
    tpu.wait_dma2 semaphore(%arg13 : memref<!tpu.dma_semaphore, #tpu.memory_space<semaphore_mem>>) src(%dma_wait3A_125 : memref<2000xf32, #tpu.memory_space<hbm>>) dst(%dma_wait3A_124 : memref<2000xf32, #tpu.memory_space<vmem>>)
    %parallel_loop3A = arith.constant 0 : i32
    %parallel_loop3A_126 = arith.constant 2000 : i32
    %parallel_loop3A_127 = arith.constant 16 : i32
    scf.for %parallel_loop3A_788 = %parallel_loop3A to %parallel_loop3A_126 step %parallel_loop3A_127  : i32 {
      %parallel_loop3A_789 = arith.index_cast %parallel_loop3A_788 : i32 to index
      %parallel_loop3A_790 = tpu.vector_load %arg7[%parallel_loop3A_789] {strides = array<i32>} : memref<2000xi32, #tpu.memory_space<vmem>>, vector<16xi32>,
      %parallel_loop3A_791 = arith.constant 0 : i32
      %parallel_loop3A_792 = vector.broadcast %parallel_loop3A_791 : i32 to vector<16xi32>
      %parallel_loop3A_793 = arith.shrsi %parallel_loop3A_790, %parallel_loop3A_792 : vector<16xi32>
      %parallel_loop3A_794 = arith.constant 15 : i32
      %parallel_loop3A_795 = vector.broadcast %parallel_loop3A_794 : i32 to vector<16xi32>
      %parallel_loop3A_796 = arith.andi %parallel_loop3A_793, %parallel_loop3A_795 : vector<16xi32>
      %parallel_loop3A_797 = tpu.vector_load_idx %arg6[%parallel_loop3A_796] : memref<16xf32, #tpu.memory_space<vmem>>[vector<16xi32>], vector<16xf32>,
      %parallel_loop3A_798 = arith.constant 0 : i32
      %parallel_loop3A_799 = arith.addi %parallel_loop3A_798, %parallel_loop3A_788 : i32
      %parallel_loop3A_800 = arith.index_cast %parallel_loop3A_799 : i32 to index
      %parallel_loop3A_801 = tpu.vector_load %arg9[%parallel_loop3A_800] {strides = array<i32>} : memref<8000xf32, #tpu.memory_space<vmem>>, vector<16xf32>,
      %parallel_loop3A_802 = arith.mulf %parallel_loop3A_801, %parallel_loop3A_801 : vector<16xf32>
      %parallel_loop3A_803 = arith.mulf %parallel_loop3A_802, %parallel_loop3A_802 : vector<16xf32>
      %parallel_loop3A_804 = arith.mulf %parallel_loop3A_803, %parallel_loop3A_802 : vector<16xf32>
      %parallel_loop3A_805 = arith.addf %parallel_loop3A_804, %parallel_loop3A_797 : vector<16xf32>
      %parallel_loop3A_806 = arith.constant 0 : i32
      %parallel_loop3A_807 = arith.addi %parallel_loop3A_806, %parallel_loop3A_788 : i32
      %parallel_loop3A_808 = arith.index_cast %parallel_loop3A_807 : i32 to index
      %parallel_loop3A_809 = tpu.vector_load %arg11[%parallel_loop3A_808] {strides = array<i32>} : memref<8000xf32, #tpu.memory_space<vmem>>, vector<16xf32>,
      tpu.vector_store %arg11[%parallel_loop3A_808], %parallel_loop3A_805 {strides = array<i32>} : memref<8000xf32, #tpu.memory_space<vmem>>, vector<16xf32>,
      %parallel_loop3A_810 = arith.constant 8 : i32
      %parallel_loop3A_811 = vector.broadcast %parallel_loop3A_810 : i32 to vector<16xi32>
      %parallel_loop3A_812 = arith.shrsi %parallel_loop3A_790, %parallel_loop3A_811 : vector<16xi32>
      %parallel_loop3A_813 = arith.constant 15 : i32
      %parallel_loop3A_814 = vector.broadcast %parallel_loop3A_813 : i32 to vector<16xi32>
      %parallel_loop3A_815 = arith.andi %parallel_loop3A_812, %parallel_loop3A_814 : vector<16xi32>
      %parallel_loop3A_816 = tpu.vector_load_idx %arg6[%parallel_loop3A_815] : memref<16xf32, #tpu.memory_space<vmem>>[vector<16xi32>], vector<16xf32>,
      %parallel_loop3A_817 = arith.constant 2000 : i32
      %parallel_loop3A_818 = arith.addi %parallel_loop3A_817, %parallel_loop3A_788 : i32
      %parallel_loop3A_819 = arith.index_cast %parallel_loop3A_818 : i32 to index
      %parallel_loop3A_820 = tpu.vector_load %arg9[%parallel_loop3A_819] {strides = array<i32>} : memref<8000xf32, #tpu.memory_space<vmem>>, vector<16xf32>,
      %parallel_loop3A_821 = arith.mulf %parallel_loop3A_820, %parallel_loop3A_820 : vector<16xf32>
      %parallel_loop3A_822 = arith.mulf %parallel_loop3A_821, %parallel_loop3A_821 : vector<16xf32>
      %parallel_loop3A_823 = arith.mulf %parallel_loop3A_822, %parallel_loop3A_821 : vector<16xf32>
      %parallel_loop3A_824 = arith.addf %parallel_loop3A_823, %parallel_loop3A_816 : vector<16xf32>
      %parallel_loop3A_825 = arith.constant 2000 : i32
      %parallel_loop3A_826 = arith.addi %parallel_loop3A_825, %parallel_loop3A_788 : i32
      %parallel_loop3A_827 = arith.index_cast %parallel_loop3A_826 : i32 to index
      %parallel_loop3A_828 = tpu.vector_load %arg11[%parallel_loop3A_827] {strides = array<i32>} : memref<8000xf32, #tpu.memory_space<vmem>>, vector<16xf32>,
      tpu.vector_store %arg11[%parallel_loop3A_827], %parallel_loop3A_824 {strides = array<i32>} : memref<8000xf32, #tpu.memory_space<vmem>>, vector<16xf32>,
      %parallel_loop3A_829 = arith.constant 16 : i32
      %parallel_loop3A_830 = vector.broadcast %parallel_loop3A_829 : i32 to vector<16xi32>
      %parallel_loop3A_831 = arith.shrsi %parallel_loop3A_790, %parallel_loop3A_830 : vector<16xi32>
      %parallel_loop3A_832 = arith.constant 15 : i32
      %parallel_loop3A_833 = vector.broadcast %parallel_loop3A_832 : i32 to vector<16xi32>
      %parallel_loop3A_834 = arith.andi %parallel_loop3A_831, %parallel_loop3A_833 : vector<16xi32>
      %parallel_loop3A_835 = tpu.vector_load_idx %arg6[%parallel_loop3A_834] : memref<16xf32, #tpu.memory_space<vmem>>[vector<16xi32>], vector<16xf32>,
      %parallel_loop3A_836 = arith.constant 4000 : i32
      %parallel_loop3A_837 = arith.addi %parallel_loop3A_836, %parallel_loop3A_788 : i32
      %parallel_loop3A_838 = arith.index_cast %parallel_loop3A_837 : i32 to index
      %parallel_loop3A_839 = tpu.vector_load %arg9[%parallel_loop3A_838] {strides = array<i32>} : memref<8000xf32, #tpu.memory_space<vmem>>, vector<16xf32>,
      %parallel_loop3A_840 = arith.mulf %parallel_loop3A_839, %parallel_loop3A_839 : vector<16xf32>
      %parallel_loop3A_841 = arith.mulf %parallel_loop3A_840, %parallel_loop3A_840 : vector<16xf32>
      %parallel_loop3A_842 = arith.mulf %parallel_loop3A_841, %parallel_loop3A_840 : vector<16xf32>
      %parallel_loop3A_843 = arith.addf %parallel_loop3A_842, %parallel_loop3A_835 : vector<16xf32>
      %parallel_loop3A_844 = arith.constant 4000 : i32
      %parallel_loop3A_845 = arith.addi %parallel_loop3A_844, %parallel_loop3A_788 : i32
      %parallel_loop3A_846 = arith.index_cast %parallel_loop3A_845 : i32 to index
      %parallel_loop3A_847 = tpu.vector_load %arg11[%parallel_loop3A_846] {strides = array<i32>} : memref<8000xf32, #tpu.memory_space<vmem>>, vector<16xf32>,
      tpu.vector_store %arg11[%parallel_loop3A_846], %parallel_loop3A_843 {strides = array<i32>} : memref<8000xf32, #tpu.memory_space<vmem>>, vector<16xf32>,
      %parallel_loop3A_848 = arith.constant 24 : i32
      %parallel_loop3A_849 = vector.broadcast %parallel_loop3A_848 : i32 to vector<16xi32>
      %parallel_loop3A_850 = arith.shrsi %parallel_loop3A_790, %parallel_loop3A_849 : vector<16xi32>
      %parallel_loop3A_851 = arith.constant 15 : i32
      %parallel_loop3A_852 = vector.broadcast %parallel_loop3A_851 : i32 to vector<16xi32>
      %parallel_loop3A_853 = arith.andi %parallel_loop3A_850, %parallel_loop3A_852 : vector<16xi32>
      %parallel_loop3A_854 = tpu.vector_load_idx %arg6[%parallel_loop3A_853] : memref<16xf32, #tpu.memory_space<vmem>>[vector<16xi32>], vector<16xf32>,
      %parallel_loop3A_855 = arith.constant 6000 : i32
      %parallel_loop3A_856 = arith.addi %parallel_loop3A_855, %parallel_loop3A_788 : i32
      %parallel_loop3A_857 = arith.index_cast %parallel_loop3A_856 : i32 to index
      %parallel_loop3A_858 = tpu.vector_load %arg9[%parallel_loop3A_857] {strides = array<i32>} : memref<8000xf32, #tpu.memory_space<vmem>>, vector<16xf32>,
      %parallel_loop3A_859 = arith.mulf %parallel_loop3A_858, %parallel_loop3A_858 : vector<16xf32>
      %parallel_loop3A_860 = arith.mulf %parallel_loop3A_859, %parallel_loop3A_859 : vector<16xf32>
      %parallel_loop3A_861 = arith.mulf %parallel_loop3A_860, %parallel_loop3A_859 : vector<16xf32>
      %parallel_loop3A_862 = arith.addf %parallel_loop3A_861, %parallel_loop3A_854 : vector<16xf32>
      %parallel_loop3A_863 = arith.constant 6000 : i32
      %parallel_loop3A_864 = arith.addi %parallel_loop3A_863, %parallel_loop3A_788 : i32
      %parallel_loop3A_865 = arith.index_cast %parallel_loop3A_864 : i32 to index
      %parallel_loop3A_866 = tpu.vector_load %arg11[%parallel_loop3A_865] {strides = array<i32>} : memref<8000xf32, #tpu.memory_space<vmem>>, vector<16xf32>,
      tpu.vector_store %arg11[%parallel_loop3A_865], %parallel_loop3A_862 {strides = array<i32>} : memref<8000xf32, #tpu.memory_space<vmem>>, vector<16xf32>,
    } {sc.loop_unroll_factor = 4 : i64, sc.parallel_access}
    %mul3A_128 = arith.constant 50000 : i32
    %mul3A_129 = arith.muli %add3A, %mul3A_128 : i32
    %add3A_130 = arith.constant 0 : i32
    %add3A_131 = arith.addi %mul3A_129, %add3A_130 : i32
    %multiple_of3A_132 = tpu.assume_multiple %add3A_131, 8 : i32
    %add3A_133 = arith.constant 0 : i32
    %add3A_134 = arith.addi %multiple_of3A_132, %add3A_133 : i32
    %add3A_135 = arith.constant 1600000 : i32
    %add3A_136 = arith.addi %multiple_of3A_132, %add3A_135 : i32
    %add3A_137 = arith.constant 3200000 : i32
    %add3A_138 = arith.addi %multiple_of3A_132, %add3A_137 : i32
    %add3A_139 = arith.constant 4800000 : i32
    %add3A_140 = arith.addi %multiple_of3A_132, %add3A_139 : i32
    %dma_start3A_141 = arith.constant 0 : i32
    %dma_start3A_142 = tpu.memref_slice %arg11[%dma_start3A_141] : memref<8000xf32, #tpu.memory_space<vmem>> -> memref<2000xf32, #tpu.memory_space<vmem>>
    %dma_start3A_143 = tpu.memref_slice %arg5[%add3A_134] : memref<6400000xf32, #tpu.memory_space<hbm>> -> memref<2000xf32, #tpu.memory_space<hbm>>
    %dma_start3A_144 = tpu.memref_slice %arg5[%add3A_134] : memref<6400000xf32, #tpu.memory_space<hbm>> -> memref<2000xf32, #tpu.memory_space<hbm>>
    %dma_start3A_145 = arith.constant 0 : i32
    %dma_start3A_146 = tpu.memref_slice %arg11[%dma_start3A_145] : memref<8000xf32, #tpu.memory_space<vmem>> -> memref<2000xf32, #tpu.memory_space<vmem>>
    tpu.enqueue_dma source(%dma_start3A_146 : memref<2000xf32, #tpu.memory_space<vmem>>) target(%dma_start3A_144 : memref<2000xf32, #tpu.memory_space<hbm>>) target_semaphore(%arg15 : memref<!tpu.dma_semaphore, #tpu.memory_space<semaphore_mem>>)
    %dma_start3A_147 = arith.constant 2000 : i32
    %dma_start3A_148 = tpu.memref_slice %arg11[%dma_start3A_147] : memref<8000xf32, #tpu.memory_space<vmem>> -> memref<2000xf32, #tpu.memory_space<vmem>>
    %dma_start3A_149 = tpu.memref_slice %arg5[%add3A_136] : memref<6400000xf32, #tpu.memory_space<hbm>> -> memref<2000xf32, #tpu.memory_space<hbm>>
    %dma_start3A_150 = tpu.memref_slice %arg5[%add3A_136] : memref<6400000xf32, #tpu.memory_space<hbm>> -> memref<2000xf32, #tpu.memory_space<hbm>>
    %dma_start3A_151 = arith.constant 2000 : i32
    %dma_start3A_152 = tpu.memref_slice %arg11[%dma_start3A_151] : memref<8000xf32, #tpu.memory_space<vmem>> -> memref<2000xf32, #tpu.memory_space<vmem>>
    tpu.enqueue_dma source(%dma_start3A_152 : memref<2000xf32, #tpu.memory_space<vmem>>) target(%dma_start3A_150 : memref<2000xf32, #tpu.memory_space<hbm>>) target_semaphore(%arg15 : memref<!tpu.dma_semaphore, #tpu.memory_space<semaphore_mem>>)
    %dma_start3A_153 = arith.constant 4000 : i32
    %dma_start3A_154 = tpu.memref_slice %arg11[%dma_start3A_153] : memref<8000xf32, #tpu.memory_space<vmem>> -> memref<2000xf32, #tpu.memory_space<vmem>>
    %dma_start3A_155 = tpu.memref_slice %arg5[%add3A_138] : memref<6400000xf32, #tpu.memory_space<hbm>> -> memref<2000xf32, #tpu.memory_space<hbm>>
    %dma_start3A_156 = tpu.memref_slice %arg5[%add3A_138] : memref<6400000xf32, #tpu.memory_space<hbm>> -> memref<2000xf32, #tpu.memory_space<hbm>>
    %dma_start3A_157 = arith.constant 4000 : i32
    %dma_start3A_158 = tpu.memref_slice %arg11[%dma_start3A_157] : memref<8000xf32, #tpu.memory_space<vmem>> -> memref<2000xf32, #tpu.memory_space<vmem>>
    tpu.enqueue_dma source(%dma_start3A_158 : memref<2000xf32, #tpu.memory_space<vmem>>) target(%dma_start3A_156 : memref<2000xf32, #tpu.memory_space<hbm>>) target_semaphore(%arg15 : memref<!tpu.dma_semaphore, #tpu.memory_space<semaphore_mem>>)
    %dma_start3A_159 = arith.constant 6000 : i32
    %dma_start3A_160 = tpu.memref_slice %arg11[%dma_start3A_159] : memref<8000xf32, #tpu.memory_space<vmem>> -> memref<2000xf32, #tpu.memory_space<vmem>>
    %dma_start3A_161 = tpu.memref_slice %arg5[%add3A_140] : memref<6400000xf32, #tpu.memory_space<hbm>> -> memref<2000xf32, #tpu.memory_space<hbm>>
    %dma_start3A_162 = tpu.memref_slice %arg5[%add3A_140] : memref<6400000xf32, #tpu.memory_space<hbm>> -> memref<2000xf32, #tpu.memory_space<hbm>>
    %dma_start3A_163 = arith.constant 6000 : i32
    %dma_start3A_164 = tpu.memref_slice %arg11[%dma_start3A_163] : memref<8000xf32, #tpu.memory_space<vmem>> -> memref<2000xf32, #tpu.memory_space<vmem>>
    tpu.enqueue_dma source(%dma_start3A_164 : memref<2000xf32, #tpu.memory_space<vmem>>) target(%dma_start3A_162 : memref<2000xf32, #tpu.memory_space<hbm>>) target_semaphore(%arg15 : memref<!tpu.dma_semaphore, #tpu.memory_space<semaphore_mem>>)
    %mul3A_165 = arith.constant 50000 : i32
    %mul3A_166 = arith.muli %add3A, %mul3A_165 : i32
    %add3A_167 = arith.constant 4000 : i32
    %add3A_168 = arith.addi %mul3A_166, %add3A_167 : i32
    %multiple_of3A_169 = tpu.assume_multiple %add3A_168, 8 : i32
    %add3A_170 = arith.constant 0 : i32
    %add3A_171 = arith.addi %multiple_of3A_169, %add3A_170 : i32
    %add3A_172 = arith.constant 1600000 : i32
    %add3A_173 = arith.addi %multiple_of3A_169, %add3A_172 : i32
    %add3A_174 = arith.constant 3200000 : i32
    %add3A_175 = arith.addi %multiple_of3A_169, %add3A_174 : i32
    %add3A_176 = arith.constant 4800000 : i32
    %add3A_177 = arith.addi %multiple_of3A_169, %add3A_176 : i32
    %dma_start3A_178 = tpu.memref_slice %arg2[%multiple_of3A_169] : memref<1600000xi32, #tpu.memory_space<hbm>> -> memref<2000xi32, #tpu.memory_space<hbm>>
    %dma_start3A_179 = tpu.memref_slice %arg2[%multiple_of3A_169] : memref<1600000xi32, #tpu.memory_space<hbm>> -> memref<2000xi32, #tpu.memory_space<hbm>>
    tpu.enqueue_dma source(%dma_start3A_179 : memref<2000xi32, #tpu.memory_space<hbm>>) target(%arg7 : memref<2000xi32, #tpu.memory_space<vmem>>) target_semaphore(%arg13 : memref<!tpu.dma_semaphore, #tpu.memory_space<semaphore_mem>>)
    %dma_start3A_180 = arith.constant 0 : i32
    %dma_start3A_181 = tpu.memref_slice %arg9[%dma_start3A_180] : memref<8000xf32, #tpu.memory_space<vmem>> -> memref<2000xf32, #tpu.memory_space<vmem>>
    %dma_start3A_182 = tpu.memref_slice %arg3[%add3A_171] : memref<6400000xf32, #tpu.memory_space<hbm>> -> memref<2000xf32, #tpu.memory_space<hbm>>
    %dma_start3A_183 = arith.constant 0 : i32
    %dma_start3A_184 = tpu.memref_slice %arg9[%dma_start3A_183] : memref<8000xf32, #tpu.memory_space<vmem>> -> memref<2000xf32, #tpu.memory_space<vmem>>
    %dma_start3A_185 = tpu.memref_slice %arg3[%add3A_171] : memref<6400000xf32, #tpu.memory_space<hbm>> -> memref<2000xf32, #tpu.memory_space<hbm>>
    tpu.enqueue_dma source(%dma_start3A_185 : memref<2000xf32, #tpu.memory_space<hbm>>) target(%dma_start3A_184 : memref<2000xf32, #tpu.memory_space<vmem>>) target_semaphore(%arg13 : memref<!tpu.dma_semaphore, #tpu.memory_space<semaphore_mem>>)
    %dma_start3A_186 = arith.constant 2000 : i32
    %dma_start3A_187 = tpu.memref_slice %arg9[%dma_start3A_186] : memref<8000xf32, #tpu.memory_space<vmem>> -> memref<2000xf32, #tpu.memory_space<vmem>>
    %dma_start3A_188 = tpu.memref_slice %arg3[%add3A_173] : memref<6400000xf32, #tpu.memory_space<hbm>> -> memref<2000xf32, #tpu.memory_space<hbm>>
    %dma_start3A_189 = arith.constant 2000 : i32
    %dma_start3A_190 = tpu.memref_slice %arg9[%dma_start3A_189] : memref<8000xf32, #tpu.memory_space<vmem>> -> memref<2000xf32, #tpu.memory_space<vmem>>
    %dma_start3A_191 = tpu.memref_slice %arg3[%add3A_173] : memref<6400000xf32, #tpu.memory_space<hbm>> -> memref<2000xf32, #tpu.memory_space<hbm>>
    tpu.enqueue_dma source(%dma_start3A_191 : memref<2000xf32, #tpu.memory_space<hbm>>) target(%dma_start3A_190 : memref<2000xf32, #tpu.memory_space<vmem>>) target_semaphore(%arg13 : memref<!tpu.dma_semaphore, #tpu.memory_space<semaphore_mem>>)
    %dma_start3A_192 = arith.constant 4000 : i32
    %dma_start3A_193 = tpu.memref_slice %arg9[%dma_start3A_192] : memref<8000xf32, #tpu.memory_space<vmem>> -> memref<2000xf32, #tpu.memory_space<vmem>>
    %dma_start3A_194 = tpu.memref_slice %arg3[%add3A_175] : memref<6400000xf32, #tpu.memory_space<hbm>> -> memref<2000xf32, #tpu.memory_space<hbm>>
    %dma_start3A_195 = arith.constant 4000 : i32
    %dma_start3A_196 = tpu.memref_slice %arg9[%dma_start3A_195] : memref<8000xf32, #tpu.memory_space<vmem>> -> memref<2000xf32, #tpu.memory_space<vmem>>
    %dma_start3A_197 = tpu.memref_slice %arg3[%add3A_175] : memref<6400000xf32, #tpu.memory_space<hbm>> -> memref<2000xf32, #tpu.memory_space<hbm>>
    tpu.enqueue_dma source(%dma_start3A_197 : memref<2000xf32, #tpu.memory_space<hbm>>) target(%dma_start3A_196 : memref<2000xf32, #tpu.memory_space<vmem>>) target_semaphore(%arg13 : memref<!tpu.dma_semaphore, #tpu.memory_space<semaphore_mem>>)
    %dma_start3A_198 = arith.constant 6000 : i32
    %dma_start3A_199 = tpu.memref_slice %arg9[%dma_start3A_198] : memref<8000xf32, #tpu.memory_space<vmem>> -> memref<2000xf32, #tpu.memory_space<vmem>>
    %dma_start3A_200 = tpu.memref_slice %arg3[%add3A_177] : memref<6400000xf32, #tpu.memory_space<hbm>> -> memref<2000xf32, #tpu.memory_space<hbm>>
    %dma_start3A_201 = arith.constant 6000 : i32
    %dma_start3A_202 = tpu.memref_slice %arg9[%dma_start3A_201] : memref<8000xf32, #tpu.memory_space<vmem>> -> memref<2000xf32, #tpu.memory_space<vmem>>
    %dma_start3A_203 = tpu.memref_slice %arg3[%add3A_177] : memref<6400000xf32, #tpu.memory_space<hbm>> -> memref<2000xf32, #tpu.memory_space<hbm>>
    tpu.enqueue_dma source(%dma_start3A_203 : memref<2000xf32, #tpu.memory_space<hbm>>) target(%dma_start3A_202 : memref<2000xf32, #tpu.memory_space<vmem>>) target_semaphore(%arg13 : memref<!tpu.dma_semaphore, #tpu.memory_space<semaphore_mem>>)
    %mul3A_204 = arith.constant 50000 : i32
    %mul3A_205 = arith.muli %add3A, %mul3A_204 : i32
    %add3A_206 = arith.constant 2000 : i32
    %add3A_207 = arith.addi %mul3A_205, %add3A_206 : i32
    %multiple_of3A_208 = tpu.assume_multiple %add3A_207, 8 : i32
    %add3A_209 = arith.constant 0 : i32
    %add3A_210 = arith.addi %multiple_of3A_208, %add3A_209 : i32
    %add3A_211 = arith.constant 1600000 : i32
    %add3A_212 = arith.addi %multiple_of3A_208, %add3A_211 : i32
    %add3A_213 = arith.constant 3200000 : i32
    %add3A_214 = arith.addi %multiple_of3A_208, %add3A_213 : i32
    %add3A_215 = arith.constant 4800000 : i32
    %add3A_216 = arith.addi %multiple_of3A_208, %add3A_215 : i32
    %dma_wait3A_217 = tpu.memref_slice %arg2[%multiple_of3A_208] : memref<1600000xi32, #tpu.memory_space<hbm>> -> memref<2000xi32, #tpu.memory_space<hbm>>
    %dma_wait3A_218 = tpu.memref_slice %arg2[%multiple_of3A_208] : memref<1600000xi32, #tpu.memory_space<hbm>> -> memref<2000xi32, #tpu.memory_space<hbm>>
    tpu.wait_dma2 semaphore(%arg14 : memref<!tpu.dma_semaphore, #tpu.memory_space<semaphore_mem>>) src(%dma_wait3A_218 : memref<2000xi32, #tpu.memory_space<hbm>>) dst(%arg8 : memref<2000xi32, #tpu.memory_space<vmem>>)
    %dma_wait3A_219 = arith.constant 0 : i32
    %dma_wait3A_220 = tpu.memref_slice %arg10[%dma_wait3A_219] : memref<8000xf32, #tpu.memory_space<vmem>> -> memref<2000xf32, #tpu.memory_space<vmem>>
    %dma_wait3A_221 = tpu.memref_slice %arg3[%add3A_210] : memref<6400000xf32, #tpu.memory_space<hbm>> -> memref<2000xf32, #tpu.memory_space<hbm>>
    %dma_wait3A_222 = arith.constant 0 : i32
    %dma_wait3A_223 = tpu.memref_slice %arg10[%dma_wait3A_222] : memref<8000xf32, #tpu.memory_space<vmem>> -> memref<2000xf32, #tpu.memory_space<vmem>>
    %dma_wait3A_224 = tpu.memref_slice %arg3[%add3A_210] : memref<6400000xf32, #tpu.memory_space<hbm>> -> memref<2000xf32, #tpu.memory_space<hbm>>
    tpu.wait_dma2 semaphore(%arg14 : memref<!tpu.dma_semaphore, #tpu.memory_space<semaphore_mem>>) src(%dma_wait3A_224 : memref<2000xf32, #tpu.memory_space<hbm>>) dst(%dma_wait3A_223 : memref<2000xf32, #tpu.memory_space<vmem>>)
    %dma_wait3A_225 = arith.constant 2000 : i32
    %dma_wait3A_226 = tpu.memref_slice %arg10[%dma_wait3A_225] : memref<8000xf32, #tpu.memory_space<vmem>> -> memref<2000xf32, #tpu.memory_space<vmem>>
    %dma_wait3A_227 = tpu.memref_slice %arg3[%add3A_212] : memref<6400000xf32, #tpu.memory_space<hbm>> -> memref<2000xf32, #tpu.memory_space<hbm>>
    %dma_wait3A_228 = arith.constant 2000 : i32
    %dma_wait3A_229 = tpu.memref_slice %arg10[%dma_wait3A_228] : memref<8000xf32, #tpu.memory_space<vmem>> -> memref<2000xf32, #tpu.memory_space<vmem>>
    %dma_wait3A_230 = tpu.memref_slice %arg3[%add3A_212] : memref<6400000xf32, #tpu.memory_space<hbm>> -> memref<2000xf32, #tpu.memory_space<hbm>>
    tpu.wait_dma2 semaphore(%arg14 : memref<!tpu.dma_semaphore, #tpu.memory_space<semaphore_mem>>) src(%dma_wait3A_230 : memref<2000xf32, #tpu.memory_space<hbm>>) dst(%dma_wait3A_229 : memref<2000xf32, #tpu.memory_space<vmem>>)
    %dma_wait3A_231 = arith.constant 4000 : i32
    %dma_wait3A_232 = tpu.memref_slice %arg10[%dma_wait3A_231] : memref<8000xf32, #tpu.memory_space<vmem>> -> memref<2000xf32, #tpu.memory_space<vmem>>
    %dma_wait3A_233 = tpu.memref_slice %arg3[%add3A_214] : memref<6400000xf32, #tpu.memory_space<hbm>> -> memref<2000xf32, #tpu.memory_space<hbm>>
    %dma_wait3A_234 = arith.constant 4000 : i32
    %dma_wait3A_235 = tpu.memref_slice %arg10[%dma_wait3A_234] : memref<8000xf32, #tpu.memory_space<vmem>> -> memref<2000xf32, #tpu.memory_space<vmem>>
    %dma_wait3A_236 = tpu.memref_slice %arg3[%add3A_214] : memref<6400000xf32, #tpu.memory_space<hbm>> -> memref<2000xf32, #tpu.memory_space<hbm>>
    tpu.wait_dma2 semaphore(%arg14 : memref<!tpu.dma_semaphore, #tpu.memory_space<semaphore_mem>>) src(%dma_wait3A_236 : memref<2000xf32, #tpu.memory_space<hbm>>) dst(%dma_wait3A_235 : memref<2000xf32, #tpu.memory_space<vmem>>)
    %dma_wait3A_237 = arith.constant 6000 : i32
    %dma_wait3A_238 = tpu.memref_slice %arg10[%dma_wait3A_237] : memref<8000xf32, #tpu.memory_space<vmem>> -> memref<2000xf32, #tpu.memory_space<vmem>>
    %dma_wait3A_239 = tpu.memref_slice %arg3[%add3A_216] : memref<6400000xf32, #tpu.memory_space<hbm>> -> memref<2000xf32, #tpu.memory_space<hbm>>
    %dma_wait3A_240 = arith.constant 6000 : i32
    %dma_wait3A_241 = tpu.memref_slice %arg10[%dma_wait3A_240] : memref<8000xf32, #tpu.memory_space<vmem>> -> memref<2000xf32, #tpu.memory_space<vmem>>
    %dma_wait3A_242 = tpu.memref_slice %arg3[%add3A_216] : memref<6400000xf32, #tpu.memory_space<hbm>> -> memref<2000xf32, #tpu.memory_space<hbm>>
    tpu.wait_dma2 semaphore(%arg14 : memref<!tpu.dma_semaphore, #tpu.memory_space<semaphore_mem>>) src(%dma_wait3A_242 : memref<2000xf32, #tpu.memory_space<hbm>>) dst(%dma_wait3A_241 : memref<2000xf32, #tpu.memory_space<vmem>>)
    %parallel_loop3A_243 = arith.constant 0 : i32
    %parallel_loop3A_244 = arith.constant 2000 : i32
    %parallel_loop3A_245 = arith.constant 16 : i32
    scf.for %parallel_loop3A_788 = %parallel_loop3A_243 to %parallel_loop3A_244 step %parallel_loop3A_245  : i32 {
      %parallel_loop3A_789 = arith.index_cast %parallel_loop3A_788 : i32 to index
      %parallel_loop3A_790 = tpu.vector_load %arg8[%parallel_loop3A_789] {strides = array<i32>} : memref<2000xi32, #tpu.memory_space<vmem>>, vector<16xi32>,
      %parallel_loop3A_791 = arith.constant 0 : i32
      %parallel_loop3A_792 = vector.broadcast %parallel_loop3A_791 : i32 to vector<16xi32>
      %parallel_loop3A_793 = arith.shrsi %parallel_loop3A_790, %parallel_loop3A_792 : vector<16xi32>
      %parallel_loop3A_794 = arith.constant 15 : i32
      %parallel_loop3A_795 = vector.broadcast %parallel_loop3A_794 : i32 to vector<16xi32>
      %parallel_loop3A_796 = arith.andi %parallel_loop3A_793, %parallel_loop3A_795 : vector<16xi32>
      %parallel_loop3A_797 = tpu.vector_load_idx %arg6[%parallel_loop3A_796] : memref<16xf32, #tpu.memory_space<vmem>>[vector<16xi32>], vector<16xf32>,
      %parallel_loop3A_798 = arith.constant 0 : i32
      %parallel_loop3A_799 = arith.addi %parallel_loop3A_798, %parallel_loop3A_788 : i32
      %parallel_loop3A_800 = arith.index_cast %parallel_loop3A_799 : i32 to index
      %parallel_loop3A_801 = tpu.vector_load %arg10[%parallel_loop3A_800] {strides = array<i32>} : memref<8000xf32, #tpu.memory_space<vmem>>, vector<16xf32>,
      %parallel_loop3A_802 = arith.mulf %parallel_loop3A_801, %parallel_loop3A_801 : vector<16xf32>
      %parallel_loop3A_803 = arith.mulf %parallel_loop3A_802, %parallel_loop3A_802 : vector<16xf32>
      %parallel_loop3A_804 = arith.mulf %parallel_loop3A_803, %parallel_loop3A_802 : vector<16xf32>
      %parallel_loop3A_805 = arith.addf %parallel_loop3A_804, %parallel_loop3A_797 : vector<16xf32>
      %parallel_loop3A_806 = arith.constant 0 : i32
      %parallel_loop3A_807 = arith.addi %parallel_loop3A_806, %parallel_loop3A_788 : i32
      %parallel_loop3A_808 = arith.index_cast %parallel_loop3A_807 : i32 to index
      %parallel_loop3A_809 = tpu.vector_load %arg12[%parallel_loop3A_808] {strides = array<i32>} : memref<8000xf32, #tpu.memory_space<vmem>>, vector<16xf32>,
      tpu.vector_store %arg12[%parallel_loop3A_808], %parallel_loop3A_805 {strides = array<i32>} : memref<8000xf32, #tpu.memory_space<vmem>>, vector<16xf32>,
      %parallel_loop3A_810 = arith.constant 8 : i32
      %parallel_loop3A_811 = vector.broadcast %parallel_loop3A_810 : i32 to vector<16xi32>
      %parallel_loop3A_812 = arith.shrsi %parallel_loop3A_790, %parallel_loop3A_811 : vector<16xi32>
      %parallel_loop3A_813 = arith.constant 15 : i32
      %parallel_loop3A_814 = vector.broadcast %parallel_loop3A_813 : i32 to vector<16xi32>
      %parallel_loop3A_815 = arith.andi %parallel_loop3A_812, %parallel_loop3A_814 : vector<16xi32>
      %parallel_loop3A_816 = tpu.vector_load_idx %arg6[%parallel_loop3A_815] : memref<16xf32, #tpu.memory_space<vmem>>[vector<16xi32>], vector<16xf32>,
      %parallel_loop3A_817 = arith.constant 2000 : i32
      %parallel_loop3A_818 = arith.addi %parallel_loop3A_817, %parallel_loop3A_788 : i32
      %parallel_loop3A_819 = arith.index_cast %parallel_loop3A_818 : i32 to index
      %parallel_loop3A_820 = tpu.vector_load %arg10[%parallel_loop3A_819] {strides = array<i32>} : memref<8000xf32, #tpu.memory_space<vmem>>, vector<16xf32>,
      %parallel_loop3A_821 = arith.mulf %parallel_loop3A_820, %parallel_loop3A_820 : vector<16xf32>
      %parallel_loop3A_822 = arith.mulf %parallel_loop3A_821, %parallel_loop3A_821 : vector<16xf32>
      %parallel_loop3A_823 = arith.mulf %parallel_loop3A_822, %parallel_loop3A_821 : vector<16xf32>
      %parallel_loop3A_824 = arith.addf %parallel_loop3A_823, %parallel_loop3A_816 : vector<16xf32>
      %parallel_loop3A_825 = arith.constant 2000 : i32
      %parallel_loop3A_826 = arith.addi %parallel_loop3A_825, %parallel_loop3A_788 : i32
      %parallel_loop3A_827 = arith.index_cast %parallel_loop3A_826 : i32 to index
      %parallel_loop3A_828 = tpu.vector_load %arg12[%parallel_loop3A_827] {strides = array<i32>} : memref<8000xf32, #tpu.memory_space<vmem>>, vector<16xf32>,
      tpu.vector_store %arg12[%parallel_loop3A_827], %parallel_loop3A_824 {strides = array<i32>} : memref<8000xf32, #tpu.memory_space<vmem>>, vector<16xf32>,
      %parallel_loop3A_829 = arith.constant 16 : i32
      %parallel_loop3A_830 = vector.broadcast %parallel_loop3A_829 : i32 to vector<16xi32>
      %parallel_loop3A_831 = arith.shrsi %parallel_loop3A_790, %parallel_loop3A_830 : vector<16xi32>
      %parallel_loop3A_832 = arith.constant 15 : i32
      %parallel_loop3A_833 = vector.broadcast %parallel_loop3A_832 : i32 to vector<16xi32>
      %parallel_loop3A_834 = arith.andi %parallel_loop3A_831, %parallel_loop3A_833 : vector<16xi32>
      %parallel_loop3A_835 = tpu.vector_load_idx %arg6[%parallel_loop3A_834] : memref<16xf32, #tpu.memory_space<vmem>>[vector<16xi32>], vector<16xf32>,
      %parallel_loop3A_836 = arith.constant 4000 : i32
      %parallel_loop3A_837 = arith.addi %parallel_loop3A_836, %parallel_loop3A_788 : i32
      %parallel_loop3A_838 = arith.index_cast %parallel_loop3A_837 : i32 to index
      %parallel_loop3A_839 = tpu.vector_load %arg10[%parallel_loop3A_838] {strides = array<i32>} : memref<8000xf32, #tpu.memory_space<vmem>>, vector<16xf32>,
      %parallel_loop3A_840 = arith.mulf %parallel_loop3A_839, %parallel_loop3A_839 : vector<16xf32>
      %parallel_loop3A_841 = arith.mulf %parallel_loop3A_840, %parallel_loop3A_840 : vector<16xf32>
      %parallel_loop3A_842 = arith.mulf %parallel_loop3A_841, %parallel_loop3A_840 : vector<16xf32>
      %parallel_loop3A_843 = arith.addf %parallel_loop3A_842, %parallel_loop3A_835 : vector<16xf32>
      %parallel_loop3A_844 = arith.constant 4000 : i32
      %parallel_loop3A_845 = arith.addi %parallel_loop3A_844, %parallel_loop3A_788 : i32
      %parallel_loop3A_846 = arith.index_cast %parallel_loop3A_845 : i32 to index
      %parallel_loop3A_847 = tpu.vector_load %arg12[%parallel_loop3A_846] {strides = array<i32>} : memref<8000xf32, #tpu.memory_space<vmem>>, vector<16xf32>,
      tpu.vector_store %arg12[%parallel_loop3A_846], %parallel_loop3A_843 {strides = array<i32>} : memref<8000xf32, #tpu.memory_space<vmem>>, vector<16xf32>,
      %parallel_loop3A_848 = arith.constant 24 : i32
      %parallel_loop3A_849 = vector.broadcast %parallel_loop3A_848 : i32 to vector<16xi32>
      %parallel_loop3A_850 = arith.shrsi %parallel_loop3A_790, %parallel_loop3A_849 : vector<16xi32>
      %parallel_loop3A_851 = arith.constant 15 : i32
      %parallel_loop3A_852 = vector.broadcast %parallel_loop3A_851 : i32 to vector<16xi32>
      %parallel_loop3A_853 = arith.andi %parallel_loop3A_850, %parallel_loop3A_852 : vector<16xi32>
      %parallel_loop3A_854 = tpu.vector_load_idx %arg6[%parallel_loop3A_853] : memref<16xf32, #tpu.memory_space<vmem>>[vector<16xi32>], vector<16xf32>,
      %parallel_loop3A_855 = arith.constant 6000 : i32
      %parallel_loop3A_856 = arith.addi %parallel_loop3A_855, %parallel_loop3A_788 : i32
      %parallel_loop3A_857 = arith.index_cast %parallel_loop3A_856 : i32 to index
      %parallel_loop3A_858 = tpu.vector_load %arg10[%parallel_loop3A_857] {strides = array<i32>} : memref<8000xf32, #tpu.memory_space<vmem>>, vector<16xf32>,
      %parallel_loop3A_859 = arith.mulf %parallel_loop3A_858, %parallel_loop3A_858 : vector<16xf32>
      %parallel_loop3A_860 = arith.mulf %parallel_loop3A_859, %parallel_loop3A_859 : vector<16xf32>
      %parallel_loop3A_861 = arith.mulf %parallel_loop3A_860, %parallel_loop3A_859 : vector<16xf32>
      %parallel_loop3A_862 = arith.addf %parallel_loop3A_861, %parallel_loop3A_854 : vector<16xf32>
      %parallel_loop3A_863 = arith.constant 6000 : i32
      %parallel_loop3A_864 = arith.addi %parallel_loop3A_863, %parallel_loop3A_788 : i32
      %parallel_loop3A_865 = arith.index_cast %parallel_loop3A_864 : i32 to index
      %parallel_loop3A_866 = tpu.vector_load %arg12[%parallel_loop3A_865] {strides = array<i32>} : memref<8000xf32, #tpu.memory_space<vmem>>, vector<16xf32>,
      tpu.vector_store %arg12[%parallel_loop3A_865], %parallel_loop3A_862 {strides = array<i32>} : memref<8000xf32, #tpu.memory_space<vmem>>, vector<16xf32>,
    } {sc.loop_unroll_factor = 4 : i64, sc.parallel_access}
    %mul3A_246 = arith.constant 50000 : i32
    %mul3A_247 = arith.muli %add3A, %mul3A_246 : i32
    %add3A_248 = arith.constant 2000 : i32
    %add3A_249 = arith.addi %mul3A_247, %add3A_248 : i32
    %multiple_of3A_250 = tpu.assume_multiple %add3A_249, 8 : i32
    %add3A_251 = arith.constant 0 : i32
    %add3A_252 = arith.addi %multiple_of3A_250, %add3A_251 : i32
    %add3A_253 = arith.constant 1600000 : i32
    %add3A_254 = arith.addi %multiple_of3A_250, %add3A_253 : i32
    %add3A_255 = arith.constant 3200000 : i32
    %add3A_256 = arith.addi %multiple_of3A_250, %add3A_255 : i32
    %add3A_257 = arith.constant 4800000 : i32
    %add3A_258 = arith.addi %multiple_of3A_250, %add3A_257 : i32
    %dma_start3A_259 = arith.constant 0 : i32
    %dma_start3A_260 = tpu.memref_slice %arg12[%dma_start3A_259] : memref<8000xf32, #tpu.memory_space<vmem>> -> memref<2000xf32, #tpu.memory_space<vmem>>
    %dma_start3A_261 = tpu.memref_slice %arg5[%add3A_252] : memref<6400000xf32, #tpu.memory_space<hbm>> -> memref<2000xf32, #tpu.memory_space<hbm>>
    %dma_start3A_262 = tpu.memref_slice %arg5[%add3A_252] : memref<6400000xf32, #tpu.memory_space<hbm>> -> memref<2000xf32, #tpu.memory_space<hbm>>
    %dma_start3A_263 = arith.constant 0 : i32
    %dma_start3A_264 = tpu.memref_slice %arg12[%dma_start3A_263] : memref<8000xf32, #tpu.memory_space<vmem>> -> memref<2000xf32, #tpu.memory_space<vmem>>
    tpu.enqueue_dma source(%dma_start3A_264 : memref<2000xf32, #tpu.memory_space<vmem>>) target(%dma_start3A_262 : memref<2000xf32, #tpu.memory_space<hbm>>) target_semaphore(%arg16 : memref<!tpu.dma_semaphore, #tpu.memory_space<semaphore_mem>>)
    %dma_start3A_265 = arith.constant 2000 : i32
    %dma_start3A_266 = tpu.memref_slice %arg12[%dma_start3A_265] : memref<8000xf32, #tpu.memory_space<vmem>> -> memref<2000xf32, #tpu.memory_space<vmem>>
    %dma_start3A_267 = tpu.memref_slice %arg5[%add3A_254] : memref<6400000xf32, #tpu.memory_space<hbm>> -> memref<2000xf32, #tpu.memory_space<hbm>>
    %dma_start3A_268 = tpu.memref_slice %arg5[%add3A_254] : memref<6400000xf32, #tpu.memory_space<hbm>> -> memref<2000xf32, #tpu.memory_space<hbm>>
    %dma_start3A_269 = arith.constant 2000 : i32
    %dma_start3A_270 = tpu.memref_slice %arg12[%dma_start3A_269] : memref<8000xf32, #tpu.memory_space<vmem>> -> memref<2000xf32, #tpu.memory_space<vmem>>
    tpu.enqueue_dma source(%dma_start3A_270 : memref<2000xf32, #tpu.memory_space<vmem>>) target(%dma_start3A_268 : memref<2000xf32, #tpu.memory_space<hbm>>) target_semaphore(%arg16 : memref<!tpu.dma_semaphore, #tpu.memory_space<semaphore_mem>>)
    %dma_start3A_271 = arith.constant 4000 : i32
    %dma_start3A_272 = tpu.memref_slice %arg12[%dma_start3A_271] : memref<8000xf32, #tpu.memory_space<vmem>> -> memref<2000xf32, #tpu.memory_space<vmem>>
    %dma_start3A_273 = tpu.memref_slice %arg5[%add3A_256] : memref<6400000xf32, #tpu.memory_space<hbm>> -> memref<2000xf32, #tpu.memory_space<hbm>>
    %dma_start3A_274 = tpu.memref_slice %arg5[%add3A_256] : memref<6400000xf32, #tpu.memory_space<hbm>> -> memref<2000xf32, #tpu.memory_space<hbm>>
    %dma_start3A_275 = arith.constant 4000 : i32
    %dma_start3A_276 = tpu.memref_slice %arg12[%dma_start3A_275] : memref<8000xf32, #tpu.memory_space<vmem>> -> memref<2000xf32, #tpu.memory_space<vmem>>
    tpu.enqueue_dma source(%dma_start3A_276 : memref<2000xf32, #tpu.memory_space<vmem>>) target(%dma_start3A_274 : memref<2000xf32, #tpu.memory_space<hbm>>) target_semaphore(%arg16 : memref<!tpu.dma_semaphore, #tpu.memory_space<semaphore_mem>>)
    %dma_start3A_277 = arith.constant 6000 : i32
    %dma_start3A_278 = tpu.memref_slice %arg12[%dma_start3A_277] : memref<8000xf32, #tpu.memory_space<vmem>> -> memref<2000xf32, #tpu.memory_space<vmem>>
    %dma_start3A_279 = tpu.memref_slice %arg5[%add3A_258] : memref<6400000xf32, #tpu.memory_space<hbm>> -> memref<2000xf32, #tpu.memory_space<hbm>>
    %dma_start3A_280 = tpu.memref_slice %arg5[%add3A_258] : memref<6400000xf32, #tpu.memory_space<hbm>> -> memref<2000xf32, #tpu.memory_space<hbm>>
    %dma_start3A_281 = arith.constant 6000 : i32
    %dma_start3A_282 = tpu.memref_slice %arg12[%dma_start3A_281] : memref<8000xf32, #tpu.memory_space<vmem>> -> memref<2000xf32, #tpu.memory_space<vmem>>
    tpu.enqueue_dma source(%dma_start3A_282 : memref<2000xf32, #tpu.memory_space<vmem>>) target(%dma_start3A_280 : memref<2000xf32, #tpu.memory_space<hbm>>) target_semaphore(%arg16 : memref<!tpu.dma_semaphore, #tpu.memory_space<semaphore_mem>>)
    %mul3A_283 = arith.constant 50000 : i32
    %mul3A_284 = arith.muli %add3A, %mul3A_283 : i32
    %add3A_285 = arith.constant 6000 : i32
    %add3A_286 = arith.addi %mul3A_284, %add3A_285 : i32
    %multiple_of3A_287 = tpu.assume_multiple %add3A_286, 8 : i32
    %add3A_288 = arith.constant 0 : i32
    %add3A_289 = arith.addi %multiple_of3A_287, %add3A_288 : i32
    %add3A_290 = arith.constant 1600000 : i32
    %add3A_291 = arith.addi %multiple_of3A_287, %add3A_290 : i32
    %add3A_292 = arith.constant 3200000 : i32
    %add3A_293 = arith.addi %multiple_of3A_287, %add3A_292 : i32
    %add3A_294 = arith.constant 4800000 : i32
    %add3A_295 = arith.addi %multiple_of3A_287, %add3A_294 : i32
    %dma_start3A_296 = tpu.memref_slice %arg2[%multiple_of3A_287] : memref<1600000xi32, #tpu.memory_space<hbm>> -> memref<2000xi32, #tpu.memory_space<hbm>>
    %dma_start3A_297 = tpu.memref_slice %arg2[%multiple_of3A_287] : memref<1600000xi32, #tpu.memory_space<hbm>> -> memref<2000xi32, #tpu.memory_space<hbm>>
    tpu.enqueue_dma source(%dma_start3A_297 : memref<2000xi32, #tpu.memory_space<hbm>>) target(%arg8 : memref<2000xi32, #tpu.memory_space<vmem>>) target_semaphore(%arg14 : memref<!tpu.dma_semaphore, #tpu.memory_space<semaphore_mem>>)
    %dma_start3A_298 = arith.constant 0 : i32
    %dma_start3A_299 = tpu.memref_slice %arg10[%dma_start3A_298] : memref<8000xf32, #tpu.memory_space<vmem>> -> memref<2000xf32, #tpu.memory_space<vmem>>
    %dma_start3A_300 = tpu.memref_slice %arg3[%add3A_289] : memref<6400000xf32, #tpu.memory_space<hbm>> -> memref<2000xf32, #tpu.memory_space<hbm>>
    %dma_start3A_301 = arith.constant 0 : i32
    %dma_start3A_302 = tpu.memref_slice %arg10[%dma_start3A_301] : memref<8000xf32, #tpu.memory_space<vmem>> -> memref<2000xf32, #tpu.memory_space<vmem>>
    %dma_start3A_303 = tpu.memref_slice %arg3[%add3A_289] : memref<6400000xf32, #tpu.memory_space<hbm>> -> memref<2000xf32, #tpu.memory_space<hbm>>
    tpu.enqueue_dma source(%dma_start3A_303 : memref<2000xf32, #tpu.memory_space<hbm>>) target(%dma_start3A_302 : memref<2000xf32, #tpu.memory_space<vmem>>) target_semaphore(%arg14 : memref<!tpu.dma_semaphore, #tpu.memory_space<semaphore_mem>>)
    %dma_start3A_304 = arith.constant 2000 : i32
    %dma_start3A_305 = tpu.memref_slice %arg10[%dma_start3A_304] : memref<8000xf32, #tpu.memory_space<vmem>> -> memref<2000xf32, #tpu.memory_space<vmem>>
    %dma_start3A_306 = tpu.memref_slice %arg3[%add3A_291] : memref<6400000xf32, #tpu.memory_space<hbm>> -> memref<2000xf32, #tpu.memory_space<hbm>>
    %dma_start3A_307 = arith.constant 2000 : i32
    %dma_start3A_308 = tpu.memref_slice %arg10[%dma_start3A_307] : memref<8000xf32, #tpu.memory_space<vmem>> -> memref<2000xf32, #tpu.memory_space<vmem>>
    %dma_start3A_309 = tpu.memref_slice %arg3[%add3A_291] : memref<6400000xf32, #tpu.memory_space<hbm>> -> memref<2000xf32, #tpu.memory_space<hbm>>
    tpu.enqueue_dma source(%dma_start3A_309 : memref<2000xf32, #tpu.memory_space<hbm>>) target(%dma_start3A_308 : memref<2000xf32, #tpu.memory_space<vmem>>) target_semaphore(%arg14 : memref<!tpu.dma_semaphore, #tpu.memory_space<semaphore_mem>>)
    %dma_start3A_310 = arith.constant 4000 : i32
    %dma_start3A_311 = tpu.memref_slice %arg10[%dma_start3A_310] : memref<8000xf32, #tpu.memory_space<vmem>> -> memref<2000xf32, #tpu.memory_space<vmem>>
    %dma_start3A_312 = tpu.memref_slice %arg3[%add3A_293] : memref<6400000xf32, #tpu.memory_space<hbm>> -> memref<2000xf32, #tpu.memory_space<hbm>>
    %dma_start3A_313 = arith.constant 4000 : i32
    %dma_start3A_314 = tpu.memref_slice %arg10[%dma_start3A_313] : memref<8000xf32, #tpu.memory_space<vmem>> -> memref<2000xf32, #tpu.memory_space<vmem>>
    %dma_start3A_315 = tpu.memref_slice %arg3[%add3A_293] : memref<6400000xf32, #tpu.memory_space<hbm>> -> memref<2000xf32, #tpu.memory_space<hbm>>
    tpu.enqueue_dma source(%dma_start3A_315 : memref<2000xf32, #tpu.memory_space<hbm>>) target(%dma_start3A_314 : memref<2000xf32, #tpu.memory_space<vmem>>) target_semaphore(%arg14 : memref<!tpu.dma_semaphore, #tpu.memory_space<semaphore_mem>>)
    %dma_start3A_316 = arith.constant 6000 : i32
    %dma_start3A_317 = tpu.memref_slice %arg10[%dma_start3A_316] : memref<8000xf32, #tpu.memory_space<vmem>> -> memref<2000xf32, #tpu.memory_space<vmem>>
    %dma_start3A_318 = tpu.memref_slice %arg3[%add3A_295] : memref<6400000xf32, #tpu.memory_space<hbm>> -> memref<2000xf32, #tpu.memory_space<hbm>>
    %dma_start3A_319 = arith.constant 6000 : i32
    %dma_start3A_320 = tpu.memref_slice %arg10[%dma_start3A_319] : memref<8000xf32, #tpu.memory_space<vmem>> -> memref<2000xf32, #tpu.memory_space<vmem>>
    %dma_start3A_321 = tpu.memref_slice %arg3[%add3A_295] : memref<6400000xf32, #tpu.memory_space<hbm>> -> memref<2000xf32, #tpu.memory_space<hbm>>
    tpu.enqueue_dma source(%dma_start3A_321 : memref<2000xf32, #tpu.memory_space<hbm>>) target(%dma_start3A_320 : memref<2000xf32, #tpu.memory_space<vmem>>) target_semaphore(%arg14 : memref<!tpu.dma_semaphore, #tpu.memory_space<semaphore_mem>>)
    %scan3A = arith.constant 0 : i32
    %scan3A_322 = arith.constant 1 : i32
    %scan3A_323 = arith.constant 10 : i32
    %scan3A_324 = arith.addi %scan3A_322, %scan3A_323 : i32
    %scan3A_325 = arith.constant 1 : i32
    scf.for %scan3A_788 = %scan3A_322 to %scan3A_324 step %scan3A_325  : i32 {
      %mul3A_789 = arith.constant 2 : i32
      %mul3A_790 = arith.muli %scan3A_788, %mul3A_789 : i32
      %add3A_791 = arith.constant 0 : i32
      %add3A_792 = arith.addi %mul3A_790, %add3A_791 : i32
      %mul3A_793 = arith.constant 50000 : i32
      %mul3A_794 = arith.muli %add3A, %mul3A_793 : i32
      %mul3A_795 = arith.constant 2000 : i32
      %mul3A_796 = arith.muli %add3A_792, %mul3A_795 : i32
      %add3A_797 = arith.addi %mul3A_794, %mul3A_796 : i32
      %multiple_of3A_798 = tpu.assume_multiple %add3A_797, 8 : i32
      %add3A_799 = arith.constant 0 : i32
      %add3A_800 = arith.addi %multiple_of3A_798, %add3A_799 : i32
      %add3A_801 = arith.constant 1600000 : i32
      %add3A_802 = arith.addi %multiple_of3A_798, %add3A_801 : i32
      %add3A_803 = arith.constant 3200000 : i32
      %add3A_804 = arith.addi %multiple_of3A_798, %add3A_803 : i32
      %add3A_805 = arith.constant 4800000 : i32
      %add3A_806 = arith.addi %multiple_of3A_798, %add3A_805 : i32
      %dma_wait3A_807 = tpu.memref_slice %arg2[%multiple_of3A_798] : memref<1600000xi32, #tpu.memory_space<hbm>> -> memref<2000xi32, #tpu.memory_space<hbm>>
      %dma_wait3A_808 = tpu.memref_slice %arg2[%multiple_of3A_798] : memref<1600000xi32, #tpu.memory_space<hbm>> -> memref<2000xi32, #tpu.memory_space<hbm>>
      tpu.wait_dma2 semaphore(%arg13 : memref<!tpu.dma_semaphore, #tpu.memory_space<semaphore_mem>>) src(%dma_wait3A_808 : memref<2000xi32, #tpu.memory_space<hbm>>) dst(%arg7 : memref<2000xi32, #tpu.memory_space<vmem>>)
      %dma_wait3A_809 = arith.constant 0 : i32
      %dma_wait3A_810 = tpu.memref_slice %arg9[%dma_wait3A_809] : memref<8000xf32, #tpu.memory_space<vmem>> -> memref<2000xf32, #tpu.memory_space<vmem>>
      %dma_wait3A_811 = tpu.memref_slice %arg3[%add3A_800] : memref<6400000xf32, #tpu.memory_space<hbm>> -> memref<2000xf32, #tpu.memory_space<hbm>>
      %dma_wait3A_812 = arith.constant 0 : i32
      %dma_wait3A_813 = tpu.memref_slice %arg9[%dma_wait3A_812] : memref<8000xf32, #tpu.memory_space<vmem>> -> memref<2000xf32, #tpu.memory_space<vmem>>
      %dma_wait3A_814 = tpu.memref_slice %arg3[%add3A_800] : memref<6400000xf32, #tpu.memory_space<hbm>> -> memref<2000xf32, #tpu.memory_space<hbm>>
      tpu.wait_dma2 semaphore(%arg13 : memref<!tpu.dma_semaphore, #tpu.memory_space<semaphore_mem>>) src(%dma_wait3A_814 : memref<2000xf32, #tpu.memory_space<hbm>>) dst(%dma_wait3A_813 : memref<2000xf32, #tpu.memory_space<vmem>>)
      %dma_wait3A_815 = arith.constant 2000 : i32
      %dma_wait3A_816 = tpu.memref_slice %arg9[%dma_wait3A_815] : memref<8000xf32, #tpu.memory_space<vmem>> -> memref<2000xf32, #tpu.memory_space<vmem>>
      %dma_wait3A_817 = tpu.memref_slice %arg3[%add3A_802] : memref<6400000xf32, #tpu.memory_space<hbm>> -> memref<2000xf32, #tpu.memory_space<hbm>>
      %dma_wait3A_818 = arith.constant 2000 : i32
      %dma_wait3A_819 = tpu.memref_slice %arg9[%dma_wait3A_818] : memref<8000xf32, #tpu.memory_space<vmem>> -> memref<2000xf32, #tpu.memory_space<vmem>>
      %dma_wait3A_820 = tpu.memref_slice %arg3[%add3A_802] : memref<6400000xf32, #tpu.memory_space<hbm>> -> memref<2000xf32, #tpu.memory_space<hbm>>
      tpu.wait_dma2 semaphore(%arg13 : memref<!tpu.dma_semaphore, #tpu.memory_space<semaphore_mem>>) src(%dma_wait3A_820 : memref<2000xf32, #tpu.memory_space<hbm>>) dst(%dma_wait3A_819 : memref<2000xf32, #tpu.memory_space<vmem>>)
      %dma_wait3A_821 = arith.constant 4000 : i32
      %dma_wait3A_822 = tpu.memref_slice %arg9[%dma_wait3A_821] : memref<8000xf32, #tpu.memory_space<vmem>> -> memref<2000xf32, #tpu.memory_space<vmem>>
      %dma_wait3A_823 = tpu.memref_slice %arg3[%add3A_804] : memref<6400000xf32, #tpu.memory_space<hbm>> -> memref<2000xf32, #tpu.memory_space<hbm>>
      %dma_wait3A_824 = arith.constant 4000 : i32
      %dma_wait3A_825 = tpu.memref_slice %arg9[%dma_wait3A_824] : memref<8000xf32, #tpu.memory_space<vmem>> -> memref<2000xf32, #tpu.memory_space<vmem>>
      %dma_wait3A_826 = tpu.memref_slice %arg3[%add3A_804] : memref<6400000xf32, #tpu.memory_space<hbm>> -> memref<2000xf32, #tpu.memory_space<hbm>>
      tpu.wait_dma2 semaphore(%arg13 : memref<!tpu.dma_semaphore, #tpu.memory_space<semaphore_mem>>) src(%dma_wait3A_826 : memref<2000xf32, #tpu.memory_space<hbm>>) dst(%dma_wait3A_825 : memref<2000xf32, #tpu.memory_space<vmem>>)
      %dma_wait3A_827 = arith.constant 6000 : i32
      %dma_wait3A_828 = tpu.memref_slice %arg9[%dma_wait3A_827] : memref<8000xf32, #tpu.memory_space<vmem>> -> memref<2000xf32, #tpu.memory_space<vmem>>
      %dma_wait3A_829 = tpu.memref_slice %arg3[%add3A_806] : memref<6400000xf32, #tpu.memory_space<hbm>> -> memref<2000xf32, #tpu.memory_space<hbm>>
      %dma_wait3A_830 = arith.constant 6000 : i32
      %dma_wait3A_831 = tpu.memref_slice %arg9[%dma_wait3A_830] : memref<8000xf32, #tpu.memory_space<vmem>> -> memref<2000xf32, #tpu.memory_space<vmem>>
      %dma_wait3A_832 = tpu.memref_slice %arg3[%add3A_806] : memref<6400000xf32, #tpu.memory_space<hbm>> -> memref<2000xf32, #tpu.memory_space<hbm>>
      tpu.wait_dma2 semaphore(%arg13 : memref<!tpu.dma_semaphore, #tpu.memory_space<semaphore_mem>>) src(%dma_wait3A_832 : memref<2000xf32, #tpu.memory_space<hbm>>) dst(%dma_wait3A_831 : memref<2000xf32, #tpu.memory_space<vmem>>)
      %sub3A = arith.constant 2 : i32
      %sub3A_833 = arith.subi %add3A_792, %sub3A : i32
      %mul3A_834 = arith.constant 50000 : i32
      %mul3A_835 = arith.muli %add3A, %mul3A_834 : i32
      %mul3A_836 = arith.constant 2000 : i32
      %mul3A_837 = arith.muli %sub3A_833, %mul3A_836 : i32
      %add3A_838 = arith.addi %mul3A_835, %mul3A_837 : i32
      %multiple_of3A_839 = tpu.assume_multiple %add3A_838, 8 : i32
      %add3A_840 = arith.constant 0 : i32
      %add3A_841 = arith.addi %multiple_of3A_839, %add3A_840 : i32
      %add3A_842 = arith.constant 1600000 : i32
      %add3A_843 = arith.addi %multiple_of3A_839, %add3A_842 : i32
      %add3A_844 = arith.constant 3200000 : i32
      %add3A_845 = arith.addi %multiple_of3A_839, %add3A_844 : i32
      %add3A_846 = arith.constant 4800000 : i32
      %add3A_847 = arith.addi %multiple_of3A_839, %add3A_846 : i32
      %dma_wait3A_848 = arith.constant 0 : i32
      %dma_wait3A_849 = tpu.memref_slice %arg11[%dma_wait3A_848] : memref<8000xf32, #tpu.memory_space<vmem>> -> memref<2000xf32, #tpu.memory_space<vmem>>
      %dma_wait3A_850 = tpu.memref_slice %arg5[%add3A_841] : memref<6400000xf32, #tpu.memory_space<hbm>> -> memref<2000xf32, #tpu.memory_space<hbm>>
      %dma_wait3A_851 = tpu.memref_slice %arg5[%add3A_841] : memref<6400000xf32, #tpu.memory_space<hbm>> -> memref<2000xf32, #tpu.memory_space<hbm>>
      %dma_wait3A_852 = arith.constant 0 : i32
      %dma_wait3A_853 = tpu.memref_slice %arg11[%dma_wait3A_852] : memref<8000xf32, #tpu.memory_space<vmem>> -> memref<2000xf32, #tpu.memory_space<vmem>>
      tpu.wait_dma2 semaphore(%arg15 : memref<!tpu.dma_semaphore, #tpu.memory_space<semaphore_mem>>) src(%dma_wait3A_853 : memref<2000xf32, #tpu.memory_space<vmem>>) dst(%dma_wait3A_851 : memref<2000xf32, #tpu.memory_space<hbm>>)
      %dma_wait3A_854 = arith.constant 2000 : i32
      %dma_wait3A_855 = tpu.memref_slice %arg11[%dma_wait3A_854] : memref<8000xf32, #tpu.memory_space<vmem>> -> memref<2000xf32, #tpu.memory_space<vmem>>
      %dma_wait3A_856 = tpu.memref_slice %arg5[%add3A_843] : memref<6400000xf32, #tpu.memory_space<hbm>> -> memref<2000xf32, #tpu.memory_space<hbm>>
      %dma_wait3A_857 = tpu.memref_slice %arg5[%add3A_843] : memref<6400000xf32, #tpu.memory_space<hbm>> -> memref<2000xf32, #tpu.memory_space<hbm>>
      %dma_wait3A_858 = arith.constant 2000 : i32
      %dma_wait3A_859 = tpu.memref_slice %arg11[%dma_wait3A_858] : memref<8000xf32, #tpu.memory_space<vmem>> -> memref<2000xf32, #tpu.memory_space<vmem>>
      tpu.wait_dma2 semaphore(%arg15 : memref<!tpu.dma_semaphore, #tpu.memory_space<semaphore_mem>>) src(%dma_wait3A_859 : memref<2000xf32, #tpu.memory_space<vmem>>) dst(%dma_wait3A_857 : memref<2000xf32, #tpu.memory_space<hbm>>)
      %dma_wait3A_860 = arith.constant 4000 : i32
      %dma_wait3A_861 = tpu.memref_slice %arg11[%dma_wait3A_860] : memref<8000xf32, #tpu.memory_space<vmem>> -> memref<2000xf32, #tpu.memory_space<vmem>>
      %dma_wait3A_862 = tpu.memref_slice %arg5[%add3A_845] : memref<6400000xf32, #tpu.memory_space<hbm>> -> memref<2000xf32, #tpu.memory_space<hbm>>
      %dma_wait3A_863 = tpu.memref_slice %arg5[%add3A_845] : memref<6400000xf32, #tpu.memory_space<hbm>> -> memref<2000xf32, #tpu.memory_space<hbm>>
      %dma_wait3A_864 = arith.constant 4000 : i32
      %dma_wait3A_865 = tpu.memref_slice %arg11[%dma_wait3A_864] : memref<8000xf32, #tpu.memory_space<vmem>> -> memref<2000xf32, #tpu.memory_space<vmem>>
      tpu.wait_dma2 semaphore(%arg15 : memref<!tpu.dma_semaphore, #tpu.memory_space<semaphore_mem>>) src(%dma_wait3A_865 : memref<2000xf32, #tpu.memory_space<vmem>>) dst(%dma_wait3A_863 : memref<2000xf32, #tpu.memory_space<hbm>>)
      %dma_wait3A_866 = arith.constant 6000 : i32
      %dma_wait3A_867 = tpu.memref_slice %arg11[%dma_wait3A_866] : memref<8000xf32, #tpu.memory_space<vmem>> -> memref<2000xf32, #tpu.memory_space<vmem>>
      %dma_wait3A_868 = tpu.memref_slice %arg5[%add3A_847] : memref<6400000xf32, #tpu.memory_space<hbm>> -> memref<2000xf32, #tpu.memory_space<hbm>>
      %dma_wait3A_869 = tpu.memref_slice %arg5[%add3A_847] : memref<6400000xf32, #tpu.memory_space<hbm>> -> memref<2000xf32, #tpu.memory_space<hbm>>
      %dma_wait3A_870 = arith.constant 6000 : i32
      %dma_wait3A_871 = tpu.memref_slice %arg11[%dma_wait3A_870] : memref<8000xf32, #tpu.memory_space<vmem>> -> memref<2000xf32, #tpu.memory_space<vmem>>
      tpu.wait_dma2 semaphore(%arg15 : memref<!tpu.dma_semaphore, #tpu.memory_space<semaphore_mem>>) src(%dma_wait3A_871 : memref<2000xf32, #tpu.memory_space<vmem>>) dst(%dma_wait3A_869 : memref<2000xf32, #tpu.memory_space<hbm>>)
      %parallel_loop3A_872 = arith.constant 0 : i32
      %parallel_loop3A_873 = arith.constant 2000 : i32
      %parallel_loop3A_874 = arith.constant 16 : i32
      scf.for %parallel_loop3A_1122 = %parallel_loop3A_872 to %parallel_loop3A_873 step %parallel_loop3A_874  : i32 {
        %parallel_loop3A_1123 = arith.index_cast %parallel_loop3A_1122 : i32 to index
        %parallel_loop3A_1124 = tpu.vector_load %arg7[%parallel_loop3A_1123] {strides = array<i32>} : memref<2000xi32, #tpu.memory_space<vmem>>, vector<16xi32>,
        %parallel_loop3A_1125 = arith.constant 0 : i32
        %parallel_loop3A_1126 = vector.broadcast %parallel_loop3A_1125 : i32 to vector<16xi32>
        %parallel_loop3A_1127 = arith.shrsi %parallel_loop3A_1124, %parallel_loop3A_1126 : vector<16xi32>
        %parallel_loop3A_1128 = arith.constant 15 : i32
        %parallel_loop3A_1129 = vector.broadcast %parallel_loop3A_1128 : i32 to vector<16xi32>
        %parallel_loop3A_1130 = arith.andi %parallel_loop3A_1127, %parallel_loop3A_1129 : vector<16xi32>
        %parallel_loop3A_1131 = tpu.vector_load_idx %arg6[%parallel_loop3A_1130] : memref<16xf32, #tpu.memory_space<vmem>>[vector<16xi32>], vector<16xf32>,
        %parallel_loop3A_1132 = arith.constant 0 : i32
        %parallel_loop3A_1133 = arith.addi %parallel_loop3A_1132, %parallel_loop3A_1122 : i32
        %parallel_loop3A_1134 = arith.index_cast %parallel_loop3A_1133 : i32 to index
        %parallel_loop3A_1135 = tpu.vector_load %arg9[%parallel_loop3A_1134] {strides = array<i32>} : memref<8000xf32, #tpu.memory_space<vmem>>, vector<16xf32>,
        %parallel_loop3A_1136 = arith.mulf %parallel_loop3A_1135, %parallel_loop3A_1135 : vector<16xf32>
        %parallel_loop3A_1137 = arith.mulf %parallel_loop3A_1136, %parallel_loop3A_1136 : vector<16xf32>
        %parallel_loop3A_1138 = arith.mulf %parallel_loop3A_1137, %parallel_loop3A_1136 : vector<16xf32>
        %parallel_loop3A_1139 = arith.addf %parallel_loop3A_1138, %parallel_loop3A_1131 : vector<16xf32>
        %parallel_loop3A_1140 = arith.constant 0 : i32
        %parallel_loop3A_1141 = arith.addi %parallel_loop3A_1140, %parallel_loop3A_1122 : i32
        %parallel_loop3A_1142 = arith.index_cast %parallel_loop3A_1141 : i32 to index
        %parallel_loop3A_1143 = tpu.vector_load %arg11[%parallel_loop3A_1142] {strides = array<i32>} : memref<8000xf32, #tpu.memory_space<vmem>>, vector<16xf32>,
        tpu.vector_store %arg11[%parallel_loop3A_1142], %parallel_loop3A_1139 {strides = array<i32>} : memref<8000xf32, #tpu.memory_space<vmem>>, vector<16xf32>,
        %parallel_loop3A_1144 = arith.constant 8 : i32
        %parallel_loop3A_1145 = vector.broadcast %parallel_loop3A_1144 : i32 to vector<16xi32>
        %parallel_loop3A_1146 = arith.shrsi %parallel_loop3A_1124, %parallel_loop3A_1145 : vector<16xi32>
        %parallel_loop3A_1147 = arith.constant 15 : i32
        %parallel_loop3A_1148 = vector.broadcast %parallel_loop3A_1147 : i32 to vector<16xi32>
        %parallel_loop3A_1149 = arith.andi %parallel_loop3A_1146, %parallel_loop3A_1148 : vector<16xi32>
        %parallel_loop3A_1150 = tpu.vector_load_idx %arg6[%parallel_loop3A_1149] : memref<16xf32, #tpu.memory_space<vmem>>[vector<16xi32>], vector<16xf32>,
        %parallel_loop3A_1151 = arith.constant 2000 : i32
        %parallel_loop3A_1152 = arith.addi %parallel_loop3A_1151, %parallel_loop3A_1122 : i32
        %parallel_loop3A_1153 = arith.index_cast %parallel_loop3A_1152 : i32 to index
        %parallel_loop3A_1154 = tpu.vector_load %arg9[%parallel_loop3A_1153] {strides = array<i32>} : memref<8000xf32, #tpu.memory_space<vmem>>, vector<16xf32>,
        %parallel_loop3A_1155 = arith.mulf %parallel_loop3A_1154, %parallel_loop3A_1154 : vector<16xf32>
        %parallel_loop3A_1156 = arith.mulf %parallel_loop3A_1155, %parallel_loop3A_1155 : vector<16xf32>
        %parallel_loop3A_1157 = arith.mulf %parallel_loop3A_1156, %parallel_loop3A_1155 : vector<16xf32>
        %parallel_loop3A_1158 = arith.addf %parallel_loop3A_1157, %parallel_loop3A_1150 : vector<16xf32>
        %parallel_loop3A_1159 = arith.constant 2000 : i32
        %parallel_loop3A_1160 = arith.addi %parallel_loop3A_1159, %parallel_loop3A_1122 : i32
        %parallel_loop3A_1161 = arith.index_cast %parallel_loop3A_1160 : i32 to index
        %parallel_loop3A_1162 = tpu.vector_load %arg11[%parallel_loop3A_1161] {strides = array<i32>} : memref<8000xf32, #tpu.memory_space<vmem>>, vector<16xf32>,
        tpu.vector_store %arg11[%parallel_loop3A_1161], %parallel_loop3A_1158 {strides = array<i32>} : memref<8000xf32, #tpu.memory_space<vmem>>, vector<16xf32>,
        %parallel_loop3A_1163 = arith.constant 16 : i32
        %parallel_loop3A_1164 = vector.broadcast %parallel_loop3A_1163 : i32 to vector<16xi32>
        %parallel_loop3A_1165 = arith.shrsi %parallel_loop3A_1124, %parallel_loop3A_1164 : vector<16xi32>
        %parallel_loop3A_1166 = arith.constant 15 : i32
        %parallel_loop3A_1167 = vector.broadcast %parallel_loop3A_1166 : i32 to vector<16xi32>
        %parallel_loop3A_1168 = arith.andi %parallel_loop3A_1165, %parallel_loop3A_1167 : vector<16xi32>
        %parallel_loop3A_1169 = tpu.vector_load_idx %arg6[%parallel_loop3A_1168] : memref<16xf32, #tpu.memory_space<vmem>>[vector<16xi32>], vector<16xf32>,
        %parallel_loop3A_1170 = arith.constant 4000 : i32
        %parallel_loop3A_1171 = arith.addi %parallel_loop3A_1170, %parallel_loop3A_1122 : i32
        %parallel_loop3A_1172 = arith.index_cast %parallel_loop3A_1171 : i32 to index
        %parallel_loop3A_1173 = tpu.vector_load %arg9[%parallel_loop3A_1172] {strides = array<i32>} : memref<8000xf32, #tpu.memory_space<vmem>>, vector<16xf32>,
        %parallel_loop3A_1174 = arith.mulf %parallel_loop3A_1173, %parallel_loop3A_1173 : vector<16xf32>
        %parallel_loop3A_1175 = arith.mulf %parallel_loop3A_1174, %parallel_loop3A_1174 : vector<16xf32>
        %parallel_loop3A_1176 = arith.mulf %parallel_loop3A_1175, %parallel_loop3A_1174 : vector<16xf32>
        %parallel_loop3A_1177 = arith.addf %parallel_loop3A_1176, %parallel_loop3A_1169 : vector<16xf32>
        %parallel_loop3A_1178 = arith.constant 4000 : i32
        %parallel_loop3A_1179 = arith.addi %parallel_loop3A_1178, %parallel_loop3A_1122 : i32
        %parallel_loop3A_1180 = arith.index_cast %parallel_loop3A_1179 : i32 to index
        %parallel_loop3A_1181 = tpu.vector_load %arg11[%parallel_loop3A_1180] {strides = array<i32>} : memref<8000xf32, #tpu.memory_space<vmem>>, vector<16xf32>,
        tpu.vector_store %arg11[%parallel_loop3A_1180], %parallel_loop3A_1177 {strides = array<i32>} : memref<8000xf32, #tpu.memory_space<vmem>>, vector<16xf32>,
        %parallel_loop3A_1182 = arith.constant 24 : i32
        %parallel_loop3A_1183 = vector.broadcast %parallel_loop3A_1182 : i32 to vector<16xi32>
        %parallel_loop3A_1184 = arith.shrsi %parallel_loop3A_1124, %parallel_loop3A_1183 : vector<16xi32>
        %parallel_loop3A_1185 = arith.constant 15 : i32
        %parallel_loop3A_1186 = vector.broadcast %parallel_loop3A_1185 : i32 to vector<16xi32>
        %parallel_loop3A_1187 = arith.andi %parallel_loop3A_1184, %parallel_loop3A_1186 : vector<16xi32>
        %parallel_loop3A_1188 = tpu.vector_load_idx %arg6[%parallel_loop3A_1187] : memref<16xf32, #tpu.memory_space<vmem>>[vector<16xi32>], vector<16xf32>,
        %parallel_loop3A_1189 = arith.constant 6000 : i32
        %parallel_loop3A_1190 = arith.addi %parallel_loop3A_1189, %parallel_loop3A_1122 : i32
        %parallel_loop3A_1191 = arith.index_cast %parallel_loop3A_1190 : i32 to index
        %parallel_loop3A_1192 = tpu.vector_load %arg9[%parallel_loop3A_1191] {strides = array<i32>} : memref<8000xf32, #tpu.memory_space<vmem>>, vector<16xf32>,
        %parallel_loop3A_1193 = arith.mulf %parallel_loop3A_1192, %parallel_loop3A_1192 : vector<16xf32>
        %parallel_loop3A_1194 = arith.mulf %parallel_loop3A_1193, %parallel_loop3A_1193 : vector<16xf32>
        %parallel_loop3A_1195 = arith.mulf %parallel_loop3A_1194, %parallel_loop3A_1193 : vector<16xf32>
        %parallel_loop3A_1196 = arith.addf %parallel_loop3A_1195, %parallel_loop3A_1188 : vector<16xf32>
        %parallel_loop3A_1197 = arith.constant 6000 : i32
        %parallel_loop3A_1198 = arith.addi %parallel_loop3A_1197, %parallel_loop3A_1122 : i32
        %parallel_loop3A_1199 = arith.index_cast %parallel_loop3A_1198 : i32 to index
        %parallel_loop3A_1200 = tpu.vector_load %arg11[%parallel_loop3A_1199] {strides = array<i32>} : memref<8000xf32, #tpu.memory_space<vmem>>, vector<16xf32>,
        tpu.vector_store %arg11[%parallel_loop3A_1199], %parallel_loop3A_1196 {strides = array<i32>} : memref<8000xf32, #tpu.memory_space<vmem>>, vector<16xf32>,
      } {sc.loop_unroll_factor = 4 : i64, sc.parallel_access}
      %mul3A_875 = arith.constant 50000 : i32
      %mul3A_876 = arith.muli %add3A, %mul3A_875 : i32
      %mul3A_877 = arith.constant 2000 : i32
      %mul3A_878 = arith.muli %add3A_792, %mul3A_877 : i32
      %add3A_879 = arith.addi %mul3A_876, %mul3A_878 : i32
      %multiple_of3A_880 = tpu.assume_multiple %add3A_879, 8 : i32
      %add3A_881 = arith.constant 0 : i32
      %add3A_882 = arith.addi %multiple_of3A_880, %add3A_881 : i32
      %add3A_883 = arith.constant 1600000 : i32
      %add3A_884 = arith.addi %multiple_of3A_880, %add3A_883 : i32
      %add3A_885 = arith.constant 3200000 : i32
      %add3A_886 = arith.addi %multiple_of3A_880, %add3A_885 : i32
      %add3A_887 = arith.constant 4800000 : i32
      %add3A_888 = arith.addi %multiple_of3A_880, %add3A_887 : i32
      %dma_start3A_889 = arith.constant 0 : i32
      %dma_start3A_890 = tpu.memref_slice %arg11[%dma_start3A_889] : memref<8000xf32, #tpu.memory_space<vmem>> -> memref<2000xf32, #tpu.memory_space<vmem>>
      %dma_start3A_891 = tpu.memref_slice %arg5[%add3A_882] : memref<6400000xf32, #tpu.memory_space<hbm>> -> memref<2000xf32, #tpu.memory_space<hbm>>
      %dma_start3A_892 = tpu.memref_slice %arg5[%add3A_882] : memref<6400000xf32, #tpu.memory_space<hbm>> -> memref<2000xf32, #tpu.memory_space<hbm>>
      %dma_start3A_893 = arith.constant 0 : i32
      %dma_start3A_894 = tpu.memref_slice %arg11[%dma_start3A_893] : memref<8000xf32, #tpu.memory_space<vmem>> -> memref<2000xf32, #tpu.memory_space<vmem>>
      tpu.enqueue_dma source(%dma_start3A_894 : memref<2000xf32, #tpu.memory_space<vmem>>) target(%dma_start3A_892 : memref<2000xf32, #tpu.memory_space<hbm>>) target_semaphore(%arg15 : memref<!tpu.dma_semaphore, #tpu.memory_space<semaphore_mem>>)
      %dma_start3A_895 = arith.constant 2000 : i32
      %dma_start3A_896 = tpu.memref_slice %arg11[%dma_start3A_895] : memref<8000xf32, #tpu.memory_space<vmem>> -> memref<2000xf32, #tpu.memory_space<vmem>>
      %dma_start3A_897 = tpu.memref_slice %arg5[%add3A_884] : memref<6400000xf32, #tpu.memory_space<hbm>> -> memref<2000xf32, #tpu.memory_space<hbm>>
      %dma_start3A_898 = tpu.memref_slice %arg5[%add3A_884] : memref<6400000xf32, #tpu.memory_space<hbm>> -> memref<2000xf32, #tpu.memory_space<hbm>>
      %dma_start3A_899 = arith.constant 2000 : i32
      %dma_start3A_900 = tpu.memref_slice %arg11[%dma_start3A_899] : memref<8000xf32, #tpu.memory_space<vmem>> -> memref<2000xf32, #tpu.memory_space<vmem>>
      tpu.enqueue_dma source(%dma_start3A_900 : memref<2000xf32, #tpu.memory_space<vmem>>) target(%dma_start3A_898 : memref<2000xf32, #tpu.memory_space<hbm>>) target_semaphore(%arg15 : memref<!tpu.dma_semaphore, #tpu.memory_space<semaphore_mem>>)
      %dma_start3A_901 = arith.constant 4000 : i32
      %dma_start3A_902 = tpu.memref_slice %arg11[%dma_start3A_901] : memref<8000xf32, #tpu.memory_space<vmem>> -> memref<2000xf32, #tpu.memory_space<vmem>>
      %dma_start3A_903 = tpu.memref_slice %arg5[%add3A_886] : memref<6400000xf32, #tpu.memory_space<hbm>> -> memref<2000xf32, #tpu.memory_space<hbm>>
      %dma_start3A_904 = tpu.memref_slice %arg5[%add3A_886] : memref<6400000xf32, #tpu.memory_space<hbm>> -> memref<2000xf32, #tpu.memory_space<hbm>>
      %dma_start3A_905 = arith.constant 4000 : i32
      %dma_start3A_906 = tpu.memref_slice %arg11[%dma_start3A_905] : memref<8000xf32, #tpu.memory_space<vmem>> -> memref<2000xf32, #tpu.memory_space<vmem>>
      tpu.enqueue_dma source(%dma_start3A_906 : memref<2000xf32, #tpu.memory_space<vmem>>) target(%dma_start3A_904 : memref<2000xf32, #tpu.memory_space<hbm>>) target_semaphore(%arg15 : memref<!tpu.dma_semaphore, #tpu.memory_space<semaphore_mem>>)
      %dma_start3A_907 = arith.constant 6000 : i32
      %dma_start3A_908 = tpu.memref_slice %arg11[%dma_start3A_907] : memref<8000xf32, #tpu.memory_space<vmem>> -> memref<2000xf32, #tpu.memory_space<vmem>>
      %dma_start3A_909 = tpu.memref_slice %arg5[%add3A_888] : memref<6400000xf32, #tpu.memory_space<hbm>> -> memref<2000xf32, #tpu.memory_space<hbm>>
      %dma_start3A_910 = tpu.memref_slice %arg5[%add3A_888] : memref<6400000xf32, #tpu.memory_space<hbm>> -> memref<2000xf32, #tpu.memory_space<hbm>>
      %dma_start3A_911 = arith.constant 6000 : i32
      %dma_start3A_912 = tpu.memref_slice %arg11[%dma_start3A_911] : memref<8000xf32, #tpu.memory_space<vmem>> -> memref<2000xf32, #tpu.memory_space<vmem>>
      tpu.enqueue_dma source(%dma_start3A_912 : memref<2000xf32, #tpu.memory_space<vmem>>) target(%dma_start3A_910 : memref<2000xf32, #tpu.memory_space<hbm>>) target_semaphore(%arg15 : memref<!tpu.dma_semaphore, #tpu.memory_space<semaphore_mem>>)
      %add3A_913 = arith.constant 2 : i32
      %add3A_914 = arith.addi %add3A_792, %add3A_913 : i32
      %mul3A_915 = arith.constant 50000 : i32
      %mul3A_916 = arith.muli %add3A, %mul3A_915 : i32
      %mul3A_917 = arith.constant 2000 : i32
      %mul3A_918 = arith.muli %add3A_914, %mul3A_917 : i32
      %add3A_919 = arith.addi %mul3A_916, %mul3A_918 : i32
      %multiple_of3A_920 = tpu.assume_multiple %add3A_919, 8 : i32
      %add3A_921 = arith.constant 0 : i32
      %add3A_922 = arith.addi %multiple_of3A_920, %add3A_921 : i32
      %add3A_923 = arith.constant 1600000 : i32
      %add3A_924 = arith.addi %multiple_of3A_920, %add3A_923 : i32
      %add3A_925 = arith.constant 3200000 : i32
      %add3A_926 = arith.addi %multiple_of3A_920, %add3A_925 : i32
      %add3A_927 = arith.constant 4800000 : i32
      %add3A_928 = arith.addi %multiple_of3A_920, %add3A_927 : i32
      %dma_start3A_929 = tpu.memref_slice %arg2[%multiple_of3A_920] : memref<1600000xi32, #tpu.memory_space<hbm>> -> memref<2000xi32, #tpu.memory_space<hbm>>
      %dma_start3A_930 = tpu.memref_slice %arg2[%multiple_of3A_920] : memref<1600000xi32, #tpu.memory_space<hbm>> -> memref<2000xi32, #tpu.memory_space<hbm>>
      tpu.enqueue_dma source(%dma_start3A_930 : memref<2000xi32, #tpu.memory_space<hbm>>) target(%arg7 : memref<2000xi32, #tpu.memory_space<vmem>>) target_semaphore(%arg13 : memref<!tpu.dma_semaphore, #tpu.memory_space<semaphore_mem>>)
      %dma_start3A_931 = arith.constant 0 : i32
      %dma_start3A_932 = tpu.memref_slice %arg9[%dma_start3A_931] : memref<8000xf32, #tpu.memory_space<vmem>> -> memref<2000xf32, #tpu.memory_space<vmem>>
      %dma_start3A_933 = tpu.memref_slice %arg3[%add3A_922] : memref<6400000xf32, #tpu.memory_space<hbm>> -> memref<2000xf32, #tpu.memory_space<hbm>>
      %dma_start3A_934 = arith.constant 0 : i32
      %dma_start3A_935 = tpu.memref_slice %arg9[%dma_start3A_934] : memref<8000xf32, #tpu.memory_space<vmem>> -> memref<2000xf32, #tpu.memory_space<vmem>>
      %dma_start3A_936 = tpu.memref_slice %arg3[%add3A_922] : memref<6400000xf32, #tpu.memory_space<hbm>> -> memref<2000xf32, #tpu.memory_space<hbm>>
      tpu.enqueue_dma source(%dma_start3A_936 : memref<2000xf32, #tpu.memory_space<hbm>>) target(%dma_start3A_935 : memref<2000xf32, #tpu.memory_space<vmem>>) target_semaphore(%arg13 : memref<!tpu.dma_semaphore, #tpu.memory_space<semaphore_mem>>)
      %dma_start3A_937 = arith.constant 2000 : i32
      %dma_start3A_938 = tpu.memref_slice %arg9[%dma_start3A_937] : memref<8000xf32, #tpu.memory_space<vmem>> -> memref<2000xf32, #tpu.memory_space<vmem>>
      %dma_start3A_939 = tpu.memref_slice %arg3[%add3A_924] : memref<6400000xf32, #tpu.memory_space<hbm>> -> memref<2000xf32, #tpu.memory_space<hbm>>
      %dma_start3A_940 = arith.constant 2000 : i32
      %dma_start3A_941 = tpu.memref_slice %arg9[%dma_start3A_940] : memref<8000xf32, #tpu.memory_space<vmem>> -> memref<2000xf32, #tpu.memory_space<vmem>>
      %dma_start3A_942 = tpu.memref_slice %arg3[%add3A_924] : memref<6400000xf32, #tpu.memory_space<hbm>> -> memref<2000xf32, #tpu.memory_space<hbm>>
      tpu.enqueue_dma source(%dma_start3A_942 : memref<2000xf32, #tpu.memory_space<hbm>>) target(%dma_start3A_941 : memref<2000xf32, #tpu.memory_space<vmem>>) target_semaphore(%arg13 : memref<!tpu.dma_semaphore, #tpu.memory_space<semaphore_mem>>)
      %dma_start3A_943 = arith.constant 4000 : i32
      %dma_start3A_944 = tpu.memref_slice %arg9[%dma_start3A_943] : memref<8000xf32, #tpu.memory_space<vmem>> -> memref<2000xf32, #tpu.memory_space<vmem>>
      %dma_start3A_945 = tpu.memref_slice %arg3[%add3A_926] : memref<6400000xf32, #tpu.memory_space<hbm>> -> memref<2000xf32, #tpu.memory_space<hbm>>
      %dma_start3A_946 = arith.constant 4000 : i32
      %dma_start3A_947 = tpu.memref_slice %arg9[%dma_start3A_946] : memref<8000xf32, #tpu.memory_space<vmem>> -> memref<2000xf32, #tpu.memory_space<vmem>>
      %dma_start3A_948 = tpu.memref_slice %arg3[%add3A_926] : memref<6400000xf32, #tpu.memory_space<hbm>> -> memref<2000xf32, #tpu.memory_space<hbm>>
      tpu.enqueue_dma source(%dma_start3A_948 : memref<2000xf32, #tpu.memory_space<hbm>>) target(%dma_start3A_947 : memref<2000xf32, #tpu.memory_space<vmem>>) target_semaphore(%arg13 : memref<!tpu.dma_semaphore, #tpu.memory_space<semaphore_mem>>)
      %dma_start3A_949 = arith.constant 6000 : i32
      %dma_start3A_950 = tpu.memref_slice %arg9[%dma_start3A_949] : memref<8000xf32, #tpu.memory_space<vmem>> -> memref<2000xf32, #tpu.memory_space<vmem>>
      %dma_start3A_951 = tpu.memref_slice %arg3[%add3A_928] : memref<6400000xf32, #tpu.memory_space<hbm>> -> memref<2000xf32, #tpu.memory_space<hbm>>
      %dma_start3A_952 = arith.constant 6000 : i32
      %dma_start3A_953 = tpu.memref_slice %arg9[%dma_start3A_952] : memref<8000xf32, #tpu.memory_space<vmem>> -> memref<2000xf32, #tpu.memory_space<vmem>>
      %dma_start3A_954 = tpu.memref_slice %arg3[%add3A_928] : memref<6400000xf32, #tpu.memory_space<hbm>> -> memref<2000xf32, #tpu.memory_space<hbm>>
      tpu.enqueue_dma source(%dma_start3A_954 : memref<2000xf32, #tpu.memory_space<hbm>>) target(%dma_start3A_953 : memref<2000xf32, #tpu.memory_space<vmem>>) target_semaphore(%arg13 : memref<!tpu.dma_semaphore, #tpu.memory_space<semaphore_mem>>)
      %mul3A_955 = arith.constant 2 : i32
      %mul3A_956 = arith.muli %scan3A_788, %mul3A_955 : i32
      %add3A_957 = arith.constant 1 : i32
      %add3A_958 = arith.addi %mul3A_956, %add3A_957 : i32
      %mul3A_959 = arith.constant 50000 : i32
      %mul3A_960 = arith.muli %add3A, %mul3A_959 : i32
      %mul3A_961 = arith.constant 2000 : i32
      %mul3A_962 = arith.muli %add3A_958, %mul3A_961 : i32
      %add3A_963 = arith.addi %mul3A_960, %mul3A_962 : i32
      %multiple_of3A_964 = tpu.assume_multiple %add3A_963, 8 : i32
      %add3A_965 = arith.constant 0 : i32
      %add3A_966 = arith.addi %multiple_of3A_964, %add3A_965 : i32
      %add3A_967 = arith.constant 1600000 : i32
      %add3A_968 = arith.addi %multiple_of3A_964, %add3A_967 : i32
      %add3A_969 = arith.constant 3200000 : i32
      %add3A_970 = arith.addi %multiple_of3A_964, %add3A_969 : i32
      %add3A_971 = arith.constant 4800000 : i32
      %add3A_972 = arith.addi %multiple_of3A_964, %add3A_971 : i32
      %dma_wait3A_973 = tpu.memref_slice %arg2[%multiple_of3A_964] : memref<1600000xi32, #tpu.memory_space<hbm>> -> memref<2000xi32, #tpu.memory_space<hbm>>
      %dma_wait3A_974 = tpu.memref_slice %arg2[%multiple_of3A_964] : memref<1600000xi32, #tpu.memory_space<hbm>> -> memref<2000xi32, #tpu.memory_space<hbm>>
      tpu.wait_dma2 semaphore(%arg14 : memref<!tpu.dma_semaphore, #tpu.memory_space<semaphore_mem>>) src(%dma_wait3A_974 : memref<2000xi32, #tpu.memory_space<hbm>>) dst(%arg8 : memref<2000xi32, #tpu.memory_space<vmem>>)
      %dma_wait3A_975 = arith.constant 0 : i32
      %dma_wait3A_976 = tpu.memref_slice %arg10[%dma_wait3A_975] : memref<8000xf32, #tpu.memory_space<vmem>> -> memref<2000xf32, #tpu.memory_space<vmem>>
      %dma_wait3A_977 = tpu.memref_slice %arg3[%add3A_966] : memref<6400000xf32, #tpu.memory_space<hbm>> -> memref<2000xf32, #tpu.memory_space<hbm>>
      %dma_wait3A_978 = arith.constant 0 : i32
      %dma_wait3A_979 = tpu.memref_slice %arg10[%dma_wait3A_978] : memref<8000xf32, #tpu.memory_space<vmem>> -> memref<2000xf32, #tpu.memory_space<vmem>>
      %dma_wait3A_980 = tpu.memref_slice %arg3[%add3A_966] : memref<6400000xf32, #tpu.memory_space<hbm>> -> memref<2000xf32, #tpu.memory_space<hbm>>
      tpu.wait_dma2 semaphore(%arg14 : memref<!tpu.dma_semaphore, #tpu.memory_space<semaphore_mem>>) src(%dma_wait3A_980 : memref<2000xf32, #tpu.memory_space<hbm>>) dst(%dma_wait3A_979 : memref<2000xf32, #tpu.memory_space<vmem>>)
      %dma_wait3A_981 = arith.constant 2000 : i32
      %dma_wait3A_982 = tpu.memref_slice %arg10[%dma_wait3A_981] : memref<8000xf32, #tpu.memory_space<vmem>> -> memref<2000xf32, #tpu.memory_space<vmem>>
      %dma_wait3A_983 = tpu.memref_slice %arg3[%add3A_968] : memref<6400000xf32, #tpu.memory_space<hbm>> -> memref<2000xf32, #tpu.memory_space<hbm>>
      %dma_wait3A_984 = arith.constant 2000 : i32
      %dma_wait3A_985 = tpu.memref_slice %arg10[%dma_wait3A_984] : memref<8000xf32, #tpu.memory_space<vmem>> -> memref<2000xf32, #tpu.memory_space<vmem>>
      %dma_wait3A_986 = tpu.memref_slice %arg3[%add3A_968] : memref<6400000xf32, #tpu.memory_space<hbm>> -> memref<2000xf32, #tpu.memory_space<hbm>>
      tpu.wait_dma2 semaphore(%arg14 : memref<!tpu.dma_semaphore, #tpu.memory_space<semaphore_mem>>) src(%dma_wait3A_986 : memref<2000xf32, #tpu.memory_space<hbm>>) dst(%dma_wait3A_985 : memref<2000xf32, #tpu.memory_space<vmem>>)
      %dma_wait3A_987 = arith.constant 4000 : i32
      %dma_wait3A_988 = tpu.memref_slice %arg10[%dma_wait3A_987] : memref<8000xf32, #tpu.memory_space<vmem>> -> memref<2000xf32, #tpu.memory_space<vmem>>
      %dma_wait3A_989 = tpu.memref_slice %arg3[%add3A_970] : memref<6400000xf32, #tpu.memory_space<hbm>> -> memref<2000xf32, #tpu.memory_space<hbm>>
      %dma_wait3A_990 = arith.constant 4000 : i32
      %dma_wait3A_991 = tpu.memref_slice %arg10[%dma_wait3A_990] : memref<8000xf32, #tpu.memory_space<vmem>> -> memref<2000xf32, #tpu.memory_space<vmem>>
      %dma_wait3A_992 = tpu.memref_slice %arg3[%add3A_970] : memref<6400000xf32, #tpu.memory_space<hbm>> -> memref<2000xf32, #tpu.memory_space<hbm>>
      tpu.wait_dma2 semaphore(%arg14 : memref<!tpu.dma_semaphore, #tpu.memory_space<semaphore_mem>>) src(%dma_wait3A_992 : memref<2000xf32, #tpu.memory_space<hbm>>) dst(%dma_wait3A_991 : memref<2000xf32, #tpu.memory_space<vmem>>)
      %dma_wait3A_993 = arith.constant 6000 : i32
      %dma_wait3A_994 = tpu.memref_slice %arg10[%dma_wait3A_993] : memref<8000xf32, #tpu.memory_space<vmem>> -> memref<2000xf32, #tpu.memory_space<vmem>>
      %dma_wait3A_995 = tpu.memref_slice %arg3[%add3A_972] : memref<6400000xf32, #tpu.memory_space<hbm>> -> memref<2000xf32, #tpu.memory_space<hbm>>
      %dma_wait3A_996 = arith.constant 6000 : i32
      %dma_wait3A_997 = tpu.memref_slice %arg10[%dma_wait3A_996] : memref<8000xf32, #tpu.memory_space<vmem>> -> memref<2000xf32, #tpu.memory_space<vmem>>
      %dma_wait3A_998 = tpu.memref_slice %arg3[%add3A_972] : memref<6400000xf32, #tpu.memory_space<hbm>> -> memref<2000xf32, #tpu.memory_space<hbm>>
      tpu.wait_dma2 semaphore(%arg14 : memref<!tpu.dma_semaphore, #tpu.memory_space<semaphore_mem>>) src(%dma_wait3A_998 : memref<2000xf32, #tpu.memory_space<hbm>>) dst(%dma_wait3A_997 : memref<2000xf32, #tpu.memory_space<vmem>>)
      %sub3A_999 = arith.constant 2 : i32
      %sub3A_1000 = arith.subi %add3A_958, %sub3A_999 : i32
      %mul3A_1001 = arith.constant 50000 : i32
      %mul3A_1002 = arith.muli %add3A, %mul3A_1001 : i32
      %mul3A_1003 = arith.constant 2000 : i32
      %mul3A_1004 = arith.muli %sub3A_1000, %mul3A_1003 : i32
      %add3A_1005 = arith.addi %mul3A_1002, %mul3A_1004 : i32
      %multiple_of3A_1006 = tpu.assume_multiple %add3A_1005, 8 : i32
      %add3A_1007 = arith.constant 0 : i32
      %add3A_1008 = arith.addi %multiple_of3A_1006, %add3A_1007 : i32
      %add3A_1009 = arith.constant 1600000 : i32
      %add3A_1010 = arith.addi %multiple_of3A_1006, %add3A_1009 : i32
      %add3A_1011 = arith.constant 3200000 : i32
      %add3A_1012 = arith.addi %multiple_of3A_1006, %add3A_1011 : i32
      %add3A_1013 = arith.constant 4800000 : i32
      %add3A_1014 = arith.addi %multiple_of3A_1006, %add3A_1013 : i32
      %dma_wait3A_1015 = arith.constant 0 : i32
      %dma_wait3A_1016 = tpu.memref_slice %arg12[%dma_wait3A_1015] : memref<8000xf32, #tpu.memory_space<vmem>> -> memref<2000xf32, #tpu.memory_space<vmem>>
      %dma_wait3A_1017 = tpu.memref_slice %arg5[%add3A_1008] : memref<6400000xf32, #tpu.memory_space<hbm>> -> memref<2000xf32, #tpu.memory_space<hbm>>
      %dma_wait3A_1018 = tpu.memref_slice %arg5[%add3A_1008] : memref<6400000xf32, #tpu.memory_space<hbm>> -> memref<2000xf32, #tpu.memory_space<hbm>>
      %dma_wait3A_1019 = arith.constant 0 : i32
      %dma_wait3A_1020 = tpu.memref_slice %arg12[%dma_wait3A_1019] : memref<8000xf32, #tpu.memory_space<vmem>> -> memref<2000xf32, #tpu.memory_space<vmem>>
      tpu.wait_dma2 semaphore(%arg16 : memref<!tpu.dma_semaphore, #tpu.memory_space<semaphore_mem>>) src(%dma_wait3A_1020 : memref<2000xf32, #tpu.memory_space<vmem>>) dst(%dma_wait3A_1018 : memref<2000xf32, #tpu.memory_space<hbm>>)
      %dma_wait3A_1021 = arith.constant 2000 : i32
      %dma_wait3A_1022 = tpu.memref_slice %arg12[%dma_wait3A_1021] : memref<8000xf32, #tpu.memory_space<vmem>> -> memref<2000xf32, #tpu.memory_space<vmem>>
      %dma_wait3A_1023 = tpu.memref_slice %arg5[%add3A_1010] : memref<6400000xf32, #tpu.memory_space<hbm>> -> memref<2000xf32, #tpu.memory_space<hbm>>
      %dma_wait3A_1024 = tpu.memref_slice %arg5[%add3A_1010] : memref<6400000xf32, #tpu.memory_space<hbm>> -> memref<2000xf32, #tpu.memory_space<hbm>>
      %dma_wait3A_1025 = arith.constant 2000 : i32
      %dma_wait3A_1026 = tpu.memref_slice %arg12[%dma_wait3A_1025] : memref<8000xf32, #tpu.memory_space<vmem>> -> memref<2000xf32, #tpu.memory_space<vmem>>
      tpu.wait_dma2 semaphore(%arg16 : memref<!tpu.dma_semaphore, #tpu.memory_space<semaphore_mem>>) src(%dma_wait3A_1026 : memref<2000xf32, #tpu.memory_space<vmem>>) dst(%dma_wait3A_1024 : memref<2000xf32, #tpu.memory_space<hbm>>)
      %dma_wait3A_1027 = arith.constant 4000 : i32
      %dma_wait3A_1028 = tpu.memref_slice %arg12[%dma_wait3A_1027] : memref<8000xf32, #tpu.memory_space<vmem>> -> memref<2000xf32, #tpu.memory_space<vmem>>
      %dma_wait3A_1029 = tpu.memref_slice %arg5[%add3A_1012] : memref<6400000xf32, #tpu.memory_space<hbm>> -> memref<2000xf32, #tpu.memory_space<hbm>>
      %dma_wait3A_1030 = tpu.memref_slice %arg5[%add3A_1012] : memref<6400000xf32, #tpu.memory_space<hbm>> -> memref<2000xf32, #tpu.memory_space<hbm>>
      %dma_wait3A_1031 = arith.constant 4000 : i32
      %dma_wait3A_1032 = tpu.memref_slice %arg12[%dma_wait3A_1031] : memref<8000xf32, #tpu.memory_space<vmem>> -> memref<2000xf32, #tpu.memory_space<vmem>>
      tpu.wait_dma2 semaphore(%arg16 : memref<!tpu.dma_semaphore, #tpu.memory_space<semaphore_mem>>) src(%dma_wait3A_1032 : memref<2000xf32, #tpu.memory_space<vmem>>) dst(%dma_wait3A_1030 : memref<2000xf32, #tpu.memory_space<hbm>>)
      %dma_wait3A_1033 = arith.constant 6000 : i32
      %dma_wait3A_1034 = tpu.memref_slice %arg12[%dma_wait3A_1033] : memref<8000xf32, #tpu.memory_space<vmem>> -> memref<2000xf32, #tpu.memory_space<vmem>>
      %dma_wait3A_1035 = tpu.memref_slice %arg5[%add3A_1014] : memref<6400000xf32, #tpu.memory_space<hbm>> -> memref<2000xf32, #tpu.memory_space<hbm>>
      %dma_wait3A_1036 = tpu.memref_slice %arg5[%add3A_1014] : memref<6400000xf32, #tpu.memory_space<hbm>> -> memref<2000xf32, #tpu.memory_space<hbm>>
      %dma_wait3A_1037 = arith.constant 6000 : i32
      %dma_wait3A_1038 = tpu.memref_slice %arg12[%dma_wait3A_1037] : memref<8000xf32, #tpu.memory_space<vmem>> -> memref<2000xf32, #tpu.memory_space<vmem>>
      tpu.wait_dma2 semaphore(%arg16 : memref<!tpu.dma_semaphore, #tpu.memory_space<semaphore_mem>>) src(%dma_wait3A_1038 : memref<2000xf32, #tpu.memory_space<vmem>>) dst(%dma_wait3A_1036 : memref<2000xf32, #tpu.memory_space<hbm>>)
      %parallel_loop3A_1039 = arith.constant 0 : i32
      %parallel_loop3A_1040 = arith.constant 2000 : i32
      %parallel_loop3A_1041 = arith.constant 16 : i32
      scf.for %parallel_loop3A_1122 = %parallel_loop3A_1039 to %parallel_loop3A_1040 step %parallel_loop3A_1041  : i32 {
        %parallel_loop3A_1123 = arith.index_cast %parallel_loop3A_1122 : i32 to index
        %parallel_loop3A_1124 = tpu.vector_load %arg8[%parallel_loop3A_1123] {strides = array<i32>} : memref<2000xi32, #tpu.memory_space<vmem>>, vector<16xi32>,
        %parallel_loop3A_1125 = arith.constant 0 : i32
        %parallel_loop3A_1126 = vector.broadcast %parallel_loop3A_1125 : i32 to vector<16xi32>
        %parallel_loop3A_1127 = arith.shrsi %parallel_loop3A_1124, %parallel_loop3A_1126 : vector<16xi32>
        %parallel_loop3A_1128 = arith.constant 15 : i32
        %parallel_loop3A_1129 = vector.broadcast %parallel_loop3A_1128 : i32 to vector<16xi32>
        %parallel_loop3A_1130 = arith.andi %parallel_loop3A_1127, %parallel_loop3A_1129 : vector<16xi32>
        %parallel_loop3A_1131 = tpu.vector_load_idx %arg6[%parallel_loop3A_1130] : memref<16xf32, #tpu.memory_space<vmem>>[vector<16xi32>], vector<16xf32>,
        %parallel_loop3A_1132 = arith.constant 0 : i32
        %parallel_loop3A_1133 = arith.addi %parallel_loop3A_1132, %parallel_loop3A_1122 : i32
        %parallel_loop3A_1134 = arith.index_cast %parallel_loop3A_1133 : i32 to index
        %parallel_loop3A_1135 = tpu.vector_load %arg10[%parallel_loop3A_1134] {strides = array<i32>} : memref<8000xf32, #tpu.memory_space<vmem>>, vector<16xf32>,
        %parallel_loop3A_1136 = arith.mulf %parallel_loop3A_1135, %parallel_loop3A_1135 : vector<16xf32>
        %parallel_loop3A_1137 = arith.mulf %parallel_loop3A_1136, %parallel_loop3A_1136 : vector<16xf32>
        %parallel_loop3A_1138 = arith.mulf %parallel_loop3A_1137, %parallel_loop3A_1136 : vector<16xf32>
        %parallel_loop3A_1139 = arith.addf %parallel_loop3A_1138, %parallel_loop3A_1131 : vector<16xf32>
        %parallel_loop3A_1140 = arith.constant 0 : i32
        %parallel_loop3A_1141 = arith.addi %parallel_loop3A_1140, %parallel_loop3A_1122 : i32
        %parallel_loop3A_1142 = arith.index_cast %parallel_loop3A_1141 : i32 to index
        %parallel_loop3A_1143 = tpu.vector_load %arg12[%parallel_loop3A_1142] {strides = array<i32>} : memref<8000xf32, #tpu.memory_space<vmem>>, vector<16xf32>,
        tpu.vector_store %arg12[%parallel_loop3A_1142], %parallel_loop3A_1139 {strides = array<i32>} : memref<8000xf32, #tpu.memory_space<vmem>>, vector<16xf32>,
        %parallel_loop3A_1144 = arith.constant 8 : i32
        %parallel_loop3A_1145 = vector.broadcast %parallel_loop3A_1144 : i32 to vector<16xi32>
        %parallel_loop3A_1146 = arith.shrsi %parallel_loop3A_1124, %parallel_loop3A_1145 : vector<16xi32>
        %parallel_loop3A_1147 = arith.constant 15 : i32
        %parallel_loop3A_1148 = vector.broadcast %parallel_loop3A_1147 : i32 to vector<16xi32>
        %parallel_loop3A_1149 = arith.andi %parallel_loop3A_1146, %parallel_loop3A_1148 : vector<16xi32>
        %parallel_loop3A_1150 = tpu.vector_load_idx %arg6[%parallel_loop3A_1149] : memref<16xf32, #tpu.memory_space<vmem>>[vector<16xi32>], vector<16xf32>,
        %parallel_loop3A_1151 = arith.constant 2000 : i32
        %parallel_loop3A_1152 = arith.addi %parallel_loop3A_1151, %parallel_loop3A_1122 : i32
        %parallel_loop3A_1153 = arith.index_cast %parallel_loop3A_1152 : i32 to index
        %parallel_loop3A_1154 = tpu.vector_load %arg10[%parallel_loop3A_1153] {strides = array<i32>} : memref<8000xf32, #tpu.memory_space<vmem>>, vector<16xf32>,
        %parallel_loop3A_1155 = arith.mulf %parallel_loop3A_1154, %parallel_loop3A_1154 : vector<16xf32>
        %parallel_loop3A_1156 = arith.mulf %parallel_loop3A_1155, %parallel_loop3A_1155 : vector<16xf32>
        %parallel_loop3A_1157 = arith.mulf %parallel_loop3A_1156, %parallel_loop3A_1155 : vector<16xf32>
        %parallel_loop3A_1158 = arith.addf %parallel_loop3A_1157, %parallel_loop3A_1150 : vector<16xf32>
        %parallel_loop3A_1159 = arith.constant 2000 : i32
        %parallel_loop3A_1160 = arith.addi %parallel_loop3A_1159, %parallel_loop3A_1122 : i32
        %parallel_loop3A_1161 = arith.index_cast %parallel_loop3A_1160 : i32 to index
        %parallel_loop3A_1162 = tpu.vector_load %arg12[%parallel_loop3A_1161] {strides = array<i32>} : memref<8000xf32, #tpu.memory_space<vmem>>, vector<16xf32>,
        tpu.vector_store %arg12[%parallel_loop3A_1161], %parallel_loop3A_1158 {strides = array<i32>} : memref<8000xf32, #tpu.memory_space<vmem>>, vector<16xf32>,
        %parallel_loop3A_1163 = arith.constant 16 : i32
        %parallel_loop3A_1164 = vector.broadcast %parallel_loop3A_1163 : i32 to vector<16xi32>
        %parallel_loop3A_1165 = arith.shrsi %parallel_loop3A_1124, %parallel_loop3A_1164 : vector<16xi32>
        %parallel_loop3A_1166 = arith.constant 15 : i32
        %parallel_loop3A_1167 = vector.broadcast %parallel_loop3A_1166 : i32 to vector<16xi32>
        %parallel_loop3A_1168 = arith.andi %parallel_loop3A_1165, %parallel_loop3A_1167 : vector<16xi32>
        %parallel_loop3A_1169 = tpu.vector_load_idx %arg6[%parallel_loop3A_1168] : memref<16xf32, #tpu.memory_space<vmem>>[vector<16xi32>], vector<16xf32>,
        %parallel_loop3A_1170 = arith.constant 4000 : i32
        %parallel_loop3A_1171 = arith.addi %parallel_loop3A_1170, %parallel_loop3A_1122 : i32
        %parallel_loop3A_1172 = arith.index_cast %parallel_loop3A_1171 : i32 to index
        %parallel_loop3A_1173 = tpu.vector_load %arg10[%parallel_loop3A_1172] {strides = array<i32>} : memref<8000xf32, #tpu.memory_space<vmem>>, vector<16xf32>,
        %parallel_loop3A_1174 = arith.mulf %parallel_loop3A_1173, %parallel_loop3A_1173 : vector<16xf32>
        %parallel_loop3A_1175 = arith.mulf %parallel_loop3A_1174, %parallel_loop3A_1174 : vector<16xf32>
        %parallel_loop3A_1176 = arith.mulf %parallel_loop3A_1175, %parallel_loop3A_1174 : vector<16xf32>
        %parallel_loop3A_1177 = arith.addf %parallel_loop3A_1176, %parallel_loop3A_1169 : vector<16xf32>
        %parallel_loop3A_1178 = arith.constant 4000 : i32
        %parallel_loop3A_1179 = arith.addi %parallel_loop3A_1178, %parallel_loop3A_1122 : i32
        %parallel_loop3A_1180 = arith.index_cast %parallel_loop3A_1179 : i32 to index
        %parallel_loop3A_1181 = tpu.vector_load %arg12[%parallel_loop3A_1180] {strides = array<i32>} : memref<8000xf32, #tpu.memory_space<vmem>>, vector<16xf32>,
        tpu.vector_store %arg12[%parallel_loop3A_1180], %parallel_loop3A_1177 {strides = array<i32>} : memref<8000xf32, #tpu.memory_space<vmem>>, vector<16xf32>,
        %parallel_loop3A_1182 = arith.constant 24 : i32
        %parallel_loop3A_1183 = vector.broadcast %parallel_loop3A_1182 : i32 to vector<16xi32>
        %parallel_loop3A_1184 = arith.shrsi %parallel_loop3A_1124, %parallel_loop3A_1183 : vector<16xi32>
        %parallel_loop3A_1185 = arith.constant 15 : i32
        %parallel_loop3A_1186 = vector.broadcast %parallel_loop3A_1185 : i32 to vector<16xi32>
        %parallel_loop3A_1187 = arith.andi %parallel_loop3A_1184, %parallel_loop3A_1186 : vector<16xi32>
        %parallel_loop3A_1188 = tpu.vector_load_idx %arg6[%parallel_loop3A_1187] : memref<16xf32, #tpu.memory_space<vmem>>[vector<16xi32>], vector<16xf32>,
        %parallel_loop3A_1189 = arith.constant 6000 : i32
        %parallel_loop3A_1190 = arith.addi %parallel_loop3A_1189, %parallel_loop3A_1122 : i32
        %parallel_loop3A_1191 = arith.index_cast %parallel_loop3A_1190 : i32 to index
        %parallel_loop3A_1192 = tpu.vector_load %arg10[%parallel_loop3A_1191] {strides = array<i32>} : memref<8000xf32, #tpu.memory_space<vmem>>, vector<16xf32>,
        %parallel_loop3A_1193 = arith.mulf %parallel_loop3A_1192, %parallel_loop3A_1192 : vector<16xf32>
        %parallel_loop3A_1194 = arith.mulf %parallel_loop3A_1193, %parallel_loop3A_1193 : vector<16xf32>
        %parallel_loop3A_1195 = arith.mulf %parallel_loop3A_1194, %parallel_loop3A_1193 : vector<16xf32>
        %parallel_loop3A_1196 = arith.addf %parallel_loop3A_1195, %parallel_loop3A_1188 : vector<16xf32>
        %parallel_loop3A_1197 = arith.constant 6000 : i32
        %parallel_loop3A_1198 = arith.addi %parallel_loop3A_1197, %parallel_loop3A_1122 : i32
        %parallel_loop3A_1199 = arith.index_cast %parallel_loop3A_1198 : i32 to index
        %parallel_loop3A_1200 = tpu.vector_load %arg12[%parallel_loop3A_1199] {strides = array<i32>} : memref<8000xf32, #tpu.memory_space<vmem>>, vector<16xf32>,
        tpu.vector_store %arg12[%parallel_loop3A_1199], %parallel_loop3A_1196 {strides = array<i32>} : memref<8000xf32, #tpu.memory_space<vmem>>, vector<16xf32>,
      } {sc.loop_unroll_factor = 4 : i64, sc.parallel_access}
      %mul3A_1042 = arith.constant 50000 : i32
      %mul3A_1043 = arith.muli %add3A, %mul3A_1042 : i32
      %mul3A_1044 = arith.constant 2000 : i32
      %mul3A_1045 = arith.muli %add3A_958, %mul3A_1044 : i32
      %add3A_1046 = arith.addi %mul3A_1043, %mul3A_1045 : i32
      %multiple_of3A_1047 = tpu.assume_multiple %add3A_1046, 8 : i32
      %add3A_1048 = arith.constant 0 : i32
      %add3A_1049 = arith.addi %multiple_of3A_1047, %add3A_1048 : i32
      %add3A_1050 = arith.constant 1600000 : i32
      %add3A_1051 = arith.addi %multiple_of3A_1047, %add3A_1050 : i32
      %add3A_1052 = arith.constant 3200000 : i32
      %add3A_1053 = arith.addi %multiple_of3A_1047, %add3A_1052 : i32
      %add3A_1054 = arith.constant 4800000 : i32
      %add3A_1055 = arith.addi %multiple_of3A_1047, %add3A_1054 : i32
      %dma_start3A_1056 = arith.constant 0 : i32
      %dma_start3A_1057 = tpu.memref_slice %arg12[%dma_start3A_1056] : memref<8000xf32, #tpu.memory_space<vmem>> -> memref<2000xf32, #tpu.memory_space<vmem>>
      %dma_start3A_1058 = tpu.memref_slice %arg5[%add3A_1049] : memref<6400000xf32, #tpu.memory_space<hbm>> -> memref<2000xf32, #tpu.memory_space<hbm>>
      %dma_start3A_1059 = tpu.memref_slice %arg5[%add3A_1049] : memref<6400000xf32, #tpu.memory_space<hbm>> -> memref<2000xf32, #tpu.memory_space<hbm>>
      %dma_start3A_1060 = arith.constant 0 : i32
      %dma_start3A_1061 = tpu.memref_slice %arg12[%dma_start3A_1060] : memref<8000xf32, #tpu.memory_space<vmem>> -> memref<2000xf32, #tpu.memory_space<vmem>>
      tpu.enqueue_dma source(%dma_start3A_1061 : memref<2000xf32, #tpu.memory_space<vmem>>) target(%dma_start3A_1059 : memref<2000xf32, #tpu.memory_space<hbm>>) target_semaphore(%arg16 : memref<!tpu.dma_semaphore, #tpu.memory_space<semaphore_mem>>)
      %dma_start3A_1062 = arith.constant 2000 : i32
      %dma_start3A_1063 = tpu.memref_slice %arg12[%dma_start3A_1062] : memref<8000xf32, #tpu.memory_space<vmem>> -> memref<2000xf32, #tpu.memory_space<vmem>>
      %dma_start3A_1064 = tpu.memref_slice %arg5[%add3A_1051] : memref<6400000xf32, #tpu.memory_space<hbm>> -> memref<2000xf32, #tpu.memory_space<hbm>>
      %dma_start3A_1065 = tpu.memref_slice %arg5[%add3A_1051] : memref<6400000xf32, #tpu.memory_space<hbm>> -> memref<2000xf32, #tpu.memory_space<hbm>>
      %dma_start3A_1066 = arith.constant 2000 : i32
      %dma_start3A_1067 = tpu.memref_slice %arg12[%dma_start3A_1066] : memref<8000xf32, #tpu.memory_space<vmem>> -> memref<2000xf32, #tpu.memory_space<vmem>>
      tpu.enqueue_dma source(%dma_start3A_1067 : memref<2000xf32, #tpu.memory_space<vmem>>) target(%dma_start3A_1065 : memref<2000xf32, #tpu.memory_space<hbm>>) target_semaphore(%arg16 : memref<!tpu.dma_semaphore, #tpu.memory_space<semaphore_mem>>)
      %dma_start3A_1068 = arith.constant 4000 : i32
      %dma_start3A_1069 = tpu.memref_slice %arg12[%dma_start3A_1068] : memref<8000xf32, #tpu.memory_space<vmem>> -> memref<2000xf32, #tpu.memory_space<vmem>>
      %dma_start3A_1070 = tpu.memref_slice %arg5[%add3A_1053] : memref<6400000xf32, #tpu.memory_space<hbm>> -> memref<2000xf32, #tpu.memory_space<hbm>>
      %dma_start3A_1071 = tpu.memref_slice %arg5[%add3A_1053] : memref<6400000xf32, #tpu.memory_space<hbm>> -> memref<2000xf32, #tpu.memory_space<hbm>>
      %dma_start3A_1072 = arith.constant 4000 : i32
      %dma_start3A_1073 = tpu.memref_slice %arg12[%dma_start3A_1072] : memref<8000xf32, #tpu.memory_space<vmem>> -> memref<2000xf32, #tpu.memory_space<vmem>>
      tpu.enqueue_dma source(%dma_start3A_1073 : memref<2000xf32, #tpu.memory_space<vmem>>) target(%dma_start3A_1071 : memref<2000xf32, #tpu.memory_space<hbm>>) target_semaphore(%arg16 : memref<!tpu.dma_semaphore, #tpu.memory_space<semaphore_mem>>)
      %dma_start3A_1074 = arith.constant 6000 : i32
      %dma_start3A_1075 = tpu.memref_slice %arg12[%dma_start3A_1074] : memref<8000xf32, #tpu.memory_space<vmem>> -> memref<2000xf32, #tpu.memory_space<vmem>>
      %dma_start3A_1076 = tpu.memref_slice %arg5[%add3A_1055] : memref<6400000xf32, #tpu.memory_space<hbm>> -> memref<2000xf32, #tpu.memory_space<hbm>>
      %dma_start3A_1077 = tpu.memref_slice %arg5[%add3A_1055] : memref<6400000xf32, #tpu.memory_space<hbm>> -> memref<2000xf32, #tpu.memory_space<hbm>>
      %dma_start3A_1078 = arith.constant 6000 : i32
      %dma_start3A_1079 = tpu.memref_slice %arg12[%dma_start3A_1078] : memref<8000xf32, #tpu.memory_space<vmem>> -> memref<2000xf32, #tpu.memory_space<vmem>>
      tpu.enqueue_dma source(%dma_start3A_1079 : memref<2000xf32, #tpu.memory_space<vmem>>) target(%dma_start3A_1077 : memref<2000xf32, #tpu.memory_space<hbm>>) target_semaphore(%arg16 : memref<!tpu.dma_semaphore, #tpu.memory_space<semaphore_mem>>)
      %add3A_1080 = arith.constant 2 : i32
      %add3A_1081 = arith.addi %add3A_958, %add3A_1080 : i32
      %mul3A_1082 = arith.constant 50000 : i32
      %mul3A_1083 = arith.muli %add3A, %mul3A_1082 : i32
      %mul3A_1084 = arith.constant 2000 : i32
      %mul3A_1085 = arith.muli %add3A_1081, %mul3A_1084 : i32
      %add3A_1086 = arith.addi %mul3A_1083, %mul3A_1085 : i32
      %multiple_of3A_1087 = tpu.assume_multiple %add3A_1086, 8 : i32
      %add3A_1088 = arith.constant 0 : i32
      %add3A_1089 = arith.addi %multiple_of3A_1087, %add3A_1088 : i32
      %add3A_1090 = arith.constant 1600000 : i32
      %add3A_1091 = arith.addi %multiple_of3A_1087, %add3A_1090 : i32
      %add3A_1092 = arith.constant 3200000 : i32
      %add3A_1093 = arith.addi %multiple_of3A_1087, %add3A_1092 : i32
      %add3A_1094 = arith.constant 4800000 : i32
      %add3A_1095 = arith.addi %multiple_of3A_1087, %add3A_1094 : i32
      %dma_start3A_1096 = tpu.memref_slice %arg2[%multiple_of3A_1087] : memref<1600000xi32, #tpu.memory_space<hbm>> -> memref<2000xi32, #tpu.memory_space<hbm>>
      %dma_start3A_1097 = tpu.memref_slice %arg2[%multiple_of3A_1087] : memref<1600000xi32, #tpu.memory_space<hbm>> -> memref<2000xi32, #tpu.memory_space<hbm>>
      tpu.enqueue_dma source(%dma_start3A_1097 : memref<2000xi32, #tpu.memory_space<hbm>>) target(%arg8 : memref<2000xi32, #tpu.memory_space<vmem>>) target_semaphore(%arg14 : memref<!tpu.dma_semaphore, #tpu.memory_space<semaphore_mem>>)
      %dma_start3A_1098 = arith.constant 0 : i32
      %dma_start3A_1099 = tpu.memref_slice %arg10[%dma_start3A_1098] : memref<8000xf32, #tpu.memory_space<vmem>> -> memref<2000xf32, #tpu.memory_space<vmem>>
      %dma_start3A_1100 = tpu.memref_slice %arg3[%add3A_1089] : memref<6400000xf32, #tpu.memory_space<hbm>> -> memref<2000xf32, #tpu.memory_space<hbm>>
      %dma_start3A_1101 = arith.constant 0 : i32
      %dma_start3A_1102 = tpu.memref_slice %arg10[%dma_start3A_1101] : memref<8000xf32, #tpu.memory_space<vmem>> -> memref<2000xf32, #tpu.memory_space<vmem>>
      %dma_start3A_1103 = tpu.memref_slice %arg3[%add3A_1089] : memref<6400000xf32, #tpu.memory_space<hbm>> -> memref<2000xf32, #tpu.memory_space<hbm>>
      tpu.enqueue_dma source(%dma_start3A_1103 : memref<2000xf32, #tpu.memory_space<hbm>>) target(%dma_start3A_1102 : memref<2000xf32, #tpu.memory_space<vmem>>) target_semaphore(%arg14 : memref<!tpu.dma_semaphore, #tpu.memory_space<semaphore_mem>>)
      %dma_start3A_1104 = arith.constant 2000 : i32
      %dma_start3A_1105 = tpu.memref_slice %arg10[%dma_start3A_1104] : memref<8000xf32, #tpu.memory_space<vmem>> -> memref<2000xf32, #tpu.memory_space<vmem>>
      %dma_start3A_1106 = tpu.memref_slice %arg3[%add3A_1091] : memref<6400000xf32, #tpu.memory_space<hbm>> -> memref<2000xf32, #tpu.memory_space<hbm>>
      %dma_start3A_1107 = arith.constant 2000 : i32
      %dma_start3A_1108 = tpu.memref_slice %arg10[%dma_start3A_1107] : memref<8000xf32, #tpu.memory_space<vmem>> -> memref<2000xf32, #tpu.memory_space<vmem>>
      %dma_start3A_1109 = tpu.memref_slice %arg3[%add3A_1091] : memref<6400000xf32, #tpu.memory_space<hbm>> -> memref<2000xf32, #tpu.memory_space<hbm>>
      tpu.enqueue_dma source(%dma_start3A_1109 : memref<2000xf32, #tpu.memory_space<hbm>>) target(%dma_start3A_1108 : memref<2000xf32, #tpu.memory_space<vmem>>) target_semaphore(%arg14 : memref<!tpu.dma_semaphore, #tpu.memory_space<semaphore_mem>>)
      %dma_start3A_1110 = arith.constant 4000 : i32
      %dma_start3A_1111 = tpu.memref_slice %arg10[%dma_start3A_1110] : memref<8000xf32, #tpu.memory_space<vmem>> -> memref<2000xf32, #tpu.memory_space<vmem>>
      %dma_start3A_1112 = tpu.memref_slice %arg3[%add3A_1093] : memref<6400000xf32, #tpu.memory_space<hbm>> -> memref<2000xf32, #tpu.memory_space<hbm>>
      %dma_start3A_1113 = arith.constant 4000 : i32
      %dma_start3A_1114 = tpu.memref_slice %arg10[%dma_start3A_1113] : memref<8000xf32, #tpu.memory_space<vmem>> -> memref<2000xf32, #tpu.memory_space<vmem>>
      %dma_start3A_1115 = tpu.memref_slice %arg3[%add3A_1093] : memref<6400000xf32, #tpu.memory_space<hbm>> -> memref<2000xf32, #tpu.memory_space<hbm>>
      tpu.enqueue_dma source(%dma_start3A_1115 : memref<2000xf32, #tpu.memory_space<hbm>>) target(%dma_start3A_1114 : memref<2000xf32, #tpu.memory_space<vmem>>) target_semaphore(%arg14 : memref<!tpu.dma_semaphore, #tpu.memory_space<semaphore_mem>>)
      %dma_start3A_1116 = arith.constant 6000 : i32
      %dma_start3A_1117 = tpu.memref_slice %arg10[%dma_start3A_1116] : memref<8000xf32, #tpu.memory_space<vmem>> -> memref<2000xf32, #tpu.memory_space<vmem>>
      %dma_start3A_1118 = tpu.memref_slice %arg3[%add3A_1095] : memref<6400000xf32, #tpu.memory_space<hbm>> -> memref<2000xf32, #tpu.memory_space<hbm>>
      %dma_start3A_1119 = arith.constant 6000 : i32
      %dma_start3A_1120 = tpu.memref_slice %arg10[%dma_start3A_1119] : memref<8000xf32, #tpu.memory_space<vmem>> -> memref<2000xf32, #tpu.memory_space<vmem>>
      %dma_start3A_1121 = tpu.memref_slice %arg3[%add3A_1095] : memref<6400000xf32, #tpu.memory_space<hbm>> -> memref<2000xf32, #tpu.memory_space<hbm>>
      tpu.enqueue_dma source(%dma_start3A_1121 : memref<2000xf32, #tpu.memory_space<hbm>>) target(%dma_start3A_1120 : memref<2000xf32, #tpu.memory_space<vmem>>) target_semaphore(%arg14 : memref<!tpu.dma_semaphore, #tpu.memory_space<semaphore_mem>>)
    }
    %scan3A_326 = arith.constant 10 : i32
    %mul3A_327 = arith.constant 50000 : i32
    %mul3A_328 = arith.muli %add3A, %mul3A_327 : i32
    %add3A_329 = arith.constant 44000 : i32
    %add3A_330 = arith.addi %mul3A_328, %add3A_329 : i32
    %multiple_of3A_331 = tpu.assume_multiple %add3A_330, 8 : i32
    %add3A_332 = arith.constant 0 : i32
    %add3A_333 = arith.addi %multiple_of3A_331, %add3A_332 : i32
    %add3A_334 = arith.constant 1600000 : i32
    %add3A_335 = arith.addi %multiple_of3A_331, %add3A_334 : i32
    %add3A_336 = arith.constant 3200000 : i32
    %add3A_337 = arith.addi %multiple_of3A_331, %add3A_336 : i32
    %add3A_338 = arith.constant 4800000 : i32
    %add3A_339 = arith.addi %multiple_of3A_331, %add3A_338 : i32
    %dma_wait3A_340 = tpu.memref_slice %arg2[%multiple_of3A_331] : memref<1600000xi32, #tpu.memory_space<hbm>> -> memref<2000xi32, #tpu.memory_space<hbm>>
    %dma_wait3A_341 = tpu.memref_slice %arg2[%multiple_of3A_331] : memref<1600000xi32, #tpu.memory_space<hbm>> -> memref<2000xi32, #tpu.memory_space<hbm>>
    tpu.wait_dma2 semaphore(%arg13 : memref<!tpu.dma_semaphore, #tpu.memory_space<semaphore_mem>>) src(%dma_wait3A_341 : memref<2000xi32, #tpu.memory_space<hbm>>) dst(%arg7 : memref<2000xi32, #tpu.memory_space<vmem>>)
    %dma_wait3A_342 = arith.constant 0 : i32
    %dma_wait3A_343 = tpu.memref_slice %arg9[%dma_wait3A_342] : memref<8000xf32, #tpu.memory_space<vmem>> -> memref<2000xf32, #tpu.memory_space<vmem>>
    %dma_wait3A_344 = tpu.memref_slice %arg3[%add3A_333] : memref<6400000xf32, #tpu.memory_space<hbm>> -> memref<2000xf32, #tpu.memory_space<hbm>>
    %dma_wait3A_345 = arith.constant 0 : i32
    %dma_wait3A_346 = tpu.memref_slice %arg9[%dma_wait3A_345] : memref<8000xf32, #tpu.memory_space<vmem>> -> memref<2000xf32, #tpu.memory_space<vmem>>
    %dma_wait3A_347 = tpu.memref_slice %arg3[%add3A_333] : memref<6400000xf32, #tpu.memory_space<hbm>> -> memref<2000xf32, #tpu.memory_space<hbm>>
    tpu.wait_dma2 semaphore(%arg13 : memref<!tpu.dma_semaphore, #tpu.memory_space<semaphore_mem>>) src(%dma_wait3A_347 : memref<2000xf32, #tpu.memory_space<hbm>>) dst(%dma_wait3A_346 : memref<2000xf32, #tpu.memory_space<vmem>>)
    %dma_wait3A_348 = arith.constant 2000 : i32
    %dma_wait3A_349 = tpu.memref_slice %arg9[%dma_wait3A_348] : memref<8000xf32, #tpu.memory_space<vmem>> -> memref<2000xf32, #tpu.memory_space<vmem>>
    %dma_wait3A_350 = tpu.memref_slice %arg3[%add3A_335] : memref<6400000xf32, #tpu.memory_space<hbm>> -> memref<2000xf32, #tpu.memory_space<hbm>>
    %dma_wait3A_351 = arith.constant 2000 : i32
    %dma_wait3A_352 = tpu.memref_slice %arg9[%dma_wait3A_351] : memref<8000xf32, #tpu.memory_space<vmem>> -> memref<2000xf32, #tpu.memory_space<vmem>>
    %dma_wait3A_353 = tpu.memref_slice %arg3[%add3A_335] : memref<6400000xf32, #tpu.memory_space<hbm>> -> memref<2000xf32, #tpu.memory_space<hbm>>
    tpu.wait_dma2 semaphore(%arg13 : memref<!tpu.dma_semaphore, #tpu.memory_space<semaphore_mem>>) src(%dma_wait3A_353 : memref<2000xf32, #tpu.memory_space<hbm>>) dst(%dma_wait3A_352 : memref<2000xf32, #tpu.memory_space<vmem>>)
    %dma_wait3A_354 = arith.constant 4000 : i32
    %dma_wait3A_355 = tpu.memref_slice %arg9[%dma_wait3A_354] : memref<8000xf32, #tpu.memory_space<vmem>> -> memref<2000xf32, #tpu.memory_space<vmem>>
    %dma_wait3A_356 = tpu.memref_slice %arg3[%add3A_337] : memref<6400000xf32, #tpu.memory_space<hbm>> -> memref<2000xf32, #tpu.memory_space<hbm>>
    %dma_wait3A_357 = arith.constant 4000 : i32
    %dma_wait3A_358 = tpu.memref_slice %arg9[%dma_wait3A_357] : memref<8000xf32, #tpu.memory_space<vmem>> -> memref<2000xf32, #tpu.memory_space<vmem>>
    %dma_wait3A_359 = tpu.memref_slice %arg3[%add3A_337] : memref<6400000xf32, #tpu.memory_space<hbm>> -> memref<2000xf32, #tpu.memory_space<hbm>>
    tpu.wait_dma2 semaphore(%arg13 : memref<!tpu.dma_semaphore, #tpu.memory_space<semaphore_mem>>) src(%dma_wait3A_359 : memref<2000xf32, #tpu.memory_space<hbm>>) dst(%dma_wait3A_358 : memref<2000xf32, #tpu.memory_space<vmem>>)
    %dma_wait3A_360 = arith.constant 6000 : i32
    %dma_wait3A_361 = tpu.memref_slice %arg9[%dma_wait3A_360] : memref<8000xf32, #tpu.memory_space<vmem>> -> memref<2000xf32, #tpu.memory_space<vmem>>
    %dma_wait3A_362 = tpu.memref_slice %arg3[%add3A_339] : memref<6400000xf32, #tpu.memory_space<hbm>> -> memref<2000xf32, #tpu.memory_space<hbm>>
    %dma_wait3A_363 = arith.constant 6000 : i32
    %dma_wait3A_364 = tpu.memref_slice %arg9[%dma_wait3A_363] : memref<8000xf32, #tpu.memory_space<vmem>> -> memref<2000xf32, #tpu.memory_space<vmem>>
    %dma_wait3A_365 = tpu.memref_slice %arg3[%add3A_339] : memref<6400000xf32, #tpu.memory_space<hbm>> -> memref<2000xf32, #tpu.memory_space<hbm>>
    tpu.wait_dma2 semaphore(%arg13 : memref<!tpu.dma_semaphore, #tpu.memory_space<semaphore_mem>>) src(%dma_wait3A_365 : memref<2000xf32, #tpu.memory_space<hbm>>) dst(%dma_wait3A_364 : memref<2000xf32, #tpu.memory_space<vmem>>)
    %mul3A_366 = arith.constant 50000 : i32
    %mul3A_367 = arith.muli %add3A, %mul3A_366 : i32
    %add3A_368 = arith.constant 40000 : i32
    %add3A_369 = arith.addi %mul3A_367, %add3A_368 : i32
    %multiple_of3A_370 = tpu.assume_multiple %add3A_369, 8 : i32
    %add3A_371 = arith.constant 0 : i32
    %add3A_372 = arith.addi %multiple_of3A_370, %add3A_371 : i32
    %add3A_373 = arith.constant 1600000 : i32
    %add3A_374 = arith.addi %multiple_of3A_370, %add3A_373 : i32
    %add3A_375 = arith.constant 3200000 : i32
    %add3A_376 = arith.addi %multiple_of3A_370, %add3A_375 : i32
    %add3A_377 = arith.constant 4800000 : i32
    %add3A_378 = arith.addi %multiple_of3A_370, %add3A_377 : i32
    %dma_wait3A_379 = arith.constant 0 : i32
    %dma_wait3A_380 = tpu.memref_slice %arg11[%dma_wait3A_379] : memref<8000xf32, #tpu.memory_space<vmem>> -> memref<2000xf32, #tpu.memory_space<vmem>>
    %dma_wait3A_381 = tpu.memref_slice %arg5[%add3A_372] : memref<6400000xf32, #tpu.memory_space<hbm>> -> memref<2000xf32, #tpu.memory_space<hbm>>
    %dma_wait3A_382 = tpu.memref_slice %arg5[%add3A_372] : memref<6400000xf32, #tpu.memory_space<hbm>> -> memref<2000xf32, #tpu.memory_space<hbm>>
    %dma_wait3A_383 = arith.constant 0 : i32
    %dma_wait3A_384 = tpu.memref_slice %arg11[%dma_wait3A_383] : memref<8000xf32, #tpu.memory_space<vmem>> -> memref<2000xf32, #tpu.memory_space<vmem>>
    tpu.wait_dma2 semaphore(%arg15 : memref<!tpu.dma_semaphore, #tpu.memory_space<semaphore_mem>>) src(%dma_wait3A_384 : memref<2000xf32, #tpu.memory_space<vmem>>) dst(%dma_wait3A_382 : memref<2000xf32, #tpu.memory_space<hbm>>)
    %dma_wait3A_385 = arith.constant 2000 : i32
    %dma_wait3A_386 = tpu.memref_slice %arg11[%dma_wait3A_385] : memref<8000xf32, #tpu.memory_space<vmem>> -> memref<2000xf32, #tpu.memory_space<vmem>>
    %dma_wait3A_387 = tpu.memref_slice %arg5[%add3A_374] : memref<6400000xf32, #tpu.memory_space<hbm>> -> memref<2000xf32, #tpu.memory_space<hbm>>
    %dma_wait3A_388 = tpu.memref_slice %arg5[%add3A_374] : memref<6400000xf32, #tpu.memory_space<hbm>> -> memref<2000xf32, #tpu.memory_space<hbm>>
    %dma_wait3A_389 = arith.constant 2000 : i32
    %dma_wait3A_390 = tpu.memref_slice %arg11[%dma_wait3A_389] : memref<8000xf32, #tpu.memory_space<vmem>> -> memref<2000xf32, #tpu.memory_space<vmem>>
    tpu.wait_dma2 semaphore(%arg15 : memref<!tpu.dma_semaphore, #tpu.memory_space<semaphore_mem>>) src(%dma_wait3A_390 : memref<2000xf32, #tpu.memory_space<vmem>>) dst(%dma_wait3A_388 : memref<2000xf32, #tpu.memory_space<hbm>>)
    %dma_wait3A_391 = arith.constant 4000 : i32
    %dma_wait3A_392 = tpu.memref_slice %arg11[%dma_wait3A_391] : memref<8000xf32, #tpu.memory_space<vmem>> -> memref<2000xf32, #tpu.memory_space<vmem>>
    %dma_wait3A_393 = tpu.memref_slice %arg5[%add3A_376] : memref<6400000xf32, #tpu.memory_space<hbm>> -> memref<2000xf32, #tpu.memory_space<hbm>>
    %dma_wait3A_394 = tpu.memref_slice %arg5[%add3A_376] : memref<6400000xf32, #tpu.memory_space<hbm>> -> memref<2000xf32, #tpu.memory_space<hbm>>
    %dma_wait3A_395 = arith.constant 4000 : i32
    %dma_wait3A_396 = tpu.memref_slice %arg11[%dma_wait3A_395] : memref<8000xf32, #tpu.memory_space<vmem>> -> memref<2000xf32, #tpu.memory_space<vmem>>
    tpu.wait_dma2 semaphore(%arg15 : memref<!tpu.dma_semaphore, #tpu.memory_space<semaphore_mem>>) src(%dma_wait3A_396 : memref<2000xf32, #tpu.memory_space<vmem>>) dst(%dma_wait3A_394 : memref<2000xf32, #tpu.memory_space<hbm>>)
    %dma_wait3A_397 = arith.constant 6000 : i32
    %dma_wait3A_398 = tpu.memref_slice %arg11[%dma_wait3A_397] : memref<8000xf32, #tpu.memory_space<vmem>> -> memref<2000xf32, #tpu.memory_space<vmem>>
    %dma_wait3A_399 = tpu.memref_slice %arg5[%add3A_378] : memref<6400000xf32, #tpu.memory_space<hbm>> -> memref<2000xf32, #tpu.memory_space<hbm>>
    %dma_wait3A_400 = tpu.memref_slice %arg5[%add3A_378] : memref<6400000xf32, #tpu.memory_space<hbm>> -> memref<2000xf32, #tpu.memory_space<hbm>>
    %dma_wait3A_401 = arith.constant 6000 : i32
    %dma_wait3A_402 = tpu.memref_slice %arg11[%dma_wait3A_401] : memref<8000xf32, #tpu.memory_space<vmem>> -> memref<2000xf32, #tpu.memory_space<vmem>>
    tpu.wait_dma2 semaphore(%arg15 : memref<!tpu.dma_semaphore, #tpu.memory_space<semaphore_mem>>) src(%dma_wait3A_402 : memref<2000xf32, #tpu.memory_space<vmem>>) dst(%dma_wait3A_400 : memref<2000xf32, #tpu.memory_space<hbm>>)
    %parallel_loop3A_403 = arith.constant 0 : i32
    %parallel_loop3A_404 = arith.constant 2000 : i32
    %parallel_loop3A_405 = arith.constant 16 : i32
    scf.for %parallel_loop3A_788 = %parallel_loop3A_403 to %parallel_loop3A_404 step %parallel_loop3A_405  : i32 {
      %parallel_loop3A_789 = arith.index_cast %parallel_loop3A_788 : i32 to index
      %parallel_loop3A_790 = tpu.vector_load %arg7[%parallel_loop3A_789] {strides = array<i32>} : memref<2000xi32, #tpu.memory_space<vmem>>, vector<16xi32>,
      %parallel_loop3A_791 = arith.constant 0 : i32
      %parallel_loop3A_792 = vector.broadcast %parallel_loop3A_791 : i32 to vector<16xi32>
      %parallel_loop3A_793 = arith.shrsi %parallel_loop3A_790, %parallel_loop3A_792 : vector<16xi32>
      %parallel_loop3A_794 = arith.constant 15 : i32
      %parallel_loop3A_795 = vector.broadcast %parallel_loop3A_794 : i32 to vector<16xi32>
      %parallel_loop3A_796 = arith.andi %parallel_loop3A_793, %parallel_loop3A_795 : vector<16xi32>
      %parallel_loop3A_797 = tpu.vector_load_idx %arg6[%parallel_loop3A_796] : memref<16xf32, #tpu.memory_space<vmem>>[vector<16xi32>], vector<16xf32>,
      %parallel_loop3A_798 = arith.constant 0 : i32
      %parallel_loop3A_799 = arith.addi %parallel_loop3A_798, %parallel_loop3A_788 : i32
      %parallel_loop3A_800 = arith.index_cast %parallel_loop3A_799 : i32 to index
      %parallel_loop3A_801 = tpu.vector_load %arg9[%parallel_loop3A_800] {strides = array<i32>} : memref<8000xf32, #tpu.memory_space<vmem>>, vector<16xf32>,
      %parallel_loop3A_802 = arith.mulf %parallel_loop3A_801, %parallel_loop3A_801 : vector<16xf32>
      %parallel_loop3A_803 = arith.mulf %parallel_loop3A_802, %parallel_loop3A_802 : vector<16xf32>
      %parallel_loop3A_804 = arith.mulf %parallel_loop3A_803, %parallel_loop3A_802 : vector<16xf32>
      %parallel_loop3A_805 = arith.addf %parallel_loop3A_804, %parallel_loop3A_797 : vector<16xf32>
      %parallel_loop3A_806 = arith.constant 0 : i32
      %parallel_loop3A_807 = arith.addi %parallel_loop3A_806, %parallel_loop3A_788 : i32
      %parallel_loop3A_808 = arith.index_cast %parallel_loop3A_807 : i32 to index
      %parallel_loop3A_809 = tpu.vector_load %arg11[%parallel_loop3A_808] {strides = array<i32>} : memref<8000xf32, #tpu.memory_space<vmem>>, vector<16xf32>,
      tpu.vector_store %arg11[%parallel_loop3A_808], %parallel_loop3A_805 {strides = array<i32>} : memref<8000xf32, #tpu.memory_space<vmem>>, vector<16xf32>,
      %parallel_loop3A_810 = arith.constant 8 : i32
      %parallel_loop3A_811 = vector.broadcast %parallel_loop3A_810 : i32 to vector<16xi32>
      %parallel_loop3A_812 = arith.shrsi %parallel_loop3A_790, %parallel_loop3A_811 : vector<16xi32>
      %parallel_loop3A_813 = arith.constant 15 : i32
      %parallel_loop3A_814 = vector.broadcast %parallel_loop3A_813 : i32 to vector<16xi32>
      %parallel_loop3A_815 = arith.andi %parallel_loop3A_812, %parallel_loop3A_814 : vector<16xi32>
      %parallel_loop3A_816 = tpu.vector_load_idx %arg6[%parallel_loop3A_815] : memref<16xf32, #tpu.memory_space<vmem>>[vector<16xi32>], vector<16xf32>,
      %parallel_loop3A_817 = arith.constant 2000 : i32
      %parallel_loop3A_818 = arith.addi %parallel_loop3A_817, %parallel_loop3A_788 : i32
      %parallel_loop3A_819 = arith.index_cast %parallel_loop3A_818 : i32 to index
      %parallel_loop3A_820 = tpu.vector_load %arg9[%parallel_loop3A_819] {strides = array<i32>} : memref<8000xf32, #tpu.memory_space<vmem>>, vector<16xf32>,
      %parallel_loop3A_821 = arith.mulf %parallel_loop3A_820, %parallel_loop3A_820 : vector<16xf32>
      %parallel_loop3A_822 = arith.mulf %parallel_loop3A_821, %parallel_loop3A_821 : vector<16xf32>
      %parallel_loop3A_823 = arith.mulf %parallel_loop3A_822, %parallel_loop3A_821 : vector<16xf32>
      %parallel_loop3A_824 = arith.addf %parallel_loop3A_823, %parallel_loop3A_816 : vector<16xf32>
      %parallel_loop3A_825 = arith.constant 2000 : i32
      %parallel_loop3A_826 = arith.addi %parallel_loop3A_825, %parallel_loop3A_788 : i32
      %parallel_loop3A_827 = arith.index_cast %parallel_loop3A_826 : i32 to index
      %parallel_loop3A_828 = tpu.vector_load %arg11[%parallel_loop3A_827] {strides = array<i32>} : memref<8000xf32, #tpu.memory_space<vmem>>, vector<16xf32>,
      tpu.vector_store %arg11[%parallel_loop3A_827], %parallel_loop3A_824 {strides = array<i32>} : memref<8000xf32, #tpu.memory_space<vmem>>, vector<16xf32>,
      %parallel_loop3A_829 = arith.constant 16 : i32
      %parallel_loop3A_830 = vector.broadcast %parallel_loop3A_829 : i32 to vector<16xi32>
      %parallel_loop3A_831 = arith.shrsi %parallel_loop3A_790, %parallel_loop3A_830 : vector<16xi32>
      %parallel_loop3A_832 = arith.constant 15 : i32
      %parallel_loop3A_833 = vector.broadcast %parallel_loop3A_832 : i32 to vector<16xi32>
      %parallel_loop3A_834 = arith.andi %parallel_loop3A_831, %parallel_loop3A_833 : vector<16xi32>
      %parallel_loop3A_835 = tpu.vector_load_idx %arg6[%parallel_loop3A_834] : memref<16xf32, #tpu.memory_space<vmem>>[vector<16xi32>], vector<16xf32>,
      %parallel_loop3A_836 = arith.constant 4000 : i32
      %parallel_loop3A_837 = arith.addi %parallel_loop3A_836, %parallel_loop3A_788 : i32
      %parallel_loop3A_838 = arith.index_cast %parallel_loop3A_837 : i32 to index
      %parallel_loop3A_839 = tpu.vector_load %arg9[%parallel_loop3A_838] {strides = array<i32>} : memref<8000xf32, #tpu.memory_space<vmem>>, vector<16xf32>,
      %parallel_loop3A_840 = arith.mulf %parallel_loop3A_839, %parallel_loop3A_839 : vector<16xf32>
      %parallel_loop3A_841 = arith.mulf %parallel_loop3A_840, %parallel_loop3A_840 : vector<16xf32>
      %parallel_loop3A_842 = arith.mulf %parallel_loop3A_841, %parallel_loop3A_840 : vector<16xf32>
      %parallel_loop3A_843 = arith.addf %parallel_loop3A_842, %parallel_loop3A_835 : vector<16xf32>
      %parallel_loop3A_844 = arith.constant 4000 : i32
      %parallel_loop3A_845 = arith.addi %parallel_loop3A_844, %parallel_loop3A_788 : i32
      %parallel_loop3A_846 = arith.index_cast %parallel_loop3A_845 : i32 to index
      %parallel_loop3A_847 = tpu.vector_load %arg11[%parallel_loop3A_846] {strides = array<i32>} : memref<8000xf32, #tpu.memory_space<vmem>>, vector<16xf32>,
      tpu.vector_store %arg11[%parallel_loop3A_846], %parallel_loop3A_843 {strides = array<i32>} : memref<8000xf32, #tpu.memory_space<vmem>>, vector<16xf32>,
      %parallel_loop3A_848 = arith.constant 24 : i32
      %parallel_loop3A_849 = vector.broadcast %parallel_loop3A_848 : i32 to vector<16xi32>
      %parallel_loop3A_850 = arith.shrsi %parallel_loop3A_790, %parallel_loop3A_849 : vector<16xi32>
      %parallel_loop3A_851 = arith.constant 15 : i32
      %parallel_loop3A_852 = vector.broadcast %parallel_loop3A_851 : i32 to vector<16xi32>
      %parallel_loop3A_853 = arith.andi %parallel_loop3A_850, %parallel_loop3A_852 : vector<16xi32>
      %parallel_loop3A_854 = tpu.vector_load_idx %arg6[%parallel_loop3A_853] : memref<16xf32, #tpu.memory_space<vmem>>[vector<16xi32>], vector<16xf32>,
      %parallel_loop3A_855 = arith.constant 6000 : i32
      %parallel_loop3A_856 = arith.addi %parallel_loop3A_855, %parallel_loop3A_788 : i32
      %parallel_loop3A_857 = arith.index_cast %parallel_loop3A_856 : i32 to index
      %parallel_loop3A_858 = tpu.vector_load %arg9[%parallel_loop3A_857] {strides = array<i32>} : memref<8000xf32, #tpu.memory_space<vmem>>, vector<16xf32>,
      %parallel_loop3A_859 = arith.mulf %parallel_loop3A_858, %parallel_loop3A_858 : vector<16xf32>
      %parallel_loop3A_860 = arith.mulf %parallel_loop3A_859, %parallel_loop3A_859 : vector<16xf32>
      %parallel_loop3A_861 = arith.mulf %parallel_loop3A_860, %parallel_loop3A_859 : vector<16xf32>
      %parallel_loop3A_862 = arith.addf %parallel_loop3A_861, %parallel_loop3A_854 : vector<16xf32>
      %parallel_loop3A_863 = arith.constant 6000 : i32
      %parallel_loop3A_864 = arith.addi %parallel_loop3A_863, %parallel_loop3A_788 : i32
      %parallel_loop3A_865 = arith.index_cast %parallel_loop3A_864 : i32 to index
      %parallel_loop3A_866 = tpu.vector_load %arg11[%parallel_loop3A_865] {strides = array<i32>} : memref<8000xf32, #tpu.memory_space<vmem>>, vector<16xf32>,
      tpu.vector_store %arg11[%parallel_loop3A_865], %parallel_loop3A_862 {strides = array<i32>} : memref<8000xf32, #tpu.memory_space<vmem>>, vector<16xf32>,
    } {sc.loop_unroll_factor = 4 : i64, sc.parallel_access}
    %mul3A_406 = arith.constant 50000 : i32
    %mul3A_407 = arith.muli %add3A, %mul3A_406 : i32
    %add3A_408 = arith.constant 44000 : i32
    %add3A_409 = arith.addi %mul3A_407, %add3A_408 : i32
    %multiple_of3A_410 = tpu.assume_multiple %add3A_409, 8 : i32
    %add3A_411 = arith.constant 0 : i32
    %add3A_412 = arith.addi %multiple_of3A_410, %add3A_411 : i32
    %add3A_413 = arith.constant 1600000 : i32
    %add3A_414 = arith.addi %multiple_of3A_410, %add3A_413 : i32
    %add3A_415 = arith.constant 3200000 : i32
    %add3A_416 = arith.addi %multiple_of3A_410, %add3A_415 : i32
    %add3A_417 = arith.constant 4800000 : i32
    %add3A_418 = arith.addi %multiple_of3A_410, %add3A_417 : i32
    %dma_start3A_419 = arith.constant 0 : i32
    %dma_start3A_420 = tpu.memref_slice %arg11[%dma_start3A_419] : memref<8000xf32, #tpu.memory_space<vmem>> -> memref<2000xf32, #tpu.memory_space<vmem>>
    %dma_start3A_421 = tpu.memref_slice %arg5[%add3A_412] : memref<6400000xf32, #tpu.memory_space<hbm>> -> memref<2000xf32, #tpu.memory_space<hbm>>
    %dma_start3A_422 = tpu.memref_slice %arg5[%add3A_412] : memref<6400000xf32, #tpu.memory_space<hbm>> -> memref<2000xf32, #tpu.memory_space<hbm>>
    %dma_start3A_423 = arith.constant 0 : i32
    %dma_start3A_424 = tpu.memref_slice %arg11[%dma_start3A_423] : memref<8000xf32, #tpu.memory_space<vmem>> -> memref<2000xf32, #tpu.memory_space<vmem>>
    tpu.enqueue_dma source(%dma_start3A_424 : memref<2000xf32, #tpu.memory_space<vmem>>) target(%dma_start3A_422 : memref<2000xf32, #tpu.memory_space<hbm>>) target_semaphore(%arg15 : memref<!tpu.dma_semaphore, #tpu.memory_space<semaphore_mem>>)
    %dma_start3A_425 = arith.constant 2000 : i32
    %dma_start3A_426 = tpu.memref_slice %arg11[%dma_start3A_425] : memref<8000xf32, #tpu.memory_space<vmem>> -> memref<2000xf32, #tpu.memory_space<vmem>>
    %dma_start3A_427 = tpu.memref_slice %arg5[%add3A_414] : memref<6400000xf32, #tpu.memory_space<hbm>> -> memref<2000xf32, #tpu.memory_space<hbm>>
    %dma_start3A_428 = tpu.memref_slice %arg5[%add3A_414] : memref<6400000xf32, #tpu.memory_space<hbm>> -> memref<2000xf32, #tpu.memory_space<hbm>>
    %dma_start3A_429 = arith.constant 2000 : i32
    %dma_start3A_430 = tpu.memref_slice %arg11[%dma_start3A_429] : memref<8000xf32, #tpu.memory_space<vmem>> -> memref<2000xf32, #tpu.memory_space<vmem>>
    tpu.enqueue_dma source(%dma_start3A_430 : memref<2000xf32, #tpu.memory_space<vmem>>) target(%dma_start3A_428 : memref<2000xf32, #tpu.memory_space<hbm>>) target_semaphore(%arg15 : memref<!tpu.dma_semaphore, #tpu.memory_space<semaphore_mem>>)
    %dma_start3A_431 = arith.constant 4000 : i32
    %dma_start3A_432 = tpu.memref_slice %arg11[%dma_start3A_431] : memref<8000xf32, #tpu.memory_space<vmem>> -> memref<2000xf32, #tpu.memory_space<vmem>>
    %dma_start3A_433 = tpu.memref_slice %arg5[%add3A_416] : memref<6400000xf32, #tpu.memory_space<hbm>> -> memref<2000xf32, #tpu.memory_space<hbm>>
    %dma_start3A_434 = tpu.memref_slice %arg5[%add3A_416] : memref<6400000xf32, #tpu.memory_space<hbm>> -> memref<2000xf32, #tpu.memory_space<hbm>>
    %dma_start3A_435 = arith.constant 4000 : i32
    %dma_start3A_436 = tpu.memref_slice %arg11[%dma_start3A_435] : memref<8000xf32, #tpu.memory_space<vmem>> -> memref<2000xf32, #tpu.memory_space<vmem>>
    tpu.enqueue_dma source(%dma_start3A_436 : memref<2000xf32, #tpu.memory_space<vmem>>) target(%dma_start3A_434 : memref<2000xf32, #tpu.memory_space<hbm>>) target_semaphore(%arg15 : memref<!tpu.dma_semaphore, #tpu.memory_space<semaphore_mem>>)
    %dma_start3A_437 = arith.constant 6000 : i32
    %dma_start3A_438 = tpu.memref_slice %arg11[%dma_start3A_437] : memref<8000xf32, #tpu.memory_space<vmem>> -> memref<2000xf32, #tpu.memory_space<vmem>>
    %dma_start3A_439 = tpu.memref_slice %arg5[%add3A_418] : memref<6400000xf32, #tpu.memory_space<hbm>> -> memref<2000xf32, #tpu.memory_space<hbm>>
    %dma_start3A_440 = tpu.memref_slice %arg5[%add3A_418] : memref<6400000xf32, #tpu.memory_space<hbm>> -> memref<2000xf32, #tpu.memory_space<hbm>>
    %dma_start3A_441 = arith.constant 6000 : i32
    %dma_start3A_442 = tpu.memref_slice %arg11[%dma_start3A_441] : memref<8000xf32, #tpu.memory_space<vmem>> -> memref<2000xf32, #tpu.memory_space<vmem>>
    tpu.enqueue_dma source(%dma_start3A_442 : memref<2000xf32, #tpu.memory_space<vmem>>) target(%dma_start3A_440 : memref<2000xf32, #tpu.memory_space<hbm>>) target_semaphore(%arg15 : memref<!tpu.dma_semaphore, #tpu.memory_space<semaphore_mem>>)
    %mul3A_443 = arith.constant 50000 : i32
    %mul3A_444 = arith.muli %add3A, %mul3A_443 : i32
    %add3A_445 = arith.constant 48000 : i32
    %add3A_446 = arith.addi %mul3A_444, %add3A_445 : i32
    %multiple_of3A_447 = tpu.assume_multiple %add3A_446, 8 : i32
    %add3A_448 = arith.constant 0 : i32
    %add3A_449 = arith.addi %multiple_of3A_447, %add3A_448 : i32
    %add3A_450 = arith.constant 1600000 : i32
    %add3A_451 = arith.addi %multiple_of3A_447, %add3A_450 : i32
    %add3A_452 = arith.constant 3200000 : i32
    %add3A_453 = arith.addi %multiple_of3A_447, %add3A_452 : i32
    %add3A_454 = arith.constant 4800000 : i32
    %add3A_455 = arith.addi %multiple_of3A_447, %add3A_454 : i32
    %dma_start3A_456 = tpu.memref_slice %arg2[%multiple_of3A_447] : memref<1600000xi32, #tpu.memory_space<hbm>> -> memref<2000xi32, #tpu.memory_space<hbm>>
    %dma_start3A_457 = tpu.memref_slice %arg2[%multiple_of3A_447] : memref<1600000xi32, #tpu.memory_space<hbm>> -> memref<2000xi32, #tpu.memory_space<hbm>>
    tpu.enqueue_dma source(%dma_start3A_457 : memref<2000xi32, #tpu.memory_space<hbm>>) target(%arg7 : memref<2000xi32, #tpu.memory_space<vmem>>) target_semaphore(%arg13 : memref<!tpu.dma_semaphore, #tpu.memory_space<semaphore_mem>>)
    %dma_start3A_458 = arith.constant 0 : i32
    %dma_start3A_459 = tpu.memref_slice %arg9[%dma_start3A_458] : memref<8000xf32, #tpu.memory_space<vmem>> -> memref<2000xf32, #tpu.memory_space<vmem>>
    %dma_start3A_460 = tpu.memref_slice %arg3[%add3A_449] : memref<6400000xf32, #tpu.memory_space<hbm>> -> memref<2000xf32, #tpu.memory_space<hbm>>
    %dma_start3A_461 = arith.constant 0 : i32
    %dma_start3A_462 = tpu.memref_slice %arg9[%dma_start3A_461] : memref<8000xf32, #tpu.memory_space<vmem>> -> memref<2000xf32, #tpu.memory_space<vmem>>
    %dma_start3A_463 = tpu.memref_slice %arg3[%add3A_449] : memref<6400000xf32, #tpu.memory_space<hbm>> -> memref<2000xf32, #tpu.memory_space<hbm>>
    tpu.enqueue_dma source(%dma_start3A_463 : memref<2000xf32, #tpu.memory_space<hbm>>) target(%dma_start3A_462 : memref<2000xf32, #tpu.memory_space<vmem>>) target_semaphore(%arg13 : memref<!tpu.dma_semaphore, #tpu.memory_space<semaphore_mem>>)
    %dma_start3A_464 = arith.constant 2000 : i32
    %dma_start3A_465 = tpu.memref_slice %arg9[%dma_start3A_464] : memref<8000xf32, #tpu.memory_space<vmem>> -> memref<2000xf32, #tpu.memory_space<vmem>>
    %dma_start3A_466 = tpu.memref_slice %arg3[%add3A_451] : memref<6400000xf32, #tpu.memory_space<hbm>> -> memref<2000xf32, #tpu.memory_space<hbm>>
    %dma_start3A_467 = arith.constant 2000 : i32
    %dma_start3A_468 = tpu.memref_slice %arg9[%dma_start3A_467] : memref<8000xf32, #tpu.memory_space<vmem>> -> memref<2000xf32, #tpu.memory_space<vmem>>
    %dma_start3A_469 = tpu.memref_slice %arg3[%add3A_451] : memref<6400000xf32, #tpu.memory_space<hbm>> -> memref<2000xf32, #tpu.memory_space<hbm>>
    tpu.enqueue_dma source(%dma_start3A_469 : memref<2000xf32, #tpu.memory_space<hbm>>) target(%dma_start3A_468 : memref<2000xf32, #tpu.memory_space<vmem>>) target_semaphore(%arg13 : memref<!tpu.dma_semaphore, #tpu.memory_space<semaphore_mem>>)
    %dma_start3A_470 = arith.constant 4000 : i32
    %dma_start3A_471 = tpu.memref_slice %arg9[%dma_start3A_470] : memref<8000xf32, #tpu.memory_space<vmem>> -> memref<2000xf32, #tpu.memory_space<vmem>>
    %dma_start3A_472 = tpu.memref_slice %arg3[%add3A_453] : memref<6400000xf32, #tpu.memory_space<hbm>> -> memref<2000xf32, #tpu.memory_space<hbm>>
    %dma_start3A_473 = arith.constant 4000 : i32
    %dma_start3A_474 = tpu.memref_slice %arg9[%dma_start3A_473] : memref<8000xf32, #tpu.memory_space<vmem>> -> memref<2000xf32, #tpu.memory_space<vmem>>
    %dma_start3A_475 = tpu.memref_slice %arg3[%add3A_453] : memref<6400000xf32, #tpu.memory_space<hbm>> -> memref<2000xf32, #tpu.memory_space<hbm>>
    tpu.enqueue_dma source(%dma_start3A_475 : memref<2000xf32, #tpu.memory_space<hbm>>) target(%dma_start3A_474 : memref<2000xf32, #tpu.memory_space<vmem>>) target_semaphore(%arg13 : memref<!tpu.dma_semaphore, #tpu.memory_space<semaphore_mem>>)
    %dma_start3A_476 = arith.constant 6000 : i32
    %dma_start3A_477 = tpu.memref_slice %arg9[%dma_start3A_476] : memref<8000xf32, #tpu.memory_space<vmem>> -> memref<2000xf32, #tpu.memory_space<vmem>>
    %dma_start3A_478 = tpu.memref_slice %arg3[%add3A_455] : memref<6400000xf32, #tpu.memory_space<hbm>> -> memref<2000xf32, #tpu.memory_space<hbm>>
    %dma_start3A_479 = arith.constant 6000 : i32
    %dma_start3A_480 = tpu.memref_slice %arg9[%dma_start3A_479] : memref<8000xf32, #tpu.memory_space<vmem>> -> memref<2000xf32, #tpu.memory_space<vmem>>
    %dma_start3A_481 = tpu.memref_slice %arg3[%add3A_455] : memref<6400000xf32, #tpu.memory_space<hbm>> -> memref<2000xf32, #tpu.memory_space<hbm>>
    tpu.enqueue_dma source(%dma_start3A_481 : memref<2000xf32, #tpu.memory_space<hbm>>) target(%dma_start3A_480 : memref<2000xf32, #tpu.memory_space<vmem>>) target_semaphore(%arg13 : memref<!tpu.dma_semaphore, #tpu.memory_space<semaphore_mem>>)
    %mul3A_482 = arith.constant 50000 : i32
    %mul3A_483 = arith.muli %add3A, %mul3A_482 : i32
    %add3A_484 = arith.constant 46000 : i32
    %add3A_485 = arith.addi %mul3A_483, %add3A_484 : i32
    %multiple_of3A_486 = tpu.assume_multiple %add3A_485, 8 : i32
    %add3A_487 = arith.constant 0 : i32
    %add3A_488 = arith.addi %multiple_of3A_486, %add3A_487 : i32
    %add3A_489 = arith.constant 1600000 : i32
    %add3A_490 = arith.addi %multiple_of3A_486, %add3A_489 : i32
    %add3A_491 = arith.constant 3200000 : i32
    %add3A_492 = arith.addi %multiple_of3A_486, %add3A_491 : i32
    %add3A_493 = arith.constant 4800000 : i32
    %add3A_494 = arith.addi %multiple_of3A_486, %add3A_493 : i32
    %dma_wait3A_495 = tpu.memref_slice %arg2[%multiple_of3A_486] : memref<1600000xi32, #tpu.memory_space<hbm>> -> memref<2000xi32, #tpu.memory_space<hbm>>
    %dma_wait3A_496 = tpu.memref_slice %arg2[%multiple_of3A_486] : memref<1600000xi32, #tpu.memory_space<hbm>> -> memref<2000xi32, #tpu.memory_space<hbm>>
    tpu.wait_dma2 semaphore(%arg14 : memref<!tpu.dma_semaphore, #tpu.memory_space<semaphore_mem>>) src(%dma_wait3A_496 : memref<2000xi32, #tpu.memory_space<hbm>>) dst(%arg8 : memref<2000xi32, #tpu.memory_space<vmem>>)
    %dma_wait3A_497 = arith.constant 0 : i32
    %dma_wait3A_498 = tpu.memref_slice %arg10[%dma_wait3A_497] : memref<8000xf32, #tpu.memory_space<vmem>> -> memref<2000xf32, #tpu.memory_space<vmem>>
    %dma_wait3A_499 = tpu.memref_slice %arg3[%add3A_488] : memref<6400000xf32, #tpu.memory_space<hbm>> -> memref<2000xf32, #tpu.memory_space<hbm>>
    %dma_wait3A_500 = arith.constant 0 : i32
    %dma_wait3A_501 = tpu.memref_slice %arg10[%dma_wait3A_500] : memref<8000xf32, #tpu.memory_space<vmem>> -> memref<2000xf32, #tpu.memory_space<vmem>>
    %dma_wait3A_502 = tpu.memref_slice %arg3[%add3A_488] : memref<6400000xf32, #tpu.memory_space<hbm>> -> memref<2000xf32, #tpu.memory_space<hbm>>
    tpu.wait_dma2 semaphore(%arg14 : memref<!tpu.dma_semaphore, #tpu.memory_space<semaphore_mem>>) src(%dma_wait3A_502 : memref<2000xf32, #tpu.memory_space<hbm>>) dst(%dma_wait3A_501 : memref<2000xf32, #tpu.memory_space<vmem>>)
    %dma_wait3A_503 = arith.constant 2000 : i32
    %dma_wait3A_504 = tpu.memref_slice %arg10[%dma_wait3A_503] : memref<8000xf32, #tpu.memory_space<vmem>> -> memref<2000xf32, #tpu.memory_space<vmem>>
    %dma_wait3A_505 = tpu.memref_slice %arg3[%add3A_490] : memref<6400000xf32, #tpu.memory_space<hbm>> -> memref<2000xf32, #tpu.memory_space<hbm>>
    %dma_wait3A_506 = arith.constant 2000 : i32
    %dma_wait3A_507 = tpu.memref_slice %arg10[%dma_wait3A_506] : memref<8000xf32, #tpu.memory_space<vmem>> -> memref<2000xf32, #tpu.memory_space<vmem>>
    %dma_wait3A_508 = tpu.memref_slice %arg3[%add3A_490] : memref<6400000xf32, #tpu.memory_space<hbm>> -> memref<2000xf32, #tpu.memory_space<hbm>>
    tpu.wait_dma2 semaphore(%arg14 : memref<!tpu.dma_semaphore, #tpu.memory_space<semaphore_mem>>) src(%dma_wait3A_508 : memref<2000xf32, #tpu.memory_space<hbm>>) dst(%dma_wait3A_507 : memref<2000xf32, #tpu.memory_space<vmem>>)
    %dma_wait3A_509 = arith.constant 4000 : i32
    %dma_wait3A_510 = tpu.memref_slice %arg10[%dma_wait3A_509] : memref<8000xf32, #tpu.memory_space<vmem>> -> memref<2000xf32, #tpu.memory_space<vmem>>
    %dma_wait3A_511 = tpu.memref_slice %arg3[%add3A_492] : memref<6400000xf32, #tpu.memory_space<hbm>> -> memref<2000xf32, #tpu.memory_space<hbm>>
    %dma_wait3A_512 = arith.constant 4000 : i32
    %dma_wait3A_513 = tpu.memref_slice %arg10[%dma_wait3A_512] : memref<8000xf32, #tpu.memory_space<vmem>> -> memref<2000xf32, #tpu.memory_space<vmem>>
    %dma_wait3A_514 = tpu.memref_slice %arg3[%add3A_492] : memref<6400000xf32, #tpu.memory_space<hbm>> -> memref<2000xf32, #tpu.memory_space<hbm>>
    tpu.wait_dma2 semaphore(%arg14 : memref<!tpu.dma_semaphore, #tpu.memory_space<semaphore_mem>>) src(%dma_wait3A_514 : memref<2000xf32, #tpu.memory_space<hbm>>) dst(%dma_wait3A_513 : memref<2000xf32, #tpu.memory_space<vmem>>)
    %dma_wait3A_515 = arith.constant 6000 : i32
    %dma_wait3A_516 = tpu.memref_slice %arg10[%dma_wait3A_515] : memref<8000xf32, #tpu.memory_space<vmem>> -> memref<2000xf32, #tpu.memory_space<vmem>>
    %dma_wait3A_517 = tpu.memref_slice %arg3[%add3A_494] : memref<6400000xf32, #tpu.memory_space<hbm>> -> memref<2000xf32, #tpu.memory_space<hbm>>
    %dma_wait3A_518 = arith.constant 6000 : i32
    %dma_wait3A_519 = tpu.memref_slice %arg10[%dma_wait3A_518] : memref<8000xf32, #tpu.memory_space<vmem>> -> memref<2000xf32, #tpu.memory_space<vmem>>
    %dma_wait3A_520 = tpu.memref_slice %arg3[%add3A_494] : memref<6400000xf32, #tpu.memory_space<hbm>> -> memref<2000xf32, #tpu.memory_space<hbm>>
    tpu.wait_dma2 semaphore(%arg14 : memref<!tpu.dma_semaphore, #tpu.memory_space<semaphore_mem>>) src(%dma_wait3A_520 : memref<2000xf32, #tpu.memory_space<hbm>>) dst(%dma_wait3A_519 : memref<2000xf32, #tpu.memory_space<vmem>>)
    %mul3A_521 = arith.constant 50000 : i32
    %mul3A_522 = arith.muli %add3A, %mul3A_521 : i32
    %add3A_523 = arith.constant 42000 : i32
    %add3A_524 = arith.addi %mul3A_522, %add3A_523 : i32
    %multiple_of3A_525 = tpu.assume_multiple %add3A_524, 8 : i32
    %add3A_526 = arith.constant 0 : i32
    %add3A_527 = arith.addi %multiple_of3A_525, %add3A_526 : i32
    %add3A_528 = arith.constant 1600000 : i32
    %add3A_529 = arith.addi %multiple_of3A_525, %add3A_528 : i32
    %add3A_530 = arith.constant 3200000 : i32
    %add3A_531 = arith.addi %multiple_of3A_525, %add3A_530 : i32
    %add3A_532 = arith.constant 4800000 : i32
    %add3A_533 = arith.addi %multiple_of3A_525, %add3A_532 : i32
    %dma_wait3A_534 = arith.constant 0 : i32
    %dma_wait3A_535 = tpu.memref_slice %arg12[%dma_wait3A_534] : memref<8000xf32, #tpu.memory_space<vmem>> -> memref<2000xf32, #tpu.memory_space<vmem>>
    %dma_wait3A_536 = tpu.memref_slice %arg5[%add3A_527] : memref<6400000xf32, #tpu.memory_space<hbm>> -> memref<2000xf32, #tpu.memory_space<hbm>>
    %dma_wait3A_537 = tpu.memref_slice %arg5[%add3A_527] : memref<6400000xf32, #tpu.memory_space<hbm>> -> memref<2000xf32, #tpu.memory_space<hbm>>
    %dma_wait3A_538 = arith.constant 0 : i32
    %dma_wait3A_539 = tpu.memref_slice %arg12[%dma_wait3A_538] : memref<8000xf32, #tpu.memory_space<vmem>> -> memref<2000xf32, #tpu.memory_space<vmem>>
    tpu.wait_dma2 semaphore(%arg16 : memref<!tpu.dma_semaphore, #tpu.memory_space<semaphore_mem>>) src(%dma_wait3A_539 : memref<2000xf32, #tpu.memory_space<vmem>>) dst(%dma_wait3A_537 : memref<2000xf32, #tpu.memory_space<hbm>>)
    %dma_wait3A_540 = arith.constant 2000 : i32
    %dma_wait3A_541 = tpu.memref_slice %arg12[%dma_wait3A_540] : memref<8000xf32, #tpu.memory_space<vmem>> -> memref<2000xf32, #tpu.memory_space<vmem>>
    %dma_wait3A_542 = tpu.memref_slice %arg5[%add3A_529] : memref<6400000xf32, #tpu.memory_space<hbm>> -> memref<2000xf32, #tpu.memory_space<hbm>>
    %dma_wait3A_543 = tpu.memref_slice %arg5[%add3A_529] : memref<6400000xf32, #tpu.memory_space<hbm>> -> memref<2000xf32, #tpu.memory_space<hbm>>
    %dma_wait3A_544 = arith.constant 2000 : i32
    %dma_wait3A_545 = tpu.memref_slice %arg12[%dma_wait3A_544] : memref<8000xf32, #tpu.memory_space<vmem>> -> memref<2000xf32, #tpu.memory_space<vmem>>
    tpu.wait_dma2 semaphore(%arg16 : memref<!tpu.dma_semaphore, #tpu.memory_space<semaphore_mem>>) src(%dma_wait3A_545 : memref<2000xf32, #tpu.memory_space<vmem>>) dst(%dma_wait3A_543 : memref<2000xf32, #tpu.memory_space<hbm>>)
    %dma_wait3A_546 = arith.constant 4000 : i32
    %dma_wait3A_547 = tpu.memref_slice %arg12[%dma_wait3A_546] : memref<8000xf32, #tpu.memory_space<vmem>> -> memref<2000xf32, #tpu.memory_space<vmem>>
    %dma_wait3A_548 = tpu.memref_slice %arg5[%add3A_531] : memref<6400000xf32, #tpu.memory_space<hbm>> -> memref<2000xf32, #tpu.memory_space<hbm>>
    %dma_wait3A_549 = tpu.memref_slice %arg5[%add3A_531] : memref<6400000xf32, #tpu.memory_space<hbm>> -> memref<2000xf32, #tpu.memory_space<hbm>>
    %dma_wait3A_550 = arith.constant 4000 : i32
    %dma_wait3A_551 = tpu.memref_slice %arg12[%dma_wait3A_550] : memref<8000xf32, #tpu.memory_space<vmem>> -> memref<2000xf32, #tpu.memory_space<vmem>>
    tpu.wait_dma2 semaphore(%arg16 : memref<!tpu.dma_semaphore, #tpu.memory_space<semaphore_mem>>) src(%dma_wait3A_551 : memref<2000xf32, #tpu.memory_space<vmem>>) dst(%dma_wait3A_549 : memref<2000xf32, #tpu.memory_space<hbm>>)
    %dma_wait3A_552 = arith.constant 6000 : i32
    %dma_wait3A_553 = tpu.memref_slice %arg12[%dma_wait3A_552] : memref<8000xf32, #tpu.memory_space<vmem>> -> memref<2000xf32, #tpu.memory_space<vmem>>
    %dma_wait3A_554 = tpu.memref_slice %arg5[%add3A_533] : memref<6400000xf32, #tpu.memory_space<hbm>> -> memref<2000xf32, #tpu.memory_space<hbm>>
    %dma_wait3A_555 = tpu.memref_slice %arg5[%add3A_533] : memref<6400000xf32, #tpu.memory_space<hbm>> -> memref<2000xf32, #tpu.memory_space<hbm>>
    %dma_wait3A_556 = arith.constant 6000 : i32
    %dma_wait3A_557 = tpu.memref_slice %arg12[%dma_wait3A_556] : memref<8000xf32, #tpu.memory_space<vmem>> -> memref<2000xf32, #tpu.memory_space<vmem>>
    tpu.wait_dma2 semaphore(%arg16 : memref<!tpu.dma_semaphore, #tpu.memory_space<semaphore_mem>>) src(%dma_wait3A_557 : memref<2000xf32, #tpu.memory_space<vmem>>) dst(%dma_wait3A_555 : memref<2000xf32, #tpu.memory_space<hbm>>)
    %parallel_loop3A_558 = arith.constant 0 : i32
    %parallel_loop3A_559 = arith.constant 2000 : i32
    %parallel_loop3A_560 = arith.constant 16 : i32
    scf.for %parallel_loop3A_788 = %parallel_loop3A_558 to %parallel_loop3A_559 step %parallel_loop3A_560  : i32 {
      %parallel_loop3A_789 = arith.index_cast %parallel_loop3A_788 : i32 to index
      %parallel_loop3A_790 = tpu.vector_load %arg8[%parallel_loop3A_789] {strides = array<i32>} : memref<2000xi32, #tpu.memory_space<vmem>>, vector<16xi32>,
      %parallel_loop3A_791 = arith.constant 0 : i32
      %parallel_loop3A_792 = vector.broadcast %parallel_loop3A_791 : i32 to vector<16xi32>
      %parallel_loop3A_793 = arith.shrsi %parallel_loop3A_790, %parallel_loop3A_792 : vector<16xi32>
      %parallel_loop3A_794 = arith.constant 15 : i32
      %parallel_loop3A_795 = vector.broadcast %parallel_loop3A_794 : i32 to vector<16xi32>
      %parallel_loop3A_796 = arith.andi %parallel_loop3A_793, %parallel_loop3A_795 : vector<16xi32>
      %parallel_loop3A_797 = tpu.vector_load_idx %arg6[%parallel_loop3A_796] : memref<16xf32, #tpu.memory_space<vmem>>[vector<16xi32>], vector<16xf32>,
      %parallel_loop3A_798 = arith.constant 0 : i32
      %parallel_loop3A_799 = arith.addi %parallel_loop3A_798, %parallel_loop3A_788 : i32
      %parallel_loop3A_800 = arith.index_cast %parallel_loop3A_799 : i32 to index
      %parallel_loop3A_801 = tpu.vector_load %arg10[%parallel_loop3A_800] {strides = array<i32>} : memref<8000xf32, #tpu.memory_space<vmem>>, vector<16xf32>,
      %parallel_loop3A_802 = arith.mulf %parallel_loop3A_801, %parallel_loop3A_801 : vector<16xf32>
      %parallel_loop3A_803 = arith.mulf %parallel_loop3A_802, %parallel_loop3A_802 : vector<16xf32>
      %parallel_loop3A_804 = arith.mulf %parallel_loop3A_803, %parallel_loop3A_802 : vector<16xf32>
      %parallel_loop3A_805 = arith.addf %parallel_loop3A_804, %parallel_loop3A_797 : vector<16xf32>
      %parallel_loop3A_806 = arith.constant 0 : i32
      %parallel_loop3A_807 = arith.addi %parallel_loop3A_806, %parallel_loop3A_788 : i32
      %parallel_loop3A_808 = arith.index_cast %parallel_loop3A_807 : i32 to index
      %parallel_loop3A_809 = tpu.vector_load %arg12[%parallel_loop3A_808] {strides = array<i32>} : memref<8000xf32, #tpu.memory_space<vmem>>, vector<16xf32>,
      tpu.vector_store %arg12[%parallel_loop3A_808], %parallel_loop3A_805 {strides = array<i32>} : memref<8000xf32, #tpu.memory_space<vmem>>, vector<16xf32>,
      %parallel_loop3A_810 = arith.constant 8 : i32
      %parallel_loop3A_811 = vector.broadcast %parallel_loop3A_810 : i32 to vector<16xi32>
      %parallel_loop3A_812 = arith.shrsi %parallel_loop3A_790, %parallel_loop3A_811 : vector<16xi32>
      %parallel_loop3A_813 = arith.constant 15 : i32
      %parallel_loop3A_814 = vector.broadcast %parallel_loop3A_813 : i32 to vector<16xi32>
      %parallel_loop3A_815 = arith.andi %parallel_loop3A_812, %parallel_loop3A_814 : vector<16xi32>
      %parallel_loop3A_816 = tpu.vector_load_idx %arg6[%parallel_loop3A_815] : memref<16xf32, #tpu.memory_space<vmem>>[vector<16xi32>], vector<16xf32>,
      %parallel_loop3A_817 = arith.constant 2000 : i32
      %parallel_loop3A_818 = arith.addi %parallel_loop3A_817, %parallel_loop3A_788 : i32
      %parallel_loop3A_819 = arith.index_cast %parallel_loop3A_818 : i32 to index
      %parallel_loop3A_820 = tpu.vector_load %arg10[%parallel_loop3A_819] {strides = array<i32>} : memref<8000xf32, #tpu.memory_space<vmem>>, vector<16xf32>,
      %parallel_loop3A_821 = arith.mulf %parallel_loop3A_820, %parallel_loop3A_820 : vector<16xf32>
      %parallel_loop3A_822 = arith.mulf %parallel_loop3A_821, %parallel_loop3A_821 : vector<16xf32>
      %parallel_loop3A_823 = arith.mulf %parallel_loop3A_822, %parallel_loop3A_821 : vector<16xf32>
      %parallel_loop3A_824 = arith.addf %parallel_loop3A_823, %parallel_loop3A_816 : vector<16xf32>
      %parallel_loop3A_825 = arith.constant 2000 : i32
      %parallel_loop3A_826 = arith.addi %parallel_loop3A_825, %parallel_loop3A_788 : i32
      %parallel_loop3A_827 = arith.index_cast %parallel_loop3A_826 : i32 to index
      %parallel_loop3A_828 = tpu.vector_load %arg12[%parallel_loop3A_827] {strides = array<i32>} : memref<8000xf32, #tpu.memory_space<vmem>>, vector<16xf32>,
      tpu.vector_store %arg12[%parallel_loop3A_827], %parallel_loop3A_824 {strides = array<i32>} : memref<8000xf32, #tpu.memory_space<vmem>>, vector<16xf32>,
      %parallel_loop3A_829 = arith.constant 16 : i32
      %parallel_loop3A_830 = vector.broadcast %parallel_loop3A_829 : i32 to vector<16xi32>
      %parallel_loop3A_831 = arith.shrsi %parallel_loop3A_790, %parallel_loop3A_830 : vector<16xi32>
      %parallel_loop3A_832 = arith.constant 15 : i32
      %parallel_loop3A_833 = vector.broadcast %parallel_loop3A_832 : i32 to vector<16xi32>
      %parallel_loop3A_834 = arith.andi %parallel_loop3A_831, %parallel_loop3A_833 : vector<16xi32>
      %parallel_loop3A_835 = tpu.vector_load_idx %arg6[%parallel_loop3A_834] : memref<16xf32, #tpu.memory_space<vmem>>[vector<16xi32>], vector<16xf32>,
      %parallel_loop3A_836 = arith.constant 4000 : i32
      %parallel_loop3A_837 = arith.addi %parallel_loop3A_836, %parallel_loop3A_788 : i32
      %parallel_loop3A_838 = arith.index_cast %parallel_loop3A_837 : i32 to index
      %parallel_loop3A_839 = tpu.vector_load %arg10[%parallel_loop3A_838] {strides = array<i32>} : memref<8000xf32, #tpu.memory_space<vmem>>, vector<16xf32>,
      %parallel_loop3A_840 = arith.mulf %parallel_loop3A_839, %parallel_loop3A_839 : vector<16xf32>
      %parallel_loop3A_841 = arith.mulf %parallel_loop3A_840, %parallel_loop3A_840 : vector<16xf32>
      %parallel_loop3A_842 = arith.mulf %parallel_loop3A_841, %parallel_loop3A_840 : vector<16xf32>
      %parallel_loop3A_843 = arith.addf %parallel_loop3A_842, %parallel_loop3A_835 : vector<16xf32>
      %parallel_loop3A_844 = arith.constant 4000 : i32
      %parallel_loop3A_845 = arith.addi %parallel_loop3A_844, %parallel_loop3A_788 : i32
      %parallel_loop3A_846 = arith.index_cast %parallel_loop3A_845 : i32 to index
      %parallel_loop3A_847 = tpu.vector_load %arg12[%parallel_loop3A_846] {strides = array<i32>} : memref<8000xf32, #tpu.memory_space<vmem>>, vector<16xf32>,
      tpu.vector_store %arg12[%parallel_loop3A_846], %parallel_loop3A_843 {strides = array<i32>} : memref<8000xf32, #tpu.memory_space<vmem>>, vector<16xf32>,
      %parallel_loop3A_848 = arith.constant 24 : i32
      %parallel_loop3A_849 = vector.broadcast %parallel_loop3A_848 : i32 to vector<16xi32>
      %parallel_loop3A_850 = arith.shrsi %parallel_loop3A_790, %parallel_loop3A_849 : vector<16xi32>
      %parallel_loop3A_851 = arith.constant 15 : i32
      %parallel_loop3A_852 = vector.broadcast %parallel_loop3A_851 : i32 to vector<16xi32>
      %parallel_loop3A_853 = arith.andi %parallel_loop3A_850, %parallel_loop3A_852 : vector<16xi32>
      %parallel_loop3A_854 = tpu.vector_load_idx %arg6[%parallel_loop3A_853] : memref<16xf32, #tpu.memory_space<vmem>>[vector<16xi32>], vector<16xf32>,
      %parallel_loop3A_855 = arith.constant 6000 : i32
      %parallel_loop3A_856 = arith.addi %parallel_loop3A_855, %parallel_loop3A_788 : i32
      %parallel_loop3A_857 = arith.index_cast %parallel_loop3A_856 : i32 to index
      %parallel_loop3A_858 = tpu.vector_load %arg10[%parallel_loop3A_857] {strides = array<i32>} : memref<8000xf32, #tpu.memory_space<vmem>>, vector<16xf32>,
      %parallel_loop3A_859 = arith.mulf %parallel_loop3A_858, %parallel_loop3A_858 : vector<16xf32>
      %parallel_loop3A_860 = arith.mulf %parallel_loop3A_859, %parallel_loop3A_859 : vector<16xf32>
      %parallel_loop3A_861 = arith.mulf %parallel_loop3A_860, %parallel_loop3A_859 : vector<16xf32>
      %parallel_loop3A_862 = arith.addf %parallel_loop3A_861, %parallel_loop3A_854 : vector<16xf32>
      %parallel_loop3A_863 = arith.constant 6000 : i32
      %parallel_loop3A_864 = arith.addi %parallel_loop3A_863, %parallel_loop3A_788 : i32
      %parallel_loop3A_865 = arith.index_cast %parallel_loop3A_864 : i32 to index
      %parallel_loop3A_866 = tpu.vector_load %arg12[%parallel_loop3A_865] {strides = array<i32>} : memref<8000xf32, #tpu.memory_space<vmem>>, vector<16xf32>,
      tpu.vector_store %arg12[%parallel_loop3A_865], %parallel_loop3A_862 {strides = array<i32>} : memref<8000xf32, #tpu.memory_space<vmem>>, vector<16xf32>,
    } {sc.loop_unroll_factor = 4 : i64, sc.parallel_access}
    %mul3A_561 = arith.constant 50000 : i32
    %mul3A_562 = arith.muli %add3A, %mul3A_561 : i32
    %add3A_563 = arith.constant 46000 : i32
    %add3A_564 = arith.addi %mul3A_562, %add3A_563 : i32
    %multiple_of3A_565 = tpu.assume_multiple %add3A_564, 8 : i32
    %add3A_566 = arith.constant 0 : i32
    %add3A_567 = arith.addi %multiple_of3A_565, %add3A_566 : i32
    %add3A_568 = arith.constant 1600000 : i32
    %add3A_569 = arith.addi %multiple_of3A_565, %add3A_568 : i32
    %add3A_570 = arith.constant 3200000 : i32
    %add3A_571 = arith.addi %multiple_of3A_565, %add3A_570 : i32
    %add3A_572 = arith.constant 4800000 : i32
    %add3A_573 = arith.addi %multiple_of3A_565, %add3A_572 : i32
    %dma_start3A_574 = arith.constant 0 : i32
    %dma_start3A_575 = tpu.memref_slice %arg12[%dma_start3A_574] : memref<8000xf32, #tpu.memory_space<vmem>> -> memref<2000xf32, #tpu.memory_space<vmem>>
    %dma_start3A_576 = tpu.memref_slice %arg5[%add3A_567] : memref<6400000xf32, #tpu.memory_space<hbm>> -> memref<2000xf32, #tpu.memory_space<hbm>>
    %dma_start3A_577 = tpu.memref_slice %arg5[%add3A_567] : memref<6400000xf32, #tpu.memory_space<hbm>> -> memref<2000xf32, #tpu.memory_space<hbm>>
    %dma_start3A_578 = arith.constant 0 : i32
    %dma_start3A_579 = tpu.memref_slice %arg12[%dma_start3A_578] : memref<8000xf32, #tpu.memory_space<vmem>> -> memref<2000xf32, #tpu.memory_space<vmem>>
    tpu.enqueue_dma source(%dma_start3A_579 : memref<2000xf32, #tpu.memory_space<vmem>>) target(%dma_start3A_577 : memref<2000xf32, #tpu.memory_space<hbm>>) target_semaphore(%arg16 : memref<!tpu.dma_semaphore, #tpu.memory_space<semaphore_mem>>)
    %dma_start3A_580 = arith.constant 2000 : i32
    %dma_start3A_581 = tpu.memref_slice %arg12[%dma_start3A_580] : memref<8000xf32, #tpu.memory_space<vmem>> -> memref<2000xf32, #tpu.memory_space<vmem>>
    %dma_start3A_582 = tpu.memref_slice %arg5[%add3A_569] : memref<6400000xf32, #tpu.memory_space<hbm>> -> memref<2000xf32, #tpu.memory_space<hbm>>
    %dma_start3A_583 = tpu.memref_slice %arg5[%add3A_569] : memref<6400000xf32, #tpu.memory_space<hbm>> -> memref<2000xf32, #tpu.memory_space<hbm>>
    %dma_start3A_584 = arith.constant 2000 : i32
    %dma_start3A_585 = tpu.memref_slice %arg12[%dma_start3A_584] : memref<8000xf32, #tpu.memory_space<vmem>> -> memref<2000xf32, #tpu.memory_space<vmem>>
    tpu.enqueue_dma source(%dma_start3A_585 : memref<2000xf32, #tpu.memory_space<vmem>>) target(%dma_start3A_583 : memref<2000xf32, #tpu.memory_space<hbm>>) target_semaphore(%arg16 : memref<!tpu.dma_semaphore, #tpu.memory_space<semaphore_mem>>)
    %dma_start3A_586 = arith.constant 4000 : i32
    %dma_start3A_587 = tpu.memref_slice %arg12[%dma_start3A_586] : memref<8000xf32, #tpu.memory_space<vmem>> -> memref<2000xf32, #tpu.memory_space<vmem>>
    %dma_start3A_588 = tpu.memref_slice %arg5[%add3A_571] : memref<6400000xf32, #tpu.memory_space<hbm>> -> memref<2000xf32, #tpu.memory_space<hbm>>
    %dma_start3A_589 = tpu.memref_slice %arg5[%add3A_571] : memref<6400000xf32, #tpu.memory_space<hbm>> -> memref<2000xf32, #tpu.memory_space<hbm>>
    %dma_start3A_590 = arith.constant 4000 : i32
    %dma_start3A_591 = tpu.memref_slice %arg12[%dma_start3A_590] : memref<8000xf32, #tpu.memory_space<vmem>> -> memref<2000xf32, #tpu.memory_space<vmem>>
    tpu.enqueue_dma source(%dma_start3A_591 : memref<2000xf32, #tpu.memory_space<vmem>>) target(%dma_start3A_589 : memref<2000xf32, #tpu.memory_space<hbm>>) target_semaphore(%arg16 : memref<!tpu.dma_semaphore, #tpu.memory_space<semaphore_mem>>)
    %dma_start3A_592 = arith.constant 6000 : i32
    %dma_start3A_593 = tpu.memref_slice %arg12[%dma_start3A_592] : memref<8000xf32, #tpu.memory_space<vmem>> -> memref<2000xf32, #tpu.memory_space<vmem>>
    %dma_start3A_594 = tpu.memref_slice %arg5[%add3A_573] : memref<6400000xf32, #tpu.memory_space<hbm>> -> memref<2000xf32, #tpu.memory_space<hbm>>
    %dma_start3A_595 = tpu.memref_slice %arg5[%add3A_573] : memref<6400000xf32, #tpu.memory_space<hbm>> -> memref<2000xf32, #tpu.memory_space<hbm>>
    %dma_start3A_596 = arith.constant 6000 : i32
    %dma_start3A_597 = tpu.memref_slice %arg12[%dma_start3A_596] : memref<8000xf32, #tpu.memory_space<vmem>> -> memref<2000xf32, #tpu.memory_space<vmem>>
    tpu.enqueue_dma source(%dma_start3A_597 : memref<2000xf32, #tpu.memory_space<vmem>>) target(%dma_start3A_595 : memref<2000xf32, #tpu.memory_space<hbm>>) target_semaphore(%arg16 : memref<!tpu.dma_semaphore, #tpu.memory_space<semaphore_mem>>)
    %mul3A_598 = arith.constant 50000 : i32
    %mul3A_599 = arith.muli %add3A, %mul3A_598 : i32
    %add3A_600 = arith.constant 48000 : i32
    %add3A_601 = arith.addi %mul3A_599, %add3A_600 : i32
    %multiple_of3A_602 = tpu.assume_multiple %add3A_601, 8 : i32
    %add3A_603 = arith.constant 0 : i32
    %add3A_604 = arith.addi %multiple_of3A_602, %add3A_603 : i32
    %add3A_605 = arith.constant 1600000 : i32
    %add3A_606 = arith.addi %multiple_of3A_602, %add3A_605 : i32
    %add3A_607 = arith.constant 3200000 : i32
    %add3A_608 = arith.addi %multiple_of3A_602, %add3A_607 : i32
    %add3A_609 = arith.constant 4800000 : i32
    %add3A_610 = arith.addi %multiple_of3A_602, %add3A_609 : i32
    %dma_wait3A_611 = tpu.memref_slice %arg2[%multiple_of3A_602] : memref<1600000xi32, #tpu.memory_space<hbm>> -> memref<2000xi32, #tpu.memory_space<hbm>>
    %dma_wait3A_612 = tpu.memref_slice %arg2[%multiple_of3A_602] : memref<1600000xi32, #tpu.memory_space<hbm>> -> memref<2000xi32, #tpu.memory_space<hbm>>
    tpu.wait_dma2 semaphore(%arg13 : memref<!tpu.dma_semaphore, #tpu.memory_space<semaphore_mem>>) src(%dma_wait3A_612 : memref<2000xi32, #tpu.memory_space<hbm>>) dst(%arg7 : memref<2000xi32, #tpu.memory_space<vmem>>)
    %dma_wait3A_613 = arith.constant 0 : i32
    %dma_wait3A_614 = tpu.memref_slice %arg9[%dma_wait3A_613] : memref<8000xf32, #tpu.memory_space<vmem>> -> memref<2000xf32, #tpu.memory_space<vmem>>
    %dma_wait3A_615 = tpu.memref_slice %arg3[%add3A_604] : memref<6400000xf32, #tpu.memory_space<hbm>> -> memref<2000xf32, #tpu.memory_space<hbm>>
    %dma_wait3A_616 = arith.constant 0 : i32
    %dma_wait3A_617 = tpu.memref_slice %arg9[%dma_wait3A_616] : memref<8000xf32, #tpu.memory_space<vmem>> -> memref<2000xf32, #tpu.memory_space<vmem>>
    %dma_wait3A_618 = tpu.memref_slice %arg3[%add3A_604] : memref<6400000xf32, #tpu.memory_space<hbm>> -> memref<2000xf32, #tpu.memory_space<hbm>>
    tpu.wait_dma2 semaphore(%arg13 : memref<!tpu.dma_semaphore, #tpu.memory_space<semaphore_mem>>) src(%dma_wait3A_618 : memref<2000xf32, #tpu.memory_space<hbm>>) dst(%dma_wait3A_617 : memref<2000xf32, #tpu.memory_space<vmem>>)
    %dma_wait3A_619 = arith.constant 2000 : i32
    %dma_wait3A_620 = tpu.memref_slice %arg9[%dma_wait3A_619] : memref<8000xf32, #tpu.memory_space<vmem>> -> memref<2000xf32, #tpu.memory_space<vmem>>
    %dma_wait3A_621 = tpu.memref_slice %arg3[%add3A_606] : memref<6400000xf32, #tpu.memory_space<hbm>> -> memref<2000xf32, #tpu.memory_space<hbm>>
    %dma_wait3A_622 = arith.constant 2000 : i32
    %dma_wait3A_623 = tpu.memref_slice %arg9[%dma_wait3A_622] : memref<8000xf32, #tpu.memory_space<vmem>> -> memref<2000xf32, #tpu.memory_space<vmem>>
    %dma_wait3A_624 = tpu.memref_slice %arg3[%add3A_606] : memref<6400000xf32, #tpu.memory_space<hbm>> -> memref<2000xf32, #tpu.memory_space<hbm>>
    tpu.wait_dma2 semaphore(%arg13 : memref<!tpu.dma_semaphore, #tpu.memory_space<semaphore_mem>>) src(%dma_wait3A_624 : memref<2000xf32, #tpu.memory_space<hbm>>) dst(%dma_wait3A_623 : memref<2000xf32, #tpu.memory_space<vmem>>)
    %dma_wait3A_625 = arith.constant 4000 : i32
    %dma_wait3A_626 = tpu.memref_slice %arg9[%dma_wait3A_625] : memref<8000xf32, #tpu.memory_space<vmem>> -> memref<2000xf32, #tpu.memory_space<vmem>>
    %dma_wait3A_627 = tpu.memref_slice %arg3[%add3A_608] : memref<6400000xf32, #tpu.memory_space<hbm>> -> memref<2000xf32, #tpu.memory_space<hbm>>
    %dma_wait3A_628 = arith.constant 4000 : i32
    %dma_wait3A_629 = tpu.memref_slice %arg9[%dma_wait3A_628] : memref<8000xf32, #tpu.memory_space<vmem>> -> memref<2000xf32, #tpu.memory_space<vmem>>
    %dma_wait3A_630 = tpu.memref_slice %arg3[%add3A_608] : memref<6400000xf32, #tpu.memory_space<hbm>> -> memref<2000xf32, #tpu.memory_space<hbm>>
    tpu.wait_dma2 semaphore(%arg13 : memref<!tpu.dma_semaphore, #tpu.memory_space<semaphore_mem>>) src(%dma_wait3A_630 : memref<2000xf32, #tpu.memory_space<hbm>>) dst(%dma_wait3A_629 : memref<2000xf32, #tpu.memory_space<vmem>>)
    %dma_wait3A_631 = arith.constant 6000 : i32
    %dma_wait3A_632 = tpu.memref_slice %arg9[%dma_wait3A_631] : memref<8000xf32, #tpu.memory_space<vmem>> -> memref<2000xf32, #tpu.memory_space<vmem>>
    %dma_wait3A_633 = tpu.memref_slice %arg3[%add3A_610] : memref<6400000xf32, #tpu.memory_space<hbm>> -> memref<2000xf32, #tpu.memory_space<hbm>>
    %dma_wait3A_634 = arith.constant 6000 : i32
    %dma_wait3A_635 = tpu.memref_slice %arg9[%dma_wait3A_634] : memref<8000xf32, #tpu.memory_space<vmem>> -> memref<2000xf32, #tpu.memory_space<vmem>>
    %dma_wait3A_636 = tpu.memref_slice %arg3[%add3A_610] : memref<6400000xf32, #tpu.memory_space<hbm>> -> memref<2000xf32, #tpu.memory_space<hbm>>
    tpu.wait_dma2 semaphore(%arg13 : memref<!tpu.dma_semaphore, #tpu.memory_space<semaphore_mem>>) src(%dma_wait3A_636 : memref<2000xf32, #tpu.memory_space<hbm>>) dst(%dma_wait3A_635 : memref<2000xf32, #tpu.memory_space<vmem>>)
    %mul3A_637 = arith.constant 50000 : i32
    %mul3A_638 = arith.muli %add3A, %mul3A_637 : i32
    %add3A_639 = arith.constant 44000 : i32
    %add3A_640 = arith.addi %mul3A_638, %add3A_639 : i32
    %multiple_of3A_641 = tpu.assume_multiple %add3A_640, 8 : i32
    %add3A_642 = arith.constant 0 : i32
    %add3A_643 = arith.addi %multiple_of3A_641, %add3A_642 : i32
    %add3A_644 = arith.constant 1600000 : i32
    %add3A_645 = arith.addi %multiple_of3A_641, %add3A_644 : i32
    %add3A_646 = arith.constant 3200000 : i32
    %add3A_647 = arith.addi %multiple_of3A_641, %add3A_646 : i32
    %add3A_648 = arith.constant 4800000 : i32
    %add3A_649 = arith.addi %multiple_of3A_641, %add3A_648 : i32
    %dma_wait3A_650 = arith.constant 0 : i32
    %dma_wait3A_651 = tpu.memref_slice %arg11[%dma_wait3A_650] : memref<8000xf32, #tpu.memory_space<vmem>> -> memref<2000xf32, #tpu.memory_space<vmem>>
    %dma_wait3A_652 = tpu.memref_slice %arg5[%add3A_643] : memref<6400000xf32, #tpu.memory_space<hbm>> -> memref<2000xf32, #tpu.memory_space<hbm>>
    %dma_wait3A_653 = tpu.memref_slice %arg5[%add3A_643] : memref<6400000xf32, #tpu.memory_space<hbm>> -> memref<2000xf32, #tpu.memory_space<hbm>>
    %dma_wait3A_654 = arith.constant 0 : i32
    %dma_wait3A_655 = tpu.memref_slice %arg11[%dma_wait3A_654] : memref<8000xf32, #tpu.memory_space<vmem>> -> memref<2000xf32, #tpu.memory_space<vmem>>
    tpu.wait_dma2 semaphore(%arg15 : memref<!tpu.dma_semaphore, #tpu.memory_space<semaphore_mem>>) src(%dma_wait3A_655 : memref<2000xf32, #tpu.memory_space<vmem>>) dst(%dma_wait3A_653 : memref<2000xf32, #tpu.memory_space<hbm>>)
    %dma_wait3A_656 = arith.constant 2000 : i32
    %dma_wait3A_657 = tpu.memref_slice %arg11[%dma_wait3A_656] : memref<8000xf32, #tpu.memory_space<vmem>> -> memref<2000xf32, #tpu.memory_space<vmem>>
    %dma_wait3A_658 = tpu.memref_slice %arg5[%add3A_645] : memref<6400000xf32, #tpu.memory_space<hbm>> -> memref<2000xf32, #tpu.memory_space<hbm>>
    %dma_wait3A_659 = tpu.memref_slice %arg5[%add3A_645] : memref<6400000xf32, #tpu.memory_space<hbm>> -> memref<2000xf32, #tpu.memory_space<hbm>>
    %dma_wait3A_660 = arith.constant 2000 : i32
    %dma_wait3A_661 = tpu.memref_slice %arg11[%dma_wait3A_660] : memref<8000xf32, #tpu.memory_space<vmem>> -> memref<2000xf32, #tpu.memory_space<vmem>>
    tpu.wait_dma2 semaphore(%arg15 : memref<!tpu.dma_semaphore, #tpu.memory_space<semaphore_mem>>) src(%dma_wait3A_661 : memref<2000xf32, #tpu.memory_space<vmem>>) dst(%dma_wait3A_659 : memref<2000xf32, #tpu.memory_space<hbm>>)
    %dma_wait3A_662 = arith.constant 4000 : i32
    %dma_wait3A_663 = tpu.memref_slice %arg11[%dma_wait3A_662] : memref<8000xf32, #tpu.memory_space<vmem>> -> memref<2000xf32, #tpu.memory_space<vmem>>
    %dma_wait3A_664 = tpu.memref_slice %arg5[%add3A_647] : memref<6400000xf32, #tpu.memory_space<hbm>> -> memref<2000xf32, #tpu.memory_space<hbm>>
    %dma_wait3A_665 = tpu.memref_slice %arg5[%add3A_647] : memref<6400000xf32, #tpu.memory_space<hbm>> -> memref<2000xf32, #tpu.memory_space<hbm>>
    %dma_wait3A_666 = arith.constant 4000 : i32
    %dma_wait3A_667 = tpu.memref_slice %arg11[%dma_wait3A_666] : memref<8000xf32, #tpu.memory_space<vmem>> -> memref<2000xf32, #tpu.memory_space<vmem>>
    tpu.wait_dma2 semaphore(%arg15 : memref<!tpu.dma_semaphore, #tpu.memory_space<semaphore_mem>>) src(%dma_wait3A_667 : memref<2000xf32, #tpu.memory_space<vmem>>) dst(%dma_wait3A_665 : memref<2000xf32, #tpu.memory_space<hbm>>)
    %dma_wait3A_668 = arith.constant 6000 : i32
    %dma_wait3A_669 = tpu.memref_slice %arg11[%dma_wait3A_668] : memref<8000xf32, #tpu.memory_space<vmem>> -> memref<2000xf32, #tpu.memory_space<vmem>>
    %dma_wait3A_670 = tpu.memref_slice %arg5[%add3A_649] : memref<6400000xf32, #tpu.memory_space<hbm>> -> memref<2000xf32, #tpu.memory_space<hbm>>
    %dma_wait3A_671 = tpu.memref_slice %arg5[%add3A_649] : memref<6400000xf32, #tpu.memory_space<hbm>> -> memref<2000xf32, #tpu.memory_space<hbm>>
    %dma_wait3A_672 = arith.constant 6000 : i32
    %dma_wait3A_673 = tpu.memref_slice %arg11[%dma_wait3A_672] : memref<8000xf32, #tpu.memory_space<vmem>> -> memref<2000xf32, #tpu.memory_space<vmem>>
    tpu.wait_dma2 semaphore(%arg15 : memref<!tpu.dma_semaphore, #tpu.memory_space<semaphore_mem>>) src(%dma_wait3A_673 : memref<2000xf32, #tpu.memory_space<vmem>>) dst(%dma_wait3A_671 : memref<2000xf32, #tpu.memory_space<hbm>>)
    %parallel_loop3A_674 = arith.constant 0 : i32
    %parallel_loop3A_675 = arith.constant 2000 : i32
    %parallel_loop3A_676 = arith.constant 16 : i32
    scf.for %parallel_loop3A_788 = %parallel_loop3A_674 to %parallel_loop3A_675 step %parallel_loop3A_676  : i32 {
      %parallel_loop3A_789 = arith.index_cast %parallel_loop3A_788 : i32 to index
      %parallel_loop3A_790 = tpu.vector_load %arg7[%parallel_loop3A_789] {strides = array<i32>} : memref<2000xi32, #tpu.memory_space<vmem>>, vector<16xi32>,
      %parallel_loop3A_791 = arith.constant 0 : i32
      %parallel_loop3A_792 = vector.broadcast %parallel_loop3A_791 : i32 to vector<16xi32>
      %parallel_loop3A_793 = arith.shrsi %parallel_loop3A_790, %parallel_loop3A_792 : vector<16xi32>
      %parallel_loop3A_794 = arith.constant 15 : i32
      %parallel_loop3A_795 = vector.broadcast %parallel_loop3A_794 : i32 to vector<16xi32>
      %parallel_loop3A_796 = arith.andi %parallel_loop3A_793, %parallel_loop3A_795 : vector<16xi32>
      %parallel_loop3A_797 = tpu.vector_load_idx %arg6[%parallel_loop3A_796] : memref<16xf32, #tpu.memory_space<vmem>>[vector<16xi32>], vector<16xf32>,
      %parallel_loop3A_798 = arith.constant 0 : i32
      %parallel_loop3A_799 = arith.addi %parallel_loop3A_798, %parallel_loop3A_788 : i32
      %parallel_loop3A_800 = arith.index_cast %parallel_loop3A_799 : i32 to index
      %parallel_loop3A_801 = tpu.vector_load %arg9[%parallel_loop3A_800] {strides = array<i32>} : memref<8000xf32, #tpu.memory_space<vmem>>, vector<16xf32>,
      %parallel_loop3A_802 = arith.mulf %parallel_loop3A_801, %parallel_loop3A_801 : vector<16xf32>
      %parallel_loop3A_803 = arith.mulf %parallel_loop3A_802, %parallel_loop3A_802 : vector<16xf32>
      %parallel_loop3A_804 = arith.mulf %parallel_loop3A_803, %parallel_loop3A_802 : vector<16xf32>
      %parallel_loop3A_805 = arith.addf %parallel_loop3A_804, %parallel_loop3A_797 : vector<16xf32>
      %parallel_loop3A_806 = arith.constant 0 : i32
      %parallel_loop3A_807 = arith.addi %parallel_loop3A_806, %parallel_loop3A_788 : i32
      %parallel_loop3A_808 = arith.index_cast %parallel_loop3A_807 : i32 to index
      %parallel_loop3A_809 = tpu.vector_load %arg11[%parallel_loop3A_808] {strides = array<i32>} : memref<8000xf32, #tpu.memory_space<vmem>>, vector<16xf32>,
      tpu.vector_store %arg11[%parallel_loop3A_808], %parallel_loop3A_805 {strides = array<i32>} : memref<8000xf32, #tpu.memory_space<vmem>>, vector<16xf32>,
      %parallel_loop3A_810 = arith.constant 8 : i32
      %parallel_loop3A_811 = vector.broadcast %parallel_loop3A_810 : i32 to vector<16xi32>
      %parallel_loop3A_812 = arith.shrsi %parallel_loop3A_790, %parallel_loop3A_811 : vector<16xi32>
      %parallel_loop3A_813 = arith.constant 15 : i32
      %parallel_loop3A_814 = vector.broadcast %parallel_loop3A_813 : i32 to vector<16xi32>
      %parallel_loop3A_815 = arith.andi %parallel_loop3A_812, %parallel_loop3A_814 : vector<16xi32>
      %parallel_loop3A_816 = tpu.vector_load_idx %arg6[%parallel_loop3A_815] : memref<16xf32, #tpu.memory_space<vmem>>[vector<16xi32>], vector<16xf32>,
      %parallel_loop3A_817 = arith.constant 2000 : i32
      %parallel_loop3A_818 = arith.addi %parallel_loop3A_817, %parallel_loop3A_788 : i32
      %parallel_loop3A_819 = arith.index_cast %parallel_loop3A_818 : i32 to index
      %parallel_loop3A_820 = tpu.vector_load %arg9[%parallel_loop3A_819] {strides = array<i32>} : memref<8000xf32, #tpu.memory_space<vmem>>, vector<16xf32>,
      %parallel_loop3A_821 = arith.mulf %parallel_loop3A_820, %parallel_loop3A_820 : vector<16xf32>
      %parallel_loop3A_822 = arith.mulf %parallel_loop3A_821, %parallel_loop3A_821 : vector<16xf32>
      %parallel_loop3A_823 = arith.mulf %parallel_loop3A_822, %parallel_loop3A_821 : vector<16xf32>
      %parallel_loop3A_824 = arith.addf %parallel_loop3A_823, %parallel_loop3A_816 : vector<16xf32>
      %parallel_loop3A_825 = arith.constant 2000 : i32
      %parallel_loop3A_826 = arith.addi %parallel_loop3A_825, %parallel_loop3A_788 : i32
      %parallel_loop3A_827 = arith.index_cast %parallel_loop3A_826 : i32 to index
      %parallel_loop3A_828 = tpu.vector_load %arg11[%parallel_loop3A_827] {strides = array<i32>} : memref<8000xf32, #tpu.memory_space<vmem>>, vector<16xf32>,
      tpu.vector_store %arg11[%parallel_loop3A_827], %parallel_loop3A_824 {strides = array<i32>} : memref<8000xf32, #tpu.memory_space<vmem>>, vector<16xf32>,
      %parallel_loop3A_829 = arith.constant 16 : i32
      %parallel_loop3A_830 = vector.broadcast %parallel_loop3A_829 : i32 to vector<16xi32>
      %parallel_loop3A_831 = arith.shrsi %parallel_loop3A_790, %parallel_loop3A_830 : vector<16xi32>
      %parallel_loop3A_832 = arith.constant 15 : i32
      %parallel_loop3A_833 = vector.broadcast %parallel_loop3A_832 : i32 to vector<16xi32>
      %parallel_loop3A_834 = arith.andi %parallel_loop3A_831, %parallel_loop3A_833 : vector<16xi32>
      %parallel_loop3A_835 = tpu.vector_load_idx %arg6[%parallel_loop3A_834] : memref<16xf32, #tpu.memory_space<vmem>>[vector<16xi32>], vector<16xf32>,
      %parallel_loop3A_836 = arith.constant 4000 : i32
      %parallel_loop3A_837 = arith.addi %parallel_loop3A_836, %parallel_loop3A_788 : i32
      %parallel_loop3A_838 = arith.index_cast %parallel_loop3A_837 : i32 to index
      %parallel_loop3A_839 = tpu.vector_load %arg9[%parallel_loop3A_838] {strides = array<i32>} : memref<8000xf32, #tpu.memory_space<vmem>>, vector<16xf32>,
      %parallel_loop3A_840 = arith.mulf %parallel_loop3A_839, %parallel_loop3A_839 : vector<16xf32>
      %parallel_loop3A_841 = arith.mulf %parallel_loop3A_840, %parallel_loop3A_840 : vector<16xf32>
      %parallel_loop3A_842 = arith.mulf %parallel_loop3A_841, %parallel_loop3A_840 : vector<16xf32>
      %parallel_loop3A_843 = arith.addf %parallel_loop3A_842, %parallel_loop3A_835 : vector<16xf32>
      %parallel_loop3A_844 = arith.constant 4000 : i32
      %parallel_loop3A_845 = arith.addi %parallel_loop3A_844, %parallel_loop3A_788 : i32
      %parallel_loop3A_846 = arith.index_cast %parallel_loop3A_845 : i32 to index
      %parallel_loop3A_847 = tpu.vector_load %arg11[%parallel_loop3A_846] {strides = array<i32>} : memref<8000xf32, #tpu.memory_space<vmem>>, vector<16xf32>,
      tpu.vector_store %arg11[%parallel_loop3A_846], %parallel_loop3A_843 {strides = array<i32>} : memref<8000xf32, #tpu.memory_space<vmem>>, vector<16xf32>,
      %parallel_loop3A_848 = arith.constant 24 : i32
      %parallel_loop3A_849 = vector.broadcast %parallel_loop3A_848 : i32 to vector<16xi32>
      %parallel_loop3A_850 = arith.shrsi %parallel_loop3A_790, %parallel_loop3A_849 : vector<16xi32>
      %parallel_loop3A_851 = arith.constant 15 : i32
      %parallel_loop3A_852 = vector.broadcast %parallel_loop3A_851 : i32 to vector<16xi32>
      %parallel_loop3A_853 = arith.andi %parallel_loop3A_850, %parallel_loop3A_852 : vector<16xi32>
      %parallel_loop3A_854 = tpu.vector_load_idx %arg6[%parallel_loop3A_853] : memref<16xf32, #tpu.memory_space<vmem>>[vector<16xi32>], vector<16xf32>,
      %parallel_loop3A_855 = arith.constant 6000 : i32
      %parallel_loop3A_856 = arith.addi %parallel_loop3A_855, %parallel_loop3A_788 : i32
      %parallel_loop3A_857 = arith.index_cast %parallel_loop3A_856 : i32 to index
      %parallel_loop3A_858 = tpu.vector_load %arg9[%parallel_loop3A_857] {strides = array<i32>} : memref<8000xf32, #tpu.memory_space<vmem>>, vector<16xf32>,
      %parallel_loop3A_859 = arith.mulf %parallel_loop3A_858, %parallel_loop3A_858 : vector<16xf32>
      %parallel_loop3A_860 = arith.mulf %parallel_loop3A_859, %parallel_loop3A_859 : vector<16xf32>
      %parallel_loop3A_861 = arith.mulf %parallel_loop3A_860, %parallel_loop3A_859 : vector<16xf32>
      %parallel_loop3A_862 = arith.addf %parallel_loop3A_861, %parallel_loop3A_854 : vector<16xf32>
      %parallel_loop3A_863 = arith.constant 6000 : i32
      %parallel_loop3A_864 = arith.addi %parallel_loop3A_863, %parallel_loop3A_788 : i32
      %parallel_loop3A_865 = arith.index_cast %parallel_loop3A_864 : i32 to index
      %parallel_loop3A_866 = tpu.vector_load %arg11[%parallel_loop3A_865] {strides = array<i32>} : memref<8000xf32, #tpu.memory_space<vmem>>, vector<16xf32>,
      tpu.vector_store %arg11[%parallel_loop3A_865], %parallel_loop3A_862 {strides = array<i32>} : memref<8000xf32, #tpu.memory_space<vmem>>, vector<16xf32>,
    } {sc.loop_unroll_factor = 4 : i64, sc.parallel_access}
    %mul3A_677 = arith.constant 50000 : i32
    %mul3A_678 = arith.muli %add3A, %mul3A_677 : i32
    %add3A_679 = arith.constant 48000 : i32
    %add3A_680 = arith.addi %mul3A_678, %add3A_679 : i32
    %multiple_of3A_681 = tpu.assume_multiple %add3A_680, 8 : i32
    %add3A_682 = arith.constant 0 : i32
    %add3A_683 = arith.addi %multiple_of3A_681, %add3A_682 : i32
    %add3A_684 = arith.constant 1600000 : i32
    %add3A_685 = arith.addi %multiple_of3A_681, %add3A_684 : i32
    %add3A_686 = arith.constant 3200000 : i32
    %add3A_687 = arith.addi %multiple_of3A_681, %add3A_686 : i32
    %add3A_688 = arith.constant 4800000 : i32
    %add3A_689 = arith.addi %multiple_of3A_681, %add3A_688 : i32
    %dma_start3A_690 = arith.constant 0 : i32
    %dma_start3A_691 = tpu.memref_slice %arg11[%dma_start3A_690] : memref<8000xf32, #tpu.memory_space<vmem>> -> memref<2000xf32, #tpu.memory_space<vmem>>
    %dma_start3A_692 = tpu.memref_slice %arg5[%add3A_683] : memref<6400000xf32, #tpu.memory_space<hbm>> -> memref<2000xf32, #tpu.memory_space<hbm>>
    %dma_start3A_693 = tpu.memref_slice %arg5[%add3A_683] : memref<6400000xf32, #tpu.memory_space<hbm>> -> memref<2000xf32, #tpu.memory_space<hbm>>
    %dma_start3A_694 = arith.constant 0 : i32
    %dma_start3A_695 = tpu.memref_slice %arg11[%dma_start3A_694] : memref<8000xf32, #tpu.memory_space<vmem>> -> memref<2000xf32, #tpu.memory_space<vmem>>
    tpu.enqueue_dma source(%dma_start3A_695 : memref<2000xf32, #tpu.memory_space<vmem>>) target(%dma_start3A_693 : memref<2000xf32, #tpu.memory_space<hbm>>) target_semaphore(%arg15 : memref<!tpu.dma_semaphore, #tpu.memory_space<semaphore_mem>>)
    %dma_start3A_696 = arith.constant 2000 : i32
    %dma_start3A_697 = tpu.memref_slice %arg11[%dma_start3A_696] : memref<8000xf32, #tpu.memory_space<vmem>> -> memref<2000xf32, #tpu.memory_space<vmem>>
    %dma_start3A_698 = tpu.memref_slice %arg5[%add3A_685] : memref<6400000xf32, #tpu.memory_space<hbm>> -> memref<2000xf32, #tpu.memory_space<hbm>>
    %dma_start3A_699 = tpu.memref_slice %arg5[%add3A_685] : memref<6400000xf32, #tpu.memory_space<hbm>> -> memref<2000xf32, #tpu.memory_space<hbm>>
    %dma_start3A_700 = arith.constant 2000 : i32
    %dma_start3A_701 = tpu.memref_slice %arg11[%dma_start3A_700] : memref<8000xf32, #tpu.memory_space<vmem>> -> memref<2000xf32, #tpu.memory_space<vmem>>
    tpu.enqueue_dma source(%dma_start3A_701 : memref<2000xf32, #tpu.memory_space<vmem>>) target(%dma_start3A_699 : memref<2000xf32, #tpu.memory_space<hbm>>) target_semaphore(%arg15 : memref<!tpu.dma_semaphore, #tpu.memory_space<semaphore_mem>>)
    %dma_start3A_702 = arith.constant 4000 : i32
    %dma_start3A_703 = tpu.memref_slice %arg11[%dma_start3A_702] : memref<8000xf32, #tpu.memory_space<vmem>> -> memref<2000xf32, #tpu.memory_space<vmem>>
    %dma_start3A_704 = tpu.memref_slice %arg5[%add3A_687] : memref<6400000xf32, #tpu.memory_space<hbm>> -> memref<2000xf32, #tpu.memory_space<hbm>>
    %dma_start3A_705 = tpu.memref_slice %arg5[%add3A_687] : memref<6400000xf32, #tpu.memory_space<hbm>> -> memref<2000xf32, #tpu.memory_space<hbm>>
    %dma_start3A_706 = arith.constant 4000 : i32
    %dma_start3A_707 = tpu.memref_slice %arg11[%dma_start3A_706] : memref<8000xf32, #tpu.memory_space<vmem>> -> memref<2000xf32, #tpu.memory_space<vmem>>
    tpu.enqueue_dma source(%dma_start3A_707 : memref<2000xf32, #tpu.memory_space<vmem>>) target(%dma_start3A_705 : memref<2000xf32, #tpu.memory_space<hbm>>) target_semaphore(%arg15 : memref<!tpu.dma_semaphore, #tpu.memory_space<semaphore_mem>>)
    %dma_start3A_708 = arith.constant 6000 : i32
    %dma_start3A_709 = tpu.memref_slice %arg11[%dma_start3A_708] : memref<8000xf32, #tpu.memory_space<vmem>> -> memref<2000xf32, #tpu.memory_space<vmem>>
    %dma_start3A_710 = tpu.memref_slice %arg5[%add3A_689] : memref<6400000xf32, #tpu.memory_space<hbm>> -> memref<2000xf32, #tpu.memory_space<hbm>>
    %dma_start3A_711 = tpu.memref_slice %arg5[%add3A_689] : memref<6400000xf32, #tpu.memory_space<hbm>> -> memref<2000xf32, #tpu.memory_space<hbm>>
    %dma_start3A_712 = arith.constant 6000 : i32
    %dma_start3A_713 = tpu.memref_slice %arg11[%dma_start3A_712] : memref<8000xf32, #tpu.memory_space<vmem>> -> memref<2000xf32, #tpu.memory_space<vmem>>
    tpu.enqueue_dma source(%dma_start3A_713 : memref<2000xf32, #tpu.memory_space<vmem>>) target(%dma_start3A_711 : memref<2000xf32, #tpu.memory_space<hbm>>) target_semaphore(%arg15 : memref<!tpu.dma_semaphore, #tpu.memory_space<semaphore_mem>>)
    %mul3A_714 = arith.constant 50000 : i32
    %mul3A_715 = arith.muli %add3A, %mul3A_714 : i32
    %add3A_716 = arith.constant 46000 : i32
    %add3A_717 = arith.addi %mul3A_715, %add3A_716 : i32
    %multiple_of3A_718 = tpu.assume_multiple %add3A_717, 8 : i32
    %add3A_719 = arith.constant 0 : i32
    %add3A_720 = arith.addi %multiple_of3A_718, %add3A_719 : i32
    %add3A_721 = arith.constant 1600000 : i32
    %add3A_722 = arith.addi %multiple_of3A_718, %add3A_721 : i32
    %add3A_723 = arith.constant 3200000 : i32
    %add3A_724 = arith.addi %multiple_of3A_718, %add3A_723 : i32
    %add3A_725 = arith.constant 4800000 : i32
    %add3A_726 = arith.addi %multiple_of3A_718, %add3A_725 : i32
    %dma_wait3A_727 = arith.constant 0 : i32
    %dma_wait3A_728 = tpu.memref_slice %arg12[%dma_wait3A_727] : memref<8000xf32, #tpu.memory_space<vmem>> -> memref<2000xf32, #tpu.memory_space<vmem>>
    %dma_wait3A_729 = tpu.memref_slice %arg5[%add3A_720] : memref<6400000xf32, #tpu.memory_space<hbm>> -> memref<2000xf32, #tpu.memory_space<hbm>>
    %dma_wait3A_730 = tpu.memref_slice %arg5[%add3A_720] : memref<6400000xf32, #tpu.memory_space<hbm>> -> memref<2000xf32, #tpu.memory_space<hbm>>
    %dma_wait3A_731 = arith.constant 0 : i32
    %dma_wait3A_732 = tpu.memref_slice %arg12[%dma_wait3A_731] : memref<8000xf32, #tpu.memory_space<vmem>> -> memref<2000xf32, #tpu.memory_space<vmem>>
    tpu.wait_dma2 semaphore(%arg16 : memref<!tpu.dma_semaphore, #tpu.memory_space<semaphore_mem>>) src(%dma_wait3A_732 : memref<2000xf32, #tpu.memory_space<vmem>>) dst(%dma_wait3A_730 : memref<2000xf32, #tpu.memory_space<hbm>>)
    %dma_wait3A_733 = arith.constant 2000 : i32
    %dma_wait3A_734 = tpu.memref_slice %arg12[%dma_wait3A_733] : memref<8000xf32, #tpu.memory_space<vmem>> -> memref<2000xf32, #tpu.memory_space<vmem>>
    %dma_wait3A_735 = tpu.memref_slice %arg5[%add3A_722] : memref<6400000xf32, #tpu.memory_space<hbm>> -> memref<2000xf32, #tpu.memory_space<hbm>>
    %dma_wait3A_736 = tpu.memref_slice %arg5[%add3A_722] : memref<6400000xf32, #tpu.memory_space<hbm>> -> memref<2000xf32, #tpu.memory_space<hbm>>
    %dma_wait3A_737 = arith.constant 2000 : i32
    %dma_wait3A_738 = tpu.memref_slice %arg12[%dma_wait3A_737] : memref<8000xf32, #tpu.memory_space<vmem>> -> memref<2000xf32, #tpu.memory_space<vmem>>
    tpu.wait_dma2 semaphore(%arg16 : memref<!tpu.dma_semaphore, #tpu.memory_space<semaphore_mem>>) src(%dma_wait3A_738 : memref<2000xf32, #tpu.memory_space<vmem>>) dst(%dma_wait3A_736 : memref<2000xf32, #tpu.memory_space<hbm>>)
    %dma_wait3A_739 = arith.constant 4000 : i32
    %dma_wait3A_740 = tpu.memref_slice %arg12[%dma_wait3A_739] : memref<8000xf32, #tpu.memory_space<vmem>> -> memref<2000xf32, #tpu.memory_space<vmem>>
    %dma_wait3A_741 = tpu.memref_slice %arg5[%add3A_724] : memref<6400000xf32, #tpu.memory_space<hbm>> -> memref<2000xf32, #tpu.memory_space<hbm>>
    %dma_wait3A_742 = tpu.memref_slice %arg5[%add3A_724] : memref<6400000xf32, #tpu.memory_space<hbm>> -> memref<2000xf32, #tpu.memory_space<hbm>>
    %dma_wait3A_743 = arith.constant 4000 : i32
    %dma_wait3A_744 = tpu.memref_slice %arg12[%dma_wait3A_743] : memref<8000xf32, #tpu.memory_space<vmem>> -> memref<2000xf32, #tpu.memory_space<vmem>>
    tpu.wait_dma2 semaphore(%arg16 : memref<!tpu.dma_semaphore, #tpu.memory_space<semaphore_mem>>) src(%dma_wait3A_744 : memref<2000xf32, #tpu.memory_space<vmem>>) dst(%dma_wait3A_742 : memref<2000xf32, #tpu.memory_space<hbm>>)
    %dma_wait3A_745 = arith.constant 6000 : i32
    %dma_wait3A_746 = tpu.memref_slice %arg12[%dma_wait3A_745] : memref<8000xf32, #tpu.memory_space<vmem>> -> memref<2000xf32, #tpu.memory_space<vmem>>
    %dma_wait3A_747 = tpu.memref_slice %arg5[%add3A_726] : memref<6400000xf32, #tpu.memory_space<hbm>> -> memref<2000xf32, #tpu.memory_space<hbm>>
    %dma_wait3A_748 = tpu.memref_slice %arg5[%add3A_726] : memref<6400000xf32, #tpu.memory_space<hbm>> -> memref<2000xf32, #tpu.memory_space<hbm>>
    %dma_wait3A_749 = arith.constant 6000 : i32
    %dma_wait3A_750 = tpu.memref_slice %arg12[%dma_wait3A_749] : memref<8000xf32, #tpu.memory_space<vmem>> -> memref<2000xf32, #tpu.memory_space<vmem>>
    tpu.wait_dma2 semaphore(%arg16 : memref<!tpu.dma_semaphore, #tpu.memory_space<semaphore_mem>>) src(%dma_wait3A_750 : memref<2000xf32, #tpu.memory_space<vmem>>) dst(%dma_wait3A_748 : memref<2000xf32, #tpu.memory_space<hbm>>)
    %mul3A_751 = arith.constant 50000 : i32
    %mul3A_752 = arith.muli %add3A, %mul3A_751 : i32
    %add3A_753 = arith.constant 48000 : i32
    %add3A_754 = arith.addi %mul3A_752, %add3A_753 : i32
    %multiple_of3A_755 = tpu.assume_multiple %add3A_754, 8 : i32
    %add3A_756 = arith.constant 0 : i32
    %add3A_757 = arith.addi %multiple_of3A_755, %add3A_756 : i32
    %add3A_758 = arith.constant 1600000 : i32
    %add3A_759 = arith.addi %multiple_of3A_755, %add3A_758 : i32
    %add3A_760 = arith.constant 3200000 : i32
    %add3A_761 = arith.addi %multiple_of3A_755, %add3A_760 : i32
    %add3A_762 = arith.constant 4800000 : i32
    %add3A_763 = arith.addi %multiple_of3A_755, %add3A_762 : i32
    %dma_wait3A_764 = arith.constant 0 : i32
    %dma_wait3A_765 = tpu.memref_slice %arg11[%dma_wait3A_764] : memref<8000xf32, #tpu.memory_space<vmem>> -> memref<2000xf32, #tpu.memory_space<vmem>>
    %dma_wait3A_766 = tpu.memref_slice %arg5[%add3A_757] : memref<6400000xf32, #tpu.memory_space<hbm>> -> memref<2000xf32, #tpu.memory_space<hbm>>
    %dma_wait3A_767 = tpu.memref_slice %arg5[%add3A_757] : memref<6400000xf32, #tpu.memory_space<hbm>> -> memref<2000xf32, #tpu.memory_space<hbm>>
    %dma_wait3A_768 = arith.constant 0 : i32
    %dma_wait3A_769 = tpu.memref_slice %arg11[%dma_wait3A_768] : memref<8000xf32, #tpu.memory_space<vmem>> -> memref<2000xf32, #tpu.memory_space<vmem>>
    tpu.wait_dma2 semaphore(%arg15 : memref<!tpu.dma_semaphore, #tpu.memory_space<semaphore_mem>>) src(%dma_wait3A_769 : memref<2000xf32, #tpu.memory_space<vmem>>) dst(%dma_wait3A_767 : memref<2000xf32, #tpu.memory_space<hbm>>)
    %dma_wait3A_770 = arith.constant 2000 : i32
    %dma_wait3A_771 = tpu.memref_slice %arg11[%dma_wait3A_770] : memref<8000xf32, #tpu.memory_space<vmem>> -> memref<2000xf32, #tpu.memory_space<vmem>>
    %dma_wait3A_772 = tpu.memref_slice %arg5[%add3A_759] : memref<6400000xf32, #tpu.memory_space<hbm>> -> memref<2000xf32, #tpu.memory_space<hbm>>
    %dma_wait3A_773 = tpu.memref_slice %arg5[%add3A_759] : memref<6400000xf32, #tpu.memory_space<hbm>> -> memref<2000xf32, #tpu.memory_space<hbm>>
    %dma_wait3A_774 = arith.constant 2000 : i32
    %dma_wait3A_775 = tpu.memref_slice %arg11[%dma_wait3A_774] : memref<8000xf32, #tpu.memory_space<vmem>> -> memref<2000xf32, #tpu.memory_space<vmem>>
    tpu.wait_dma2 semaphore(%arg15 : memref<!tpu.dma_semaphore, #tpu.memory_space<semaphore_mem>>) src(%dma_wait3A_775 : memref<2000xf32, #tpu.memory_space<vmem>>) dst(%dma_wait3A_773 : memref<2000xf32, #tpu.memory_space<hbm>>)
    %dma_wait3A_776 = arith.constant 4000 : i32
    %dma_wait3A_777 = tpu.memref_slice %arg11[%dma_wait3A_776] : memref<8000xf32, #tpu.memory_space<vmem>> -> memref<2000xf32, #tpu.memory_space<vmem>>
    %dma_wait3A_778 = tpu.memref_slice %arg5[%add3A_761] : memref<6400000xf32, #tpu.memory_space<hbm>> -> memref<2000xf32, #tpu.memory_space<hbm>>
    %dma_wait3A_779 = tpu.memref_slice %arg5[%add3A_761] : memref<6400000xf32, #tpu.memory_space<hbm>> -> memref<2000xf32, #tpu.memory_space<hbm>>
    %dma_wait3A_780 = arith.constant 4000 : i32
    %dma_wait3A_781 = tpu.memref_slice %arg11[%dma_wait3A_780] : memref<8000xf32, #tpu.memory_space<vmem>> -> memref<2000xf32, #tpu.memory_space<vmem>>
    tpu.wait_dma2 semaphore(%arg15 : memref<!tpu.dma_semaphore, #tpu.memory_space<semaphore_mem>>) src(%dma_wait3A_781 : memref<2000xf32, #tpu.memory_space<vmem>>) dst(%dma_wait3A_779 : memref<2000xf32, #tpu.memory_space<hbm>>)
    %dma_wait3A_782 = arith.constant 6000 : i32
    %dma_wait3A_783 = tpu.memref_slice %arg11[%dma_wait3A_782] : memref<8000xf32, #tpu.memory_space<vmem>> -> memref<2000xf32, #tpu.memory_space<vmem>>
    %dma_wait3A_784 = tpu.memref_slice %arg5[%add3A_763] : memref<6400000xf32, #tpu.memory_space<hbm>> -> memref<2000xf32, #tpu.memory_space<hbm>>
    %dma_wait3A_785 = tpu.memref_slice %arg5[%add3A_763] : memref<6400000xf32, #tpu.memory_space<hbm>> -> memref<2000xf32, #tpu.memory_space<hbm>>
    %dma_wait3A_786 = arith.constant 6000 : i32
    %dma_wait3A_787 = tpu.memref_slice %arg11[%dma_wait3A_786] : memref<8000xf32, #tpu.memory_space<vmem>> -> memref<2000xf32, #tpu.memory_space<vmem>>
    tpu.wait_dma2 semaphore(%arg15 : memref<!tpu.dma_semaphore, #tpu.memory_space<semaphore_mem>>) src(%dma_wait3A_787 : memref<2000xf32, #tpu.memory_space<vmem>>) dst(%dma_wait3A_785 : memref<2000xf32, #tpu.memory_space<hbm>>)
    return
  }
}

module attributes {stable_mosaic.version = 14 : i64} {
  func.func @_pack_body(%arg0: i32, %arg1: memref<2x64000xi32, #tpu.memory_space<vmem>>, %arg2: memref<2x64000xi32, #tpu.memory_space<vmem>>, %arg3: memref<2x64000xi32, #tpu.memory_space<vmem>>, %arg4: memref<2x64000xi32, #tpu.memory_space<vmem>>, %arg5: memref<1600000xi32, #tpu.memory_space<vmem>>) attributes {dimension_semantics = [#tpu.dimension_semantics<arbitrary>], iteration_bounds = array<i64: 25>, scalar_prefetch = 0 : i64, scratch_operands = 0 : i64, tpu.core_type = #tpu.core_type<tc>, window_params = [{transform_indices = @transform_0, window_bounds = array<i64: 2, 64000>}, {transform_indices = @transform_1, window_bounds = array<i64: 2, 64000>}, {transform_indices = @transform_2, window_bounds = array<i64: 2, 64000>}, {transform_indices = @transform_3, window_bounds = array<i64: 2, 64000>}, {pipeline_mode = #tpu.pipeline_mode<synchronous>, transform_indices = @transform_4, window_bounds = array<i64: 1600000>}]} {
    %get3A = arith.constant 0 : index
    %get3A_0 = arith.constant 0 : index
    %get3A_1 = vector.load %arg1[%get3A, %get3A_0] : memref<2x64000xi32, #tpu.memory_space<vmem>>, vector<1x64000xi32>
    %get3A_2 = vector.shape_cast %get3A_1 : vector<1x64000xi32> to vector<64000xi32>
    %get3A_3 = arith.constant 1 : index
    %get3A_4 = arith.constant 0 : index
    %get3A_5 = vector.load %arg1[%get3A_3, %get3A_4] : memref<2x64000xi32, #tpu.memory_space<vmem>>, vector<1x64000xi32>
    %get3A_6 = vector.shape_cast %get3A_5 : vector<1x64000xi32> to vector<64000xi32>
    %shift_left3A = arith.constant 2 : i32
    %shift_left3A_7 = vector.broadcast %shift_left3A : i32 to vector<64000xi32>
    %shift_left3A_8 = arith.shli %get3A_6, %shift_left3A_7 : vector<64000xi32>
    %or3A = arith.ori %get3A_2, %shift_left3A_8 : vector<64000xi32>
    %get3A_9 = arith.constant 0 : index
    %get3A_10 = arith.constant 0 : index
    %get3A_11 = vector.load %arg2[%get3A_9, %get3A_10] : memref<2x64000xi32, #tpu.memory_space<vmem>>, vector<1x64000xi32>
    %get3A_12 = vector.shape_cast %get3A_11 : vector<1x64000xi32> to vector<64000xi32>
    %get3A_13 = arith.constant 1 : index
    %get3A_14 = arith.constant 0 : index
    %get3A_15 = vector.load %arg2[%get3A_13, %get3A_14] : memref<2x64000xi32, #tpu.memory_space<vmem>>, vector<1x64000xi32>
    %get3A_16 = vector.shape_cast %get3A_15 : vector<1x64000xi32> to vector<64000xi32>
    %shift_left3A_17 = arith.constant 2 : i32
    %shift_left3A_18 = vector.broadcast %shift_left3A_17 : i32 to vector<64000xi32>
    %shift_left3A_19 = arith.shli %get3A_16, %shift_left3A_18 : vector<64000xi32>
    %or3A_20 = arith.ori %get3A_12, %shift_left3A_19 : vector<64000xi32>
    %shift_left3A_21 = arith.constant 8 : i32
    %shift_left3A_22 = vector.broadcast %shift_left3A_21 : i32 to vector<64000xi32>
    %shift_left3A_23 = arith.shli %or3A_20, %shift_left3A_22 : vector<64000xi32>
    %or3A_24 = arith.ori %or3A, %shift_left3A_23 : vector<64000xi32>
    %get3A_25 = arith.constant 0 : index
    %get3A_26 = arith.constant 0 : index
    %get3A_27 = vector.load %arg3[%get3A_25, %get3A_26] : memref<2x64000xi32, #tpu.memory_space<vmem>>, vector<1x64000xi32>
    %get3A_28 = vector.shape_cast %get3A_27 : vector<1x64000xi32> to vector<64000xi32>
    %get3A_29 = arith.constant 1 : index
    %get3A_30 = arith.constant 0 : index
    %get3A_31 = vector.load %arg3[%get3A_29, %get3A_30] : memref<2x64000xi32, #tpu.memory_space<vmem>>, vector<1x64000xi32>
    %get3A_32 = vector.shape_cast %get3A_31 : vector<1x64000xi32> to vector<64000xi32>
    %shift_left3A_33 = arith.constant 2 : i32
    %shift_left3A_34 = vector.broadcast %shift_left3A_33 : i32 to vector<64000xi32>
    %shift_left3A_35 = arith.shli %get3A_32, %shift_left3A_34 : vector<64000xi32>
    %or3A_36 = arith.ori %get3A_28, %shift_left3A_35 : vector<64000xi32>
    %shift_left3A_37 = arith.constant 16 : i32
    %shift_left3A_38 = vector.broadcast %shift_left3A_37 : i32 to vector<64000xi32>
    %shift_left3A_39 = arith.shli %or3A_36, %shift_left3A_38 : vector<64000xi32>
    %or3A_40 = arith.ori %or3A_24, %shift_left3A_39 : vector<64000xi32>
    %get3A_41 = arith.constant 0 : index
    %get3A_42 = arith.constant 0 : index
    %get3A_43 = vector.load %arg4[%get3A_41, %get3A_42] : memref<2x64000xi32, #tpu.memory_space<vmem>>, vector<1x64000xi32>
    %get3A_44 = vector.shape_cast %get3A_43 : vector<1x64000xi32> to vector<64000xi32>
    %get3A_45 = arith.constant 1 : index
    %get3A_46 = arith.constant 0 : index
    %get3A_47 = vector.load %arg4[%get3A_45, %get3A_46] : memref<2x64000xi32, #tpu.memory_space<vmem>>, vector<1x64000xi32>
    %get3A_48 = vector.shape_cast %get3A_47 : vector<1x64000xi32> to vector<64000xi32>
    %shift_left3A_49 = arith.constant 2 : i32
    %shift_left3A_50 = vector.broadcast %shift_left3A_49 : i32 to vector<64000xi32>
    %shift_left3A_51 = arith.shli %get3A_48, %shift_left3A_50 : vector<64000xi32>
    %or3A_52 = arith.ori %get3A_44, %shift_left3A_51 : vector<64000xi32>
    %shift_left3A_53 = arith.constant 24 : i32
    %shift_left3A_54 = vector.broadcast %shift_left3A_53 : i32 to vector<64000xi32>
    %shift_left3A_55 = arith.shli %or3A_52, %shift_left3A_54 : vector<64000xi32>
    %or3A_56 = arith.ori %or3A_40, %shift_left3A_55 : vector<64000xi32>
    %mul3A = arith.constant 64000 : i32
    %mul3A_57 = arith.muli %arg0, %mul3A : i32
    %swap3A = arith.index_cast %mul3A_57 : i32 to index
    %swap3A_58 = vector.load %arg5[%swap3A] : memref<1600000xi32, #tpu.memory_space<vmem>>, vector<64000xi32>
    tpu.vector_store %arg5[%swap3A], %or3A_56 {strides = array<i32>} : memref<1600000xi32, #tpu.memory_space<vmem>>, vector<64000xi32>,
    return
  }
  func.func @transform_0(%arg0: i32) -> (i32, i32) {
    %add3A = arith.constant 0 : i32
    %add3A_0 = arith.addi %add3A, %arg0 : i32
    %c0_i32 = arith.constant 0 : i32
    %c0_i32_1 = arith.constant 0 : i32
    return %c0_i32, %add3A_0 : i32, i32
  }
  func.func @transform_1(%arg0: i32) -> (i32, i32) {
    %add3A = arith.constant 25 : i32
    %add3A_0 = arith.addi %add3A, %arg0 : i32
    %c0_i32 = arith.constant 0 : i32
    %c0_i32_1 = arith.constant 0 : i32
    return %c0_i32, %add3A_0 : i32, i32
  }
  func.func @transform_2(%arg0: i32) -> (i32, i32) {
    %add3A = arith.constant 50 : i32
    %add3A_0 = arith.addi %add3A, %arg0 : i32
    %c0_i32 = arith.constant 0 : i32
    %c0_i32_1 = arith.constant 0 : i32
    return %c0_i32, %add3A_0 : i32, i32
  }
  func.func @transform_3(%arg0: i32) -> (i32, i32) {
    %add3A = arith.constant 75 : i32
    %add3A_0 = arith.addi %add3A, %arg0 : i32
    %c0_i32 = arith.constant 0 : i32
    %c0_i32_1 = arith.constant 0 : i32
    return %c0_i32, %add3A_0 : i32, i32
  }
  func.func @transform_4(%arg0: i32) -> i32 {
    %c0_i32 = arith.constant 0 : i32
    %c0_i32_0 = arith.constant 0 : i32
    return %c0_i32 : i32
  }
}

</mosaic_0001>

<sc_bundles>
// kernel: kernel.4.cloned.1.call-start
scs
__scs_entry_jumppad:
0x0: {  	(pc) =	sbr.rel $0x88, $3  }
0x1: {  	(tag) =	ssettag $0x0;
	lr =	simm.s32 $0x1  }
0x2: {  	[smem:$0x3F9E] =	sst lr;
	_ =	strace $0xD0000000  }
0x3: {  	_ = 	snop  }
0x4: {  	_ = 	snop  }
0x5: {  	_ = 	snop  }
0x6: {  	_ = 	snop  }
0x7: {  	_ = 	snop  }
__scs_overlays_trampoline_lowered:
0x8: {  	[smem:$0x3FAD] =	sst s0  }
0x9: {  	[smem:$0x3FAE] =	sst s1  }
0xa: {  	[smem:$0x3FAF] =	sst s2  }
0xb: {  	[smem:$0x3FB0] =	sst s3  }
0xc: {  	[smem:$0x3FB1] =	sst s4  }
0xd: {  	[smem:$0x3FB2] =	sst s5  }
0xe: {  	[smem:$0x3FB3] =	sst s6  }
0xf: {  	[smem:$0x3FB4] =	sst s7  }
0x10: {  	[smem:$0x3FB5] =	sst s8  }
0x11: {  	[smem:$0x3FB6] =	sst s9;
	s0 =	simm.s32 @!p0 $0x0  }
0x12: {  	s1 =	sld [smem:$0x3F9C];
	s0 =	simm.s32 @p0 $0x1  }
0x13: {  	[smem:$0x3FB7] =	sst s0;
	s0 =	simm.s32 @!p1 $0x0  }
0x14: {  	s2 =	sld [smem:$0x3F9B];
	s0 =	simm.s32 @p1 $0x1  }
0x15: {  	[smem:$0x3FB8] =	sst s0;
	s0 =	simm.s32 @!p2 $0x0  }
0x16: {  	s3 =	sld [smem:$0x3FDB];
	s0 =	simm.s32 @p2 $0x1  }
0x17: {  	s4 =	simm.s32 $0x1BF5;
	[smem:$0x3FBA] =	sst s0  }
0x18: {  	s0 =	sld [smem:$0x3F9D];
	_ =	swait.ge [sflag:s4], $0x0  }
0x19: {  	s7 =	sld [smem:$0x3F9E]  }
0x1a: {  	s8 =	sadd.s32 $0xFFFFE003, lr  }
0x1b: {  	s9 =	sadd.s32 $0xFFFFFEF7, lr;
	s5 =	simm.s32 $0xFFFFFFFF;
	p2 =	slt.u32 s8, $0xFFFFF086  }
0x1c: {  	p1 =	slt.u32 s9, $0xF7A;
	s5 =	simm.s32 @!p2 $0x0  }
0x1d: {  	s5 =	simm.s32 @p1 $0x1;
	p0 =	seq.s32 s7, s2  }
0x1e: {  	s7 =	smul.u32 @!p0 $0xF7A, s2;
	p2 =	seq.s32 @!p0 s5, $0x0  }
0x1f: {  	s9 =	smul.u32 $0xF7A, s1;
	s8 =	simm.s32 @!p0 $0x1BF5;
	p2 =	por !p2, p0  }
0x20: {  	[sflag:s8] =	ssyncset.s32 @!p0 $0xFFFFF086;
	s6 =	sadd.s32 @!p0 s3, s7;
	s7 =	simm.s32 @!p0 $0x108  }
0x21: {  	s3 =	sadd.s32 s3, s9;
	s6 =	sadd.s32 @!p0 $0x88, s6;
	s7 =	simm.s32 @p2 $0x1082  }
0x22: {  	[simem:s7], [sflag:s8] =	dma.local @!p0 [hbm:s6], $0xF7A  }
0x23: {  	s9 =	sor.u32 $0xD0000000, s2;
	s6 =	simm.s32 $0x108;
	_ =	swait.ge @!p0 [sflag:s8], $0x0  }
0x24: {  	s3 =	sadd.s32 $0x88, s3;
	s6 =	simm.s32 @!p1 $0x1082;
	[sflag:s4] =	ssyncset.s32 $0xFFFFF086  }
0x25: {  	[simem:s6], [sflag:s4] =	dma.local [hbm:s3], $0xF7A  }
0x26: {  	[smem:$0x3F9E] =	sst s1;
	(tag) =	ssettag s2;
	_ =	strace s9  }
0x27: {  	s1 =	sld [smem:$0x3FAE]  }
0x28: {  	s2 =	sld [smem:$0x3FAF]  }
0x29: {  	s4 =	sld [smem:$0x3FB1]  }
0x2a: {  	p0 =	seq.s32 s5, $0x0;
	s5 =	sld [smem:$0x3FB2]  }
0x2b: {  	s6 =	sld [smem:$0x3FB3]  }
0x2c: {  	s7 =	sld [smem:$0x3FB4]  }
0x2d: {  	s3 =	simm.s32 $0x108;
	s8 =	sld [smem:$0x3FB5]  }
0x2e: {  	s3 =	simm.s32 @!p0 $0x1082;
	s9 =	sld [smem:$0x3FB6]  }
0x2f: {  	lr =	sadd.s32 s0, s3;
	s0 =	sld [smem:$0x3FAD]  }
0x30: {  	s3 =	sld [smem:$0x3FB0]  }
0x31: {  	[smem:$0x3FB9] =	sst s10  }
0x32: {  	s10 =	sld [smem:$0x3FB7];
	_ =	sdelay $0x3  }
0x33: {  	p0 =	seq.s32 s10, $0x1;
	s10 =	sld [smem:$0x3FB9];
	_ =	sdelay $0x3  }
0x34: {  	[smem:$0x3FB9] =	sst s10  }
0x35: {  	s10 =	sld [smem:$0x3FB8];
	_ =	sdelay $0x3  }
0x36: {  	p1 =	seq.s32 s10, $0x1;
	s10 =	sld [smem:$0x3FB9];
	_ =	sdelay $0x3  }
0x37: {  	[smem:$0x3FB9] =	sst s10  }
0x38: {  	s10 =	sld [smem:$0x3FBA]  }
0x39: {  	_ = 	snop;
	(pc) =	sbr.ind lr, $3  }
0x3a: {  	_ = 	snop  }
0x3b: {  	_ = 	snop  }
0x3c: {  	p2 =	seq.s32 s10, $0x1;
	s10 =	sld [smem:$0x3FB9]  }
0x3d: {  	_ =	shalt  }
0x3e: {  	_ =	shalt  }
0x3f: {  	_ =	shalt  }
0x40: {  	_ =	shalt  }
0x41: {  	_ =	shalt  }
0x42: {  	_ =	shalt  }
0x43: {  	_ =	shalt  }
0x44: {  	_ =	shalt  }
0x45: {  	_ =	shalt  }
0x46: {  	_ =	shalt  }
0x47: {  	_ =	shalt  }
0x48: {  	_ =	shalt  }
0x49: {  	_ =	shalt  }
0x4a: {  	_ =	shalt  }
0x4b: {  	_ =	shalt  }
0x4c: {  	_ =	shalt  }
0x4d: {  	_ =	shalt  }
0x4e: {  	_ =	shalt  }
0x4f: {  	_ =	shalt  }
0x50: {  	_ =	shalt  }
0x51: {  	_ =	shalt  }
0x52: {  	_ =	shalt  }
0x53: {  	_ =	shalt  }
0x54: {  	_ =	shalt  }
0x55: {  	_ =	shalt  }
0x56: {  	_ =	shalt  }
0x57: {  	_ =	shalt  }
0x58: {  	_ =	shalt  }
0x59: {  	_ =	shalt  }
0x5a: {  	_ =	shalt  }
0x5b: {  	_ =	shalt  }
0x5c: {  	_ =	shalt  }
0x5d: {  	_ =	shalt  }
0x5e: {  	_ =	shalt  }
0x5f: {  	_ =	shalt  }
0x60: {  	_ =	shalt  }
0x61: {  	_ =	shalt  }
0x62: {  	_ =	shalt  }
0x63: {  	_ =	shalt  }
0x64: {  	_ =	shalt  }
0x65: {  	_ =	shalt  }
0x66: {  	_ =	shalt  }
0x67: {  	_ =	shalt  }
0x68: {  	_ =	shalt  }
0x69: {  	_ =	shalt  }
0x6a: {  	_ =	shalt  }
0x6b: {  	_ =	shalt  }
0x6c: {  	_ =	shalt  }
0x6d: {  	_ =	shalt  }
0x6e: {  	_ =	shalt  }
0x6f: {  	_ =	shalt  }
0x70: {  	_ =	shalt  }
0x71: {  	_ =	shalt  }
0x72: {  	_ =	shalt  }
0x73: {  	_ =	shalt  }
0x74: {  	_ =	shalt  }
0x75: {  	_ =	shalt  }
0x76: {  	_ =	shalt  }
0x77: {  	_ =	shalt  }
0x78: {  	_ =	shalt  }
0x79: {  	_ =	shalt  }
0x7a: {  	_ =	shalt  }
0x7b: {  	_ =	shalt  }
0x7c: {  	_ =	shalt  }
0x7d: {  	_ =	shalt  }
0x7e: {  	_ =	shalt  }
0x7f: {  	_ =	shalt  }
0x80: {  	_ =	shalt  }
0x81: {  	_ =	shalt  }
0x82: {  	_ =	shalt  }
0x83: {  	_ =	shalt  }
0x84: {  	_ =	shalt  }
0x85: {  	_ =	shalt  }
0x86: {  	_ =	shalt  }
0x87: {  	_ =	shalt  }
.Lfunc_end0:
.L_simem_size_0:
called_computation_lowered:
.L_overlay_start_0:
0x88: {  	s2 =	sld [smem:$0x3FD9]  }
0x89: {  	s3 =	sld [smem:$0x3FFE];
	_ =	sdelay $0x1  }
0x8a: {  	s1 =	srdreg.scid  }
0x8b: {  	s0 =	sand.u32 $0x1, s1  }
0x8c: {  	s17 =	sshll.u32 s0, $0xA;
	s2 =	sadd.s32 s3, s2  }
0x8d: {  	s2 =	sadd.s32 s2, s17  }
0x8e: {  	[smem:$0x3FC5] =	sst s2  }
0x8f: {  	_ = 	snop  }
0x90: {  	s2 =	sld [smem:$0x3FC8]  }
0x91: {  	s18 =	sld [smem:$0x3FD0];
	(tm) =	ssettm $0x1  }
0x92: {  	s4 =	sld [smem:$0x3FFB];
	_ =	sdelay $0x3  }
0x93: {  	_ =	strace s4  }
0x94: {  	s4 =	sld [smem:$0x3FFC];
	_ =	sdelay $0x3  }
0x95: {  	_ =	strace s4  }
0x96: {  	s4 =	sld [smem:$0x3FFD];
	_ =	sdelay $0x3  }
0x97: {  	_ =	strace s4  }
0x98: {  	_ =	strace $0x8FFFFFFF  }
0x99: {  	s19 =	sld [smem:$0x3FDB];
	_ =	sdelay $0x1  }
0x9a: {  	s5 =	simm.s32 $_scs_section_size  }
0x9b: {  	s6 =	simm.s32 $_size__tile_overlayer_lowered;
	s7 =	simm.s32 $_tile_overlayer_lowered  }
0x9c: {  	s22 =	simm.s32 $0x1BFF;
	s21 =	sshll.u32 s7, $0x1;
	s4 =	sadd.s32 s5, s19  }
0x9d: {  	s8 =	simm.s32 $0x0;
	s20 =	sshll.u32 s6, $0x1;
	s6 =	sadd.s32 s21, s4  }
0x9e: {  	[timem:s8], [sflag:s22] =	dma.local [hbm:s6], s20  }
0x9f: {  	_ =	swait.ge [sflag:s22], s20  }
0xa0: {  	s5 =	ssub.s32 $0x0, s20;
	[sflag:s22] =	ssyncset.done $0x0  }
0xa1: {  	[sflag:s22] =	ssyncadd.s32 s5;
	_ =	sdelay $0x1  }
0xa2: {  	s23 =	simm.s32 $0x1B8B  }
0xa3: {  	_ =	swait.ge [sflag:s23], $0x1  }
0xa4: {  	[sflag:s23] =	ssyncset.done $0x0  }
0xa5: {  	s25 =	simm.s32 $0x1B8E;
	s24 =	sld [smem:$0x3FFE];
	[sflag:s23] =	ssyncadd.s32 $0xFFFFFFFF  }
0xa6: {  	s26 =	simm.s32 $execute0_lowered;
	[smem:$0x3FD2] =	sst s25  }
0xa7: {  	s6 =	sshll.u32 s26, $0x1;
	_ =	strace $0x80000046;
	[dreg:$0x1] =	wrdreg $0xFFFFFFFF  }
0xa8: {  	s28 =	simm.s32 $_size_execute0_lowered;
	s4 =	sadd.s32 s4, s6;
	[dreg:$0x0] =	wrdreg $0x0  }
0xa9: {  	s6 =	sshll.u32 s28, $0x1;
	[dreg:$0x2] =	wrdreg s4  }
0xaa: {  	[dreg:$0x3] =	wrdreg s6  }
0xab: {  	[dreg:$0x4] =	wrdreg $0xC0  }
0xac: {  	_ =	task [dreg:s8], $0x5FFFF  }
0xad: {  	[dreg:$0x1] =	wrdreg $0xFFFFFFFF  }
0xae: {  	[dreg:$0x0] =	wrdreg $0x60  }
0xaf: {  	[dreg:$0x2] =	wrdreg s24  }
0xb0: {  	[dreg:$0x3] =	wrdreg s2  }
0xb1: {  	[dreg:$0x4] =	wrdreg s18  }
0xb2: {  	[dreg:$0x5] =	wrdreg $0x9  }
0xb3: {  	_ =	task.clear_ibuf [dreg:s8], $0x6FFFF;
	_ =	strace $0x90000046  }
0xb4: {  	s29 =	simm.s32 $0x9;
	_ =	strace $0x80000048  }
0xb5: {  	_ =	swait.ge [sflag:s29], $0x1  }
0xb6: {  	[sflag:s29] =	ssyncadd.s32 $0xFFFFFFFF  }
0xb7: {  	_ =	strace $0x90000048  }
0xb8: {  	_ =	sfence  }
0xb9: {  	s30 =	sld [smem:$0x0];
	_ =	sdelay $0x2  }
0xba: {  	s31 =	sshll.u32 s1, $0xD;
	s1 =	sshrl.u32 s1, $0x2  }
0xbb: {  	s3 =	sand.u32 $0x4000, s31;
	s1 =	sadd.s32 s1, s30  }
0xbc: {  	s0 =	sor.u32 s3, s0;
	s1 =	sshll.u32 s1, $0x11  }
0xbd: {  	s0 =	sor.u32 s1, s0  }
0xbe: {  	s0 =	sadd.s32 $0x8F2B, s0  }
0xbf: {  	[sflag:s0] =	ssyncadd.remote.s32 $0x1  }
0xc0: {  	_ =	sfence.sel $0xFFFF  }
0xc1: {  	[dreg:$0x0] =	wrdreg $0xFFFFFFFF;
	(pc) =	sbr.abs _section_cstart, $3  }
0xc2: {  	[dreg:$0x1] =	wrdreg $0xFFFFFFFF  }
0xc3: {  	_ =	task.clear_ibuf [dreg:s8], $0x2FFFF;
	_ =	strace $0x9FFFFFFF  }
0xc4: {  	(tm) =	ssettm $0x7FFFFFFF  }
0xc5: {  	_ =	shalt  }
tec
execute0_lowered:
.L_overlay_start_1:
0x0: {  	(tag) =	ssettag $0x1  }
0x1: {  	s0 =	rddreg [dreg:$0x0];
	s1 =	srdreg.scid  }
0x2: {  	s3 =	stileid.u32;
	s2 =	rddreg [dreg:$0x1]  }
0x3: {  	s1 =	sand.u32 $0x1, s1;
	s4 =	sshll.u32 s3, $0x1;
	s3 =	rddreg [dreg:$0x2]  }
0x4: {  	s6 =	sadd.s32 $0x800, s0;
	s5 =	sor.u32 s1, s4;
	s4 =	simm.s32 $0x0  }
0x5: {  	s1 =	ssub.s32 $0x2, s1;
	s5 =	smul.u32 $0xC350, s5;
	[smem:$0x7FF] =	sst s4  }
0x6: {  	s0 =	sadd.s32 $0x600, s0;
	s8 =	sshrl.u32 s1, $0x1;
	_ =	strace $0x80000047  }
0x7: {  	[dreg:$0x4] =	wrdreg s0;
	s0 =	ssub.s32 s1, s8;
	s7 =	sshrl.u32 s5, $0x3  }
0x8: {  	s9 =	sadd.s32 $0x7D0, s5;
	s0 =	smax.u32 s0, $0x1;
	s10 =	sadd.s32 $0x30D40, s7  }
0x9: {  	s17 =	sadd.s32 $0x61A80, s7;
	[smem:$0x7EF] =	sst s0;
	s16 =	sadd.s32 s2, s10  }
0xa: {  	s18 =	sadd.s32 $0x927C0, s7;
	s11 =	sadd.s32 s2, s17;
	[dreg:$0x5] =	wrdreg s16  }
0xb: {  	s20 =	sshrl.u32 s9, $0x3;
	s19 =	sadd.s32 s2, s18;
	[dreg:$0x6] =	wrdreg s11  }
0xc: {  	s12 =	sadd.s32 s6, s20;
	[dreg:$0x7] =	wrdreg s19  }
0xd: {  	s22 =	sadd.s32 $0x30E3A, s7;
	s21 =	sadd.s32 s2, s20;
	[dreg:$0x8] =	wrdreg s12  }
0xe: {  	s13 =	sadd.s32 s2, s22;
	[dreg:$0x9] =	wrdreg s21  }
0xf: {  	s10 =	sadd.s32 s3, s10;
	[dreg:$0xa] =	wrdreg s13  }
0x10: {  	s15 =	sadd.s32 $0xFA0, s5;
	s1 =	sadd.s32 s3, s17;
	[dreg:$0xb] =	wrdreg s10  }
0x11: {  	s24 =	sshrl.u32 s15, $0x3;
	s8 =	sadd.s32 s3, s18;
	[dreg:$0xc] =	wrdreg s1  }
0x12: {  	s25 =	sadd.s32 s6, s24;
	[dreg:$0xd] =	wrdreg s8  }
0x13: {  	s26 =	sadd.s32 s3, s20;
	[dreg:$0xe] =	wrdreg s25  }
0x14: {  	s31 =	sadd.s32 s3, s22;
	[dreg:$0x10] =	wrdreg s26  }
0x15: {  	s23 =	sadd.s32 $0x61B7A, s7;
	s1 =	sadd.s32 s2, s24;
	[dreg:$0x11] =	wrdreg s31  }
0x16: {  	s8 =	sadd.s32 s2, s23;
	[dreg:$0xf] =	wrdreg s1  }
0x17: {  	s10 =	sadd.s32 s3, s23;
	[dreg:$0x12] =	wrdreg s8  }
0x18: {  	s17 =	sadd.s32 $0x1770, s7;
	s16 =	sadd.s32 s6, s7;
	[dreg:$0x13] =	wrdreg s10  }
0x19: {  	s20 =	sadd.s32 s6, s17;
	[dreg:$0x18] =	wrdreg s16  }
0x1a: {  	s18 =	sadd.s32 $0x324B0, s7;
	s21 =	sadd.s32 s2, s17;
	[dreg:$0x1b] =	wrdreg s20  }
0x1b: {  	s22 =	sadd.s32 s2, s18;
	[dreg:$0x1c] =	wrdreg s21  }
0x1c: {  	s11 =	sadd.s32 $0x928BA, s7;
	s23 =	sadd.s32 s3, s18;
	[dreg:$0x1e] =	wrdreg s22  }
0x1d: {  	s12 =	sadd.s32 s2, s11;
	[dreg:$0x1f] =	wrdreg s23  }
0x1e: {  	s19 =	sadd.s32 $0x631F0, s7;
	s1 =	sadd.s32 s3, s11;
	[dreg:$0x14] =	wrdreg s12  }
0x1f: {  	s24 =	sadd.s32 s2, s19;
	[dreg:$0x15] =	wrdreg s1  }
0x20: {  	s25 =	sadd.s32 $0x1770, s5;
	s26 =	sadd.s32 s3, s19;
	[smem:$0x7EB] =	sst s24  }
0x21: {  	s13 =	sshrl.u32 s25, $0x3;
	s11 =	sadd.s32 s2, s7;
	[smem:$0x7EC] =	sst s26  }
0x22: {  	s14 =	sadd.s32 s6, s13;
	[dreg:$0x19] =	wrdreg s11  }
0x23: {  	s1 =	sadd.s32 s2, s13;
	[dreg:$0x16] =	wrdreg s14  }
0x24: {  	s10 =	sadd.s32 $0x30F34, s11;
	[dreg:$0x17] =	wrdreg s1  }
0x25: {  	s13 =	sadd.s32 $0x61C74, s11;
	[smem:$0x7F0] =	sst s10  }
0x26: {  	s16 =	sadd.s32 $0x3102E, s11;
	[smem:$0x7F1] =	sst s13  }
0x27: {  	s18 =	sadd.s32 $0x92AAE, s11;
	[smem:$0x7F3] =	sst s16  }
0x28: {  	s12 =	sadd.s32 s3, s7;
	[smem:$0x7F5] =	sst s18  }
0x29: {  	s7 =	sadd.s32 $0x93F30, s7;
	s1 =	sadd.s32 s3, s17;
	[dreg:$0x1a] =	wrdreg s12  }
0x2a: {  	s31 =	sadd.s32 s2, s7;
	[dreg:$0x1d] =	wrdreg s1  }
0x2b: {  	s8 =	sadd.s32 s3, s7;
	[smem:$0x7ED] =	sst s31  }
0x2c: {  	s14 =	sadd.s32 $0x929B4, s11;
	[smem:$0x7EE] =	sst s8  }
0x2d: {  	s17 =	sadd.s32 $0x61D6E, s11;
	[smem:$0x7F2] =	sst s14  }
0x2e: {  	s19 =	sadd.s32 $0x157C, s12;
	[smem:$0x7F4] =	sst s17  }
0x2f: {  	s20 =	sadd.s32 $0x322BC, s12;
	[smem:$0x7F6] =	sst s19  }
0x30: {  	s28 =	simm.s32 $0x66F0;
	s21 =	sadd.s32 $0x62FFC, s12;
	[smem:$0x7F7] =	sst s20  }
0x31: {  	s29 =	simm.s32 $0x2020;
	s22 =	sadd.s32 $0x93D3C, s12;
	[smem:$0x7F8] =	sst s21  }
0x32: {  	s30 =	simm.s32 $0x2;
	s23 =	sadd.s32 $0x1676, s12;
	[smem:$0x7F9] =	sst s22  }
0x33: {  	s0 =	simm.s32 $0x4;
	s24 =	sadd.s32 $0x323B6, s12;
	[smem:$0x7FA] =	sst s23  }
0x34: {  	s26 =	sadd.s32 $0x630F6, s12;
	s13 =	simm.s32 $0x1080;
	[smem:$0x7FB] =	sst s24  }
0x35: {  	s16 =	simm.s32 $0x27F0;
	[smem:$0x7FC] =	sst s26;
	s31 =	sadd.s32 $0x93E36, s12  }
0x36: {  	s12 =	simm.s32 $0x80;
	s14 =	simm.s32 $0x1850;
	s22 =	simm.s32 $0x1  }
0x37: {  	s23 =	simm.s32 $0x4F80;
	s24 =	simm.s32 $0x5750;
	s26 =	simm.s32 $0x5F20  }
0x38: {  	s1 =	simm.s32 $0x3;
	s8 =	simm.s32 $0x0;
	[smem:$0x7FD] =	sst s31  }
.LBB2_1:
0x39: {  	[smem:$0x7EA] =	sst s8  }
0x3a: {  	s7 =	rddreg [dreg:$0x4];
	s31 =	simm.s32 $0x5  }
0x3b: {  	[tilespmem:s4], [sflag:$0x5] =	stream.linear.gather [hbm4b:s7+s4], $0x80, $0x38;
	[tilespmem:$0x8E80] =	vst v63  }
0x3c: {  	_ =	swait.ge [sflag:s31], $0x80  }
0x3d: {  	[sflag:s31] =	ssyncset.done $0x0  }
0x3e: {  	[sflag:s31] =	ssyncadd.s32 $0xFFFFFF80  }
0x3f: {  	v0 =	vld [tilespmem:$0x0];
	_ =	sdelay $0x4  }
0x40: {  	v0 =	vmul.f32 $4.000000060e-01, v0;
	_ =	sdelay $0x1  }
0x41: {  	v0 =	vadd.f32 $4.400000100e+00, v0;
	_ =	sdelay $0x1  }
0x42: {  	v0 =	vmul.f32 v0, v0;
	_ =	sdelay $0x1  }
0x43: {  	v1 =	vmul.f32 v0, v0;
	_ =	sdelay $0x1  }
0x44: {  	v0 =	vmul.f32 v1, v0;
	_ =	sdelay $0x1  }
0x45: {  	s8 =	rddreg [dreg:$0x18];
	[tilespmem:$0x0] =	vst v0  }
0x46: {  	[tilespmem:s12], [sflag:$0x1] =	stream.linear.gather [hbm4b:s8+s4], $0x7D0, $0x38;
	[tilespmem:$0x8E80] =	vst v63  }
0x47: {  	s10 =	rddreg [dreg:$0x19]  }
0x48: {  	[tilespmem:s13], [sflag:$0x1] =	stream.linear.gather [hbm4b:s10+s4], $0x7D0, $0x38;
	[tilespmem:$0x8E80] =	vst v63  }
0x49: {  	s11 =	rddreg [dreg:$0x5]  }
0x4a: {  	[tilespmem:s14], [sflag:$0x1] =	stream.linear.gather [hbm4b:s11+s4], $0x7D0, $0x38;
	[tilespmem:$0x8E80] =	vst v63  }
0x4b: {  	s17 =	rddreg [dreg:$0x6]  }
0x4c: {  	[tilespmem:s29], [sflag:$0x1] =	stream.linear.gather [hbm4b:s17+s4], $0x7D0, $0x38;
	[tilespmem:$0x8E80] =	vst v63  }
0x4d: {  	s18 =	rddreg [dreg:$0x7]  }
0x4e: {  	[tilespmem:s16], [sflag:$0x1] =	stream.linear.gather [hbm4b:s18+s4], $0x7D0, $0x38;
	[tilespmem:$0x8E80] =	vst v63  }
0x4f: {  	s20 =	simm.s32 $0x880;
	s19 =	rddreg [dreg:$0x8]  }
0x50: {  	[tilespmem:s20], [sflag:$0x2] =	stream.linear.gather [hbm4b:s19+s4], $0x7D0, $0x38;
	[tilespmem:$0x8E80] =	vst v63  }
0x51: {  	s21 =	rddreg [dreg:$0x9];
	s31 =	simm.s32 $0x3000  }
0x52: {  	[tilespmem:s31], [sflag:$0x2] =	stream.linear.gather [hbm4b:s21+s4], $0x7D0, $0x38;
	[tilespmem:$0x8E80] =	vst v63  }
0x53: {  	s10 =	rddreg [dreg:$0xa];
	s11 =	simm.s32 $0x37D0  }
0x54: {  	[tilespmem:s11], [sflag:$0x2] =	stream.linear.gather [hbm4b:s10+s4], $0x7D0, $0x38;
	[tilespmem:$0x8E80] =	vst v63  }
0x55: {  	s17 =	rddreg [dreg:$0x12];
	s18 =	simm.s32 $0x3FA0  }
0x56: {  	[tilespmem:s18], [sflag:$0x2] =	stream.linear.gather [hbm4b:s17+s4], $0x7D0, $0x38;
	[tilespmem:$0x8E80] =	vst v63  }
0x57: {  	s19 =	rddreg [dreg:$0x14];
	s20 =	simm.s32 $0x4770  }
0x58: {  	[tilespmem:s20], [sflag:$0x2] =	stream.linear.gather [hbm4b:s19+s4], $0x7D0, $0x38;
	[tilespmem:$0x8E80] =	vst v63  }
0x59: {  	_ =	swait.ge [sflag:s22], $0x7D0  }
0x5a: {  	[sflag:s22] =	ssyncset.done $0x0  }
0x5b: {  	[sflag:s22] =	ssyncadd.s32 $0xFFFFF830  }
0x5c: {  	_ =	swait.ge [sflag:s22], $0x7D0  }
0x5d: {  	[sflag:s22] =	ssyncset.done $0x0  }
0x5e: {  	[sflag:s22] =	ssyncadd.s32 $0xFFFFF830  }
0x5f: {  	_ =	swait.ge [sflag:s22], $0x7D0  }
0x60: {  	[sflag:s22] =	ssyncset.done $0x0  }
0x61: {  	[sflag:s22] =	ssyncadd.s32 $0xFFFFF830  }
0x62: {  	_ =	swait.ge [sflag:s22], $0x7D0  }
0x63: {  	[sflag:s22] =	ssyncset.done $0x0  }
0x64: {  	[sflag:s22] =	ssyncadd.s32 $0xFFFFF830  }
0x65: {  	_ =	swait.ge [sflag:s22], $0x7D0  }
0x66: {  	[sflag:s22] =	ssyncset.done $0x0  }
0x67: {  	s21 =	simm.s32 $0xA0;
	[sflag:s22] =	ssyncadd.s32 $0xFFFFF830  }
0x68: {  	v0 =	vld [tilespmem:s21+$0x0];
	_ =	sdelay $0x2  }
0x69: {  	v1 =	vld [tilespmem:s21+$0x10]  }
0x6a: {  	v2 =	vld [tilespmem:s29+$0xFFFFF080]  }
0x6b: {  	v4 =	vld [tilespmem:s21+$0xFFFFFFE0];
	v3 =	vand.u32 $0xF, v0  }
0x6c: {  	v5 =	vld [tilespmem:s21+$0xFFFFFFF0]  }
0x6d: {  	v6 =	vld [tilespmem:s29+$0xFFFFF090]  }
0x6e: {  	v8 =	vld [tilespmem:s29+$0xFFFFF060];
	v7 =	vand.u32 $0xF, v1  }
0x6f: {  	v9 =	vld [tilespmem:s29+$0xFFFFF070];
	v2 =	vmul.f32 v2, v2  }
0x70: {  	v10 =	vand.u32 $0xF, v4;
	v3 =	vld.idx.msk [tilespmem:v3+s4+$0x0], $0xffff  }
0x71: {  	v12 =	vand.u32 $0xF, v5;
	v11 =	vmul.f32 v2, v2  }
0x72: {  	v6 =	vmul.f32 v6, v6  }
0x73: {  	v2 =	vmul.f32 v11, v2;
	v7 =	vld.idx.msk [tilespmem:v7+s4+$0x0], $0xffff  }
0x74: {  	v8 =	vmul.f32 v8, v8;
	v11 =	vmul.f32 v6, v6  }
0x75: {  	v2 =	vadd.f32 v2, v3;
	v3 =	vmul.f32 v9, v9;
	v9 =	vld.idx.msk [tilespmem:v10+s4+$0x0], $0xffff  }
0x76: {  	v6 =	vmul.f32 v11, v6;
	v11 =	vld.idx.msk [tilespmem:v12+s4+$0x0], $0xffff;
	v12 =	vmul.f32 v8, v8;
	v10 =	vshrl.u32 v0, $0x8  }
0x77: {  	v10 =	vand.u32 $0xF, v10;
	[tilespmem:s26+$0xFFFFF080] =	vst v2;
	v2 =	vmul.f32 v3, v3  }
0x78: {  	v6 =	vadd.f32 v6, v7;
	v7 =	vmul.f32 v12, v8;
	v13 =	vld [tilespmem:s29+$0xFFFFF850]  }
0x79: {  	v2 =	vmul.f32 v2, v3  }
0x7a: {  	[tilespmem:s26+$0xFFFFF090] =	vst v6;
	v7 =	vadd.f32 v7, v9  }
0x7b: {  	v9 =	vld [tilespmem:s29+$0xFFFFF860];
	v2 =	vadd.f32 v2, v11  }
0x7c: {  	v8 =	vshrl.u32 v1, $0x8;
	[tilespmem:s26+$0xFFFFF060] =	vst v7;
	v7 =	vld.idx.msk [tilespmem:v10+s4+$0x0], $0xffff  }
0x7d: {  	s18 =	simm.s32 $0xE0;
	v8 =	vand.u32 $0xF, v8;
	v10 =	vmul.f32 v13, v13;
	[tilespmem:s26+$0xFFFFF070] =	vst v2;
	v2 =	vld [tilespmem:s29+$0xFFFFF830]  }
0x7e: {  	s11 =	simm.s32 $0x2060;
	v15 =	vld [tilespmem:s18+$0x0];
	v6 =	vshrl.u32 v4, $0x8  }
0x7f: {  	v17 =	vld [tilespmem:s11+$0xFFFFF090];
	v6 =	vand.u32 $0xF, v6;
	v11 =	vmul.f32 v10, v10  }
0x80: {  	v20 =	vld [tilespmem:s18+$0xFFFFFFF0];
	v14 =	vshrl.u32 v5, $0x8  }
0x81: {  	v3 =	vand.u32 $0xF, v14;
	v12 =	vld [tilespmem:s29+$0xFFFFF840];
	v9 =	vmul.f32 v9, v9;
	v10 =	vmul.f32 v11, v10  }
0x82: {  	v8 =	vld.idx.msk [tilespmem:v8+s4+$0x0], $0xffff;
	v11 =	vshrl.u32 v0, $0x10;
	v2 =	vmul.f32 v2, v2  }
0x83: {  	v14 =	vld [tilespmem:s18+$0x10];
	v7 =	vadd.f32 v10, v7;
	v10 =	vand.u32 $0xF, v11;
	v11 =	vmul.f32 v9, v9  }
0x84: {  	v6 =	vld.idx.msk [tilespmem:v6+s4+$0x0], $0xffff  }
0x85: {  	v13 =	vld [tilespmem:s11+$0xFFFFF070];
	[tilespmem:s26+$0xFFFFF850] =	vst v7;
	v7 =	vshrl.u32 v1, $0x10;
	v9 =	vmul.f32 v11, v9;
	v11 =	vmul.f32 v2, v2  }
0x86: {  	v3 =	vld.idx.msk [tilespmem:v3+s4+$0x0], $0xffff;
	v12 =	vmul.f32 v12, v12;
	v7 =	vand.u32 $0xF, v7  }
0x87: {  	v16 =	vld [tilespmem:s29+$0x20];
	v2 =	vmul.f32 v11, v2;
	v8 =	vadd.f32 v9, v8  }
0x88: {  	v21 =	vld [tilespmem:s11+$0xFFFFF080];
	v19 =	vshrl.u32 v5, $0x10;
	v18 =	vmul.f32 v12, v12  }
0x89: {  	v17 =	vmul.f32 v17, v17;
	v11 =	vld [tilespmem:s18+$0xFFFFFFE0];
	v2 =	vadd.f32 v2, v6;
	v6 =	vand.u32 $0xF, v14;
	[tilespmem:s26+$0xFFFFF860] =	vst v8  }
0x8a: {  	v22 =	vand.u32 $0xF, v20;
	v59 =	vshrl.u32 v15, $0x8;
	v8 =	vmul.f32 v18, v12;
	v12 =	vld [tilespmem:s29+$0x30]  }
0x8b: {  	v9 =	vshrl.u32 v4, $0x10;
	v18 =	vshrl.u32 v5, $0x18;
	v5 =	vmul.f32 v13, v13;
	[tilespmem:s26+$0xFFFFF830] =	vst v2;
	v2 =	vld.idx.msk [tilespmem:v7+s4+$0x0], $0xffff  }
0x8c: {  	v3 =	vadd.f32 v8, v3;
	v7 =	vmul.f32 v16, v16;
	v8 =	vand.u32 $0xF, v9;
	v9 =	vld [tilespmem:s29+$0x0]  }
0x8d: {  	v21 =	vmul.f32 v21, v21;
	v61 =	vand.u32 $0xF, v59;
	v10 =	vld.idx.msk [tilespmem:v10+s4+$0x0], $0xffff;
	v13 =	vmul.f32 v5, v5  }
0x8e: {  	v24 =	vmul.f32 v17, v17;
	v16 =	vand.u32 $0xF, v15;
	[tilespmem:s26+$0xFFFFF840] =	vst v3;
	v3 =	vmul.f32 v7, v7;
	v23 =	vld.idx.msk [tilespmem:v6+s4+$0x0], $0xffff  }
0x8f: {  	v13 =	vmul.f32 v13, v5;
	v5 =	vand.u32 $0xF, v19;
	v6 =	vld [tilespmem:s29+$0x10];
	v12 =	vmul.f32 v12, v12  }
0x90: {  	v17 =	vmul.f32 v24, v17;
	v22 =	vld.idx.msk [tilespmem:v22+s4+$0x0], $0xffff;
	v0 =	vshrl.u32 v0, $0x18;
	v3 =	vmul.f32 v3, v7  }
0x91: {  	v0 =	vand.u32 $0xF, v0;
	v7 =	vld [tilespmem:s11+$0xFFFFF060];
	v9 =	vmul.f32 v9, v9;
	v25 =	vmul.f32 v12, v12  }
0x92: {  	v1 =	vshrl.u32 v1, $0x18;
	v26 =	vand.u32 $0xF, v11;
	v8 =	vld.idx.msk [tilespmem:v8+s4+$0x0], $0xffff;
	v10 =	vadd.f32 v3, v10  }
0x93: {  	v1 =	vand.u32 $0xF, v1;
	v16 =	vld.idx.msk [tilespmem:v16+s4+$0x0], $0xffff;
	v27 =	vmul.f32 v9, v9;
	v12 =	vmul.f32 v25, v12  }
0x94: {  	v4 =	vshrl.u32 v4, $0x18;
	v28 =	vld.idx.msk [tilespmem:v5+s4+$0x0], $0xffff;
	[tilespmem:s26+$0x20] =	vst v10;
	v10 =	vmul.f32 v21, v21;
	v5 =	vmul.f32 v6, v6  }
0x95: {  	v29 =	vand.u32 $0xF, v4;
	v60 =	vld [tilespmem:s29+$0x7F0];
	v4 =	vmul.f32 v27, v9;
	v2 =	vadd.f32 v12, v2  }
0x96: {  	v31 =	vshrl.u32 v11, $0x8;
	v30 =	vld.idx.msk [tilespmem:v0+s4+$0x0], $0xffff;
	v9 =	vmul.f32 v10, v21;
	v10 =	vmul.f32 v5, v5  }
0x97: {  	v19 =	vshrl.u32 v14, $0x8;
	v0 =	vmul.f32 v7, v7;
	v7 =	vld.idx.msk [tilespmem:v26+s4+$0x0], $0xffff;
	v8 =	vadd.f32 v4, v8;
	[tilespmem:s26+$0x30] =	vst v2  }
0x98: {  	v3 =	vshrl.u32 v14, $0x10;
	v2 =	vadd.f32 v9, v16;
	v10 =	vmul.f32 v10, v5;
	v12 =	vld [tilespmem:s29+$0x800]  }
0x99: {  	s17 =	simm.s32 $0x5F60;
	v6 =	vshrl.u32 v15, $0x10;
	v21 =	vmul.f32 v0, v0;
	v4 =	vshrl.u32 v11, $0x10;
	v9 =	vld.idx.msk [tilespmem:v1+s4+$0x0], $0xffff;
	[tilespmem:s26+$0x0] =	vst v8  }
0x9a: {  	v16 =	vshrl.u32 v20, $0x8;
	v5 =	vshrl.u32 v20, $0x10;
	[tilespmem:s17+$0xFFFFF080] =	vst v2;
	v2 =	vadd.f32 v10, v28;
	v8 =	vld.idx.msk [tilespmem:v29+s4+$0x0], $0xffff  }
0x9b: {  	s31 =	simm.s32 $0x0;
	v10 =	vadd.f32 v17, v23;
	v17 =	vmul.f32 v21, v0;
	v21 =	vmul.f32 v60, v60;
	v23 =	vld [tilespmem:s11+$0xFFFFF850]  }
0x9c: {  	s7 =	sand.u32 $0x7C0, s31;
	v1 =	vshrl.u32 v11, $0x18;
	v0 =	vshrl.u32 v15, $0x18;
	v15 =	vand.u32 $0xF, v16;
	v62 =	vld [tilespmem:s29+$0x7D0];
	[tilespmem:s26+$0x10] =	vst v2  }
0x9d: {  	v16 =	vmul.f32 v21, v21;
	v26 =	vadd.f32 v17, v7;
	[tilespmem:s17+$0xFFFFF090] =	vst v10;
	v11 =	vld [tilespmem:s7+$0x2800];
	v63 =	vmul.f32 v12, v12  }
0x9e: {  	v7 =	vshrl.u32 v14, $0x18;
	v10 =	vadd.f32 v13, v22;
	v17 =	vld [tilespmem:s11+$0xFFFFF860];
	v12 =	vand.u32 $0xF, v18  }
0x9f: {  	v13 =	vmul.f32 v16, v21;
	[tilespmem:s17+$0xFFFFF060] =	vst v26;
	v16 =	vld.idx.msk [tilespmem:v61+s4+$0x0], $0xffff;
	v21 =	vand.u32 $0xF, v19;
	v22 =	vmul.f32 v63, v63  }
0xa0: {  	s8 =	simm.s32 $0x40;
	v2 =	vshrl.u32 v20, $0x18;
	v20 =	vand.u32 $0xF, v31;
	[tilespmem:s17+$0xFFFFF070] =	vst v10;
	v18 =	vld [tilespmem:s11+$0xFFFFF830];
	v19 =	vmul.f32 v23, v23  }
0xa1: {  	s19 =	simm.s32 $0x5F20;
	s20 =	simm.s32 $0x40;
	s21 =	simm.s32 $0x2060;
	v14 =	vld.idx.msk [tilespmem:v15+s4+$0x0], $0xffff;
	v10 =	vadd.f32 v13, v30;
	v13 =	vmul.f32 v62, v62;
	v15 =	vmul.f32 v22, v63  }
.LBB2_2:
0xa2: {  	s8 =	sadd.s32 $0x40, s8;
	v22 =	vld [tilespmem:s11+$0xFFFFF840];
	v23 =	vmul.f32 v19, v19  }
0xa3: {  	p0 =	slt.u32 s8, $0x780;
	v17 =	vmul.f32 v17, v17;
	v24 =	vmul.f32 v13, v13;
	v12 =	vld.idx.msk [tilespmem:v12+s4+$0x0], $0xffff;
	v9 =	vadd.f32 v15, v9  }
0xa4: {  	v11 =	vmul.f32 v11, v11;
	v15 =	vmul.f32 v23, v19;
	v19 =	vld.idx.msk [tilespmem:v21+s4+$0x0], $0xffff  }
0xa5: {  	v6 =	vand.u32 $0xF, v6;
	s11 =	sadd.s32 $0x40, s11;
	v20 =	vld.idx.msk [tilespmem:v20+s4+$0x0], $0xffff;
	v21 =	vmul.f32 v17, v17;
	v13 =	vmul.f32 v24, v13;
	[tilespmem:s19+$0x800] =	vst v9  }
0xa6: {  	s18 =	sadd.s32 $0x40, s18;
	v18 =	vmul.f32 v18, v18;
	v9 =	vld [tilespmem:s11+$0xFFFFF070];
	v15 =	vadd.f32 v15, v16;
	v16 =	vmul.f32 v11, v11  }
0xa7: {  	v23 =	vld [tilespmem:s18+$0x10];
	v22 =	vmul.f32 v22, v22;
	v17 =	vmul.f32 v21, v17;
	v8 =	vadd.f32 v13, v8  }
0xa8: {  	v21 =	vmul.f32 v18, v18;
	v13 =	vld [tilespmem:s18+$0x0];
	[tilespmem:s17+$0xFFFFF850] =	vst v15;
	v11 =	vmul.f32 v16, v11  }
0xa9: {  	v24 =	vand.u32 $0xF, v3;
	v15 =	vmul.f32 v22, v22;
	v16 =	vld [tilespmem:s21+$0x20];
	[tilespmem:s19+$0x7D0] =	vst v8  }
0xaa: {  	v18 =	vmul.f32 v21, v18;
	v17 =	vadd.f32 v17, v19;
	v8 =	vld [tilespmem:s11+$0xFFFFF090];
	v11 =	vadd.f32 v11, v12  }
0xab: {  	v19 =	vand.u32 $0xF, v7;
	v12 =	vld [tilespmem:s18+$0xFFFFFFE0];
	v9 =	vmul.f32 v9, v9;
	v15 =	vmul.f32 v15, v22;
	[tilespmem:s19+$0x7F0] =	vst v10;
	s19 =	smov.u32 s17  }
0xac: {  	v7 =	vadd.f32 v18, v20;
	v10 =	vshrl.u32 v23, $0x8;
	v3 =	vshrl.u32 v23, $0x10;
	v18 =	vld.idx.msk [tilespmem:v6+s4+$0x0], $0xffff;
	[tilespmem:s7+$0x6700] =	vst v11  }
0xad: {  	v21 =	vand.u32 $0xF, v23;
	v11 =	vld [tilespmem:s18+$0xFFFFFFF0];
	v20 =	vmul.f32 v9, v9;
	v14 =	vadd.f32 v15, v14;
	[tilespmem:s17+$0xFFFFF860] =	vst v17  }
0xae: {  	v15 =	vshrl.u32 v13, $0x8;
	v6 =	vshrl.u32 v13, $0x10;
	[tilespmem:s17+$0xFFFFF830] =	vst v7;
	v7 =	vmul.f32 v16, v16;
	v16 =	vld [tilespmem:s21+$0x30]  }
0xaf: {  	v17 =	vand.u32 $0xF, v4;
	v9 =	vmul.f32 v20, v9;
	v8 =	vmul.f32 v8, v8;
	[tilespmem:s17+$0xFFFFF840] =	vst v14;
	v14 =	vld.idx.msk [tilespmem:v24+s4+$0x0], $0xffff  }
0xb0: {  	v20 =	vshrl.u32 v12, $0x8;
	v4 =	vshrl.u32 v12, $0x10;
	v22 =	vld [tilespmem:s21+$0x0];
	v24 =	vmul.f32 v7, v7  }
0xb1: {  	v28 =	vand.u32 $0xF, v5;
	v25 =	vand.u32 $0xF, v13;
	v26 =	vld [tilespmem:s11+$0xFFFFF080];
	v27 =	vmul.f32 v8, v8  }
0xb2: {  	v29 =	vand.u32 $0xF, v11;
	v30 =	vshrl.u32 v11, $0x8;
	v21 =	vld.idx.msk [tilespmem:v21+s4+$0x0], $0xffff;
	v7 =	vmul.f32 v24, v7  }
0xb3: {  	v24 =	vand.u32 $0xF, v12;
	v8 =	vmul.f32 v27, v8;
	v27 =	vld [tilespmem:s21+$0x10];
	v16 =	vmul.f32 v16, v16  }
0xb4: {  	v13 =	vshrl.u32 v13, $0x18;
	v5 =	vshrl.u32 v11, $0x10;
	v31 =	vld [tilespmem:s11+$0xFFFFF060];
	v18 =	vadd.f32 v7, v18  }
0xb5: {  	v32 =	vand.u32 $0xF, v0;
	v0 =	vmovc v13;
	v17 =	vld.idx.msk [tilespmem:v17+s4+$0x0], $0xffff;
	v22 =	vmul.f32 v22, v22;
	v33 =	vmul.f32 v16, v16  }
0xb6: {  	v12 =	vshrl.u32 v12, $0x18;
	v7 =	vshrl.u32 v23, $0x18;
	v13 =	vld.idx.msk [tilespmem:v25+s4+$0x0], $0xffff;
	v25 =	vmul.f32 v26, v26;
	[tilespmem:s17+$0x20] =	vst v18  }
0xb7: {  	v26 =	vand.u32 $0xF, v1;
	v1 =	vmovc v12;
	v18 =	vld.idx.msk [tilespmem:v29+s4+$0x0], $0xffff;
	v23 =	vmul.f32 v22, v22;
	v16 =	vmul.f32 v33, v16  }
0xb8: {  	v21 =	vadd.f32 v8, v21;
	v12 =	vmul.f32 v25, v25;
	v28 =	vld.idx.msk [tilespmem:v28+s4+$0x0], $0xffff;
	v8 =	vmul.f32 v27, v27  }
0xb9: {  	v27 =	vmul.f32 v31, v31;
	v22 =	vmul.f32 v23, v22;
	v23 =	vld [tilespmem:s21+$0x7F0];
	v14 =	vadd.f32 v16, v14  }
0xba: {  	v16 =	vshrl.u32 v11, $0x18;
	v11 =	vmul.f32 v12, v25;
	v12 =	vmul.f32 v8, v8;
	v25 =	vld.idx.msk [tilespmem:v32+s4+$0x0], $0xffff  }
0xbb: {  	v24 =	vld.idx.msk [tilespmem:v24+s4+$0x0], $0xffff;
	v29 =	vmul.f32 v27, v27;
	v17 =	vadd.f32 v22, v17;
	[tilespmem:s17+$0x30] =	vst v14  }
0xbc: {  	v11 =	vadd.f32 v11, v13;
	v12 =	vmul.f32 v12, v8;
	v13 =	vld [tilespmem:s21+$0x800]  }
0xbd: {  	s17 =	sadd.s32 $0x40, s17;
	v18 =	vadd.f32 v9, v18;
	v14 =	vmul.f32 v29, v27;
	[tilespmem:s19+$0x0] =	vst v17;
	v9 =	vld.idx.msk [tilespmem:v19+s4+$0x0], $0xffff  }
0xbe: {  	v15 =	vand.u32 $0xF, v15;
	[tilespmem:s17+$0xFFFFF080] =	vst v11;
	v8 =	vld.idx.msk [tilespmem:v26+s4+$0x0], $0xffff;
	v11 =	vadd.f32 v12, v28;
	v19 =	vmul.f32 v23, v23  }
0xbf: {  	[tilespmem:s17+$0xFFFFF070] =	vst v18;
	v22 =	vld [tilespmem:s11+$0xFFFFF850]  }
0xc0: {  	s7 =	sand.u32 $0x7C0, s20;
	s20 =	smov.u32 s8;
	v23 =	vand.u32 $0xF, v30;
	v26 =	vld [tilespmem:s21+$0x7D0];
	[tilespmem:s19+$0x10] =	vst v11;
	v18 =	vmul.f32 v19, v19;
	s21 =	smov.u32 s11  }
.Ltmp0:
0xc1: {  	v14 =	vadd.f32 v14, v24;
	[tilespmem:s17+$0xFFFFF090] =	vst v21;
	v11 =	vld [tilespmem:s7+$0x2800];
	v24 =	vmul.f32 v13, v13;
	(pc) =	sbr.rel @p0 .LBB2_2-.Ltmp0, $4  }
0xc2: {  	v12 =	vand.u32 $0xF, v2;
	v2 =	vmov v16;
	v17 =	vld [tilespmem:s11+$0xFFFFF860];
	v13 =	vmul.f32 v18, v19  }
0xc3: {  	v21 =	vand.u32 $0xF, v10;
	[tilespmem:s17+$0xFFFFF060] =	vst v14;
	v16 =	vld.idx.msk [tilespmem:v15+s4+$0x0], $0xffff;
	v15 =	vmul.f32 v24, v24  }
0xc4: {  	v20 =	vand.u32 $0xF, v20;
	v18 =	vld [tilespmem:s11+$0xFFFFF830];
	v19 =	vmul.f32 v22, v22;
	v10 =	vadd.f32 v13, v25  }
0xc5: {  	v14 =	vld.idx.msk [tilespmem:v23+s4+$0x0], $0xffff;
	v13 =	vmul.f32 v26, v26;
	v15 =	vmul.f32 v15, v24  }
0xc6: {  	_ = 	snop  }
0xc7: {  	v22 =	vld [tilespmem:s11+$0xFFFFF840];
	_ =	sdelay $0x1  }
0xc8: {  	v17 =	vmul.f32 v17, v17  }
0xc9: {  	v21 =	vld.idx.msk [tilespmem:v21+s4+$0x0], $0xffff;
	v18 =	vmul.f32 v18, v18  }
0xca: {  	v20 =	vld.idx.msk [tilespmem:v20+s4+$0x0], $0xffff;
	v23 =	vmul.f32 v17, v17  }
0xcb: {  	v22 =	vmul.f32 v22, v22;
	v24 =	vmul.f32 v18, v18  }
0xcc: {  	v25 =	vmul.f32 v19, v19;
	v17 =	vmul.f32 v23, v17  }
0xcd: {  	v23 =	vmul.f32 v22, v22;
	v18 =	vmul.f32 v24, v18  }
0xce: {  	v19 =	vmul.f32 v25, v19;
	v17 =	vadd.f32 v17, v21  }
0xcf: {  	v21 =	vmul.f32 v23, v22;
	v18 =	vadd.f32 v18, v20  }
0xd0: {  	v16 =	vadd.f32 v19, v16;
	[tilespmem:s17+$0xFFFFF860] =	vst v17  }
0xd1: {  	v17 =	vld [tilespmem:s21+$0x30];
	v14 =	vadd.f32 v21, v14;
	[tilespmem:s17+$0xFFFFF830] =	vst v18  }
0xd2: {  	v3 =	vand.u32 $0xF, v3;
	[tilespmem:s17+$0xFFFFF850] =	vst v16;
	v16 =	vld [tilespmem:s21+$0x0]  }
0xd3: {  	v4 =	vand.u32 $0xF, v4;
	v18 =	vld [tilespmem:s21+$0x20];
	[tilespmem:s17+$0xFFFFF840] =	vst v14  }
0xd4: {  	v6 =	vand.u32 $0xF, v6;
	v14 =	vld [tilespmem:s21+$0x10]  }
0xd5: {  	v5 =	vand.u32 $0xF, v5  }
0xd6: {  	v17 =	vmul.f32 v17, v17  }
0xd7: {  	v3 =	vld.idx.msk [tilespmem:v3+s4+$0x0], $0xffff;
	v16 =	vmul.f32 v16, v16  }
0xd8: {  	v4 =	vld.idx.msk [tilespmem:v4+s4+$0x0], $0xffff;
	v18 =	vmul.f32 v18, v18;
	v19 =	vmul.f32 v17, v17  }
0xd9: {  	v6 =	vld.idx.msk [tilespmem:v6+s4+$0x0], $0xffff;
	v20 =	vmul.f32 v16, v16;
	v14 =	vmul.f32 v14, v14  }
0xda: {  	v5 =	vld.idx.msk [tilespmem:v5+s4+$0x0], $0xffff;
	v21 =	vmul.f32 v18, v18;
	v17 =	vmul.f32 v19, v17  }
0xdb: {  	v16 =	vmul.f32 v20, v16;
	v19 =	vmul.f32 v14, v14  }
0xdc: {  	v18 =	vmul.f32 v21, v18;
	v3 =	vadd.f32 v17, v3  }
0xdd: {  	v4 =	vadd.f32 v16, v4;
	v14 =	vmul.f32 v19, v14  }
0xde: {  	v6 =	vadd.f32 v18, v6;
	[tilespmem:s17+$0x30] =	vst v3  }
0xdf: {  	v3 =	vld [tilespmem:s21+$0x800];
	[tilespmem:s17+$0x0] =	vst v4;
	v4 =	vadd.f32 v14, v5  }
0xe0: {  	[tilespmem:s17+$0x20] =	vst v6;
	v5 =	vand.u32 $0xF, v7;
	v6 =	vld [tilespmem:s21+$0x7D0]  }
0xe1: {  	v1 =	vand.u32 $0xF, v1;
	s8 =	sand.u32 $0x7C0, s20;
	v7 =	vmul.f32 v11, v11;
	v11 =	vld [tilespmem:s21+$0x7F0];
	[tilespmem:s17+$0x10] =	vst v4  }
0xe2: {  	v0 =	vand.u32 $0xF, v0;
	v4 =	vmul.f32 v13, v13;
	v14 =	vld [tilespmem:s8+$0x2800]  }
0xe3: {  	v2 =	vand.u32 $0xF, v2;
	v16 =	vmul.f32 v7, v7  }
0xe4: {  	v12 =	vld.idx.msk [tilespmem:v12+s4+$0x0], $0xffff;
	v4 =	vmul.f32 v4, v13;
	v3 =	vmul.f32 v3, v3  }
0xe5: {  	v7 =	vmul.f32 v16, v7;
	v5 =	vld.idx.msk [tilespmem:v5+s4+$0x0], $0xffff;
	v6 =	vmul.f32 v6, v6  }
0xe6: {  	v9 =	vadd.f32 v15, v9;
	v1 =	vld.idx.msk [tilespmem:v1+s4+$0x0], $0xffff;
	v11 =	vmul.f32 v11, v11;
	v13 =	vmul.f32 v3, v3  }
0xe7: {  	v0 =	vld.idx.msk [tilespmem:v0+s4+$0x0], $0xffff;
	v4 =	vadd.f32 v4, v8;
	v8 =	vmul.f32 v6, v6;
	v14 =	vmul.f32 v14, v14  }
0xe8: {  	[tilespmem:s19+$0x800] =	vst v9;
	v2 =	vld.idx.msk [tilespmem:v2+s4+$0x0], $0xffff;
	v9 =	vmul.f32 v11, v11;
	v3 =	vmul.f32 v13, v3  }
0xe9: {  	[tilespmem:s19+$0x7D0] =	vst v4;
	v4 =	vadd.f32 v7, v12;
	v6 =	vmul.f32 v8, v6;
	v7 =	vmul.f32 v14, v14  }
0xea: {  	[tilespmem:s19+$0x7F0] =	vst v10;
	v8 =	vmul.f32 v9, v11;
	v3 =	vadd.f32 v3, v5  }
0xeb: {  	[tilespmem:s7+$0x6700] =	vst v4;
	v1 =	vadd.f32 v6, v1;
	v4 =	vmul.f32 v7, v14  }
0xec: {  	v0 =	vadd.f32 v8, v0;
	[tilespmem:s17+$0x800] =	vst v3  }
0xed: {  	[tilespmem:s17+$0x7D0] =	vst v1;
	v1 =	vadd.f32 v4, v2  }
0xee: {  	[tilespmem:s17+$0x7F0] =	vst v0  }
0xef: {  	[tilespmem:s8+$0x6700] =	vst v1  }
0xf0: {  	v0 =	vld [tilespmem:$0x840];
	_ =	sdelay $0x3  }
0xf1: {  	v1 =	vld [tilespmem:$0x1840]  }
0xf2: {  	v2 =	vand.u32 $0xF, v0;
	_ =	sdelay $0x3  }
0xf3: {  	v1 =	vmul.f32 v1, v1  }
0xf4: {  	v2 =	vld.idx.msk [tilespmem:v2+s4+$0x0], $0xffff  }
0xf5: {  	v3 =	vmul.f32 v1, v1  }
0xf6: {  	v5 =	vld [tilespmem:$0x2010];
	v4 =	vshrl.u32 v0, $0x8  }
0xf7: {  	v1 =	vmul.f32 v3, v1;
	v3 =	vand.u32 $0xF, v4;
	_ =	sdelay $0x1  }
0xf8: {  	v1 =	vadd.f32 v1, v2;
	_ =	sdelay $0x1  }
0xf9: {  	[tilespmem:$0x5740] =	vst v1;
	v1 =	vmul.f32 v5, v5  }
0xfa: {  	v2 =	vld.idx.msk [tilespmem:v3+s4+$0x0], $0xffff  }
0xfb: {  	v3 =	vmul.f32 v1, v1  }
0xfc: {  	v4 =	vshrl.u32 v0, $0x10;
	v5 =	vld [tilespmem:$0x27E0]  }
0xfd: {  	v1 =	vmul.f32 v3, v1;
	v3 =	vand.u32 $0xF, v4;
	_ =	sdelay $0x1  }
0xfe: {  	v1 =	vadd.f32 v1, v2;
	_ =	sdelay $0x1  }
0xff: {  	[tilespmem:$0x5F10] =	vst v1;
	v1 =	vmul.f32 v5, v5  }
0x100: {  	v2 =	vld.idx.msk [tilespmem:v3+s4+$0x0], $0xffff  }
0x101: {  	v3 =	vmul.f32 v1, v1  }
0x102: {  	v0 =	vshrl.u32 v0, $0x18;
	v4 =	vld [tilespmem:$0x2FB0]  }
0x103: {  	v0 =	vand.u32 $0xF, v0;
	v1 =	vmul.f32 v3, v1;
	_ =	sdelay $0x1  }
0x104: {  	v1 =	vadd.f32 v1, v2;
	_ =	sdelay $0x1  }
0x105: {  	[tilespmem:$0x66E0] =	vst v1;
	v1 =	vmul.f32 v4, v4  }
0x106: {  	v0 =	vld.idx.msk [tilespmem:v0+s4+$0x0], $0xffff  }
0x107: {  	v2 =	vmul.f32 v1, v1;
	_ =	sdelay $0x1  }
0x108: {  	v1 =	vmul.f32 v2, v1;
	_ =	sdelay $0x1  }
0x109: {  	v0 =	vadd.f32 v1, v0  }
0x10a: {  	s7 =	rddreg [dreg:$0x1a]  }
0x10b: {  	s21 =	rddreg [dreg:$0xb];
	[tilespmem:$0x6EB0] =	vst v0  }
0x10c: {  	[hbm4b:s7+s4] =	stream.linear.scatter [tilespmem:s23], [sflag:$0x3], $0x7D0, $0x38;
	[tilespmem:$0x8E80] =	vst v63  }
0x10d: {  	s31 =	rddreg [dreg:$0xc]  }
0x10e: {  	[hbm4b:s21+s4] =	stream.linear.scatter [tilespmem:s24], [sflag:$0x3], $0x7D0, $0x38;
	[tilespmem:$0x8E80] =	vst v63  }
0x10f: {  	s8 =	rddreg [dreg:$0xd]  }
0x110: {  	[hbm4b:s31+s4] =	stream.linear.scatter [tilespmem:s26], [sflag:$0x3], $0x7D0, $0x38;
	[tilespmem:$0x8E80] =	vst v63  }
0x111: {  	s10 =	rddreg [dreg:$0xe]  }
0x112: {  	[hbm4b:s8+s4] =	stream.linear.scatter [tilespmem:s28], [sflag:$0x3], $0x7D0, $0x38;
	[tilespmem:$0x8E80] =	vst v63  }
0x113: {  	s11 =	rddreg [dreg:$0xf]  }
0x114: {  	[tilespmem:s12], [sflag:$0x1] =	stream.linear.gather [hbm4b:s10+s4], $0x7D0, $0x38;
	[tilespmem:$0x8E80] =	vst v63  }
0x115: {  	s17 =	sld [smem:$0x7F0]  }
0x116: {  	[tilespmem:s13], [sflag:$0x1] =	stream.linear.gather [hbm4b:s11+s4], $0x7D0, $0x38;
	[tilespmem:$0x8E80] =	vst v63  }
0x117: {  	s18 =	sld [smem:$0x7F1]  }
0x118: {  	[tilespmem:s14], [sflag:$0x1] =	stream.linear.gather [hbm4b:s17+s4], $0x7D0, $0x38;
	[tilespmem:$0x8E80] =	vst v63  }
0x119: {  	s19 =	sld [smem:$0x7F2]  }
0x11a: {  	[tilespmem:s29], [sflag:$0x1] =	stream.linear.gather [hbm4b:s18+s4], $0x7D0, $0x38;
	[tilespmem:$0x8E80] =	vst v63  }
0x11b: {  	_ = 	snop  }
0x11c: {  	[tilespmem:s16], [sflag:$0x1] =	stream.linear.gather [hbm4b:s19+s4], $0x7D0, $0x38;
	[tilespmem:$0x8E80] =	vst v63  }
0x11d: {  	_ =	swait.ge [sflag:s30], $0x7D0  }
0x11e: {  	[sflag:s30] =	ssyncset.done $0x0  }
0x11f: {  	[sflag:s30] =	ssyncadd.s32 $0xFFFFF830  }
0x120: {  	_ =	swait.ge [sflag:s30], $0x7D0  }
0x121: {  	[sflag:s30] =	ssyncset.done $0x0  }
0x122: {  	[sflag:s30] =	ssyncadd.s32 $0xFFFFF830  }
0x123: {  	_ =	swait.ge [sflag:s30], $0x7D0  }
0x124: {  	[sflag:s30] =	ssyncset.done $0x0  }
0x125: {  	[sflag:s30] =	ssyncadd.s32 $0xFFFFF830  }
0x126: {  	_ =	swait.ge [sflag:s30], $0x7D0  }
0x127: {  	[sflag:s30] =	ssyncset.done $0x0  }
0x128: {  	[sflag:s30] =	ssyncadd.s32 $0xFFFFF830  }
0x129: {  	_ =	swait.ge [sflag:s30], $0x7D0  }
0x12a: {  	[sflag:s30] =	ssyncset.done $0x0  }
0x12b: {  	s20 =	simm.s32 $0x8A0;
	[sflag:s30] =	ssyncadd.s32 $0xFFFFF830  }
0x12c: {  	v0 =	vld [tilespmem:s20+$0x0];
	_ =	sdelay $0x2  }
0x12d: {  	s21 =	simm.s32 $0x3FA0;
	v1 =	vld [tilespmem:s20+$0x10]  }
0x12e: {  	v2 =	vld [tilespmem:s21+$0xFFFFF080]  }
0x12f: {  	v4 =	vld [tilespmem:s20+$0xFFFFFFE0];
	v3 =	vand.u32 $0xF, v0  }
0x130: {  	v5 =	vld [tilespmem:s20+$0xFFFFFFF0]  }
0x131: {  	v6 =	vld [tilespmem:s21+$0xFFFFF090]  }
0x132: {  	v8 =	vld [tilespmem:s21+$0xFFFFF060];
	v7 =	vand.u32 $0xF, v1  }
0x133: {  	v9 =	vld [tilespmem:s21+$0xFFFFF070];
	v2 =	vmul.f32 v2, v2  }
0x134: {  	v10 =	vand.u32 $0xF, v4;
	v3 =	vld.idx.msk [tilespmem:v3+s4+$0x0], $0xffff  }
0x135: {  	v12 =	vand.u32 $0xF, v5;
	v11 =	vmul.f32 v2, v2  }
0x136: {  	v6 =	vmul.f32 v6, v6  }
0x137: {  	v2 =	vmul.f32 v11, v2;
	v7 =	vld.idx.msk [tilespmem:v7+s4+$0x0], $0xffff  }
0x138: {  	v8 =	vmul.f32 v8, v8;
	v11 =	vmul.f32 v6, v6  }
0x139: {  	v2 =	vadd.f32 v2, v3;
	v3 =	vmul.f32 v9, v9;
	v9 =	vld.idx.msk [tilespmem:v10+s4+$0x0], $0xffff  }
0x13a: {  	s11 =	simm.s32 $0x7EA0;
	v6 =	vmul.f32 v11, v6;
	v11 =	vld.idx.msk [tilespmem:v12+s4+$0x0], $0xffff;
	v12 =	vmul.f32 v8, v8;
	v10 =	vshrl.u32 v0, $0x8  }
0x13b: {  	v10 =	vand.u32 $0xF, v10;
	[tilespmem:s11+$0xFFFFF080] =	vst v2;
	v2 =	vmul.f32 v3, v3  }
0x13c: {  	v6 =	vadd.f32 v6, v7;
	v7 =	vmul.f32 v12, v8;
	v13 =	vld [tilespmem:s21+$0xFFFFF850]  }
0x13d: {  	v2 =	vmul.f32 v2, v3  }
0x13e: {  	[tilespmem:s11+$0xFFFFF090] =	vst v6;
	v7 =	vadd.f32 v7, v9  }
0x13f: {  	v9 =	vld [tilespmem:s21+$0xFFFFF860];
	v2 =	vadd.f32 v2, v11  }
0x140: {  	v8 =	vshrl.u32 v1, $0x8;
	[tilespmem:s11+$0xFFFFF060] =	vst v7;
	v7 =	vld.idx.msk [tilespmem:v10+s4+$0x0], $0xffff  }
0x141: {  	s19 =	simm.s32 $0x8E0;
	v8 =	vand.u32 $0xF, v8;
	v10 =	vmul.f32 v13, v13;
	[tilespmem:s11+$0xFFFFF070] =	vst v2;
	v2 =	vld [tilespmem:s21+$0xFFFFF830]  }
0x142: {  	s17 =	simm.s32 $0x3FE0;
	v15 =	vld [tilespmem:s19+$0x0];
	v6 =	vshrl.u32 v4, $0x8  }
0x143: {  	v17 =	vld [tilespmem:s17+$0xFFFFF090];
	v6 =	vand.u32 $0xF, v6;
	v11 =	vmul.f32 v10, v10  }
0x144: {  	v20 =	vld [tilespmem:s19+$0xFFFFFFF0];
	v14 =	vshrl.u32 v5, $0x8  }
0x145: {  	v3 =	vand.u32 $0xF, v14;
	v12 =	vld [tilespmem:s21+$0xFFFFF840];
	v9 =	vmul.f32 v9, v9;
	v10 =	vmul.f32 v11, v10  }
0x146: {  	v8 =	vld.idx.msk [tilespmem:v8+s4+$0x0], $0xffff;
	v11 =	vshrl.u32 v0, $0x10;
	v2 =	vmul.f32 v2, v2  }
0x147: {  	v14 =	vld [tilespmem:s19+$0x10];
	v7 =	vadd.f32 v10, v7;
	v10 =	vand.u32 $0xF, v11;
	v11 =	vmul.f32 v9, v9  }
0x148: {  	v6 =	vld.idx.msk [tilespmem:v6+s4+$0x0], $0xffff  }
0x149: {  	v13 =	vld [tilespmem:s17+$0xFFFFF070];
	[tilespmem:s11+$0xFFFFF850] =	vst v7;
	v7 =	vshrl.u32 v1, $0x10;
	v9 =	vmul.f32 v11, v9;
	v11 =	vmul.f32 v2, v2  }
0x14a: {  	v3 =	vld.idx.msk [tilespmem:v3+s4+$0x0], $0xffff;
	v12 =	vmul.f32 v12, v12;
	v7 =	vand.u32 $0xF, v7  }
0x14b: {  	v16 =	vld [tilespmem:s21+$0x20];
	v2 =	vmul.f32 v11, v2;
	v8 =	vadd.f32 v9, v8  }
0x14c: {  	v21 =	vld [tilespmem:s17+$0xFFFFF080];
	v19 =	vshrl.u32 v5, $0x10;
	v18 =	vmul.f32 v12, v12  }
0x14d: {  	v17 =	vmul.f32 v17, v17;
	v11 =	vld [tilespmem:s19+$0xFFFFFFE0];
	v2 =	vadd.f32 v2, v6;
	v6 =	vand.u32 $0xF, v14;
	[tilespmem:s11+$0xFFFFF860] =	vst v8  }
0x14e: {  	v22 =	vand.u32 $0xF, v20;
	v59 =	vshrl.u32 v15, $0x8;
	v8 =	vmul.f32 v18, v12;
	v12 =	vld [tilespmem:s21+$0x30]  }
0x14f: {  	v9 =	vshrl.u32 v4, $0x10;
	v18 =	vshrl.u32 v5, $0x18;
	v5 =	vmul.f32 v13, v13;
	[tilespmem:s11+$0xFFFFF830] =	vst v2;
	v2 =	vld.idx.msk [tilespmem:v7+s4+$0x0], $0xffff  }
0x150: {  	v3 =	vadd.f32 v8, v3;
	v7 =	vmul.f32 v16, v16;
	v8 =	vand.u32 $0xF, v9;
	v9 =	vld [tilespmem:s21+$0x0]  }
0x151: {  	v21 =	vmul.f32 v21, v21;
	v61 =	vand.u32 $0xF, v59;
	v10 =	vld.idx.msk [tilespmem:v10+s4+$0x0], $0xffff;
	v13 =	vmul.f32 v5, v5  }
0x152: {  	v57 =	vmul.f32 v17, v17;
	v16 =	vand.u32 $0xF, v15;
	[tilespmem:s11+$0xFFFFF840] =	vst v3;
	v3 =	vmul.f32 v7, v7;
	v23 =	vld.idx.msk [tilespmem:v6+s4+$0x0], $0xffff  }
0x153: {  	v13 =	vmul.f32 v13, v5;
	v5 =	vand.u32 $0xF, v19;
	v6 =	vld [tilespmem:s21+$0x10];
	v12 =	vmul.f32 v12, v12  }
0x154: {  	v17 =	vmul.f32 v57, v17;
	v22 =	vld.idx.msk [tilespmem:v22+s4+$0x0], $0xffff;
	v0 =	vshrl.u32 v0, $0x18;
	v3 =	vmul.f32 v3, v7  }
0x155: {  	v0 =	vand.u32 $0xF, v0;
	v7 =	vld [tilespmem:s17+$0xFFFFF060];
	v9 =	vmul.f32 v9, v9;
	v58 =	vmul.f32 v12, v12  }
0x156: {  	v1 =	vshrl.u32 v1, $0x18;
	v26 =	vand.u32 $0xF, v11;
	v8 =	vld.idx.msk [tilespmem:v8+s4+$0x0], $0xffff;
	v10 =	vadd.f32 v3, v10  }
0x157: {  	v1 =	vand.u32 $0xF, v1;
	v16 =	vld.idx.msk [tilespmem:v16+s4+$0x0], $0xffff;
	v27 =	vmul.f32 v9, v9;
	v12 =	vmul.f32 v58, v12  }
0x158: {  	v4 =	vshrl.u32 v4, $0x18;
	v28 =	vld.idx.msk [tilespmem:v5+s4+$0x0], $0xffff;
	[tilespmem:s11+$0x20] =	vst v10;
	v10 =	vmul.f32 v21, v21;
	v5 =	vmul.f32 v6, v6  }
0x159: {  	v29 =	vand.u32 $0xF, v4;
	v60 =	vld [tilespmem:s21+$0x7F0];
	v4 =	vmul.f32 v27, v9;
	v2 =	vadd.f32 v12, v2  }
0x15a: {  	v31 =	vshrl.u32 v11, $0x8;
	v30 =	vld.idx.msk [tilespmem:v0+s4+$0x0], $0xffff;
	v9 =	vmul.f32 v10, v21;
	v10 =	vmul.f32 v5, v5  }
0x15b: {  	v19 =	vshrl.u32 v14, $0x8;
	v0 =	vmul.f32 v7, v7;
	v7 =	vld.idx.msk [tilespmem:v26+s4+$0x0], $0xffff;
	v8 =	vadd.f32 v4, v8;
	[tilespmem:s11+$0x30] =	vst v2  }
0x15c: {  	v3 =	vshrl.u32 v14, $0x10;
	v2 =	vadd.f32 v9, v16;
	v10 =	vmul.f32 v10, v5;
	v12 =	vld [tilespmem:s21+$0x800]  }
0x15d: {  	s18 =	simm.s32 $0x7EE0;
	v6 =	vshrl.u32 v15, $0x10;
	v21 =	vmul.f32 v0, v0;
	v4 =	vshrl.u32 v11, $0x10;
	v9 =	vld.idx.msk [tilespmem:v1+s4+$0x0], $0xffff;
	[tilespmem:s11+$0x0] =	vst v8  }
0x15e: {  	v16 =	vshrl.u32 v20, $0x8;
	v5 =	vshrl.u32 v20, $0x10;
	[tilespmem:s18+$0xFFFFF080] =	vst v2;
	v2 =	vadd.f32 v10, v28;
	v8 =	vld.idx.msk [tilespmem:v29+s4+$0x0], $0xffff  }
0x15f: {  	s31 =	simm.s32 $0x0;
	v10 =	vadd.f32 v17, v23;
	v17 =	vmul.f32 v21, v0;
	v21 =	vmul.f32 v60, v60;
	v23 =	vld [tilespmem:s17+$0xFFFFF850]  }
0x160: {  	s7 =	sand.u32 $0x7C0, s31;
	v1 =	vshrl.u32 v11, $0x18;
	v0 =	vshrl.u32 v15, $0x18;
	v15 =	vand.u32 $0xF, v16;
	v62 =	vld [tilespmem:s21+$0x7D0];
	[tilespmem:s11+$0x10] =	vst v2  }
0x161: {  	v16 =	vmul.f32 v21, v21;
	v26 =	vadd.f32 v17, v7;
	[tilespmem:s18+$0xFFFFF090] =	vst v10;
	v11 =	vld [tilespmem:s7+$0x4780];
	v63 =	vmul.f32 v12, v12  }
0x162: {  	v7 =	vshrl.u32 v14, $0x18;
	v10 =	vadd.f32 v13, v22;
	v17 =	vld [tilespmem:s17+$0xFFFFF860];
	v12 =	vand.u32 $0xF, v18  }
0x163: {  	v13 =	vmul.f32 v16, v21;
	[tilespmem:s18+$0xFFFFF060] =	vst v26;
	v16 =	vld.idx.msk [tilespmem:v61+s4+$0x0], $0xffff;
	v21 =	vand.u32 $0xF, v19;
	v22 =	vmul.f32 v63, v63  }
0x164: {  	v2 =	vshrl.u32 v20, $0x18;
	v20 =	vand.u32 $0xF, v31;
	[tilespmem:s18+$0xFFFFF070] =	vst v10;
	v18 =	vld [tilespmem:s17+$0xFFFFF830];
	v19 =	vmul.f32 v23, v23  }
0x165: {  	s8 =	simm.s32 $0x40;
	s20 =	simm.s32 $0x40;
	s21 =	simm.s32 $0x3FE0;
	v14 =	vld.idx.msk [tilespmem:v15+s4+$0x0], $0xffff;
	v10 =	vadd.f32 v13, v30;
	v13 =	vmul.f32 v62, v62;
	v15 =	vmul.f32 v22, v63  }
.LBB2_4:
0x166: {  	s8 =	sadd.s32 $0x40, s8;
	v22 =	vld [tilespmem:s17+$0xFFFFF840];
	v23 =	vmul.f32 v19, v19  }
0x167: {  	p0 =	slt.u32 s8, $0x780;
	v17 =	vmul.f32 v17, v17;
	v24 =	vmul.f32 v13, v13;
	v12 =	vld.idx.msk [tilespmem:v12+s4+$0x0], $0xffff;
	v9 =	vadd.f32 v15, v9  }
0x168: {  	v11 =	vmul.f32 v11, v11;
	v15 =	vmul.f32 v23, v19;
	v19 =	vld.idx.msk [tilespmem:v21+s4+$0x0], $0xffff  }
0x169: {  	v6 =	vand.u32 $0xF, v6;
	s17 =	sadd.s32 $0x40, s17;
	v20 =	vld.idx.msk [tilespmem:v20+s4+$0x0], $0xffff;
	v21 =	vmul.f32 v17, v17;
	v13 =	vmul.f32 v24, v13;
	[tilespmem:s11+$0x800] =	vst v9  }
0x16a: {  	s19 =	sadd.s32 $0x40, s19;
	v18 =	vmul.f32 v18, v18;
	v9 =	vld [tilespmem:s17+$0xFFFFF070];
	v15 =	vadd.f32 v15, v16;
	v16 =	vmul.f32 v11, v11  }
0x16b: {  	v23 =	vld [tilespmem:s19+$0x10];
	v22 =	vmul.f32 v22, v22;
	v17 =	vmul.f32 v21, v17;
	v8 =	vadd.f32 v13, v8  }
0x16c: {  	v21 =	vmul.f32 v18, v18;
	v13 =	vld [tilespmem:s19+$0x0];
	[tilespmem:s18+$0xFFFFF850] =	vst v15;
	v11 =	vmul.f32 v16, v11  }
0x16d: {  	v24 =	vand.u32 $0xF, v3;
	v15 =	vmul.f32 v22, v22;
	v16 =	vld [tilespmem:s21+$0x20];
	[tilespmem:s11+$0x7D0] =	vst v8  }
0x16e: {  	v18 =	vmul.f32 v21, v18;
	v17 =	vadd.f32 v17, v19;
	v8 =	vld [tilespmem:s17+$0xFFFFF090];
	v11 =	vadd.f32 v11, v12  }
0x16f: {  	v19 =	vand.u32 $0xF, v7;
	v12 =	vld [tilespmem:s19+$0xFFFFFFE0];
	v9 =	vmul.f32 v9, v9;
	v15 =	vmul.f32 v15, v22;
	[tilespmem:s11+$0x7F0] =	vst v10;
	s11 =	smov.u32 s18  }
0x170: {  	v7 =	vadd.f32 v18, v20;
	v10 =	vshrl.u32 v23, $0x8;
	v3 =	vshrl.u32 v23, $0x10;
	v18 =	vld.idx.msk [tilespmem:v6+s4+$0x0], $0xffff;
	[tilespmem:s7+$0x8680] =	vst v11  }
0x171: {  	v21 =	vand.u32 $0xF, v23;
	v11 =	vld [tilespmem:s19+$0xFFFFFFF0];
	v20 =	vmul.f32 v9, v9;
	v14 =	vadd.f32 v15, v14;
	[tilespmem:s18+$0xFFFFF860] =	vst v17  }
0x172: {  	v15 =	vshrl.u32 v13, $0x8;
	v6 =	vshrl.u32 v13, $0x10;
	[tilespmem:s18+$0xFFFFF830] =	vst v7;
	v7 =	vmul.f32 v16, v16;
	v16 =	vld [tilespmem:s21+$0x30]  }
0x173: {  	v17 =	vand.u32 $0xF, v4;
	v9 =	vmul.f32 v20, v9;
	v8 =	vmul.f32 v8, v8;
	[tilespmem:s18+$0xFFFFF840] =	vst v14;
	v14 =	vld.idx.msk [tilespmem:v24+s4+$0x0], $0xffff  }
0x174: {  	v20 =	vshrl.u32 v12, $0x8;
	v4 =	vshrl.u32 v12, $0x10;
	v22 =	vld [tilespmem:s21+$0x0];
	v24 =	vmul.f32 v7, v7  }
0x175: {  	v28 =	vand.u32 $0xF, v5;
	v25 =	vand.u32 $0xF, v13;
	v26 =	vld [tilespmem:s17+$0xFFFFF080];
	v27 =	vmul.f32 v8, v8  }
0x176: {  	v29 =	vand.u32 $0xF, v11;
	v30 =	vshrl.u32 v11, $0x8;
	v21 =	vld.idx.msk [tilespmem:v21+s4+$0x0], $0xffff;
	v7 =	vmul.f32 v24, v7  }
0x177: {  	v24 =	vand.u32 $0xF, v12;
	v8 =	vmul.f32 v27, v8;
	v27 =	vld [tilespmem:s21+$0x10];
	v16 =	vmul.f32 v16, v16  }
0x178: {  	v13 =	vshrl.u32 v13, $0x18;
	v5 =	vshrl.u32 v11, $0x10;
	v31 =	vld [tilespmem:s17+$0xFFFFF060];
	v18 =	vadd.f32 v7, v18  }
0x179: {  	v32 =	vand.u32 $0xF, v0;
	v0 =	vmovc v13;
	v17 =	vld.idx.msk [tilespmem:v17+s4+$0x0], $0xffff;
	v22 =	vmul.f32 v22, v22;
	v33 =	vmul.f32 v16, v16  }
0x17a: {  	v12 =	vshrl.u32 v12, $0x18;
	v7 =	vshrl.u32 v23, $0x18;
	v13 =	vld.idx.msk [tilespmem:v25+s4+$0x0], $0xffff;
	v25 =	vmul.f32 v26, v26;
	[tilespmem:s18+$0x20] =	vst v18  }
0x17b: {  	v26 =	vand.u32 $0xF, v1;
	v1 =	vmovc v12;
	v18 =	vld.idx.msk [tilespmem:v29+s4+$0x0], $0xffff;
	v23 =	vmul.f32 v22, v22;
	v16 =	vmul.f32 v33, v16  }
0x17c: {  	v21 =	vadd.f32 v8, v21;
	v12 =	vmul.f32 v25, v25;
	v28 =	vld.idx.msk [tilespmem:v28+s4+$0x0], $0xffff;
	v8 =	vmul.f32 v27, v27  }
0x17d: {  	v27 =	vmul.f32 v31, v31;
	v22 =	vmul.f32 v23, v22;
	v23 =	vld [tilespmem:s21+$0x7F0];
	v14 =	vadd.f32 v16, v14  }
0x17e: {  	v16 =	vshrl.u32 v11, $0x18;
	v11 =	vmul.f32 v12, v25;
	v12 =	vmul.f32 v8, v8;
	v25 =	vld.idx.msk [tilespmem:v32+s4+$0x0], $0xffff  }
0x17f: {  	v24 =	vld.idx.msk [tilespmem:v24+s4+$0x0], $0xffff;
	v29 =	vmul.f32 v27, v27;
	v17 =	vadd.f32 v22, v17;
	[tilespmem:s18+$0x30] =	vst v14  }
0x180: {  	v11 =	vadd.f32 v11, v13;
	v12 =	vmul.f32 v12, v8;
	v13 =	vld [tilespmem:s21+$0x800]  }
0x181: {  	s18 =	sadd.s32 $0x40, s18;
	v18 =	vadd.f32 v9, v18;
	v14 =	vmul.f32 v29, v27;
	[tilespmem:s11+$0x0] =	vst v17;
	v9 =	vld.idx.msk [tilespmem:v19+s4+$0x0], $0xffff  }
0x182: {  	v15 =	vand.u32 $0xF, v15;
	[tilespmem:s18+$0xFFFFF080] =	vst v11;
	v8 =	vld.idx.msk [tilespmem:v26+s4+$0x0], $0xffff;
	v11 =	vadd.f32 v12, v28;
	v19 =	vmul.f32 v23, v23  }
0x183: {  	[tilespmem:s18+$0xFFFFF070] =	vst v18;
	v22 =	vld [tilespmem:s17+$0xFFFFF850]  }
0x184: {  	s7 =	sand.u32 $0x7C0, s20;
	s20 =	smov.u32 s8;
	v23 =	vand.u32 $0xF, v30;
	v26 =	vld [tilespmem:s21+$0x7D0];
	[tilespmem:s11+$0x10] =	vst v11;
	v18 =	vmul.f32 v19, v19;
	s21 =	smov.u32 s17  }
.Ltmp1:
0x185: {  	v14 =	vadd.f32 v14, v24;
	[tilespmem:s18+$0xFFFFF090] =	vst v21;
	v11 =	vld [tilespmem:s7+$0x4780];
	v24 =	vmul.f32 v13, v13;
	(pc) =	sbr.rel @p0 .LBB2_4-.Ltmp1, $4  }
0x186: {  	v12 =	vand.u32 $0xF, v2;
	v2 =	vmov v16;
	v17 =	vld [tilespmem:s17+$0xFFFFF860];
	v13 =	vmul.f32 v18, v19  }
0x187: {  	v21 =	vand.u32 $0xF, v10;
	[tilespmem:s18+$0xFFFFF060] =	vst v14;
	v16 =	vld.idx.msk [tilespmem:v15+s4+$0x0], $0xffff;
	v15 =	vmul.f32 v24, v24  }
0x188: {  	v20 =	vand.u32 $0xF, v20;
	v18 =	vld [tilespmem:s17+$0xFFFFF830];
	v19 =	vmul.f32 v22, v22;
	v10 =	vadd.f32 v13, v25  }
0x189: {  	v14 =	vld.idx.msk [tilespmem:v23+s4+$0x0], $0xffff;
	v13 =	vmul.f32 v26, v26;
	v15 =	vmul.f32 v15, v24  }
0x18a: {  	v22 =	vld [tilespmem:s17+$0xFFFFF840];
	_ =	sdelay $0x2  }
0x18b: {  	v17 =	vmul.f32 v17, v17  }
0x18c: {  	v21 =	vld.idx.msk [tilespmem:v21+s4+$0x0], $0xffff;
	v62 =	vmul.f32 v19, v19;
	v18 =	vmul.f32 v18, v18  }
0x18d: {  	v20 =	vld.idx.msk [tilespmem:v20+s4+$0x0], $0xffff;
	v23 =	vmul.f32 v17, v17;
	v22 =	vmul.f32 v22, v22  }
0x18e: {  	v19 =	vmul.f32 v62, v19;
	v24 =	vmul.f32 v18, v18  }
0x18f: {  	v17 =	vmul.f32 v23, v17;
	v63 =	vmul.f32 v22, v22  }
0x190: {  	v16 =	vadd.f32 v19, v16;
	v18 =	vmul.f32 v24, v18  }
0x191: {  	v17 =	vadd.f32 v17, v21;
	v24 =	vmul.f32 v63, v22  }
0x192: {  	[tilespmem:s18+$0xFFFFF850] =	vst v16;
	v18 =	vadd.f32 v18, v20  }
0x193: {  	v26 =	vld [tilespmem:s21+$0x20];
	[tilespmem:s18+$0xFFFFF860] =	vst v17;
	v14 =	vadd.f32 v24, v14  }
0x194: {  	v6 =	vand.u32 $0xF, v6;
	v17 =	vld [tilespmem:s21+$0x30];
	[tilespmem:s18+$0xFFFFF830] =	vst v18  }
0x195: {  	v3 =	vand.u32 $0xF, v3;
	v25 =	vld [tilespmem:s21+$0x0];
	[tilespmem:s18+$0xFFFFF840] =	vst v14  }
0x196: {  	v4 =	vand.u32 $0xF, v4;
	v14 =	vld [tilespmem:s21+$0x10]  }
0x197: {  	v5 =	vand.u32 $0xF, v5  }
0x198: {  	v18 =	vmul.f32 v26, v26  }
0x199: {  	v6 =	vld.idx.msk [tilespmem:v6+s4+$0x0], $0xffff;
	v17 =	vmul.f32 v17, v17  }
0x19a: {  	v3 =	vld.idx.msk [tilespmem:v3+s4+$0x0], $0xffff;
	v29 =	vmul.f32 v18, v18;
	v16 =	vmul.f32 v25, v25  }
0x19b: {  	v4 =	vld.idx.msk [tilespmem:v4+s4+$0x0], $0xffff;
	v27 =	vmul.f32 v17, v17;
	v14 =	vmul.f32 v14, v14  }
0x19c: {  	v5 =	vld.idx.msk [tilespmem:v5+s4+$0x0], $0xffff;
	v18 =	vmul.f32 v29, v18;
	v28 =	vmul.f32 v16, v16  }
0x19d: {  	v17 =	vmul.f32 v27, v17;
	v30 =	vmul.f32 v14, v14  }
0x19e: {  	v6 =	vadd.f32 v18, v6;
	v16 =	vmul.f32 v28, v16  }
0x19f: {  	v3 =	vadd.f32 v17, v3;
	v14 =	vmul.f32 v30, v14  }
0x1a0: {  	[tilespmem:s18+$0x20] =	vst v6;
	v4 =	vadd.f32 v16, v4  }
0x1a1: {  	v35 =	vld [tilespmem:s21+$0x7F0];
	[tilespmem:s18+$0x30] =	vst v3;
	v31 =	vadd.f32 v14, v5  }
0x1a2: {  	v34 =	vmul.f32 v11, v11;
	v0 =	vand.u32 $0xF, v0;
	v3 =	vld [tilespmem:s21+$0x800];
	[tilespmem:s18+$0x0] =	vst v4  }
0x1a3: {  	v32 =	vand.u32 $0xF, v7;
	s8 =	sand.u32 $0x7C0, s20;
	v33 =	vld [tilespmem:s21+$0x7D0];
	[tilespmem:s18+$0x10] =	vst v31  }
0x1a4: {  	v1 =	vand.u32 $0xF, v1;
	v38 =	vmul.f32 v34, v34;
	v37 =	vld [tilespmem:s8+$0x4780]  }
0x1a5: {  	v2 =	vand.u32 $0xF, v2;
	v12 =	vld.idx.msk [tilespmem:v12+s4+$0x0], $0xffff;
	v36 =	vmul.f32 v13, v13  }
0x1a6: {  	v7 =	vmul.f32 v38, v34;
	v11 =	vmul.f32 v35, v35  }
0x1a7: {  	v0 =	vld.idx.msk [tilespmem:v0+s4+$0x0], $0xffff;
	v4 =	vmul.f32 v36, v13;
	v3 =	vmul.f32 v3, v3  }
0x1a8: {  	[tilespmem:s11+$0x7F0] =	vst v10;
	v5 =	vld.idx.msk [tilespmem:v32+s4+$0x0], $0xffff;
	v41 =	vmul.f32 v11, v11;
	v6 =	vmul.f32 v33, v33  }
0x1a9: {  	v9 =	vadd.f32 v15, v9;
	v1 =	vld.idx.msk [tilespmem:v1+s4+$0x0], $0xffff;
	v39 =	vmul.f32 v3, v3;
	v14 =	vmul.f32 v37, v37  }
0x1aa: {  	v42 =	vadd.f32 v7, v12;
	v2 =	vld.idx.msk [tilespmem:v2+s4+$0x0], $0xffff;
	v44 =	vmul.f32 v41, v11;
	v40 =	vmul.f32 v6, v6  }
0x1ab: {  	[tilespmem:s11+$0x800] =	vst v9;
	v4 =	vadd.f32 v4, v8;
	v3 =	vmul.f32 v39, v3;
	v43 =	vmul.f32 v14, v14  }
0x1ac: {  	[tilespmem:s7+$0x8680] =	vst v42;
	v0 =	vadd.f32 v44, v0;
	v6 =	vmul.f32 v40, v6  }
0x1ad: {  	[tilespmem:s11+$0x7D0] =	vst v4;
	v3 =	vadd.f32 v3, v5;
	v45 =	vmul.f32 v43, v14  }
0x1ae: {  	[tilespmem:s18+$0x7F0] =	vst v0;
	v1 =	vadd.f32 v6, v1  }
0x1af: {  	[tilespmem:s18+$0x800] =	vst v3;
	v46 =	vadd.f32 v45, v2  }
0x1b0: {  	[tilespmem:s18+$0x7D0] =	vst v1  }
0x1b1: {  	[tilespmem:s8+$0x8680] =	vst v46  }
0x1b2: {  	v0 =	vld [tilespmem:$0x1040];
	_ =	sdelay $0x3  }
0x1b3: {  	v1 =	vld [tilespmem:$0x37C0]  }
0x1b4: {  	v47 =	vand.u32 $0xF, v0;
	_ =	sdelay $0x3  }
0x1b5: {  	v1 =	vmul.f32 v1, v1  }
0x1b6: {  	v2 =	vld.idx.msk [tilespmem:v47+s4+$0x0], $0xffff  }
0x1b7: {  	v48 =	vmul.f32 v1, v1  }
0x1b8: {  	v50 =	vld [tilespmem:$0x3F90];
	v49 =	vshrl.u32 v0, $0x8  }
0x1b9: {  	v51 =	vand.u32 $0xF, v49;
	v1 =	vmul.f32 v48, v1;
	_ =	sdelay $0x1  }
0x1ba: {  	v1 =	vadd.f32 v1, v2;
	_ =	sdelay $0x1  }
0x1bb: {  	v52 =	vmul.f32 v50, v50;
	[tilespmem:$0x76C0] =	vst v1  }
0x1bc: {  	v53 =	vld.idx.msk [tilespmem:v51+s4+$0x0], $0xffff  }
0x1bd: {  	v54 =	vmul.f32 v52, v52  }
0x1be: {  	v56 =	vld [tilespmem:$0x4760];
	v55 =	vshrl.u32 v0, $0x10  }
0x1bf: {  	v57 =	vand.u32 $0xF, v55;
	v1 =	vmul.f32 v54, v52;
	_ =	sdelay $0x1  }
0x1c0: {  	v1 =	vadd.f32 v1, v53;
	_ =	sdelay $0x1  }
0x1c1: {  	v58 =	vmul.f32 v56, v56;
	[tilespmem:$0x7E90] =	vst v1  }
0x1c2: {  	v59 =	vld.idx.msk [tilespmem:v57+s4+$0x0], $0xffff  }
0x1c3: {  	v60 =	vmul.f32 v58, v58  }
0x1c4: {  	v61 =	vld [tilespmem:$0x4F30];
	v0 =	vshrl.u32 v0, $0x18  }
0x1c5: {  	v0 =	vand.u32 $0xF, v0;
	v1 =	vmul.f32 v60, v58;
	_ =	sdelay $0x1  }
0x1c6: {  	v1 =	vadd.f32 v1, v59;
	_ =	sdelay $0x1  }
0x1c7: {  	v62 =	vmul.f32 v61, v61;
	[tilespmem:$0x8660] =	vst v1  }
0x1c8: {  	v0 =	vld.idx.msk [tilespmem:v0+s4+$0x0], $0xffff  }
0x1c9: {  	v63 =	vmul.f32 v62, v62;
	_ =	sdelay $0x1  }
0x1ca: {  	v1 =	vmul.f32 v63, v62;
	_ =	sdelay $0x1  }
0x1cb: {  	v0 =	vadd.f32 v1, v0  }
0x1cc: {  	s7 =	rddreg [dreg:$0x10]  }
0x1cd: {  	s31 =	simm.s32 $0x6F00;
	s10 =	rddreg [dreg:$0x11];
	[tilespmem:$0x8E30] =	vst v0  }
0x1ce: {  	[hbm4b:s7+s4] =	stream.linear.scatter [tilespmem:s31], [sflag:$0x4], $0x7D0, $0x38;
	[tilespmem:$0x8E80] =	vst v63  }
0x1cf: {  	s11 =	simm.s32 $0x76D0;
	s17 =	rddreg [dreg:$0x13]  }
0x1d0: {  	[hbm4b:s10+s4] =	stream.linear.scatter [tilespmem:s11], [sflag:$0x4], $0x7D0, $0x38;
	[tilespmem:$0x8E80] =	vst v63  }
0x1d1: {  	s18 =	simm.s32 $0x7EA0;
	s19 =	rddreg [dreg:$0x15]  }
0x1d2: {  	[hbm4b:s17+s4] =	stream.linear.scatter [tilespmem:s18], [sflag:$0x4], $0x7D0, $0x38;
	[tilespmem:$0x8E80] =	vst v63  }
0x1d3: {  	s20 =	simm.s32 $0x8670;
	s21 =	rddreg [dreg:$0x16]  }
0x1d4: {  	[hbm4b:s19+s4] =	stream.linear.scatter [tilespmem:s20], [sflag:$0x4], $0x7D0, $0x38;
	[tilespmem:$0x8E80] =	vst v63  }
0x1d5: {  	s31 =	simm.s32 $0x880;
	s10 =	rddreg [dreg:$0x17]  }
0x1d6: {  	[tilespmem:s31], [sflag:$0x2] =	stream.linear.gather [hbm4b:s21+s4], $0x7D0, $0x38;
	[tilespmem:$0x8E80] =	vst v63  }
0x1d7: {  	s11 =	simm.s32 $0x3000;
	s17 =	sld [smem:$0x7F3]  }
0x1d8: {  	[tilespmem:s11], [sflag:$0x2] =	stream.linear.gather [hbm4b:s10+s4], $0x7D0, $0x38;
	[tilespmem:$0x8E80] =	vst v63  }
0x1d9: {  	s18 =	simm.s32 $0x37D0;
	s19 =	sld [smem:$0x7F4]  }
0x1da: {  	[tilespmem:s18], [sflag:$0x2] =	stream.linear.gather [hbm4b:s17+s4], $0x7D0, $0x38;
	[tilespmem:$0x8E80] =	vst v63  }
0x1db: {  	s20 =	simm.s32 $0x3FA0;
	s21 =	sld [smem:$0x7F5]  }
0x1dc: {  	[tilespmem:s20], [sflag:$0x2] =	stream.linear.gather [hbm4b:s19+s4], $0x7D0, $0x38;
	[tilespmem:$0x8E80] =	vst v63  }
0x1dd: {  	s31 =	simm.s32 $0x4770;
	s11 =	simm.s32 $0x1  }
0x1de: {  	[tilespmem:s31], [sflag:$0x2] =	stream.linear.gather [hbm4b:s21+s4], $0x7D0, $0x38;
	[tilespmem:$0x8E80] =	vst v63  }
.LBB2_6:
0x1df: {  	_ =	swait.ge [sflag:s22], $0x7D0  }
0x1e0: {  	[sflag:s22] =	ssyncset.done $0x0  }
0x1e1: {  	[sflag:s22] =	ssyncadd.s32 $0xFFFFF830  }
0x1e2: {  	_ =	swait.ge [sflag:s22], $0x7D0  }
0x1e3: {  	[sflag:s22] =	ssyncset.done $0x0  }
0x1e4: {  	[sflag:s22] =	ssyncadd.s32 $0xFFFFF830  }
0x1e5: {  	_ =	swait.ge [sflag:s22], $0x7D0  }
0x1e6: {  	[sflag:s22] =	ssyncset.done $0x0  }
0x1e7: {  	[sflag:s22] =	ssyncadd.s32 $0xFFFFF830  }
0x1e8: {  	_ =	swait.ge [sflag:s22], $0x7D0  }
0x1e9: {  	[sflag:s22] =	ssyncset.done $0x0  }
0x1ea: {  	[sflag:s22] =	ssyncadd.s32 $0xFFFFF830  }
0x1eb: {  	_ =	swait.ge [sflag:s22], $0x7D0  }
0x1ec: {  	[sflag:s22] =	ssyncset.done $0x0  }
0x1ed: {  	[sflag:s22] =	ssyncadd.s32 $0xFFFFF830  }
0x1ee: {  	_ =	swait.ge [sflag:s1], $0x7D0  }
0x1ef: {  	[sflag:s1] =	ssyncset.done $0x0  }
0x1f0: {  	[sflag:s1] =	ssyncadd.s32 $0xFFFFF830  }
0x1f1: {  	_ =	swait.ge [sflag:s1], $0x7D0  }
0x1f2: {  	[sflag:s1] =	ssyncset.done $0x0  }
0x1f3: {  	[sflag:s1] =	ssyncadd.s32 $0xFFFFF830  }
0x1f4: {  	_ =	swait.ge [sflag:s1], $0x7D0  }
0x1f5: {  	[sflag:s1] =	ssyncset.done $0x0  }
0x1f6: {  	[sflag:s1] =	ssyncadd.s32 $0xFFFFF830  }
0x1f7: {  	_ =	swait.ge [sflag:s1], $0x7D0  }
0x1f8: {  	[sflag:s1] =	ssyncset.done $0x0  }
0x1f9: {  	s8 =	simm.s32 $0xA0;
	[sflag:s1] =	ssyncadd.s32 $0xFFFFF830  }
0x1fa: {  	v0 =	vld [tilespmem:s8+$0x0];
	_ =	sdelay $0x2  }
0x1fb: {  	s7 =	simm.s32 $0x2020;
	v1 =	vld [tilespmem:s8+$0x10]  }
0x1fc: {  	v2 =	vld [tilespmem:s7+$0xFFFFF080]  }
0x1fd: {  	v4 =	vld [tilespmem:s8+$0xFFFFFFE0];
	v3 =	vand.u32 $0xF, v0  }
0x1fe: {  	v5 =	vld [tilespmem:s8+$0xFFFFFFF0]  }
0x1ff: {  	v6 =	vld [tilespmem:s7+$0xFFFFF090]  }
0x200: {  	v8 =	vld [tilespmem:s7+$0xFFFFF060];
	v7 =	vand.u32 $0xF, v1  }
0x201: {  	v9 =	vld [tilespmem:s7+$0xFFFFF070];
	v2 =	vmul.f32 v2, v2  }
0x202: {  	v10 =	vand.u32 $0xF, v4;
	v3 =	vld.idx.msk [tilespmem:v3+s4+$0x0], $0xffff  }
0x203: {  	v12 =	vand.u32 $0xF, v5;
	v11 =	vmul.f32 v2, v2  }
0x204: {  	v6 =	vmul.f32 v6, v6  }
0x205: {  	v2 =	vmul.f32 v11, v2;
	v7 =	vld.idx.msk [tilespmem:v7+s4+$0x0], $0xffff  }
0x206: {  	v8 =	vmul.f32 v8, v8;
	v11 =	vmul.f32 v6, v6  }
0x207: {  	v2 =	vadd.f32 v2, v3;
	v3 =	vmul.f32 v9, v9;
	v9 =	vld.idx.msk [tilespmem:v10+s4+$0x0], $0xffff  }
0x208: {  	s17 =	simm.s32 $0x5F20;
	v6 =	vmul.f32 v11, v6;
	v11 =	vld.idx.msk [tilespmem:v12+s4+$0x0], $0xffff;
	v12 =	vmul.f32 v8, v8;
	v10 =	vshrl.u32 v0, $0x8  }
0x209: {  	v10 =	vand.u32 $0xF, v10;
	[tilespmem:s17+$0xFFFFF080] =	vst v2;
	v2 =	vmul.f32 v3, v3  }
0x20a: {  	v6 =	vadd.f32 v6, v7;
	v7 =	vmul.f32 v12, v8;
	v13 =	vld [tilespmem:s7+$0xFFFFF850]  }
0x20b: {  	v2 =	vmul.f32 v2, v3  }
0x20c: {  	[tilespmem:s17+$0xFFFFF090] =	vst v6;
	v7 =	vadd.f32 v7, v9  }
0x20d: {  	v9 =	vld [tilespmem:s7+$0xFFFFF860];
	v2 =	vadd.f32 v2, v11  }
0x20e: {  	v8 =	vshrl.u32 v1, $0x8;
	[tilespmem:s17+$0xFFFFF060] =	vst v7;
	v7 =	vld.idx.msk [tilespmem:v10+s4+$0x0], $0xffff  }
0x20f: {  	s20 =	simm.s32 $0xE0;
	v8 =	vand.u32 $0xF, v8;
	v10 =	vmul.f32 v13, v13;
	[tilespmem:s17+$0xFFFFF070] =	vst v2;
	v2 =	vld [tilespmem:s7+$0xFFFFF830]  }
0x210: {  	s18 =	simm.s32 $0x2060;
	v15 =	vld [tilespmem:s20+$0x0];
	v6 =	vshrl.u32 v4, $0x8  }
0x211: {  	v17 =	vld [tilespmem:s18+$0xFFFFF090];
	v6 =	vand.u32 $0xF, v6;
	v11 =	vmul.f32 v10, v10  }
0x212: {  	v20 =	vld [tilespmem:s20+$0xFFFFFFF0];
	v14 =	vshrl.u32 v5, $0x8  }
0x213: {  	v3 =	vand.u32 $0xF, v14;
	v12 =	vld [tilespmem:s7+$0xFFFFF840];
	v9 =	vmul.f32 v9, v9;
	v10 =	vmul.f32 v11, v10  }
0x214: {  	v8 =	vld.idx.msk [tilespmem:v8+s4+$0x0], $0xffff;
	v11 =	vshrl.u32 v0, $0x10;
	v2 =	vmul.f32 v2, v2  }
0x215: {  	v14 =	vld [tilespmem:s20+$0x10];
	v7 =	vadd.f32 v10, v7;
	v10 =	vand.u32 $0xF, v11;
	v11 =	vmul.f32 v9, v9  }
0x216: {  	v6 =	vld.idx.msk [tilespmem:v6+s4+$0x0], $0xffff  }
0x217: {  	v13 =	vld [tilespmem:s18+$0xFFFFF070];
	[tilespmem:s17+$0xFFFFF850] =	vst v7;
	v7 =	vshrl.u32 v1, $0x10;
	v9 =	vmul.f32 v11, v9;
	v11 =	vmul.f32 v2, v2  }
0x218: {  	v3 =	vld.idx.msk [tilespmem:v3+s4+$0x0], $0xffff;
	v12 =	vmul.f32 v12, v12;
	v7 =	vand.u32 $0xF, v7  }
0x219: {  	v16 =	vld [tilespmem:s7+$0x20];
	v2 =	vmul.f32 v11, v2;
	v8 =	vadd.f32 v9, v8  }
0x21a: {  	v21 =	vld [tilespmem:s18+$0xFFFFF080];
	v19 =	vshrl.u32 v5, $0x10;
	v18 =	vmul.f32 v12, v12  }
0x21b: {  	v17 =	vmul.f32 v17, v17;
	v11 =	vld [tilespmem:s20+$0xFFFFFFE0];
	v2 =	vadd.f32 v2, v6;
	v6 =	vand.u32 $0xF, v14;
	[tilespmem:s17+$0xFFFFF860] =	vst v8  }
0x21c: {  	v22 =	vand.u32 $0xF, v20;
	v59 =	vshrl.u32 v15, $0x8;
	v8 =	vmul.f32 v18, v12;
	v12 =	vld [tilespmem:s7+$0x30]  }
0x21d: {  	v9 =	vshrl.u32 v4, $0x10;
	v18 =	vshrl.u32 v5, $0x18;
	v5 =	vmul.f32 v13, v13;
	[tilespmem:s17+$0xFFFFF830] =	vst v2;
	v2 =	vld.idx.msk [tilespmem:v7+s4+$0x0], $0xffff  }
0x21e: {  	v3 =	vadd.f32 v8, v3;
	v7 =	vmul.f32 v16, v16;
	v8 =	vand.u32 $0xF, v9;
	v9 =	vld [tilespmem:s7+$0x0]  }
0x21f: {  	v21 =	vmul.f32 v21, v21;
	v61 =	vand.u32 $0xF, v59;
	v10 =	vld.idx.msk [tilespmem:v10+s4+$0x0], $0xffff;
	v13 =	vmul.f32 v5, v5  }
0x220: {  	v24 =	vmul.f32 v17, v17;
	v16 =	vand.u32 $0xF, v15;
	[tilespmem:s17+$0xFFFFF840] =	vst v3;
	v3 =	vmul.f32 v7, v7;
	v23 =	vld.idx.msk [tilespmem:v6+s4+$0x0], $0xffff  }
0x221: {  	v13 =	vmul.f32 v13, v5;
	v5 =	vand.u32 $0xF, v19;
	v6 =	vld [tilespmem:s7+$0x10];
	v12 =	vmul.f32 v12, v12  }
0x222: {  	v17 =	vmul.f32 v24, v17;
	v22 =	vld.idx.msk [tilespmem:v22+s4+$0x0], $0xffff;
	v0 =	vshrl.u32 v0, $0x18;
	v3 =	vmul.f32 v3, v7  }
0x223: {  	v0 =	vand.u32 $0xF, v0;
	v7 =	vld [tilespmem:s18+$0xFFFFF060];
	v9 =	vmul.f32 v9, v9;
	v25 =	vmul.f32 v12, v12  }
0x224: {  	v1 =	vshrl.u32 v1, $0x18;
	v26 =	vand.u32 $0xF, v11;
	v8 =	vld.idx.msk [tilespmem:v8+s4+$0x0], $0xffff;
	v10 =	vadd.f32 v3, v10  }
0x225: {  	v1 =	vand.u32 $0xF, v1;
	v16 =	vld.idx.msk [tilespmem:v16+s4+$0x0], $0xffff;
	v27 =	vmul.f32 v9, v9;
	v12 =	vmul.f32 v25, v12  }
0x226: {  	v4 =	vshrl.u32 v4, $0x18;
	v28 =	vld.idx.msk [tilespmem:v5+s4+$0x0], $0xffff;
	[tilespmem:s17+$0x20] =	vst v10;
	v10 =	vmul.f32 v21, v21;
	v5 =	vmul.f32 v6, v6  }
0x227: {  	v29 =	vand.u32 $0xF, v4;
	v60 =	vld [tilespmem:s7+$0x7F0];
	v4 =	vmul.f32 v27, v9;
	v2 =	vadd.f32 v12, v2  }
0x228: {  	v31 =	vshrl.u32 v11, $0x8;
	v30 =	vld.idx.msk [tilespmem:v0+s4+$0x0], $0xffff;
	v9 =	vmul.f32 v10, v21;
	v10 =	vmul.f32 v5, v5  }
0x229: {  	v19 =	vshrl.u32 v14, $0x8;
	v0 =	vmul.f32 v7, v7;
	v7 =	vld.idx.msk [tilespmem:v26+s4+$0x0], $0xffff;
	v8 =	vadd.f32 v4, v8;
	[tilespmem:s17+$0x30] =	vst v2  }
0x22a: {  	v3 =	vshrl.u32 v14, $0x10;
	v2 =	vadd.f32 v9, v16;
	v10 =	vmul.f32 v10, v5;
	v12 =	vld [tilespmem:s7+$0x800]  }
0x22b: {  	s19 =	simm.s32 $0x5F60;
	v6 =	vshrl.u32 v15, $0x10;
	v21 =	vmul.f32 v0, v0;
	v4 =	vshrl.u32 v11, $0x10;
	v9 =	vld.idx.msk [tilespmem:v1+s4+$0x0], $0xffff;
	[tilespmem:s17+$0x0] =	vst v8  }
0x22c: {  	v16 =	vshrl.u32 v20, $0x8;
	v5 =	vshrl.u32 v20, $0x10;
	[tilespmem:s19+$0xFFFFF080] =	vst v2;
	v2 =	vadd.f32 v10, v28;
	v8 =	vld.idx.msk [tilespmem:v29+s4+$0x0], $0xffff  }
0x22d: {  	s21 =	simm.s32 $0x0;
	v10 =	vadd.f32 v17, v23;
	v17 =	vmul.f32 v21, v0;
	v21 =	vmul.f32 v60, v60;
	v23 =	vld [tilespmem:s18+$0xFFFFF850]  }
0x22e: {  	v1 =	vshrl.u32 v11, $0x18;
	v0 =	vshrl.u32 v15, $0x18;
	v15 =	vand.u32 $0xF, v16;
	v62 =	vld [tilespmem:s7+$0x7D0];
	s7 =	sand.u32 $0x7C0, s21;
	[tilespmem:s17+$0x10] =	vst v2  }
0x22f: {  	v16 =	vmul.f32 v21, v21;
	v26 =	vadd.f32 v17, v7;
	[tilespmem:s19+$0xFFFFF090] =	vst v10;
	v11 =	vld [tilespmem:s7+$0x2800];
	v63 =	vmul.f32 v12, v12  }
0x230: {  	v7 =	vshrl.u32 v14, $0x18;
	v10 =	vadd.f32 v13, v22;
	v17 =	vld [tilespmem:s18+$0xFFFFF860];
	v12 =	vand.u32 $0xF, v18  }
0x231: {  	v13 =	vmul.f32 v16, v21;
	[tilespmem:s19+$0xFFFFF060] =	vst v26;
	v16 =	vld.idx.msk [tilespmem:v61+s4+$0x0], $0xffff;
	v21 =	vand.u32 $0xF, v19;
	v22 =	vmul.f32 v63, v63  }
0x232: {  	v2 =	vshrl.u32 v20, $0x18;
	v20 =	vand.u32 $0xF, v31;
	[tilespmem:s19+$0xFFFFF070] =	vst v10;
	v18 =	vld [tilespmem:s18+$0xFFFFF830];
	v19 =	vmul.f32 v23, v23  }
0x233: {  	s31 =	simm.s32 $0x2060;
	s8 =	simm.s32 $0x40;
	s21 =	simm.s32 $0x40;
	v14 =	vld.idx.msk [tilespmem:v15+s4+$0x0], $0xffff;
	v10 =	vadd.f32 v13, v30;
	v13 =	vmul.f32 v62, v62;
	v15 =	vmul.f32 v22, v63  }
.LBB2_7:
0x234: {  	s8 =	sadd.s32 $0x40, s8;
	v22 =	vld [tilespmem:s18+$0xFFFFF840];
	v23 =	vmul.f32 v19, v19  }
0x235: {  	p0 =	slt.u32 s8, $0x780;
	v17 =	vmul.f32 v17, v17;
	v24 =	vmul.f32 v13, v13;
	v12 =	vld.idx.msk [tilespmem:v12+s4+$0x0], $0xffff;
	v9 =	vadd.f32 v15, v9  }
0x236: {  	v11 =	vmul.f32 v11, v11;
	v15 =	vmul.f32 v23, v19;
	v19 =	vld.idx.msk [tilespmem:v21+s4+$0x0], $0xffff  }
0x237: {  	v6 =	vand.u32 $0xF, v6;
	s18 =	sadd.s32 $0x40, s18;
	v20 =	vld.idx.msk [tilespmem:v20+s4+$0x0], $0xffff;
	v21 =	vmul.f32 v17, v17;
	v13 =	vmul.f32 v24, v13;
	[tilespmem:s17+$0x800] =	vst v9  }
0x238: {  	s20 =	sadd.s32 $0x40, s20;
	v18 =	vmul.f32 v18, v18;
	v9 =	vld [tilespmem:s18+$0xFFFFF070];
	v15 =	vadd.f32 v15, v16;
	v16 =	vmul.f32 v11, v11  }
0x239: {  	v23 =	vld [tilespmem:s20+$0x10];
	v22 =	vmul.f32 v22, v22;
	v17 =	vmul.f32 v21, v17;
	v8 =	vadd.f32 v13, v8  }
0x23a: {  	v21 =	vmul.f32 v18, v18;
	v13 =	vld [tilespmem:s20+$0x0];
	[tilespmem:s19+$0xFFFFF850] =	vst v15;
	v11 =	vmul.f32 v16, v11  }
0x23b: {  	v24 =	vand.u32 $0xF, v3;
	v15 =	vmul.f32 v22, v22;
	v16 =	vld [tilespmem:s31+$0x20];
	[tilespmem:s17+$0x7D0] =	vst v8  }
0x23c: {  	v18 =	vmul.f32 v21, v18;
	v17 =	vadd.f32 v17, v19;
	v8 =	vld [tilespmem:s18+$0xFFFFF090];
	v11 =	vadd.f32 v11, v12  }
0x23d: {  	v19 =	vand.u32 $0xF, v7;
	v12 =	vld [tilespmem:s20+$0xFFFFFFE0];
	v9 =	vmul.f32 v9, v9;
	v15 =	vmul.f32 v15, v22;
	[tilespmem:s17+$0x7F0] =	vst v10;
	s17 =	smov.u32 s19  }
0x23e: {  	v7 =	vadd.f32 v18, v20;
	v10 =	vshrl.u32 v23, $0x8;
	v3 =	vshrl.u32 v23, $0x10;
	v18 =	vld.idx.msk [tilespmem:v6+s4+$0x0], $0xffff;
	[tilespmem:s7+$0x6700] =	vst v11  }
0x23f: {  	v21 =	vand.u32 $0xF, v23;
	v11 =	vld [tilespmem:s20+$0xFFFFFFF0];
	v20 =	vmul.f32 v9, v9;
	v14 =	vadd.f32 v15, v14;
	[tilespmem:s19+$0xFFFFF860] =	vst v17  }
0x240: {  	v15 =	vshrl.u32 v13, $0x8;
	v6 =	vshrl.u32 v13, $0x10;
	[tilespmem:s19+$0xFFFFF830] =	vst v7;
	v7 =	vmul.f32 v16, v16;
	v16 =	vld [tilespmem:s31+$0x30]  }
0x241: {  	v17 =	vand.u32 $0xF, v4;
	v9 =	vmul.f32 v20, v9;
	v8 =	vmul.f32 v8, v8;
	[tilespmem:s19+$0xFFFFF840] =	vst v14;
	v14 =	vld.idx.msk [tilespmem:v24+s4+$0x0], $0xffff  }
0x242: {  	v20 =	vshrl.u32 v12, $0x8;
	v4 =	vshrl.u32 v12, $0x10;
	v22 =	vld [tilespmem:s31+$0x0];
	v24 =	vmul.f32 v7, v7  }
0x243: {  	v28 =	vand.u32 $0xF, v5;
	v25 =	vand.u32 $0xF, v13;
	v26 =	vld [tilespmem:s18+$0xFFFFF080];
	v27 =	vmul.f32 v8, v8  }
0x244: {  	v29 =	vand.u32 $0xF, v11;
	v30 =	vshrl.u32 v11, $0x8;
	v21 =	vld.idx.msk [tilespmem:v21+s4+$0x0], $0xffff;
	v7 =	vmul.f32 v24, v7  }
0x245: {  	v24 =	vand.u32 $0xF, v12;
	v8 =	vmul.f32 v27, v8;
	v27 =	vld [tilespmem:s31+$0x10];
	v16 =	vmul.f32 v16, v16  }
0x246: {  	v13 =	vshrl.u32 v13, $0x18;
	v5 =	vshrl.u32 v11, $0x10;
	v31 =	vld [tilespmem:s18+$0xFFFFF060];
	v18 =	vadd.f32 v7, v18  }
0x247: {  	v32 =	vand.u32 $0xF, v0;
	v0 =	vmovc v13;
	v17 =	vld.idx.msk [tilespmem:v17+s4+$0x0], $0xffff;
	v22 =	vmul.f32 v22, v22;
	v33 =	vmul.f32 v16, v16  }
0x248: {  	v12 =	vshrl.u32 v12, $0x18;
	v7 =	vshrl.u32 v23, $0x18;
	v13 =	vld.idx.msk [tilespmem:v25+s4+$0x0], $0xffff;
	v25 =	vmul.f32 v26, v26;
	[tilespmem:s19+$0x20] =	vst v18  }
0x249: {  	v26 =	vand.u32 $0xF, v1;
	v1 =	vmovc v12;
	v18 =	vld.idx.msk [tilespmem:v29+s4+$0x0], $0xffff;
	v23 =	vmul.f32 v22, v22;
	v16 =	vmul.f32 v33, v16  }
0x24a: {  	v21 =	vadd.f32 v8, v21;
	v12 =	vmul.f32 v25, v25;
	v28 =	vld.idx.msk [tilespmem:v28+s4+$0x0], $0xffff;
	v8 =	vmul.f32 v27, v27  }
0x24b: {  	v27 =	vmul.f32 v31, v31;
	v22 =	vmul.f32 v23, v22;
	v23 =	vld [tilespmem:s31+$0x7F0];
	v14 =	vadd.f32 v16, v14  }
0x24c: {  	v16 =	vshrl.u32 v11, $0x18;
	v11 =	vmul.f32 v12, v25;
	v12 =	vmul.f32 v8, v8;
	v25 =	vld.idx.msk [tilespmem:v32+s4+$0x0], $0xffff  }
0x24d: {  	v24 =	vld.idx.msk [tilespmem:v24+s4+$0x0], $0xffff;
	v29 =	vmul.f32 v27, v27;
	v17 =	vadd.f32 v22, v17;
	[tilespmem:s19+$0x30] =	vst v14  }
0x24e: {  	v11 =	vadd.f32 v11, v13;
	v12 =	vmul.f32 v12, v8;
	v13 =	vld [tilespmem:s31+$0x800]  }
0x24f: {  	s19 =	sadd.s32 $0x40, s19;
	v18 =	vadd.f32 v9, v18;
	v14 =	vmul.f32 v29, v27;
	[tilespmem:s17+$0x0] =	vst v17;
	v9 =	vld.idx.msk [tilespmem:v19+s4+$0x0], $0xffff  }
0x250: {  	v15 =	vand.u32 $0xF, v15;
	[tilespmem:s19+$0xFFFFF080] =	vst v11;
	v8 =	vld.idx.msk [tilespmem:v26+s4+$0x0], $0xffff;
	v11 =	vadd.f32 v12, v28;
	v19 =	vmul.f32 v23, v23  }
0x251: {  	[tilespmem:s19+$0xFFFFF070] =	vst v18;
	v22 =	vld [tilespmem:s18+$0xFFFFF850]  }
0x252: {  	s7 =	sand.u32 $0x7C0, s21;
	s21 =	smov.u32 s8;
	v23 =	vand.u32 $0xF, v30;
	v26 =	vld [tilespmem:s31+$0x7D0];
	[tilespmem:s17+$0x10] =	vst v11;
	v18 =	vmul.f32 v19, v19;
	s31 =	smov.u32 s18  }
.Ltmp2:
0x253: {  	v14 =	vadd.f32 v14, v24;
	[tilespmem:s19+$0xFFFFF090] =	vst v21;
	v11 =	vld [tilespmem:s7+$0x2800];
	v24 =	vmul.f32 v13, v13;
	(pc) =	sbr.rel @p0 .LBB2_7-.Ltmp2, $4  }
0x254: {  	v12 =	vand.u32 $0xF, v2;
	v2 =	vmov v16;
	v17 =	vld [tilespmem:s18+$0xFFFFF860];
	v13 =	vmul.f32 v18, v19  }
0x255: {  	v21 =	vand.u32 $0xF, v10;
	[tilespmem:s19+$0xFFFFF060] =	vst v14;
	v16 =	vld.idx.msk [tilespmem:v15+s4+$0x0], $0xffff;
	v15 =	vmul.f32 v24, v24  }
0x256: {  	v20 =	vand.u32 $0xF, v20;
	v18 =	vld [tilespmem:s18+$0xFFFFF830];
	v19 =	vmul.f32 v22, v22;
	v10 =	vadd.f32 v13, v25  }
0x257: {  	v14 =	vld.idx.msk [tilespmem:v23+s4+$0x0], $0xffff;
	v13 =	vmul.f32 v26, v26;
	v15 =	vmul.f32 v15, v24  }
0x258: {  	_ = 	snop  }
0x259: {  	v22 =	vld [tilespmem:s18+$0xFFFFF840];
	_ =	sdelay $0x1  }
0x25a: {  	v17 =	vmul.f32 v17, v17  }
0x25b: {  	v21 =	vld.idx.msk [tilespmem:v21+s4+$0x0], $0xffff;
	v18 =	vmul.f32 v18, v18  }
0x25c: {  	v20 =	vld.idx.msk [tilespmem:v20+s4+$0x0], $0xffff;
	v23 =	vmul.f32 v17, v17  }
0x25d: {  	v22 =	vmul.f32 v22, v22;
	v24 =	vmul.f32 v18, v18  }
0x25e: {  	v25 =	vmul.f32 v19, v19;
	v17 =	vmul.f32 v23, v17  }
0x25f: {  	v23 =	vmul.f32 v22, v22;
	v18 =	vmul.f32 v24, v18  }
0x260: {  	v19 =	vmul.f32 v25, v19;
	v17 =	vadd.f32 v17, v21  }
0x261: {  	v21 =	vmul.f32 v23, v22;
	v18 =	vadd.f32 v18, v20  }
0x262: {  	v16 =	vadd.f32 v19, v16;
	[tilespmem:s19+$0xFFFFF860] =	vst v17  }
0x263: {  	v17 =	vld [tilespmem:s31+$0x30];
	v14 =	vadd.f32 v21, v14;
	[tilespmem:s19+$0xFFFFF830] =	vst v18  }
0x264: {  	v3 =	vand.u32 $0xF, v3;
	[tilespmem:s19+$0xFFFFF850] =	vst v16;
	v16 =	vld [tilespmem:s31+$0x0]  }
0x265: {  	v4 =	vand.u32 $0xF, v4;
	v18 =	vld [tilespmem:s31+$0x20];
	[tilespmem:s19+$0xFFFFF840] =	vst v14  }
0x266: {  	v6 =	vand.u32 $0xF, v6;
	v14 =	vld [tilespmem:s31+$0x10]  }
0x267: {  	v5 =	vand.u32 $0xF, v5  }
0x268: {  	v17 =	vmul.f32 v17, v17  }
0x269: {  	v3 =	vld.idx.msk [tilespmem:v3+s4+$0x0], $0xffff;
	v16 =	vmul.f32 v16, v16  }
0x26a: {  	v4 =	vld.idx.msk [tilespmem:v4+s4+$0x0], $0xffff;
	v18 =	vmul.f32 v18, v18;
	v19 =	vmul.f32 v17, v17  }
0x26b: {  	v6 =	vld.idx.msk [tilespmem:v6+s4+$0x0], $0xffff;
	v20 =	vmul.f32 v16, v16;
	v14 =	vmul.f32 v14, v14  }
0x26c: {  	v5 =	vld.idx.msk [tilespmem:v5+s4+$0x0], $0xffff;
	v21 =	vmul.f32 v18, v18;
	v17 =	vmul.f32 v19, v17  }
0x26d: {  	v16 =	vmul.f32 v20, v16;
	v19 =	vmul.f32 v14, v14  }
0x26e: {  	v18 =	vmul.f32 v21, v18;
	v3 =	vadd.f32 v17, v3  }
0x26f: {  	v4 =	vadd.f32 v16, v4;
	v14 =	vmul.f32 v19, v14  }
0x270: {  	v6 =	vadd.f32 v18, v6;
	[tilespmem:s19+$0x30] =	vst v3  }
0x271: {  	v3 =	vld [tilespmem:s31+$0x800];
	[tilespmem:s19+$0x0] =	vst v4;
	v4 =	vadd.f32 v14, v5  }
0x272: {  	[tilespmem:s19+$0x20] =	vst v6;
	v5 =	vand.u32 $0xF, v7;
	v6 =	vld [tilespmem:s31+$0x7D0]  }
0x273: {  	v1 =	vand.u32 $0xF, v1;
	s8 =	sand.u32 $0x7C0, s21;
	v7 =	vmul.f32 v11, v11;
	v11 =	vld [tilespmem:s31+$0x7F0];
	[tilespmem:s19+$0x10] =	vst v4  }
0x274: {  	v0 =	vand.u32 $0xF, v0;
	v4 =	vmul.f32 v13, v13;
	v14 =	vld [tilespmem:s8+$0x2800]  }
0x275: {  	v2 =	vand.u32 $0xF, v2;
	v16 =	vmul.f32 v7, v7  }
0x276: {  	v12 =	vld.idx.msk [tilespmem:v12+s4+$0x0], $0xffff;
	v4 =	vmul.f32 v4, v13;
	v3 =	vmul.f32 v3, v3  }
0x277: {  	v7 =	vmul.f32 v16, v7;
	v5 =	vld.idx.msk [tilespmem:v5+s4+$0x0], $0xffff;
	v6 =	vmul.f32 v6, v6  }
0x278: {  	v9 =	vadd.f32 v15, v9;
	v1 =	vld.idx.msk [tilespmem:v1+s4+$0x0], $0xffff;
	v11 =	vmul.f32 v11, v11;
	v13 =	vmul.f32 v3, v3  }
0x279: {  	v0 =	vld.idx.msk [tilespmem:v0+s4+$0x0], $0xffff;
	v4 =	vadd.f32 v4, v8;
	v8 =	vmul.f32 v6, v6;
	v14 =	vmul.f32 v14, v14  }
0x27a: {  	[tilespmem:s17+$0x800] =	vst v9;
	v2 =	vld.idx.msk [tilespmem:v2+s4+$0x0], $0xffff;
	v9 =	vmul.f32 v11, v11;
	v3 =	vmul.f32 v13, v3  }
0x27b: {  	[tilespmem:s17+$0x7D0] =	vst v4;
	v4 =	vadd.f32 v7, v12;
	v6 =	vmul.f32 v8, v6;
	v7 =	vmul.f32 v14, v14  }
0x27c: {  	[tilespmem:s17+$0x7F0] =	vst v10;
	v8 =	vmul.f32 v9, v11;
	v3 =	vadd.f32 v3, v5  }
0x27d: {  	[tilespmem:s7+$0x6700] =	vst v4;
	v1 =	vadd.f32 v6, v1;
	v4 =	vmul.f32 v7, v14  }
0x27e: {  	v0 =	vadd.f32 v8, v0;
	[tilespmem:s19+$0x800] =	vst v3  }
0x27f: {  	[tilespmem:s19+$0x7D0] =	vst v1;
	v1 =	vadd.f32 v4, v2  }
0x280: {  	[tilespmem:s19+$0x7F0] =	vst v0  }
0x281: {  	[tilespmem:s8+$0x6700] =	vst v1  }
0x282: {  	v0 =	vld [tilespmem:$0x840];
	_ =	sdelay $0x3  }
0x283: {  	v1 =	vld [tilespmem:$0x1840]  }
0x284: {  	v2 =	vand.u32 $0xF, v0;
	_ =	sdelay $0x3  }
0x285: {  	v1 =	vmul.f32 v1, v1  }
0x286: {  	v2 =	vld.idx.msk [tilespmem:v2+s4+$0x0], $0xffff  }
0x287: {  	v3 =	vmul.f32 v1, v1  }
0x288: {  	v5 =	vld [tilespmem:$0x2010];
	v4 =	vshrl.u32 v0, $0x8  }
0x289: {  	v1 =	vmul.f32 v3, v1;
	v3 =	vand.u32 $0xF, v4;
	_ =	sdelay $0x1  }
0x28a: {  	v1 =	vadd.f32 v1, v2;
	_ =	sdelay $0x1  }
0x28b: {  	[tilespmem:$0x5740] =	vst v1;
	v1 =	vmul.f32 v5, v5  }
0x28c: {  	v2 =	vld.idx.msk [tilespmem:v3+s4+$0x0], $0xffff  }
0x28d: {  	v3 =	vmul.f32 v1, v1  }
0x28e: {  	v4 =	vshrl.u32 v0, $0x10;
	v5 =	vld [tilespmem:$0x27E0]  }
0x28f: {  	v1 =	vmul.f32 v3, v1;
	v3 =	vand.u32 $0xF, v4;
	_ =	sdelay $0x1  }
0x290: {  	v1 =	vadd.f32 v1, v2;
	_ =	sdelay $0x1  }
0x291: {  	[tilespmem:$0x5F10] =	vst v1;
	v1 =	vmul.f32 v5, v5  }
0x292: {  	v2 =	vld.idx.msk [tilespmem:v3+s4+$0x0], $0xffff  }
0x293: {  	v3 =	vmul.f32 v1, v1  }
0x294: {  	v0 =	vshrl.u32 v0, $0x18;
	v4 =	vld [tilespmem:$0x2FB0]  }
0x295: {  	v0 =	vand.u32 $0xF, v0;
	v1 =	vmul.f32 v3, v1;
	_ =	sdelay $0x1  }
0x296: {  	v1 =	vadd.f32 v1, v2;
	_ =	sdelay $0x1  }
0x297: {  	[tilespmem:$0x66E0] =	vst v1;
	v1 =	vmul.f32 v4, v4  }
0x298: {  	v0 =	vld.idx.msk [tilespmem:v0+s4+$0x0], $0xffff  }
0x299: {  	v2 =	vmul.f32 v1, v1;
	_ =	sdelay $0x1  }
0x29a: {  	s17 =	smul.u32 $0xFA0, s11;
	v1 =	vmul.f32 v2, v1;
	_ =	sdelay $0x1  }
0x29b: {  	s19 =	sadd.s32 s5, s17;
	v0 =	vadd.f32 v1, v0  }
0x29c: {  	s7 =	sshrl.u32 s19, $0x3  }
0x29d: {  	s7 =	sadd.s32 s3, s7;
	[tilespmem:$0x6EB0] =	vst v0  }
0x29e: {  	[hbm4b:s7+s4] =	stream.linear.scatter [tilespmem:s23], [sflag:$0x3], $0x7D0, $0x38;
	[tilespmem:$0x8E80] =	vst v63  }
0x29f: {  	s20 =	sadd.s32 $0x30D40, s7  }
0x2a0: {  	[hbm4b:s20+s4] =	stream.linear.scatter [tilespmem:s24], [sflag:$0x3], $0x7D0, $0x38;
	[tilespmem:$0x8E80] =	vst v63  }
0x2a1: {  	s21 =	sadd.s32 $0x61A80, s7  }
0x2a2: {  	[hbm4b:s21+s4] =	stream.linear.scatter [tilespmem:s26], [sflag:$0x3], $0x7D0, $0x38;
	[tilespmem:$0x8E80] =	vst v63  }
0x2a3: {  	s10 =	sadd.s32 s17, s15;
	s7 =	sadd.s32 $0x927C0, s7  }
0x2a4: {  	[hbm4b:s7+s4] =	stream.linear.scatter [tilespmem:s28], [sflag:$0x3], $0x7D0, $0x38;
	[tilespmem:$0x8E80] =	vst v63  }
0x2a5: {  	s7 =	sshrl.u32 s10, $0x3  }
0x2a6: {  	s18 =	sadd.s32 s6, s7  }
0x2a7: {  	[tilespmem:s12], [sflag:$0x1] =	stream.linear.gather [hbm4b:s18+s4], $0x7D0, $0x38;
	[tilespmem:$0x8E80] =	vst v63  }
0x2a8: {  	s7 =	sadd.s32 s2, s7  }
0x2a9: {  	[tilespmem:s13], [sflag:$0x1] =	stream.linear.gather [hbm4b:s7+s4], $0x7D0, $0x38;
	[tilespmem:$0x8E80] =	vst v63  }
0x2aa: {  	s19 =	sadd.s32 $0x30D40, s7  }
0x2ab: {  	[tilespmem:s14], [sflag:$0x1] =	stream.linear.gather [hbm4b:s19+s4], $0x7D0, $0x38;
	[tilespmem:$0x8E80] =	vst v63  }
0x2ac: {  	s20 =	sadd.s32 $0x61A80, s7  }
0x2ad: {  	[tilespmem:s29], [sflag:$0x1] =	stream.linear.gather [hbm4b:s20+s4], $0x7D0, $0x38;
	[tilespmem:$0x8E80] =	vst v63  }
0x2ae: {  	s7 =	sadd.s32 $0x927C0, s7  }
0x2af: {  	[tilespmem:s16], [sflag:$0x1] =	stream.linear.gather [hbm4b:s7+s4], $0x7D0, $0x38;
	[tilespmem:$0x8E80] =	vst v63  }
0x2b0: {  	_ =	swait.ge [sflag:s30], $0x7D0  }
0x2b1: {  	[sflag:s30] =	ssyncset.done $0x0  }
0x2b2: {  	[sflag:s30] =	ssyncadd.s32 $0xFFFFF830  }
0x2b3: {  	_ =	swait.ge [sflag:s30], $0x7D0  }
0x2b4: {  	[sflag:s30] =	ssyncset.done $0x0  }
0x2b5: {  	[sflag:s30] =	ssyncadd.s32 $0xFFFFF830  }
0x2b6: {  	_ =	swait.ge [sflag:s30], $0x7D0  }
0x2b7: {  	[sflag:s30] =	ssyncset.done $0x0  }
0x2b8: {  	[sflag:s30] =	ssyncadd.s32 $0xFFFFF830  }
0x2b9: {  	_ =	swait.ge [sflag:s30], $0x7D0  }
0x2ba: {  	[sflag:s30] =	ssyncset.done $0x0  }
0x2bb: {  	[sflag:s30] =	ssyncadd.s32 $0xFFFFF830  }
0x2bc: {  	_ =	swait.ge [sflag:s30], $0x7D0  }
0x2bd: {  	[sflag:s30] =	ssyncset.done $0x0  }
0x2be: {  	[sflag:s30] =	ssyncadd.s32 $0xFFFFF830  }
0x2bf: {  	_ =	swait.ge [sflag:s0], $0x7D0  }
0x2c0: {  	[sflag:s0] =	ssyncset.done $0x0  }
0x2c1: {  	[sflag:s0] =	ssyncadd.s32 $0xFFFFF830  }
0x2c2: {  	_ =	swait.ge [sflag:s0], $0x7D0  }
0x2c3: {  	[sflag:s0] =	ssyncset.done $0x0  }
0x2c4: {  	[sflag:s0] =	ssyncadd.s32 $0xFFFFF830  }
0x2c5: {  	_ =	swait.ge [sflag:s0], $0x7D0  }
0x2c6: {  	[sflag:s0] =	ssyncset.done $0x0  }
0x2c7: {  	[sflag:s0] =	ssyncadd.s32 $0xFFFFF830  }
0x2c8: {  	_ =	swait.ge [sflag:s0], $0x7D0  }
0x2c9: {  	[sflag:s0] =	ssyncset.done $0x0  }
0x2ca: {  	s21 =	simm.s32 $0x8A0;
	[sflag:s0] =	ssyncadd.s32 $0xFFFFF830  }
0x2cb: {  	v0 =	vld [tilespmem:s21+$0x0];
	_ =	sdelay $0x2  }
0x2cc: {  	s7 =	simm.s32 $0x3FA0;
	v1 =	vld [tilespmem:s21+$0x10]  }
0x2cd: {  	v2 =	vld [tilespmem:s7+$0xFFFFF080]  }
0x2ce: {  	v4 =	vld [tilespmem:s21+$0xFFFFFFE0];
	v3 =	vand.u32 $0xF, v0  }
0x2cf: {  	v5 =	vld [tilespmem:s21+$0xFFFFFFF0]  }
0x2d0: {  	v6 =	vld [tilespmem:s7+$0xFFFFF090]  }
0x2d1: {  	v8 =	vld [tilespmem:s7+$0xFFFFF060];
	v7 =	vand.u32 $0xF, v1  }
0x2d2: {  	v9 =	vld [tilespmem:s7+$0xFFFFF070];
	v2 =	vmul.f32 v2, v2  }
0x2d3: {  	v10 =	vand.u32 $0xF, v4;
	v3 =	vld.idx.msk [tilespmem:v3+s4+$0x0], $0xffff  }
0x2d4: {  	v12 =	vand.u32 $0xF, v5;
	v11 =	vmul.f32 v2, v2  }
0x2d5: {  	v6 =	vmul.f32 v6, v6  }
0x2d6: {  	v2 =	vmul.f32 v11, v2;
	v7 =	vld.idx.msk [tilespmem:v7+s4+$0x0], $0xffff  }
0x2d7: {  	v8 =	vmul.f32 v8, v8;
	v11 =	vmul.f32 v6, v6  }
0x2d8: {  	v2 =	vadd.f32 v2, v3;
	v3 =	vmul.f32 v9, v9;
	v9 =	vld.idx.msk [tilespmem:v10+s4+$0x0], $0xffff  }
0x2d9: {  	s18 =	simm.s32 $0x7EA0;
	v6 =	vmul.f32 v11, v6;
	v11 =	vld.idx.msk [tilespmem:v12+s4+$0x0], $0xffff;
	v12 =	vmul.f32 v8, v8;
	v10 =	vshrl.u32 v0, $0x8  }
0x2da: {  	v10 =	vand.u32 $0xF, v10;
	[tilespmem:s18+$0xFFFFF080] =	vst v2;
	v2 =	vmul.f32 v3, v3  }
0x2db: {  	v6 =	vadd.f32 v6, v7;
	v7 =	vmul.f32 v12, v8;
	v13 =	vld [tilespmem:s7+$0xFFFFF850]  }
0x2dc: {  	v2 =	vmul.f32 v2, v3  }
0x2dd: {  	[tilespmem:s18+$0xFFFFF090] =	vst v6;
	v7 =	vadd.f32 v7, v9  }
0x2de: {  	v9 =	vld [tilespmem:s7+$0xFFFFF860];
	v2 =	vadd.f32 v2, v11  }
0x2df: {  	v8 =	vshrl.u32 v1, $0x8;
	[tilespmem:s18+$0xFFFFF060] =	vst v7;
	v7 =	vld.idx.msk [tilespmem:v10+s4+$0x0], $0xffff  }
0x2e0: {  	s19 =	simm.s32 $0x3FE0;
	v8 =	vand.u32 $0xF, v8;
	v10 =	vmul.f32 v13, v13;
	[tilespmem:s18+$0xFFFFF070] =	vst v2;
	v2 =	vld [tilespmem:s7+$0xFFFFF830]  }
0x2e1: {  	v17 =	vld [tilespmem:s19+$0xFFFFF090];
	v6 =	vshrl.u32 v4, $0x8  }
0x2e2: {  	s21 =	simm.s32 $0x8E0;
	v21 =	vld [tilespmem:s19+$0xFFFFF080];
	v6 =	vand.u32 $0xF, v6;
	v11 =	vmul.f32 v10, v10  }
0x2e3: {  	v20 =	vld [tilespmem:s21+$0xFFFFFFF0];
	v14 =	vshrl.u32 v5, $0x8  }
0x2e4: {  	v3 =	vand.u32 $0xF, v14;
	v12 =	vld [tilespmem:s7+$0xFFFFF840];
	v9 =	vmul.f32 v9, v9;
	v10 =	vmul.f32 v11, v10  }
0x2e5: {  	v8 =	vld.idx.msk [tilespmem:v8+s4+$0x0], $0xffff;
	v11 =	vshrl.u32 v0, $0x10;
	v2 =	vmul.f32 v2, v2  }
0x2e6: {  	v14 =	vld [tilespmem:s21+$0x10];
	v7 =	vadd.f32 v10, v7;
	v10 =	vand.u32 $0xF, v11;
	v11 =	vmul.f32 v9, v9  }
0x2e7: {  	v6 =	vld.idx.msk [tilespmem:v6+s4+$0x0], $0xffff  }
0x2e8: {  	v13 =	vld [tilespmem:s19+$0xFFFFF070];
	[tilespmem:s18+$0xFFFFF850] =	vst v7;
	v7 =	vshrl.u32 v1, $0x10;
	v9 =	vmul.f32 v11, v9;
	v11 =	vmul.f32 v2, v2  }
0x2e9: {  	v3 =	vld.idx.msk [tilespmem:v3+s4+$0x0], $0xffff;
	v12 =	vmul.f32 v12, v12;
	v7 =	vand.u32 $0xF, v7  }
0x2ea: {  	v16 =	vld [tilespmem:s7+$0x20];
	v2 =	vmul.f32 v11, v2;
	v8 =	vadd.f32 v9, v8  }
0x2eb: {  	v15 =	vld [tilespmem:s21+$0x0];
	v19 =	vshrl.u32 v5, $0x10;
	v18 =	vmul.f32 v12, v12  }
0x2ec: {  	v17 =	vmul.f32 v17, v17;
	v11 =	vld [tilespmem:s21+$0xFFFFFFE0];
	v2 =	vadd.f32 v2, v6;
	v6 =	vand.u32 $0xF, v14;
	[tilespmem:s18+$0xFFFFF860] =	vst v8  }
0x2ed: {  	v21 =	vmul.f32 v21, v21;
	v22 =	vand.u32 $0xF, v20;
	v8 =	vmul.f32 v18, v12;
	v12 =	vld [tilespmem:s7+$0x30]  }
0x2ee: {  	v9 =	vshrl.u32 v4, $0x10;
	v18 =	vshrl.u32 v5, $0x18;
	v5 =	vmul.f32 v13, v13;
	[tilespmem:s18+$0xFFFFF830] =	vst v2;
	v2 =	vld.idx.msk [tilespmem:v7+s4+$0x0], $0xffff  }
0x2ef: {  	v3 =	vadd.f32 v8, v3;
	v7 =	vmul.f32 v16, v16;
	v8 =	vand.u32 $0xF, v9;
	v9 =	vld [tilespmem:s7+$0x0]  }
0x2f0: {  	v59 =	vshrl.u32 v15, $0x8;
	v57 =	vmul.f32 v17, v17;
	v10 =	vld.idx.msk [tilespmem:v10+s4+$0x0], $0xffff;
	v13 =	vmul.f32 v5, v5  }
0x2f1: {  	v61 =	vand.u32 $0xF, v59;
	v16 =	vand.u32 $0xF, v15;
	[tilespmem:s18+$0xFFFFF840] =	vst v3;
	v3 =	vmul.f32 v7, v7;
	v23 =	vld.idx.msk [tilespmem:v6+s4+$0x0], $0xffff  }
0x2f2: {  	v13 =	vmul.f32 v13, v5;
	v5 =	vand.u32 $0xF, v19;
	v6 =	vld [tilespmem:s7+$0x10];
	v12 =	vmul.f32 v12, v12  }
0x2f3: {  	v17 =	vmul.f32 v57, v17;
	v22 =	vld.idx.msk [tilespmem:v22+s4+$0x0], $0xffff;
	v0 =	vshrl.u32 v0, $0x18;
	v3 =	vmul.f32 v3, v7  }
0x2f4: {  	v0 =	vand.u32 $0xF, v0;
	v7 =	vld [tilespmem:s19+$0xFFFFF060];
	v9 =	vmul.f32 v9, v9;
	v58 =	vmul.f32 v12, v12  }
0x2f5: {  	v1 =	vshrl.u32 v1, $0x18;
	v26 =	vand.u32 $0xF, v11;
	v8 =	vld.idx.msk [tilespmem:v8+s4+$0x0], $0xffff;
	v10 =	vadd.f32 v3, v10  }
0x2f6: {  	v1 =	vand.u32 $0xF, v1;
	v16 =	vld.idx.msk [tilespmem:v16+s4+$0x0], $0xffff;
	v27 =	vmul.f32 v9, v9;
	v12 =	vmul.f32 v58, v12  }
0x2f7: {  	v4 =	vshrl.u32 v4, $0x18;
	v28 =	vld.idx.msk [tilespmem:v5+s4+$0x0], $0xffff;
	[tilespmem:s18+$0x20] =	vst v10;
	v10 =	vmul.f32 v21, v21;
	v5 =	vmul.f32 v6, v6  }
0x2f8: {  	v29 =	vand.u32 $0xF, v4;
	v60 =	vld [tilespmem:s7+$0x7F0];
	v4 =	vmul.f32 v27, v9;
	v2 =	vadd.f32 v12, v2  }
0x2f9: {  	v31 =	vshrl.u32 v11, $0x8;
	v30 =	vld.idx.msk [tilespmem:v0+s4+$0x0], $0xffff;
	v9 =	vmul.f32 v10, v21;
	v10 =	vmul.f32 v5, v5  }
0x2fa: {  	v19 =	vshrl.u32 v14, $0x8;
	v0 =	vmul.f32 v7, v7;
	v7 =	vld.idx.msk [tilespmem:v26+s4+$0x0], $0xffff;
	v8 =	vadd.f32 v4, v8;
	[tilespmem:s18+$0x30] =	vst v2  }
0x2fb: {  	v3 =	vshrl.u32 v14, $0x10;
	v2 =	vadd.f32 v9, v16;
	v10 =	vmul.f32 v10, v5;
	v12 =	vld [tilespmem:s7+$0x800]  }
0x2fc: {  	s20 =	simm.s32 $0x7EE0;
	v6 =	vshrl.u32 v15, $0x10;
	v21 =	vmul.f32 v0, v0;
	v4 =	vshrl.u32 v11, $0x10;
	v9 =	vld.idx.msk [tilespmem:v1+s4+$0x0], $0xffff;
	[tilespmem:s18+$0x0] =	vst v8  }
0x2fd: {  	v16 =	vshrl.u32 v20, $0x8;
	v5 =	vshrl.u32 v20, $0x10;
	[tilespmem:s20+$0xFFFFF080] =	vst v2;
	v2 =	vadd.f32 v10, v28;
	v8 =	vld.idx.msk [tilespmem:v29+s4+$0x0], $0xffff  }
0x2fe: {  	s10 =	simm.s32 $0x0;
	v10 =	vadd.f32 v17, v23;
	v17 =	vmul.f32 v21, v0;
	v21 =	vmul.f32 v60, v60;
	v23 =	vld [tilespmem:s19+$0xFFFFF850]  }
0x2ff: {  	s8 =	sand.u32 $0x7C0, s10;
	v1 =	vshrl.u32 v11, $0x18;
	v0 =	vshrl.u32 v15, $0x18;
	v15 =	vand.u32 $0xF, v16;
	v62 =	vld [tilespmem:s7+$0x7D0];
	[tilespmem:s18+$0x10] =	vst v2  }
0x300: {  	v16 =	vmul.f32 v21, v21;
	v26 =	vadd.f32 v17, v7;
	[tilespmem:s20+$0xFFFFF090] =	vst v10;
	v11 =	vld [tilespmem:s8+$0x4780];
	v63 =	vmul.f32 v12, v12  }
0x301: {  	v7 =	vshrl.u32 v14, $0x18;
	v10 =	vadd.f32 v13, v22;
	v17 =	vld [tilespmem:s19+$0xFFFFF860];
	v12 =	vand.u32 $0xF, v18  }
0x302: {  	v13 =	vmul.f32 v16, v21;
	[tilespmem:s20+$0xFFFFF060] =	vst v26;
	v16 =	vld.idx.msk [tilespmem:v61+s4+$0x0], $0xffff;
	v21 =	vand.u32 $0xF, v19;
	v22 =	vmul.f32 v63, v63  }
0x303: {  	v2 =	vshrl.u32 v20, $0x18;
	v20 =	vand.u32 $0xF, v31;
	[tilespmem:s20+$0xFFFFF070] =	vst v10;
	v18 =	vld [tilespmem:s19+$0xFFFFF830];
	v19 =	vmul.f32 v23, v23  }
0x304: {  	s31 =	simm.s32 $0x40;
	s10 =	simm.s32 $0x40;
	s7 =	simm.s32 $0x3FE0;
	v14 =	vld.idx.msk [tilespmem:v15+s4+$0x0], $0xffff;
	v10 =	vadd.f32 v13, v30;
	v13 =	vmul.f32 v62, v62;
	v15 =	vmul.f32 v22, v63  }
.LBB2_9:
0x305: {  	s10 =	sadd.s32 $0x40, s10;
	v22 =	vld [tilespmem:s19+$0xFFFFF840];
	v23 =	vmul.f32 v19, v19  }
0x306: {  	p0 =	slt.u32 s10, $0x780;
	v17 =	vmul.f32 v17, v17;
	v24 =	vmul.f32 v13, v13;
	v12 =	vld.idx.msk [tilespmem:v12+s4+$0x0], $0xffff;
	v9 =	vadd.f32 v15, v9  }
0x307: {  	v11 =	vmul.f32 v11, v11;
	v15 =	vmul.f32 v23, v19;
	v19 =	vld.idx.msk [tilespmem:v21+s4+$0x0], $0xffff  }
0x308: {  	v6 =	vand.u32 $0xF, v6;
	s19 =	sadd.s32 $0x40, s19;
	v20 =	vld.idx.msk [tilespmem:v20+s4+$0x0], $0xffff;
	v21 =	vmul.f32 v17, v17;
	v13 =	vmul.f32 v24, v13;
	[tilespmem:s18+$0x800] =	vst v9  }
0x309: {  	s21 =	sadd.s32 $0x40, s21;
	v18 =	vmul.f32 v18, v18;
	v9 =	vld [tilespmem:s19+$0xFFFFF070];
	v15 =	vadd.f32 v15, v16;
	v16 =	vmul.f32 v11, v11  }
0x30a: {  	v23 =	vld [tilespmem:s21+$0x10];
	v22 =	vmul.f32 v22, v22;
	v17 =	vmul.f32 v21, v17;
	v8 =	vadd.f32 v13, v8  }
0x30b: {  	v21 =	vmul.f32 v18, v18;
	v13 =	vld [tilespmem:s21+$0x0];
	[tilespmem:s20+$0xFFFFF850] =	vst v15;
	v11 =	vmul.f32 v16, v11  }
0x30c: {  	v24 =	vand.u32 $0xF, v3;
	v15 =	vmul.f32 v22, v22;
	v16 =	vld [tilespmem:s7+$0x20];
	[tilespmem:s18+$0x7D0] =	vst v8  }
0x30d: {  	v18 =	vmul.f32 v21, v18;
	v17 =	vadd.f32 v17, v19;
	v8 =	vld [tilespmem:s19+$0xFFFFF090];
	v11 =	vadd.f32 v11, v12  }
0x30e: {  	v19 =	vand.u32 $0xF, v7;
	v12 =	vld [tilespmem:s21+$0xFFFFFFE0];
	v9 =	vmul.f32 v9, v9;
	v15 =	vmul.f32 v15, v22;
	[tilespmem:s18+$0x7F0] =	vst v10;
	s18 =	smov.u32 s20  }
0x30f: {  	v7 =	vadd.f32 v18, v20;
	v10 =	vshrl.u32 v23, $0x8;
	v3 =	vshrl.u32 v23, $0x10;
	v18 =	vld.idx.msk [tilespmem:v6+s4+$0x0], $0xffff;
	[tilespmem:s8+$0x8680] =	vst v11  }
0x310: {  	v21 =	vand.u32 $0xF, v23;
	v11 =	vld [tilespmem:s21+$0xFFFFFFF0];
	v20 =	vmul.f32 v9, v9;
	v14 =	vadd.f32 v15, v14;
	[tilespmem:s20+$0xFFFFF860] =	vst v17  }
0x311: {  	v15 =	vshrl.u32 v13, $0x8;
	v6 =	vshrl.u32 v13, $0x10;
	[tilespmem:s20+$0xFFFFF830] =	vst v7;
	v7 =	vmul.f32 v16, v16;
	v16 =	vld [tilespmem:s7+$0x30]  }
0x312: {  	v17 =	vand.u32 $0xF, v4;
	v9 =	vmul.f32 v20, v9;
	v8 =	vmul.f32 v8, v8;
	[tilespmem:s20+$0xFFFFF840] =	vst v14;
	v14 =	vld.idx.msk [tilespmem:v24+s4+$0x0], $0xffff  }
0x313: {  	v20 =	vshrl.u32 v12, $0x8;
	v4 =	vshrl.u32 v12, $0x10;
	v22 =	vld [tilespmem:s7+$0x0];
	v24 =	vmul.f32 v7, v7  }
0x314: {  	v28 =	vand.u32 $0xF, v5;
	v25 =	vand.u32 $0xF, v13;
	v26 =	vld [tilespmem:s19+$0xFFFFF080];
	v27 =	vmul.f32 v8, v8  }
0x315: {  	v29 =	vand.u32 $0xF, v11;
	v30 =	vshrl.u32 v11, $0x8;
	v21 =	vld.idx.msk [tilespmem:v21+s4+$0x0], $0xffff;
	v7 =	vmul.f32 v24, v7  }
0x316: {  	v24 =	vand.u32 $0xF, v12;
	v8 =	vmul.f32 v27, v8;
	v27 =	vld [tilespmem:s7+$0x10];
	v16 =	vmul.f32 v16, v16  }
0x317: {  	v13 =	vshrl.u32 v13, $0x18;
	v5 =	vshrl.u32 v11, $0x10;
	v31 =	vld [tilespmem:s19+$0xFFFFF060];
	v18 =	vadd.f32 v7, v18  }
0x318: {  	v32 =	vand.u32 $0xF, v0;
	v0 =	vmovc v13;
	v17 =	vld.idx.msk [tilespmem:v17+s4+$0x0], $0xffff;
	v22 =	vmul.f32 v22, v22;
	v33 =	vmul.f32 v16, v16  }
0x319: {  	v12 =	vshrl.u32 v12, $0x18;
	v7 =	vshrl.u32 v23, $0x18;
	v13 =	vld.idx.msk [tilespmem:v25+s4+$0x0], $0xffff;
	v25 =	vmul.f32 v26, v26;
	[tilespmem:s20+$0x20] =	vst v18  }
0x31a: {  	v26 =	vand.u32 $0xF, v1;
	v1 =	vmovc v12;
	v18 =	vld.idx.msk [tilespmem:v29+s4+$0x0], $0xffff;
	v23 =	vmul.f32 v22, v22;
	v16 =	vmul.f32 v33, v16  }
0x31b: {  	v21 =	vadd.f32 v8, v21;
	v12 =	vmul.f32 v25, v25;
	v28 =	vld.idx.msk [tilespmem:v28+s4+$0x0], $0xffff;
	v8 =	vmul.f32 v27, v27  }
0x31c: {  	v27 =	vmul.f32 v31, v31;
	v22 =	vmul.f32 v23, v22;
	v23 =	vld [tilespmem:s7+$0x7F0];
	v14 =	vadd.f32 v16, v14  }
0x31d: {  	v16 =	vshrl.u32 v11, $0x18;
	v11 =	vmul.f32 v12, v25;
	v12 =	vmul.f32 v8, v8;
	v25 =	vld.idx.msk [tilespmem:v32+s4+$0x0], $0xffff  }
0x31e: {  	v24 =	vld.idx.msk [tilespmem:v24+s4+$0x0], $0xffff;
	v29 =	vmul.f32 v27, v27;
	v17 =	vadd.f32 v22, v17;
	[tilespmem:s20+$0x30] =	vst v14  }
0x31f: {  	v11 =	vadd.f32 v11, v13;
	v12 =	vmul.f32 v12, v8;
	v13 =	vld [tilespmem:s7+$0x800]  }
0x320: {  	s20 =	sadd.s32 $0x40, s20;
	v18 =	vadd.f32 v9, v18;
	v14 =	vmul.f32 v29, v27;
	[tilespmem:s18+$0x0] =	vst v17;
	v9 =	vld.idx.msk [tilespmem:v19+s4+$0x0], $0xffff  }
0x321: {  	v15 =	vand.u32 $0xF, v15;
	[tilespmem:s20+$0xFFFFF080] =	vst v11;
	v8 =	vld.idx.msk [tilespmem:v26+s4+$0x0], $0xffff;
	v11 =	vadd.f32 v12, v28;
	v19 =	vmul.f32 v23, v23  }
0x322: {  	[tilespmem:s20+$0xFFFFF070] =	vst v18;
	v22 =	vld [tilespmem:s19+$0xFFFFF850]  }
0x323: {  	s8 =	sand.u32 $0x7C0, s31;
	s31 =	smov.u32 s10;
	v23 =	vand.u32 $0xF, v30;
	v26 =	vld [tilespmem:s7+$0x7D0];
	[tilespmem:s18+$0x10] =	vst v11;
	v18 =	vmul.f32 v19, v19;
	s7 =	smov.u32 s19  }
.Ltmp3:
0x324: {  	v14 =	vadd.f32 v14, v24;
	[tilespmem:s20+$0xFFFFF090] =	vst v21;
	v11 =	vld [tilespmem:s8+$0x4780];
	v24 =	vmul.f32 v13, v13;
	(pc) =	sbr.rel @p0 .LBB2_9-.Ltmp3, $4  }
0x325: {  	v12 =	vand.u32 $0xF, v2;
	v2 =	vmov v16;
	v17 =	vld [tilespmem:s19+$0xFFFFF860];
	v13 =	vmul.f32 v18, v19  }
0x326: {  	v21 =	vand.u32 $0xF, v10;
	[tilespmem:s20+$0xFFFFF060] =	vst v14;
	v16 =	vld.idx.msk [tilespmem:v15+s4+$0x0], $0xffff;
	v15 =	vmul.f32 v24, v24  }
0x327: {  	v20 =	vand.u32 $0xF, v20;
	v18 =	vld [tilespmem:s19+$0xFFFFF830];
	v19 =	vmul.f32 v22, v22;
	v10 =	vadd.f32 v13, v25  }
0x328: {  	v14 =	vld.idx.msk [tilespmem:v23+s4+$0x0], $0xffff;
	v13 =	vmul.f32 v26, v26;
	v15 =	vmul.f32 v15, v24  }
0x329: {  	v22 =	vld [tilespmem:s19+$0xFFFFF840];
	_ =	sdelay $0x2  }
0x32a: {  	v17 =	vmul.f32 v17, v17  }
0x32b: {  	v21 =	vld.idx.msk [tilespmem:v21+s4+$0x0], $0xffff;
	v62 =	vmul.f32 v19, v19;
	v18 =	vmul.f32 v18, v18  }
0x32c: {  	v20 =	vld.idx.msk [tilespmem:v20+s4+$0x0], $0xffff;
	v23 =	vmul.f32 v17, v17;
	v22 =	vmul.f32 v22, v22  }
0x32d: {  	v19 =	vmul.f32 v62, v19;
	v24 =	vmul.f32 v18, v18  }
0x32e: {  	v17 =	vmul.f32 v23, v17;
	v63 =	vmul.f32 v22, v22  }
0x32f: {  	v16 =	vadd.f32 v19, v16;
	v18 =	vmul.f32 v24, v18  }
0x330: {  	v17 =	vadd.f32 v17, v21;
	v24 =	vmul.f32 v63, v22  }
0x331: {  	[tilespmem:s20+$0xFFFFF850] =	vst v16;
	v18 =	vadd.f32 v18, v20  }
0x332: {  	v26 =	vld [tilespmem:s7+$0x20];
	[tilespmem:s20+$0xFFFFF860] =	vst v17;
	v14 =	vadd.f32 v24, v14  }
0x333: {  	v6 =	vand.u32 $0xF, v6;
	v17 =	vld [tilespmem:s7+$0x30];
	[tilespmem:s20+$0xFFFFF830] =	vst v18  }
0x334: {  	v3 =	vand.u32 $0xF, v3;
	v25 =	vld [tilespmem:s7+$0x0];
	[tilespmem:s20+$0xFFFFF840] =	vst v14  }
0x335: {  	v4 =	vand.u32 $0xF, v4;
	v14 =	vld [tilespmem:s7+$0x10]  }
0x336: {  	v5 =	vand.u32 $0xF, v5  }
0x337: {  	v18 =	vmul.f32 v26, v26  }
0x338: {  	v6 =	vld.idx.msk [tilespmem:v6+s4+$0x0], $0xffff;
	v17 =	vmul.f32 v17, v17  }
0x339: {  	v3 =	vld.idx.msk [tilespmem:v3+s4+$0x0], $0xffff;
	v29 =	vmul.f32 v18, v18;
	v16 =	vmul.f32 v25, v25  }
0x33a: {  	v4 =	vld.idx.msk [tilespmem:v4+s4+$0x0], $0xffff;
	v27 =	vmul.f32 v17, v17;
	v14 =	vmul.f32 v14, v14  }
0x33b: {  	v5 =	vld.idx.msk [tilespmem:v5+s4+$0x0], $0xffff;
	v18 =	vmul.f32 v29, v18;
	v28 =	vmul.f32 v16, v16  }
0x33c: {  	v17 =	vmul.f32 v27, v17;
	v30 =	vmul.f32 v14, v14  }
0x33d: {  	v6 =	vadd.f32 v18, v6;
	v16 =	vmul.f32 v28, v16  }
0x33e: {  	v3 =	vadd.f32 v17, v3;
	v14 =	vmul.f32 v30, v14  }
0x33f: {  	[tilespmem:s20+$0x20] =	vst v6;
	v4 =	vadd.f32 v16, v4  }
0x340: {  	v35 =	vld [tilespmem:s7+$0x7F0];
	[tilespmem:s20+$0x30] =	vst v3;
	v31 =	vadd.f32 v14, v5  }
0x341: {  	v34 =	vmul.f32 v11, v11;
	v0 =	vand.u32 $0xF, v0;
	v3 =	vld [tilespmem:s7+$0x800];
	[tilespmem:s20+$0x0] =	vst v4  }
0x342: {  	v32 =	vand.u32 $0xF, v7;
	s19 =	sand.u32 $0x7C0, s31;
	v33 =	vld [tilespmem:s7+$0x7D0];
	[tilespmem:s20+$0x10] =	vst v31  }
0x343: {  	v1 =	vand.u32 $0xF, v1;
	v38 =	vmul.f32 v34, v34;
	v37 =	vld [tilespmem:s19+$0x4780]  }
0x344: {  	v2 =	vand.u32 $0xF, v2;
	v12 =	vld.idx.msk [tilespmem:v12+s4+$0x0], $0xffff;
	v36 =	vmul.f32 v13, v13  }
0x345: {  	v7 =	vmul.f32 v38, v34;
	v11 =	vmul.f32 v35, v35  }
0x346: {  	v0 =	vld.idx.msk [tilespmem:v0+s4+$0x0], $0xffff;
	v4 =	vmul.f32 v36, v13;
	v3 =	vmul.f32 v3, v3  }
0x347: {  	[tilespmem:s18+$0x7F0] =	vst v10;
	v5 =	vld.idx.msk [tilespmem:v32+s4+$0x0], $0xffff;
	v41 =	vmul.f32 v11, v11;
	v6 =	vmul.f32 v33, v33  }
0x348: {  	v9 =	vadd.f32 v15, v9;
	v1 =	vld.idx.msk [tilespmem:v1+s4+$0x0], $0xffff;
	v39 =	vmul.f32 v3, v3;
	v14 =	vmul.f32 v37, v37  }
0x349: {  	v42 =	vadd.f32 v7, v12;
	v2 =	vld.idx.msk [tilespmem:v2+s4+$0x0], $0xffff;
	v44 =	vmul.f32 v41, v11;
	v40 =	vmul.f32 v6, v6  }
0x34a: {  	[tilespmem:s18+$0x800] =	vst v9;
	v4 =	vadd.f32 v4, v8;
	v3 =	vmul.f32 v39, v3;
	v43 =	vmul.f32 v14, v14  }
0x34b: {  	[tilespmem:s8+$0x8680] =	vst v42;
	v0 =	vadd.f32 v44, v0;
	v6 =	vmul.f32 v40, v6  }
0x34c: {  	[tilespmem:s18+$0x7D0] =	vst v4;
	v3 =	vadd.f32 v3, v5;
	v45 =	vmul.f32 v43, v14  }
0x34d: {  	[tilespmem:s20+$0x7F0] =	vst v0;
	v1 =	vadd.f32 v6, v1  }
0x34e: {  	[tilespmem:s20+$0x800] =	vst v3;
	v46 =	vadd.f32 v45, v2  }
0x34f: {  	[tilespmem:s20+$0x7D0] =	vst v1  }
0x350: {  	[tilespmem:s19+$0x8680] =	vst v46  }
0x351: {  	v0 =	vld [tilespmem:$0x1040];
	_ =	sdelay $0x3  }
0x352: {  	v1 =	vld [tilespmem:$0x37C0]  }
0x353: {  	v47 =	vand.u32 $0xF, v0;
	_ =	sdelay $0x3  }
0x354: {  	v1 =	vmul.f32 v1, v1  }
0x355: {  	v2 =	vld.idx.msk [tilespmem:v47+s4+$0x0], $0xffff  }
0x356: {  	v48 =	vmul.f32 v1, v1  }
0x357: {  	v50 =	vld [tilespmem:$0x3F90];
	v49 =	vshrl.u32 v0, $0x8  }
0x358: {  	v51 =	vand.u32 $0xF, v49;
	v1 =	vmul.f32 v48, v1;
	_ =	sdelay $0x1  }
0x359: {  	v1 =	vadd.f32 v1, v2;
	_ =	sdelay $0x1  }
0x35a: {  	v52 =	vmul.f32 v50, v50;
	[tilespmem:$0x76C0] =	vst v1  }
0x35b: {  	v53 =	vld.idx.msk [tilespmem:v51+s4+$0x0], $0xffff  }
0x35c: {  	v54 =	vmul.f32 v52, v52  }
0x35d: {  	v56 =	vld [tilespmem:$0x4760];
	v55 =	vshrl.u32 v0, $0x10  }
0x35e: {  	v57 =	vand.u32 $0xF, v55;
	v1 =	vmul.f32 v54, v52;
	_ =	sdelay $0x1  }
0x35f: {  	v1 =	vadd.f32 v1, v53;
	_ =	sdelay $0x1  }
0x360: {  	v58 =	vmul.f32 v56, v56;
	[tilespmem:$0x7E90] =	vst v1  }
0x361: {  	v59 =	vld.idx.msk [tilespmem:v57+s4+$0x0], $0xffff  }
0x362: {  	v60 =	vmul.f32 v58, v58  }
0x363: {  	v61 =	vld [tilespmem:$0x4F30];
	v0 =	vshrl.u32 v0, $0x18  }
0x364: {  	v0 =	vand.u32 $0xF, v0;
	v1 =	vmul.f32 v60, v58;
	_ =	sdelay $0x1  }
0x365: {  	v1 =	vadd.f32 v1, v59;
	_ =	sdelay $0x1  }
0x366: {  	v62 =	vmul.f32 v61, v61;
	[tilespmem:$0x8660] =	vst v1  }
0x367: {  	v0 =	vld.idx.msk [tilespmem:v0+s4+$0x0], $0xffff  }
0x368: {  	v63 =	vmul.f32 v62, v62;
	_ =	sdelay $0x1  }
0x369: {  	v1 =	vmul.f32 v63, v62;
	_ =	sdelay $0x1  }
0x36a: {  	s20 =	sadd.s32 s17, s9;
	v0 =	vadd.f32 v1, v0  }
0x36b: {  	s7 =	sshrl.u32 s20, $0x3  }
0x36c: {  	s21 =	simm.s32 $0x6F00;
	s7 =	sadd.s32 s3, s7;
	[tilespmem:$0x8E30] =	vst v0  }
0x36d: {  	[hbm4b:s7+s4] =	stream.linear.scatter [tilespmem:s21], [sflag:$0x4], $0x7D0, $0x38;
	[tilespmem:$0x8E80] =	vst v63  }
0x36e: {  	s10 =	simm.s32 $0x76D0;
	s31 =	sadd.s32 $0x30D40, s7  }
0x36f: {  	[hbm4b:s31+s4] =	stream.linear.scatter [tilespmem:s10], [sflag:$0x4], $0x7D0, $0x38;
	[tilespmem:$0x8E80] =	vst v63  }
0x370: {  	s18 =	simm.s32 $0x7EA0;
	s10 =	sadd.s32 $0x61A80, s7  }
0x371: {  	[hbm4b:s10+s4] =	stream.linear.scatter [tilespmem:s18], [sflag:$0x4], $0x7D0, $0x38;
	[tilespmem:$0x8E80] =	vst v63  }
0x372: {  	s20 =	sadd.s32 s17, s25;
	s19 =	simm.s32 $0x8670;
	s7 =	sadd.s32 $0x927C0, s7  }
0x373: {  	[hbm4b:s7+s4] =	stream.linear.scatter [tilespmem:s19], [sflag:$0x4], $0x7D0, $0x38;
	[tilespmem:$0x8E80] =	vst v63  }
0x374: {  	s7 =	sshrl.u32 s20, $0x3  }
0x375: {  	s31 =	simm.s32 $0x880;
	s21 =	sadd.s32 s6, s7  }
0x376: {  	[tilespmem:s31], [sflag:$0x2] =	stream.linear.gather [hbm4b:s21+s4], $0x7D0, $0x38;
	[tilespmem:$0x8E80] =	vst v63  }
0x377: {  	s11 =	sadd.s32 $0x1, s11;
	s17 =	simm.s32 $0x3000;
	s7 =	sadd.s32 s2, s7  }
0x378: {  	[tilespmem:s17], [sflag:$0x2] =	stream.linear.gather [hbm4b:s7+s4], $0x7D0, $0x38;
	[tilespmem:$0x8E80] =	vst v63  }
0x379: {  	p0 =	sne.s32 s11, $0xB;
	s19 =	simm.s32 $0x37D0;
	s18 =	sadd.s32 $0x30D40, s7  }
0x37a: {  	[tilespmem:s19], [sflag:$0x2] =	stream.linear.gather [hbm4b:s18+s4], $0x7D0, $0x38;
	[tilespmem:$0x8E80] =	vst v63  }
.Ltmp4:
0x37b: {  	_ = 	snop;
	(pc) =	sbr.rel @p0 .LBB2_6-.Ltmp4, $4  }
0x37c: {  	s20 =	sadd.s32 $0x61A80, s7;
	s21 =	simm.s32 $0x3FA0  }
0x37d: {  	[tilespmem:s21], [sflag:$0x2] =	stream.linear.gather [hbm4b:s20+s4], $0x7D0, $0x38;
	[tilespmem:$0x8E80] =	vst v63  }
0x37e: {  	s31 =	simm.s32 $0x4770;
	s7 =	sadd.s32 $0x927C0, s7  }
0x37f: {  	[tilespmem:s31], [sflag:$0x2] =	stream.linear.gather [hbm4b:s7+s4], $0x7D0, $0x38;
	[tilespmem:$0x8E80] =	vst v63  }
0x380: {  	_ =	swait.ge [sflag:s22], $0x7D0  }
0x381: {  	[sflag:s22] =	ssyncset.done $0x0  }
0x382: {  	[sflag:s22] =	ssyncadd.s32 $0xFFFFF830  }
0x383: {  	_ =	swait.ge [sflag:s22], $0x7D0  }
0x384: {  	[sflag:s22] =	ssyncset.done $0x0  }
0x385: {  	[sflag:s22] =	ssyncadd.s32 $0xFFFFF830  }
0x386: {  	_ =	swait.ge [sflag:s22], $0x7D0  }
0x387: {  	[sflag:s22] =	ssyncset.done $0x0  }
0x388: {  	[sflag:s22] =	ssyncadd.s32 $0xFFFFF830  }
0x389: {  	_ =	swait.ge [sflag:s22], $0x7D0  }
0x38a: {  	[sflag:s22] =	ssyncset.done $0x0  }
0x38b: {  	[sflag:s22] =	ssyncadd.s32 $0xFFFFF830  }
0x38c: {  	_ =	swait.ge [sflag:s22], $0x7D0  }
0x38d: {  	[sflag:s22] =	ssyncset.done $0x0  }
0x38e: {  	[sflag:s22] =	ssyncadd.s32 $0xFFFFF830  }
0x38f: {  	_ =	swait.ge [sflag:s1], $0x7D0  }
0x390: {  	[sflag:s1] =	ssyncset.done $0x0  }
0x391: {  	[sflag:s1] =	ssyncadd.s32 $0xFFFFF830  }
0x392: {  	_ =	swait.ge [sflag:s1], $0x7D0  }
0x393: {  	[sflag:s1] =	ssyncset.done $0x0  }
0x394: {  	[sflag:s1] =	ssyncadd.s32 $0xFFFFF830  }
0x395: {  	_ =	swait.ge [sflag:s1], $0x7D0  }
0x396: {  	[sflag:s1] =	ssyncset.done $0x0  }
0x397: {  	[sflag:s1] =	ssyncadd.s32 $0xFFFFF830  }
0x398: {  	_ =	swait.ge [sflag:s1], $0x7D0  }
0x399: {  	[sflag:s1] =	ssyncset.done $0x0  }
0x39a: {  	s8 =	simm.s32 $0xA0;
	[sflag:s1] =	ssyncadd.s32 $0xFFFFF830  }
0x39b: {  	v0 =	vld [tilespmem:s8+$0x0];
	_ =	sdelay $0x2  }
0x39c: {  	s7 =	simm.s32 $0x2020;
	v1 =	vld [tilespmem:s8+$0x10]  }
0x39d: {  	v2 =	vld [tilespmem:s7+$0xFFFFF080]  }
0x39e: {  	v4 =	vld [tilespmem:s8+$0xFFFFFFE0];
	v3 =	vand.u32 $0xF, v0  }
0x39f: {  	v5 =	vld [tilespmem:s8+$0xFFFFFFF0]  }
0x3a0: {  	v6 =	vld [tilespmem:s7+$0xFFFFF090]  }
0x3a1: {  	v8 =	vld [tilespmem:s7+$0xFFFFF060];
	v7 =	vand.u32 $0xF, v1  }
0x3a2: {  	v9 =	vld [tilespmem:s7+$0xFFFFF070];
	v2 =	vmul.f32 v2, v2  }
0x3a3: {  	v10 =	vand.u32 $0xF, v4;
	v3 =	vld.idx.msk [tilespmem:v3+s4+$0x0], $0xffff  }
0x3a4: {  	v12 =	vand.u32 $0xF, v5;
	v11 =	vmul.f32 v2, v2  }
0x3a5: {  	v6 =	vmul.f32 v6, v6  }
0x3a6: {  	v2 =	vmul.f32 v11, v2;
	v7 =	vld.idx.msk [tilespmem:v7+s4+$0x0], $0xffff  }
0x3a7: {  	v8 =	vmul.f32 v8, v8;
	v11 =	vmul.f32 v6, v6  }
0x3a8: {  	v2 =	vadd.f32 v2, v3;
	v3 =	vmul.f32 v9, v9;
	v9 =	vld.idx.msk [tilespmem:v10+s4+$0x0], $0xffff  }
0x3a9: {  	s11 =	simm.s32 $0x5F20;
	v6 =	vmul.f32 v11, v6;
	v11 =	vld.idx.msk [tilespmem:v12+s4+$0x0], $0xffff;
	v12 =	vmul.f32 v8, v8;
	v10 =	vshrl.u32 v0, $0x8  }
0x3aa: {  	v10 =	vand.u32 $0xF, v10;
	[tilespmem:s11+$0xFFFFF080] =	vst v2;
	v2 =	vmul.f32 v3, v3  }
0x3ab: {  	v6 =	vadd.f32 v6, v7;
	v7 =	vmul.f32 v12, v8;
	v13 =	vld [tilespmem:s7+$0xFFFFF850]  }
0x3ac: {  	v2 =	vmul.f32 v2, v3  }
0x3ad: {  	[tilespmem:s11+$0xFFFFF090] =	vst v6;
	v7 =	vadd.f32 v7, v9  }
0x3ae: {  	v9 =	vld [tilespmem:s7+$0xFFFFF860];
	v2 =	vadd.f32 v2, v11  }
0x3af: {  	v8 =	vshrl.u32 v1, $0x8;
	[tilespmem:s11+$0xFFFFF060] =	vst v7;
	v7 =	vld.idx.msk [tilespmem:v10+s4+$0x0], $0xffff  }
0x3b0: {  	s19 =	simm.s32 $0xE0;
	v8 =	vand.u32 $0xF, v8;
	v10 =	vmul.f32 v13, v13;
	[tilespmem:s11+$0xFFFFF070] =	vst v2;
	v2 =	vld [tilespmem:s7+$0xFFFFF830]  }
0x3b1: {  	s17 =	simm.s32 $0x2060;
	v15 =	vld [tilespmem:s19+$0x0];
	v6 =	vshrl.u32 v4, $0x8  }
0x3b2: {  	v17 =	vld [tilespmem:s17+$0xFFFFF090];
	v6 =	vand.u32 $0xF, v6;
	v11 =	vmul.f32 v10, v10  }
0x3b3: {  	v20 =	vld [tilespmem:s19+$0xFFFFFFF0];
	v14 =	vshrl.u32 v5, $0x8  }
0x3b4: {  	v3 =	vand.u32 $0xF, v14;
	v12 =	vld [tilespmem:s7+$0xFFFFF840];
	v9 =	vmul.f32 v9, v9;
	v10 =	vmul.f32 v11, v10  }
0x3b5: {  	v8 =	vld.idx.msk [tilespmem:v8+s4+$0x0], $0xffff;
	v11 =	vshrl.u32 v0, $0x10;
	v2 =	vmul.f32 v2, v2  }
0x3b6: {  	v14 =	vld [tilespmem:s19+$0x10];
	v7 =	vadd.f32 v10, v7;
	v10 =	vand.u32 $0xF, v11;
	v11 =	vmul.f32 v9, v9  }
0x3b7: {  	v6 =	vld.idx.msk [tilespmem:v6+s4+$0x0], $0xffff  }
0x3b8: {  	v13 =	vld [tilespmem:s17+$0xFFFFF070];
	[tilespmem:s11+$0xFFFFF850] =	vst v7;
	v7 =	vshrl.u32 v1, $0x10;
	v9 =	vmul.f32 v11, v9;
	v11 =	vmul.f32 v2, v2  }
0x3b9: {  	v3 =	vld.idx.msk [tilespmem:v3+s4+$0x0], $0xffff;
	v12 =	vmul.f32 v12, v12;
	v7 =	vand.u32 $0xF, v7  }
0x3ba: {  	v16 =	vld [tilespmem:s7+$0x20];
	v2 =	vmul.f32 v11, v2;
	v8 =	vadd.f32 v9, v8  }
0x3bb: {  	v21 =	vld [tilespmem:s17+$0xFFFFF080];
	v19 =	vshrl.u32 v5, $0x10;
	v18 =	vmul.f32 v12, v12  }
0x3bc: {  	v17 =	vmul.f32 v17, v17;
	v11 =	vld [tilespmem:s19+$0xFFFFFFE0];
	v2 =	vadd.f32 v2, v6;
	v6 =	vand.u32 $0xF, v14;
	[tilespmem:s11+$0xFFFFF860] =	vst v8  }
0x3bd: {  	v22 =	vand.u32 $0xF, v20;
	v59 =	vshrl.u32 v15, $0x8;
	v8 =	vmul.f32 v18, v12;
	v12 =	vld [tilespmem:s7+$0x30]  }
0x3be: {  	v9 =	vshrl.u32 v4, $0x10;
	v18 =	vshrl.u32 v5, $0x18;
	v5 =	vmul.f32 v13, v13;
	[tilespmem:s11+$0xFFFFF830] =	vst v2;
	v2 =	vld.idx.msk [tilespmem:v7+s4+$0x0], $0xffff  }
0x3bf: {  	v3 =	vadd.f32 v8, v3;
	v7 =	vmul.f32 v16, v16;
	v8 =	vand.u32 $0xF, v9;
	v9 =	vld [tilespmem:s7+$0x0]  }
0x3c0: {  	v21 =	vmul.f32 v21, v21;
	v61 =	vand.u32 $0xF, v59;
	v10 =	vld.idx.msk [tilespmem:v10+s4+$0x0], $0xffff;
	v13 =	vmul.f32 v5, v5  }
0x3c1: {  	v24 =	vmul.f32 v17, v17;
	v16 =	vand.u32 $0xF, v15;
	[tilespmem:s11+$0xFFFFF840] =	vst v3;
	v3 =	vmul.f32 v7, v7;
	v23 =	vld.idx.msk [tilespmem:v6+s4+$0x0], $0xffff  }
0x3c2: {  	v13 =	vmul.f32 v13, v5;
	v5 =	vand.u32 $0xF, v19;
	v6 =	vld [tilespmem:s7+$0x10];
	v12 =	vmul.f32 v12, v12  }
0x3c3: {  	v17 =	vmul.f32 v24, v17;
	v22 =	vld.idx.msk [tilespmem:v22+s4+$0x0], $0xffff;
	v0 =	vshrl.u32 v0, $0x18;
	v3 =	vmul.f32 v3, v7  }
0x3c4: {  	v0 =	vand.u32 $0xF, v0;
	v7 =	vld [tilespmem:s17+$0xFFFFF060];
	v9 =	vmul.f32 v9, v9;
	v25 =	vmul.f32 v12, v12  }
0x3c5: {  	v1 =	vshrl.u32 v1, $0x18;
	v26 =	vand.u32 $0xF, v11;
	v8 =	vld.idx.msk [tilespmem:v8+s4+$0x0], $0xffff;
	v10 =	vadd.f32 v3, v10  }
0x3c6: {  	v1 =	vand.u32 $0xF, v1;
	v16 =	vld.idx.msk [tilespmem:v16+s4+$0x0], $0xffff;
	v27 =	vmul.f32 v9, v9;
	v12 =	vmul.f32 v25, v12  }
0x3c7: {  	v4 =	vshrl.u32 v4, $0x18;
	v28 =	vld.idx.msk [tilespmem:v5+s4+$0x0], $0xffff;
	[tilespmem:s11+$0x20] =	vst v10;
	v10 =	vmul.f32 v21, v21;
	v5 =	vmul.f32 v6, v6  }
0x3c8: {  	v29 =	vand.u32 $0xF, v4;
	v60 =	vld [tilespmem:s7+$0x7F0];
	v4 =	vmul.f32 v27, v9;
	v2 =	vadd.f32 v12, v2  }
0x3c9: {  	v31 =	vshrl.u32 v11, $0x8;
	v30 =	vld.idx.msk [tilespmem:v0+s4+$0x0], $0xffff;
	v9 =	vmul.f32 v10, v21;
	v10 =	vmul.f32 v5, v5  }
0x3ca: {  	v19 =	vshrl.u32 v14, $0x8;
	v0 =	vmul.f32 v7, v7;
	v7 =	vld.idx.msk [tilespmem:v26+s4+$0x0], $0xffff;
	v8 =	vadd.f32 v4, v8;
	[tilespmem:s11+$0x30] =	vst v2  }
0x3cb: {  	v3 =	vshrl.u32 v14, $0x10;
	v2 =	vadd.f32 v9, v16;
	v10 =	vmul.f32 v10, v5;
	v12 =	vld [tilespmem:s7+$0x800]  }
0x3cc: {  	s18 =	simm.s32 $0x5F60;
	v6 =	vshrl.u32 v15, $0x10;
	v21 =	vmul.f32 v0, v0;
	v4 =	vshrl.u32 v11, $0x10;
	v9 =	vld.idx.msk [tilespmem:v1+s4+$0x0], $0xffff;
	[tilespmem:s11+$0x0] =	vst v8  }
0x3cd: {  	v16 =	vshrl.u32 v20, $0x8;
	v5 =	vshrl.u32 v20, $0x10;
	[tilespmem:s18+$0xFFFFF080] =	vst v2;
	v2 =	vadd.f32 v10, v28;
	v8 =	vld.idx.msk [tilespmem:v29+s4+$0x0], $0xffff  }
0x3ce: {  	s31 =	simm.s32 $0x0;
	v10 =	vadd.f32 v17, v23;
	v17 =	vmul.f32 v21, v0;
	v21 =	vmul.f32 v60, v60;
	v23 =	vld [tilespmem:s17+$0xFFFFF850]  }
0x3cf: {  	s8 =	sand.u32 $0x7C0, s31;
	v1 =	vshrl.u32 v11, $0x18;
	v0 =	vshrl.u32 v15, $0x18;
	v15 =	vand.u32 $0xF, v16;
	v62 =	vld [tilespmem:s7+$0x7D0];
	[tilespmem:s11+$0x10] =	vst v2  }
0x3d0: {  	v16 =	vmul.f32 v21, v21;
	v26 =	vadd.f32 v17, v7;
	[tilespmem:s18+$0xFFFFF090] =	vst v10;
	v11 =	vld [tilespmem:s8+$0x2800];
	v63 =	vmul.f32 v12, v12  }
0x3d1: {  	v7 =	vshrl.u32 v14, $0x18;
	v10 =	vadd.f32 v13, v22;
	v17 =	vld [tilespmem:s17+$0xFFFFF860];
	v12 =	vand.u32 $0xF, v18  }
0x3d2: {  	v13 =	vmul.f32 v16, v21;
	[tilespmem:s18+$0xFFFFF060] =	vst v26;
	v16 =	vld.idx.msk [tilespmem:v61+s4+$0x0], $0xffff;
	v21 =	vand.u32 $0xF, v19;
	v22 =	vmul.f32 v63, v63  }
0x3d3: {  	v2 =	vshrl.u32 v20, $0x18;
	v20 =	vand.u32 $0xF, v31;
	[tilespmem:s18+$0xFFFFF070] =	vst v10;
	v18 =	vld [tilespmem:s17+$0xFFFFF830];
	v19 =	vmul.f32 v23, v23  }
0x3d4: {  	s10 =	simm.s32 $0x40;
	s20 =	simm.s32 $0x40;
	s7 =	simm.s32 $0x2060;
	v14 =	vld.idx.msk [tilespmem:v15+s4+$0x0], $0xffff;
	v10 =	vadd.f32 v13, v30;
	v13 =	vmul.f32 v62, v62;
	v15 =	vmul.f32 v22, v63  }
.LBB2_12:
0x3d5: {  	s10 =	sadd.s32 $0x40, s10;
	v22 =	vld [tilespmem:s17+$0xFFFFF840];
	v23 =	vmul.f32 v19, v19  }
0x3d6: {  	p0 =	slt.u32 s10, $0x780;
	v17 =	vmul.f32 v17, v17;
	v24 =	vmul.f32 v13, v13;
	v12 =	vld.idx.msk [tilespmem:v12+s4+$0x0], $0xffff;
	v9 =	vadd.f32 v15, v9  }
0x3d7: {  	v11 =	vmul.f32 v11, v11;
	v15 =	vmul.f32 v23, v19;
	v19 =	vld.idx.msk [tilespmem:v21+s4+$0x0], $0xffff  }
0x3d8: {  	v6 =	vand.u32 $0xF, v6;
	s17 =	sadd.s32 $0x40, s17;
	v20 =	vld.idx.msk [tilespmem:v20+s4+$0x0], $0xffff;
	v21 =	vmul.f32 v17, v17;
	v13 =	vmul.f32 v24, v13;
	[tilespmem:s11+$0x800] =	vst v9  }
0x3d9: {  	s19 =	sadd.s32 $0x40, s19;
	v18 =	vmul.f32 v18, v18;
	v9 =	vld [tilespmem:s17+$0xFFFFF070];
	v15 =	vadd.f32 v15, v16;
	v16 =	vmul.f32 v11, v11  }
0x3da: {  	v23 =	vld [tilespmem:s19+$0x10];
	v22 =	vmul.f32 v22, v22;
	v17 =	vmul.f32 v21, v17;
	v8 =	vadd.f32 v13, v8  }
0x3db: {  	v21 =	vmul.f32 v18, v18;
	v13 =	vld [tilespmem:s19+$0x0];
	[tilespmem:s18+$0xFFFFF850] =	vst v15;
	v11 =	vmul.f32 v16, v11  }
0x3dc: {  	v24 =	vand.u32 $0xF, v3;
	v15 =	vmul.f32 v22, v22;
	v16 =	vld [tilespmem:s7+$0x20];
	[tilespmem:s11+$0x7D0] =	vst v8  }
0x3dd: {  	v18 =	vmul.f32 v21, v18;
	v17 =	vadd.f32 v17, v19;
	v8 =	vld [tilespmem:s17+$0xFFFFF090];
	v11 =	vadd.f32 v11, v12  }
0x3de: {  	v19 =	vand.u32 $0xF, v7;
	v12 =	vld [tilespmem:s19+$0xFFFFFFE0];
	v9 =	vmul.f32 v9, v9;
	v15 =	vmul.f32 v15, v22;
	[tilespmem:s11+$0x7F0] =	vst v10;
	s11 =	smov.u32 s18  }
0x3df: {  	v7 =	vadd.f32 v18, v20;
	v10 =	vshrl.u32 v23, $0x8;
	v3 =	vshrl.u32 v23, $0x10;
	v18 =	vld.idx.msk [tilespmem:v6+s4+$0x0], $0xffff;
	[tilespmem:s8+$0x6700] =	vst v11  }
0x3e0: {  	v21 =	vand.u32 $0xF, v23;
	v11 =	vld [tilespmem:s19+$0xFFFFFFF0];
	v20 =	vmul.f32 v9, v9;
	v14 =	vadd.f32 v15, v14;
	[tilespmem:s18+$0xFFFFF860] =	vst v17  }
0x3e1: {  	v15 =	vshrl.u32 v13, $0x8;
	v6 =	vshrl.u32 v13, $0x10;
	[tilespmem:s18+$0xFFFFF830] =	vst v7;
	v7 =	vmul.f32 v16, v16;
	v16 =	vld [tilespmem:s7+$0x30]  }
0x3e2: {  	v17 =	vand.u32 $0xF, v4;
	v9 =	vmul.f32 v20, v9;
	v8 =	vmul.f32 v8, v8;
	[tilespmem:s18+$0xFFFFF840] =	vst v14;
	v14 =	vld.idx.msk [tilespmem:v24+s4+$0x0], $0xffff  }
0x3e3: {  	v20 =	vshrl.u32 v12, $0x8;
	v4 =	vshrl.u32 v12, $0x10;
	v22 =	vld [tilespmem:s7+$0x0];
	v24 =	vmul.f32 v7, v7  }
0x3e4: {  	v28 =	vand.u32 $0xF, v5;
	v25 =	vand.u32 $0xF, v13;
	v26 =	vld [tilespmem:s17+$0xFFFFF080];
	v27 =	vmul.f32 v8, v8  }
0x3e5: {  	v29 =	vand.u32 $0xF, v11;
	v30 =	vshrl.u32 v11, $0x8;
	v21 =	vld.idx.msk [tilespmem:v21+s4+$0x0], $0xffff;
	v7 =	vmul.f32 v24, v7  }
0x3e6: {  	v24 =	vand.u32 $0xF, v12;
	v8 =	vmul.f32 v27, v8;
	v27 =	vld [tilespmem:s7+$0x10];
	v16 =	vmul.f32 v16, v16  }
0x3e7: {  	v13 =	vshrl.u32 v13, $0x18;
	v5 =	vshrl.u32 v11, $0x10;
	v31 =	vld [tilespmem:s17+$0xFFFFF060];
	v18 =	vadd.f32 v7, v18  }
0x3e8: {  	v32 =	vand.u32 $0xF, v0;
	v0 =	vmovc v13;
	v17 =	vld.idx.msk [tilespmem:v17+s4+$0x0], $0xffff;
	v22 =	vmul.f32 v22, v22;
	v33 =	vmul.f32 v16, v16  }
0x3e9: {  	v12 =	vshrl.u32 v12, $0x18;
	v7 =	vshrl.u32 v23, $0x18;
	v13 =	vld.idx.msk [tilespmem:v25+s4+$0x0], $0xffff;
	v25 =	vmul.f32 v26, v26;
	[tilespmem:s18+$0x20] =	vst v18  }
0x3ea: {  	v26 =	vand.u32 $0xF, v1;
	v1 =	vmovc v12;
	v18 =	vld.idx.msk [tilespmem:v29+s4+$0x0], $0xffff;
	v23 =	vmul.f32 v22, v22;
	v16 =	vmul.f32 v33, v16  }
0x3eb: {  	v21 =	vadd.f32 v8, v21;
	v12 =	vmul.f32 v25, v25;
	v28 =	vld.idx.msk [tilespmem:v28+s4+$0x0], $0xffff;
	v8 =	vmul.f32 v27, v27  }
0x3ec: {  	v27 =	vmul.f32 v31, v31;
	v22 =	vmul.f32 v23, v22;
	v23 =	vld [tilespmem:s7+$0x7F0];
	v14 =	vadd.f32 v16, v14  }
0x3ed: {  	v16 =	vshrl.u32 v11, $0x18;
	v11 =	vmul.f32 v12, v25;
	v12 =	vmul.f32 v8, v8;
	v25 =	vld.idx.msk [tilespmem:v32+s4+$0x0], $0xffff  }
0x3ee: {  	v24 =	vld.idx.msk [tilespmem:v24+s4+$0x0], $0xffff;
	v29 =	vmul.f32 v27, v27;
	v17 =	vadd.f32 v22, v17;
	[tilespmem:s18+$0x30] =	vst v14  }
0x3ef: {  	v11 =	vadd.f32 v11, v13;
	v12 =	vmul.f32 v12, v8;
	v13 =	vld [tilespmem:s7+$0x800]  }
0x3f0: {  	s18 =	sadd.s32 $0x40, s18;
	v18 =	vadd.f32 v9, v18;
	v14 =	vmul.f32 v29, v27;
	[tilespmem:s11+$0x0] =	vst v17;
	v9 =	vld.idx.msk [tilespmem:v19+s4+$0x0], $0xffff  }
0x3f1: {  	v15 =	vand.u32 $0xF, v15;
	[tilespmem:s18+$0xFFFFF080] =	vst v11;
	v8 =	vld.idx.msk [tilespmem:v26+s4+$0x0], $0xffff;
	v11 =	vadd.f32 v12, v28;
	v19 =	vmul.f32 v23, v23  }
0x3f2: {  	[tilespmem:s18+$0xFFFFF070] =	vst v18;
	v22 =	vld [tilespmem:s17+$0xFFFFF850]  }
0x3f3: {  	s8 =	sand.u32 $0x7C0, s20;
	s20 =	smov.u32 s10;
	v23 =	vand.u32 $0xF, v30;
	v26 =	vld [tilespmem:s7+$0x7D0];
	[tilespmem:s11+$0x10] =	vst v11;
	v18 =	vmul.f32 v19, v19;
	s7 =	smov.u32 s17  }
.Ltmp5:
0x3f4: {  	v14 =	vadd.f32 v14, v24;
	[tilespmem:s18+$0xFFFFF090] =	vst v21;
	v11 =	vld [tilespmem:s8+$0x2800];
	v24 =	vmul.f32 v13, v13;
	(pc) =	sbr.rel @p0 .LBB2_12-.Ltmp5, $4  }
0x3f5: {  	v12 =	vand.u32 $0xF, v2;
	v2 =	vmov v16;
	v17 =	vld [tilespmem:s17+$0xFFFFF860];
	v13 =	vmul.f32 v18, v19  }
0x3f6: {  	v21 =	vand.u32 $0xF, v10;
	[tilespmem:s18+$0xFFFFF060] =	vst v14;
	v16 =	vld.idx.msk [tilespmem:v15+s4+$0x0], $0xffff;
	v15 =	vmul.f32 v24, v24  }
0x3f7: {  	v20 =	vand.u32 $0xF, v20;
	v18 =	vld [tilespmem:s17+$0xFFFFF830];
	v19 =	vmul.f32 v22, v22;
	v10 =	vadd.f32 v13, v25  }
0x3f8: {  	v14 =	vld.idx.msk [tilespmem:v23+s4+$0x0], $0xffff;
	v13 =	vmul.f32 v26, v26;
	v15 =	vmul.f32 v15, v24  }
0x3f9: {  	_ = 	snop  }
0x3fa: {  	v22 =	vld [tilespmem:s17+$0xFFFFF840];
	_ =	sdelay $0x1  }
0x3fb: {  	v17 =	vmul.f32 v17, v17  }
0x3fc: {  	v21 =	vld.idx.msk [tilespmem:v21+s4+$0x0], $0xffff;
	v18 =	vmul.f32 v18, v18  }
0x3fd: {  	v20 =	vld.idx.msk [tilespmem:v20+s4+$0x0], $0xffff;
	v23 =	vmul.f32 v17, v17  }
0x3fe: {  	v22 =	vmul.f32 v22, v22;
	v24 =	vmul.f32 v18, v18  }
0x3ff: {  	v25 =	vmul.f32 v19, v19;
	v17 =	vmul.f32 v23, v17  }
0x400: {  	v23 =	vmul.f32 v22, v22;
	v18 =	vmul.f32 v24, v18  }
0x401: {  	v19 =	vmul.f32 v25, v19;
	v17 =	vadd.f32 v17, v21  }
0x402: {  	v21 =	vmul.f32 v23, v22;
	v18 =	vadd.f32 v18, v20  }
0x403: {  	v16 =	vadd.f32 v19, v16;
	[tilespmem:s18+$0xFFFFF860] =	vst v17  }
0x404: {  	v17 =	vld [tilespmem:s7+$0x30];
	v14 =	vadd.f32 v21, v14;
	[tilespmem:s18+$0xFFFFF830] =	vst v18  }
0x405: {  	v3 =	vand.u32 $0xF, v3;
	[tilespmem:s18+$0xFFFFF850] =	vst v16;
	v16 =	vld [tilespmem:s7+$0x0]  }
0x406: {  	v4 =	vand.u32 $0xF, v4;
	v18 =	vld [tilespmem:s7+$0x20];
	[tilespmem:s18+$0xFFFFF840] =	vst v14  }
0x407: {  	v6 =	vand.u32 $0xF, v6;
	v14 =	vld [tilespmem:s7+$0x10]  }
0x408: {  	v5 =	vand.u32 $0xF, v5  }
0x409: {  	v17 =	vmul.f32 v17, v17  }
0x40a: {  	v3 =	vld.idx.msk [tilespmem:v3+s4+$0x0], $0xffff;
	v16 =	vmul.f32 v16, v16  }
0x40b: {  	v4 =	vld.idx.msk [tilespmem:v4+s4+$0x0], $0xffff;
	v18 =	vmul.f32 v18, v18;
	v19 =	vmul.f32 v17, v17  }
0x40c: {  	v6 =	vld.idx.msk [tilespmem:v6+s4+$0x0], $0xffff;
	v20 =	vmul.f32 v16, v16;
	v14 =	vmul.f32 v14, v14  }
0x40d: {  	v5 =	vld.idx.msk [tilespmem:v5+s4+$0x0], $0xffff;
	v21 =	vmul.f32 v18, v18;
	v17 =	vmul.f32 v19, v17  }
0x40e: {  	v16 =	vmul.f32 v20, v16;
	v19 =	vmul.f32 v14, v14  }
0x40f: {  	v18 =	vmul.f32 v21, v18;
	v3 =	vadd.f32 v17, v3  }
0x410: {  	v4 =	vadd.f32 v16, v4;
	v14 =	vmul.f32 v19, v14  }
0x411: {  	v6 =	vadd.f32 v18, v6;
	[tilespmem:s18+$0x30] =	vst v3  }
0x412: {  	v3 =	vld [tilespmem:s7+$0x800];
	[tilespmem:s18+$0x0] =	vst v4;
	v4 =	vadd.f32 v14, v5  }
0x413: {  	[tilespmem:s18+$0x20] =	vst v6;
	v5 =	vand.u32 $0xF, v7;
	v6 =	vld [tilespmem:s7+$0x7D0]  }
0x414: {  	v1 =	vand.u32 $0xF, v1;
	s20 =	sand.u32 $0x7C0, s20;
	v7 =	vmul.f32 v11, v11;
	v11 =	vld [tilespmem:s7+$0x7F0];
	[tilespmem:s18+$0x10] =	vst v4  }
0x415: {  	v0 =	vand.u32 $0xF, v0;
	v4 =	vmul.f32 v13, v13;
	v14 =	vld [tilespmem:s20+$0x2800]  }
0x416: {  	v2 =	vand.u32 $0xF, v2;
	v16 =	vmul.f32 v7, v7  }
0x417: {  	v12 =	vld.idx.msk [tilespmem:v12+s4+$0x0], $0xffff;
	v4 =	vmul.f32 v4, v13;
	v3 =	vmul.f32 v3, v3  }
0x418: {  	v7 =	vmul.f32 v16, v7;
	v5 =	vld.idx.msk [tilespmem:v5+s4+$0x0], $0xffff;
	v6 =	vmul.f32 v6, v6  }
0x419: {  	v9 =	vadd.f32 v15, v9;
	v1 =	vld.idx.msk [tilespmem:v1+s4+$0x0], $0xffff;
	v11 =	vmul.f32 v11, v11;
	v13 =	vmul.f32 v3, v3  }
0x41a: {  	v0 =	vld.idx.msk [tilespmem:v0+s4+$0x0], $0xffff;
	v4 =	vadd.f32 v4, v8;
	v8 =	vmul.f32 v6, v6;
	v14 =	vmul.f32 v14, v14  }
0x41b: {  	[tilespmem:s11+$0x800] =	vst v9;
	v2 =	vld.idx.msk [tilespmem:v2+s4+$0x0], $0xffff;
	v9 =	vmul.f32 v11, v11;
	v3 =	vmul.f32 v13, v3  }
0x41c: {  	[tilespmem:s11+$0x7D0] =	vst v4;
	v4 =	vadd.f32 v7, v12;
	v6 =	vmul.f32 v8, v6;
	v7 =	vmul.f32 v14, v14  }
0x41d: {  	[tilespmem:s11+$0x7F0] =	vst v10;
	v8 =	vmul.f32 v9, v11;
	v3 =	vadd.f32 v3, v5  }
0x41e: {  	[tilespmem:s8+$0x6700] =	vst v4;
	v1 =	vadd.f32 v6, v1;
	v4 =	vmul.f32 v7, v14  }
0x41f: {  	v0 =	vadd.f32 v8, v0;
	[tilespmem:s18+$0x800] =	vst v3  }
0x420: {  	[tilespmem:s18+$0x7D0] =	vst v1;
	v1 =	vadd.f32 v4, v2  }
0x421: {  	[tilespmem:s18+$0x7F0] =	vst v0  }
0x422: {  	[tilespmem:s20+$0x6700] =	vst v1  }
0x423: {  	v0 =	vld [tilespmem:$0x840];
	_ =	sdelay $0x3  }
0x424: {  	v1 =	vld [tilespmem:$0x1840]  }
0x425: {  	v2 =	vand.u32 $0xF, v0;
	_ =	sdelay $0x3  }
0x426: {  	v1 =	vmul.f32 v1, v1  }
0x427: {  	v2 =	vld.idx.msk [tilespmem:v2+s4+$0x0], $0xffff  }
0x428: {  	v3 =	vmul.f32 v1, v1  }
0x429: {  	v5 =	vld [tilespmem:$0x2010];
	v4 =	vshrl.u32 v0, $0x8  }
0x42a: {  	v1 =	vmul.f32 v3, v1;
	v3 =	vand.u32 $0xF, v4;
	_ =	sdelay $0x1  }
0x42b: {  	v1 =	vadd.f32 v1, v2;
	_ =	sdelay $0x1  }
0x42c: {  	[tilespmem:$0x5740] =	vst v1;
	v1 =	vmul.f32 v5, v5  }
0x42d: {  	v2 =	vld.idx.msk [tilespmem:v3+s4+$0x0], $0xffff  }
0x42e: {  	v3 =	vmul.f32 v1, v1  }
0x42f: {  	v4 =	vshrl.u32 v0, $0x10;
	v5 =	vld [tilespmem:$0x27E0]  }
0x430: {  	v1 =	vmul.f32 v3, v1;
	v3 =	vand.u32 $0xF, v4;
	_ =	sdelay $0x1  }
0x431: {  	v1 =	vadd.f32 v1, v2;
	_ =	sdelay $0x1  }
0x432: {  	[tilespmem:$0x5F10] =	vst v1;
	v1 =	vmul.f32 v5, v5  }
0x433: {  	v2 =	vld.idx.msk [tilespmem:v3+s4+$0x0], $0xffff  }
0x434: {  	v3 =	vmul.f32 v1, v1  }
0x435: {  	v0 =	vshrl.u32 v0, $0x18;
	v4 =	vld [tilespmem:$0x2FB0]  }
0x436: {  	v0 =	vand.u32 $0xF, v0;
	v1 =	vmul.f32 v3, v1;
	_ =	sdelay $0x1  }
0x437: {  	v1 =	vadd.f32 v1, v2;
	_ =	sdelay $0x1  }
0x438: {  	[tilespmem:$0x66E0] =	vst v1;
	v1 =	vmul.f32 v4, v4  }
0x439: {  	v0 =	vld.idx.msk [tilespmem:v0+s4+$0x0], $0xffff  }
0x43a: {  	v2 =	vmul.f32 v1, v1;
	_ =	sdelay $0x1  }
0x43b: {  	v1 =	vmul.f32 v2, v1;
	_ =	sdelay $0x1  }
0x43c: {  	s7 =	sld [smem:$0x7F6];
	v0 =	vadd.f32 v1, v0;
	_ =	sdelay $0x1  }
0x43d: {  	s21 =	sld [smem:$0x7F7];
	[tilespmem:$0x6EB0] =	vst v0  }
0x43e: {  	[hbm4b:s7+s4] =	stream.linear.scatter [tilespmem:s23], [sflag:$0x3], $0x7D0, $0x38;
	[tilespmem:$0x8E80] =	vst v63  }
0x43f: {  	s31 =	sld [smem:$0x7F8]  }
0x440: {  	[hbm4b:s21+s4] =	stream.linear.scatter [tilespmem:s24], [sflag:$0x3], $0x7D0, $0x38;
	[tilespmem:$0x8E80] =	vst v63  }
0x441: {  	s8 =	sld [smem:$0x7F9]  }
0x442: {  	[hbm4b:s31+s4] =	stream.linear.scatter [tilespmem:s26], [sflag:$0x3], $0x7D0, $0x38;
	[tilespmem:$0x8E80] =	vst v63  }
0x443: {  	s10 =	rddreg [dreg:$0x1b]  }
0x444: {  	[hbm4b:s8+s4] =	stream.linear.scatter [tilespmem:s28], [sflag:$0x3], $0x7D0, $0x38;
	[tilespmem:$0x8E80] =	vst v63  }
0x445: {  	s11 =	rddreg [dreg:$0x1c]  }
0x446: {  	[tilespmem:s12], [sflag:$0x1] =	stream.linear.gather [hbm4b:s10+s4], $0x7D0, $0x38;
	[tilespmem:$0x8E80] =	vst v63  }
0x447: {  	s17 =	rddreg [dreg:$0x1e]  }
0x448: {  	[tilespmem:s13], [sflag:$0x1] =	stream.linear.gather [hbm4b:s11+s4], $0x7D0, $0x38;
	[tilespmem:$0x8E80] =	vst v63  }
0x449: {  	s18 =	sld [smem:$0x7EB]  }
0x44a: {  	[tilespmem:s14], [sflag:$0x1] =	stream.linear.gather [hbm4b:s17+s4], $0x7D0, $0x38;
	[tilespmem:$0x8E80] =	vst v63  }
0x44b: {  	s19 =	sld [smem:$0x7ED]  }
0x44c: {  	[tilespmem:s29], [sflag:$0x1] =	stream.linear.gather [hbm4b:s18+s4], $0x7D0, $0x38;
	[tilespmem:$0x8E80] =	vst v63  }
0x44d: {  	_ = 	snop  }
0x44e: {  	[tilespmem:s16], [sflag:$0x1] =	stream.linear.gather [hbm4b:s19+s4], $0x7D0, $0x38;
	[tilespmem:$0x8E80] =	vst v63  }
0x44f: {  	_ =	swait.ge [sflag:s30], $0x7D0  }
0x450: {  	[sflag:s30] =	ssyncset.done $0x0  }
0x451: {  	[sflag:s30] =	ssyncadd.s32 $0xFFFFF830  }
0x452: {  	_ =	swait.ge [sflag:s30], $0x7D0  }
0x453: {  	[sflag:s30] =	ssyncset.done $0x0  }
0x454: {  	[sflag:s30] =	ssyncadd.s32 $0xFFFFF830  }
0x455: {  	_ =	swait.ge [sflag:s30], $0x7D0  }
0x456: {  	[sflag:s30] =	ssyncset.done $0x0  }
0x457: {  	[sflag:s30] =	ssyncadd.s32 $0xFFFFF830  }
0x458: {  	_ =	swait.ge [sflag:s30], $0x7D0  }
0x459: {  	[sflag:s30] =	ssyncset.done $0x0  }
0x45a: {  	[sflag:s30] =	ssyncadd.s32 $0xFFFFF830  }
0x45b: {  	_ =	swait.ge [sflag:s30], $0x7D0  }
0x45c: {  	[sflag:s30] =	ssyncset.done $0x0  }
0x45d: {  	[sflag:s30] =	ssyncadd.s32 $0xFFFFF830  }
0x45e: {  	_ =	swait.ge [sflag:s0], $0x7D0  }
0x45f: {  	[sflag:s0] =	ssyncset.done $0x0  }
0x460: {  	[sflag:s0] =	ssyncadd.s32 $0xFFFFF830  }
0x461: {  	_ =	swait.ge [sflag:s0], $0x7D0  }
0x462: {  	[sflag:s0] =	ssyncset.done $0x0  }
0x463: {  	[sflag:s0] =	ssyncadd.s32 $0xFFFFF830  }
0x464: {  	_ =	swait.ge [sflag:s0], $0x7D0  }
0x465: {  	[sflag:s0] =	ssyncset.done $0x0  }
0x466: {  	[sflag:s0] =	ssyncadd.s32 $0xFFFFF830  }
0x467: {  	_ =	swait.ge [sflag:s0], $0x7D0  }
0x468: {  	[sflag:s0] =	ssyncset.done $0x0  }
0x469: {  	s20 =	simm.s32 $0x8A0;
	[sflag:s0] =	ssyncadd.s32 $0xFFFFF830  }
0x46a: {  	v0 =	vld [tilespmem:s20+$0x0];
	_ =	sdelay $0x2  }
0x46b: {  	s21 =	simm.s32 $0x3FA0;
	v1 =	vld [tilespmem:s20+$0x10]  }
0x46c: {  	v2 =	vld [tilespmem:s21+$0xFFFFF080]  }
0x46d: {  	v4 =	vld [tilespmem:s20+$0xFFFFFFE0];
	v3 =	vand.u32 $0xF, v0  }
0x46e: {  	v5 =	vld [tilespmem:s20+$0xFFFFFFF0]  }
0x46f: {  	v6 =	vld [tilespmem:s21+$0xFFFFF090]  }
0x470: {  	v8 =	vld [tilespmem:s21+$0xFFFFF060];
	v7 =	vand.u32 $0xF, v1  }
0x471: {  	v9 =	vld [tilespmem:s21+$0xFFFFF070];
	v2 =	vmul.f32 v2, v2  }
0x472: {  	v10 =	vand.u32 $0xF, v4;
	v3 =	vld.idx.msk [tilespmem:v3+s4+$0x0], $0xffff  }
0x473: {  	v12 =	vand.u32 $0xF, v5;
	v11 =	vmul.f32 v2, v2  }
0x474: {  	v6 =	vmul.f32 v6, v6  }
0x475: {  	v2 =	vmul.f32 v11, v2;
	v7 =	vld.idx.msk [tilespmem:v7+s4+$0x0], $0xffff  }
0x476: {  	v8 =	vmul.f32 v8, v8;
	v11 =	vmul.f32 v6, v6  }
0x477: {  	v2 =	vadd.f32 v2, v3;
	v3 =	vmul.f32 v9, v9;
	v9 =	vld.idx.msk [tilespmem:v10+s4+$0x0], $0xffff  }
0x478: {  	s11 =	simm.s32 $0x7EA0;
	v6 =	vmul.f32 v11, v6;
	v11 =	vld.idx.msk [tilespmem:v12+s4+$0x0], $0xffff;
	v12 =	vmul.f32 v8, v8;
	v10 =	vshrl.u32 v0, $0x8  }
0x479: {  	v10 =	vand.u32 $0xF, v10;
	[tilespmem:s11+$0xFFFFF080] =	vst v2;
	v2 =	vmul.f32 v3, v3  }
0x47a: {  	v6 =	vadd.f32 v6, v7;
	v7 =	vmul.f32 v12, v8;
	v13 =	vld [tilespmem:s21+$0xFFFFF850]  }
0x47b: {  	v2 =	vmul.f32 v2, v3  }
0x47c: {  	[tilespmem:s11+$0xFFFFF090] =	vst v6;
	v7 =	vadd.f32 v7, v9  }
0x47d: {  	v9 =	vld [tilespmem:s21+$0xFFFFF860];
	v2 =	vadd.f32 v2, v11  }
0x47e: {  	v8 =	vshrl.u32 v1, $0x8;
	[tilespmem:s11+$0xFFFFF060] =	vst v7;
	v7 =	vld.idx.msk [tilespmem:v10+s4+$0x0], $0xffff  }
0x47f: {  	s19 =	simm.s32 $0x8E0;
	v8 =	vand.u32 $0xF, v8;
	v10 =	vmul.f32 v13, v13;
	[tilespmem:s11+$0xFFFFF070] =	vst v2;
	v2 =	vld [tilespmem:s21+$0xFFFFF830]  }
0x480: {  	s17 =	simm.s32 $0x3FE0;
	v15 =	vld [tilespmem:s19+$0x0];
	v6 =	vshrl.u32 v4, $0x8  }
0x481: {  	v17 =	vld [tilespmem:s17+$0xFFFFF090];
	v6 =	vand.u32 $0xF, v6;
	v11 =	vmul.f32 v10, v10  }
0x482: {  	v20 =	vld [tilespmem:s19+$0xFFFFFFF0];
	v14 =	vshrl.u32 v5, $0x8  }
0x483: {  	v3 =	vand.u32 $0xF, v14;
	v12 =	vld [tilespmem:s21+$0xFFFFF840];
	v9 =	vmul.f32 v9, v9;
	v10 =	vmul.f32 v11, v10  }
0x484: {  	v8 =	vld.idx.msk [tilespmem:v8+s4+$0x0], $0xffff;
	v11 =	vshrl.u32 v0, $0x10;
	v2 =	vmul.f32 v2, v2  }
0x485: {  	v14 =	vld [tilespmem:s19+$0x10];
	v7 =	vadd.f32 v10, v7;
	v10 =	vand.u32 $0xF, v11;
	v11 =	vmul.f32 v9, v9  }
0x486: {  	v6 =	vld.idx.msk [tilespmem:v6+s4+$0x0], $0xffff  }
0x487: {  	v13 =	vld [tilespmem:s17+$0xFFFFF070];
	[tilespmem:s11+$0xFFFFF850] =	vst v7;
	v7 =	vshrl.u32 v1, $0x10;
	v9 =	vmul.f32 v11, v9;
	v11 =	vmul.f32 v2, v2  }
0x488: {  	v3 =	vld.idx.msk [tilespmem:v3+s4+$0x0], $0xffff;
	v12 =	vmul.f32 v12, v12;
	v7 =	vand.u32 $0xF, v7  }
0x489: {  	v16 =	vld [tilespmem:s21+$0x20];
	v2 =	vmul.f32 v11, v2;
	v8 =	vadd.f32 v9, v8  }
0x48a: {  	v21 =	vld [tilespmem:s17+$0xFFFFF080];
	v19 =	vshrl.u32 v5, $0x10;
	v18 =	vmul.f32 v12, v12  }
0x48b: {  	v17 =	vmul.f32 v17, v17;
	v11 =	vld [tilespmem:s19+$0xFFFFFFE0];
	v2 =	vadd.f32 v2, v6;
	v6 =	vand.u32 $0xF, v14;
	[tilespmem:s11+$0xFFFFF860] =	vst v8  }
0x48c: {  	v22 =	vand.u32 $0xF, v20;
	v59 =	vshrl.u32 v15, $0x8;
	v8 =	vmul.f32 v18, v12;
	v12 =	vld [tilespmem:s21+$0x30]  }
0x48d: {  	v9 =	vshrl.u32 v4, $0x10;
	v18 =	vshrl.u32 v5, $0x18;
	v5 =	vmul.f32 v13, v13;
	[tilespmem:s11+$0xFFFFF830] =	vst v2;
	v2 =	vld.idx.msk [tilespmem:v7+s4+$0x0], $0xffff  }
0x48e: {  	v3 =	vadd.f32 v8, v3;
	v7 =	vmul.f32 v16, v16;
	v8 =	vand.u32 $0xF, v9;
	v9 =	vld [tilespmem:s21+$0x0]  }
0x48f: {  	v21 =	vmul.f32 v21, v21;
	v61 =	vand.u32 $0xF, v59;
	v10 =	vld.idx.msk [tilespmem:v10+s4+$0x0], $0xffff;
	v13 =	vmul.f32 v5, v5  }
0x490: {  	v57 =	vmul.f32 v17, v17;
	v16 =	vand.u32 $0xF, v15;
	[tilespmem:s11+$0xFFFFF840] =	vst v3;
	v3 =	vmul.f32 v7, v7;
	v23 =	vld.idx.msk [tilespmem:v6+s4+$0x0], $0xffff  }
0x491: {  	v13 =	vmul.f32 v13, v5;
	v5 =	vand.u32 $0xF, v19;
	v6 =	vld [tilespmem:s21+$0x10];
	v12 =	vmul.f32 v12, v12  }
0x492: {  	v17 =	vmul.f32 v57, v17;
	v22 =	vld.idx.msk [tilespmem:v22+s4+$0x0], $0xffff;
	v0 =	vshrl.u32 v0, $0x18;
	v3 =	vmul.f32 v3, v7  }
0x493: {  	v0 =	vand.u32 $0xF, v0;
	v7 =	vld [tilespmem:s17+$0xFFFFF060];
	v9 =	vmul.f32 v9, v9;
	v58 =	vmul.f32 v12, v12  }
0x494: {  	v1 =	vshrl.u32 v1, $0x18;
	v26 =	vand.u32 $0xF, v11;
	v8 =	vld.idx.msk [tilespmem:v8+s4+$0x0], $0xffff;
	v10 =	vadd.f32 v3, v10  }
0x495: {  	v1 =	vand.u32 $0xF, v1;
	v16 =	vld.idx.msk [tilespmem:v16+s4+$0x0], $0xffff;
	v27 =	vmul.f32 v9, v9;
	v12 =	vmul.f32 v58, v12  }
0x496: {  	v4 =	vshrl.u32 v4, $0x18;
	v28 =	vld.idx.msk [tilespmem:v5+s4+$0x0], $0xffff;
	[tilespmem:s11+$0x20] =	vst v10;
	v10 =	vmul.f32 v21, v21;
	v5 =	vmul.f32 v6, v6  }
0x497: {  	v29 =	vand.u32 $0xF, v4;
	v60 =	vld [tilespmem:s21+$0x7F0];
	v4 =	vmul.f32 v27, v9;
	v2 =	vadd.f32 v12, v2  }
0x498: {  	v31 =	vshrl.u32 v11, $0x8;
	v30 =	vld.idx.msk [tilespmem:v0+s4+$0x0], $0xffff;
	v9 =	vmul.f32 v10, v21;
	v10 =	vmul.f32 v5, v5  }
0x499: {  	v19 =	vshrl.u32 v14, $0x8;
	v0 =	vmul.f32 v7, v7;
	v7 =	vld.idx.msk [tilespmem:v26+s4+$0x0], $0xffff;
	v8 =	vadd.f32 v4, v8;
	[tilespmem:s11+$0x30] =	vst v2  }
0x49a: {  	v3 =	vshrl.u32 v14, $0x10;
	v2 =	vadd.f32 v9, v16;
	v10 =	vmul.f32 v10, v5;
	v12 =	vld [tilespmem:s21+$0x800]  }
0x49b: {  	s18 =	simm.s32 $0x7EE0;
	v6 =	vshrl.u32 v15, $0x10;
	v21 =	vmul.f32 v0, v0;
	v4 =	vshrl.u32 v11, $0x10;
	v9 =	vld.idx.msk [tilespmem:v1+s4+$0x0], $0xffff;
	[tilespmem:s11+$0x0] =	vst v8  }
0x49c: {  	v16 =	vshrl.u32 v20, $0x8;
	v5 =	vshrl.u32 v20, $0x10;
	[tilespmem:s18+$0xFFFFF080] =	vst v2;
	v2 =	vadd.f32 v10, v28;
	v8 =	vld.idx.msk [tilespmem:v29+s4+$0x0], $0xffff  }
0x49d: {  	s31 =	simm.s32 $0x0;
	v10 =	vadd.f32 v17, v23;
	v17 =	vmul.f32 v21, v0;
	v21 =	vmul.f32 v60, v60;
	v23 =	vld [tilespmem:s17+$0xFFFFF850]  }
0x49e: {  	s8 =	sand.u32 $0x7C0, s31;
	v1 =	vshrl.u32 v11, $0x18;
	v0 =	vshrl.u32 v15, $0x18;
	v15 =	vand.u32 $0xF, v16;
	v62 =	vld [tilespmem:s21+$0x7D0];
	[tilespmem:s11+$0x10] =	vst v2  }
0x49f: {  	v16 =	vmul.f32 v21, v21;
	v26 =	vadd.f32 v17, v7;
	[tilespmem:s18+$0xFFFFF090] =	vst v10;
	v11 =	vld [tilespmem:s8+$0x4780];
	v63 =	vmul.f32 v12, v12  }
0x4a0: {  	v7 =	vshrl.u32 v14, $0x18;
	v10 =	vadd.f32 v13, v22;
	v17 =	vld [tilespmem:s17+$0xFFFFF860];
	v12 =	vand.u32 $0xF, v18  }
0x4a1: {  	v13 =	vmul.f32 v16, v21;
	[tilespmem:s18+$0xFFFFF060] =	vst v26;
	v16 =	vld.idx.msk [tilespmem:v61+s4+$0x0], $0xffff;
	v21 =	vand.u32 $0xF, v19;
	v22 =	vmul.f32 v63, v63  }
0x4a2: {  	v2 =	vshrl.u32 v20, $0x18;
	v20 =	vand.u32 $0xF, v31;
	[tilespmem:s18+$0xFFFFF070] =	vst v10;
	v18 =	vld [tilespmem:s17+$0xFFFFF830];
	v19 =	vmul.f32 v23, v23  }
0x4a3: {  	s7 =	simm.s32 $0x3FE0;
	s10 =	simm.s32 $0x40;
	s20 =	simm.s32 $0x40;
	v14 =	vld.idx.msk [tilespmem:v15+s4+$0x0], $0xffff;
	v10 =	vadd.f32 v13, v30;
	v13 =	vmul.f32 v62, v62;
	v15 =	vmul.f32 v22, v63  }
.LBB2_14:
0x4a4: {  	s10 =	sadd.s32 $0x40, s10;
	v22 =	vld [tilespmem:s17+$0xFFFFF840];
	v23 =	vmul.f32 v19, v19  }
0x4a5: {  	p0 =	slt.u32 s10, $0x780;
	v17 =	vmul.f32 v17, v17;
	v24 =	vmul.f32 v13, v13;
	v12 =	vld.idx.msk [tilespmem:v12+s4+$0x0], $0xffff;
	v9 =	vadd.f32 v15, v9  }
0x4a6: {  	v11 =	vmul.f32 v11, v11;
	v15 =	vmul.f32 v23, v19;
	v19 =	vld.idx.msk [tilespmem:v21+s4+$0x0], $0xffff  }
0x4a7: {  	v6 =	vand.u32 $0xF, v6;
	s17 =	sadd.s32 $0x40, s17;
	v20 =	vld.idx.msk [tilespmem:v20+s4+$0x0], $0xffff;
	v21 =	vmul.f32 v17, v17;
	v13 =	vmul.f32 v24, v13;
	[tilespmem:s11+$0x800] =	vst v9  }
0x4a8: {  	s19 =	sadd.s32 $0x40, s19;
	v18 =	vmul.f32 v18, v18;
	v9 =	vld [tilespmem:s17+$0xFFFFF070];
	v15 =	vadd.f32 v15, v16;
	v16 =	vmul.f32 v11, v11  }
0x4a9: {  	v23 =	vld [tilespmem:s19+$0x10];
	v22 =	vmul.f32 v22, v22;
	v17 =	vmul.f32 v21, v17;
	v8 =	vadd.f32 v13, v8  }
0x4aa: {  	v21 =	vmul.f32 v18, v18;
	v13 =	vld [tilespmem:s19+$0x0];
	[tilespmem:s18+$0xFFFFF850] =	vst v15;
	v11 =	vmul.f32 v16, v11  }
0x4ab: {  	v24 =	vand.u32 $0xF, v3;
	v15 =	vmul.f32 v22, v22;
	v16 =	vld [tilespmem:s7+$0x20];
	[tilespmem:s11+$0x7D0] =	vst v8  }
0x4ac: {  	v18 =	vmul.f32 v21, v18;
	v17 =	vadd.f32 v17, v19;
	v8 =	vld [tilespmem:s17+$0xFFFFF090];
	v11 =	vadd.f32 v11, v12  }
0x4ad: {  	v19 =	vand.u32 $0xF, v7;
	v12 =	vld [tilespmem:s19+$0xFFFFFFE0];
	v9 =	vmul.f32 v9, v9;
	v15 =	vmul.f32 v15, v22;
	[tilespmem:s11+$0x7F0] =	vst v10;
	s11 =	smov.u32 s18  }
0x4ae: {  	v7 =	vadd.f32 v18, v20;
	v10 =	vshrl.u32 v23, $0x8;
	v3 =	vshrl.u32 v23, $0x10;
	v18 =	vld.idx.msk [tilespmem:v6+s4+$0x0], $0xffff;
	[tilespmem:s8+$0x8680] =	vst v11  }
0x4af: {  	v21 =	vand.u32 $0xF, v23;
	v11 =	vld [tilespmem:s19+$0xFFFFFFF0];
	v20 =	vmul.f32 v9, v9;
	v14 =	vadd.f32 v15, v14;
	[tilespmem:s18+$0xFFFFF860] =	vst v17  }
0x4b0: {  	v15 =	vshrl.u32 v13, $0x8;
	v6 =	vshrl.u32 v13, $0x10;
	[tilespmem:s18+$0xFFFFF830] =	vst v7;
	v7 =	vmul.f32 v16, v16;
	v16 =	vld [tilespmem:s7+$0x30]  }
0x4b1: {  	v17 =	vand.u32 $0xF, v4;
	v9 =	vmul.f32 v20, v9;
	v8 =	vmul.f32 v8, v8;
	[tilespmem:s18+$0xFFFFF840] =	vst v14;
	v14 =	vld.idx.msk [tilespmem:v24+s4+$0x0], $0xffff  }
0x4b2: {  	v20 =	vshrl.u32 v12, $0x8;
	v4 =	vshrl.u32 v12, $0x10;
	v22 =	vld [tilespmem:s7+$0x0];
	v24 =	vmul.f32 v7, v7  }
0x4b3: {  	v28 =	vand.u32 $0xF, v5;
	v25 =	vand.u32 $0xF, v13;
	v26 =	vld [tilespmem:s17+$0xFFFFF080];
	v27 =	vmul.f32 v8, v8  }
0x4b4: {  	v29 =	vand.u32 $0xF, v11;
	v30 =	vshrl.u32 v11, $0x8;
	v21 =	vld.idx.msk [tilespmem:v21+s4+$0x0], $0xffff;
	v7 =	vmul.f32 v24, v7  }
0x4b5: {  	v24 =	vand.u32 $0xF, v12;
	v8 =	vmul.f32 v27, v8;
	v27 =	vld [tilespmem:s7+$0x10];
	v16 =	vmul.f32 v16, v16  }
0x4b6: {  	v13 =	vshrl.u32 v13, $0x18;
	v5 =	vshrl.u32 v11, $0x10;
	v31 =	vld [tilespmem:s17+$0xFFFFF060];
	v18 =	vadd.f32 v7, v18  }
0x4b7: {  	v32 =	vand.u32 $0xF, v0;
	v0 =	vmovc v13;
	v17 =	vld.idx.msk [tilespmem:v17+s4+$0x0], $0xffff;
	v22 =	vmul.f32 v22, v22;
	v33 =	vmul.f32 v16, v16  }
0x4b8: {  	v12 =	vshrl.u32 v12, $0x18;
	v7 =	vshrl.u32 v23, $0x18;
	v13 =	vld.idx.msk [tilespmem:v25+s4+$0x0], $0xffff;
	v25 =	vmul.f32 v26, v26;
	[tilespmem:s18+$0x20] =	vst v18  }
0x4b9: {  	v26 =	vand.u32 $0xF, v1;
	v1 =	vmovc v12;
	v18 =	vld.idx.msk [tilespmem:v29+s4+$0x0], $0xffff;
	v23 =	vmul.f32 v22, v22;
	v16 =	vmul.f32 v33, v16  }
0x4ba: {  	v21 =	vadd.f32 v8, v21;
	v12 =	vmul.f32 v25, v25;
	v28 =	vld.idx.msk [tilespmem:v28+s4+$0x0], $0xffff;
	v8 =	vmul.f32 v27, v27  }
0x4bb: {  	v27 =	vmul.f32 v31, v31;
	v22 =	vmul.f32 v23, v22;
	v23 =	vld [tilespmem:s7+$0x7F0];
	v14 =	vadd.f32 v16, v14  }
0x4bc: {  	v16 =	vshrl.u32 v11, $0x18;
	v11 =	vmul.f32 v12, v25;
	v12 =	vmul.f32 v8, v8;
	v25 =	vld.idx.msk [tilespmem:v32+s4+$0x0], $0xffff  }
0x4bd: {  	v24 =	vld.idx.msk [tilespmem:v24+s4+$0x0], $0xffff;
	v29 =	vmul.f32 v27, v27;
	v17 =	vadd.f32 v22, v17;
	[tilespmem:s18+$0x30] =	vst v14  }
0x4be: {  	v11 =	vadd.f32 v11, v13;
	v12 =	vmul.f32 v12, v8;
	v13 =	vld [tilespmem:s7+$0x800]  }
0x4bf: {  	s18 =	sadd.s32 $0x40, s18;
	v18 =	vadd.f32 v9, v18;
	v14 =	vmul.f32 v29, v27;
	[tilespmem:s11+$0x0] =	vst v17;
	v9 =	vld.idx.msk [tilespmem:v19+s4+$0x0], $0xffff  }
0x4c0: {  	v15 =	vand.u32 $0xF, v15;
	[tilespmem:s18+$0xFFFFF080] =	vst v11;
	v8 =	vld.idx.msk [tilespmem:v26+s4+$0x0], $0xffff;
	v11 =	vadd.f32 v12, v28;
	v19 =	vmul.f32 v23, v23  }
0x4c1: {  	[tilespmem:s18+$0xFFFFF070] =	vst v18;
	v22 =	vld [tilespmem:s17+$0xFFFFF850]  }
0x4c2: {  	s8 =	sand.u32 $0x7C0, s20;
	s20 =	smov.u32 s10;
	v23 =	vand.u32 $0xF, v30;
	v26 =	vld [tilespmem:s7+$0x7D0];
	[tilespmem:s11+$0x10] =	vst v11;
	v18 =	vmul.f32 v19, v19;
	s7 =	smov.u32 s17  }
.Ltmp6:
0x4c3: {  	v14 =	vadd.f32 v14, v24;
	[tilespmem:s18+$0xFFFFF090] =	vst v21;
	v11 =	vld [tilespmem:s8+$0x4780];
	v24 =	vmul.f32 v13, v13;
	(pc) =	sbr.rel @p0 .LBB2_14-.Ltmp6, $4  }
0x4c4: {  	v12 =	vand.u32 $0xF, v2;
	v2 =	vmov v16;
	v17 =	vld [tilespmem:s17+$0xFFFFF860];
	v13 =	vmul.f32 v18, v19  }
0x4c5: {  	v21 =	vand.u32 $0xF, v10;
	[tilespmem:s18+$0xFFFFF060] =	vst v14;
	v16 =	vld.idx.msk [tilespmem:v15+s4+$0x0], $0xffff;
	v15 =	vmul.f32 v24, v24  }
0x4c6: {  	v20 =	vand.u32 $0xF, v20;
	v18 =	vld [tilespmem:s17+$0xFFFFF830];
	v19 =	vmul.f32 v22, v22;
	v10 =	vadd.f32 v13, v25  }
0x4c7: {  	v14 =	vld.idx.msk [tilespmem:v23+s4+$0x0], $0xffff;
	v13 =	vmul.f32 v26, v26;
	v15 =	vmul.f32 v15, v24  }
0x4c8: {  	_ = 	snop  }
0x4c9: {  	v22 =	vld [tilespmem:s17+$0xFFFFF840];
	_ =	sdelay $0x1  }
0x4ca: {  	v17 =	vmul.f32 v17, v17  }
0x4cb: {  	v21 =	vld.idx.msk [tilespmem:v21+s4+$0x0], $0xffff;
	v18 =	vmul.f32 v18, v18  }
0x4cc: {  	v20 =	vld.idx.msk [tilespmem:v20+s4+$0x0], $0xffff;
	v23 =	vmul.f32 v17, v17  }
0x4cd: {  	v22 =	vmul.f32 v22, v22;
	v24 =	vmul.f32 v18, v18  }
0x4ce: {  	v25 =	vmul.f32 v19, v19;
	v17 =	vmul.f32 v23, v17  }
0x4cf: {  	v23 =	vmul.f32 v22, v22;
	v18 =	vmul.f32 v24, v18  }
0x4d0: {  	v19 =	vmul.f32 v25, v19;
	v17 =	vadd.f32 v17, v21  }
0x4d1: {  	v21 =	vmul.f32 v23, v22;
	v18 =	vadd.f32 v18, v20  }
0x4d2: {  	v16 =	vadd.f32 v19, v16;
	[tilespmem:s18+$0xFFFFF860] =	vst v17  }
0x4d3: {  	v17 =	vld [tilespmem:s7+$0x30];
	v14 =	vadd.f32 v21, v14;
	[tilespmem:s18+$0xFFFFF830] =	vst v18  }
0x4d4: {  	v3 =	vand.u32 $0xF, v3;
	[tilespmem:s18+$0xFFFFF850] =	vst v16;
	v16 =	vld [tilespmem:s7+$0x0]  }
0x4d5: {  	v4 =	vand.u32 $0xF, v4;
	v18 =	vld [tilespmem:s7+$0x20];
	[tilespmem:s18+$0xFFFFF840] =	vst v14  }
0x4d6: {  	v6 =	vand.u32 $0xF, v6;
	v14 =	vld [tilespmem:s7+$0x10]  }
0x4d7: {  	v5 =	vand.u32 $0xF, v5  }
0x4d8: {  	v17 =	vmul.f32 v17, v17  }
0x4d9: {  	v3 =	vld.idx.msk [tilespmem:v3+s4+$0x0], $0xffff;
	v16 =	vmul.f32 v16, v16  }
0x4da: {  	v4 =	vld.idx.msk [tilespmem:v4+s4+$0x0], $0xffff;
	v18 =	vmul.f32 v18, v18;
	v19 =	vmul.f32 v17, v17  }
0x4db: {  	v6 =	vld.idx.msk [tilespmem:v6+s4+$0x0], $0xffff;
	v20 =	vmul.f32 v16, v16;
	v14 =	vmul.f32 v14, v14  }
0x4dc: {  	v5 =	vld.idx.msk [tilespmem:v5+s4+$0x0], $0xffff;
	v21 =	vmul.f32 v18, v18;
	v17 =	vmul.f32 v19, v17  }
0x4dd: {  	v16 =	vmul.f32 v20, v16;
	v19 =	vmul.f32 v14, v14  }
0x4de: {  	v18 =	vmul.f32 v21, v18;
	v3 =	vadd.f32 v17, v3  }
0x4df: {  	v4 =	vadd.f32 v16, v4;
	v14 =	vmul.f32 v19, v14  }
0x4e0: {  	v6 =	vadd.f32 v18, v6;
	[tilespmem:s18+$0x30] =	vst v3  }
0x4e1: {  	v3 =	vld [tilespmem:s7+$0x800];
	[tilespmem:s18+$0x0] =	vst v4;
	v4 =	vadd.f32 v14, v5  }
0x4e2: {  	[tilespmem:s18+$0x20] =	vst v6;
	v5 =	vand.u32 $0xF, v7;
	v6 =	vld [tilespmem:s7+$0x7D0]  }
0x4e3: {  	v1 =	vand.u32 $0xF, v1;
	s21 =	sand.u32 $0x7C0, s20;
	v7 =	vmul.f32 v11, v11;
	v11 =	vld [tilespmem:s7+$0x7F0];
	[tilespmem:s18+$0x10] =	vst v4  }
0x4e4: {  	v0 =	vand.u32 $0xF, v0;
	v4 =	vmul.f32 v13, v13;
	v14 =	vld [tilespmem:s21+$0x4780]  }
0x4e5: {  	v2 =	vand.u32 $0xF, v2;
	v16 =	vmul.f32 v7, v7  }
0x4e6: {  	v12 =	vld.idx.msk [tilespmem:v12+s4+$0x0], $0xffff;
	v4 =	vmul.f32 v4, v13;
	v3 =	vmul.f32 v3, v3  }
0x4e7: {  	v7 =	vmul.f32 v16, v7;
	v5 =	vld.idx.msk [tilespmem:v5+s4+$0x0], $0xffff;
	v6 =	vmul.f32 v6, v6  }
0x4e8: {  	v9 =	vadd.f32 v15, v9;
	v1 =	vld.idx.msk [tilespmem:v1+s4+$0x0], $0xffff;
	v11 =	vmul.f32 v11, v11;
	v13 =	vmul.f32 v3, v3  }
0x4e9: {  	v0 =	vld.idx.msk [tilespmem:v0+s4+$0x0], $0xffff;
	v4 =	vadd.f32 v4, v8;
	v8 =	vmul.f32 v6, v6;
	v14 =	vmul.f32 v14, v14  }
0x4ea: {  	[tilespmem:s11+$0x800] =	vst v9;
	v2 =	vld.idx.msk [tilespmem:v2+s4+$0x0], $0xffff;
	v9 =	vmul.f32 v11, v11;
	v3 =	vmul.f32 v13, v3  }
0x4eb: {  	[tilespmem:s11+$0x7D0] =	vst v4;
	v4 =	vadd.f32 v7, v12;
	v6 =	vmul.f32 v8, v6;
	v7 =	vmul.f32 v14, v14  }
0x4ec: {  	[tilespmem:s11+$0x7F0] =	vst v10;
	v8 =	vmul.f32 v9, v11;
	v3 =	vadd.f32 v3, v5  }
0x4ed: {  	[tilespmem:s8+$0x8680] =	vst v4;
	v1 =	vadd.f32 v6, v1;
	v4 =	vmul.f32 v7, v14  }
0x4ee: {  	v0 =	vadd.f32 v8, v0;
	[tilespmem:s18+$0x800] =	vst v3  }
0x4ef: {  	[tilespmem:s18+$0x7D0] =	vst v1;
	v1 =	vadd.f32 v4, v2  }
0x4f0: {  	[tilespmem:s18+$0x7F0] =	vst v0  }
0x4f1: {  	[tilespmem:s21+$0x8680] =	vst v1  }
0x4f2: {  	v0 =	vld [tilespmem:$0x1040];
	_ =	sdelay $0x3  }
0x4f3: {  	v1 =	vld [tilespmem:$0x37C0]  }
0x4f4: {  	v2 =	vand.u32 $0xF, v0;
	_ =	sdelay $0x3  }
0x4f5: {  	v1 =	vmul.f32 v1, v1  }
0x4f6: {  	v2 =	vld.idx.msk [tilespmem:v2+s4+$0x0], $0xffff  }
0x4f7: {  	v3 =	vmul.f32 v1, v1  }
0x4f8: {  	v5 =	vld [tilespmem:$0x3F90];
	v4 =	vshrl.u32 v0, $0x8  }
0x4f9: {  	v1 =	vmul.f32 v3, v1;
	v3 =	vand.u32 $0xF, v4;
	_ =	sdelay $0x1  }
0x4fa: {  	v1 =	vadd.f32 v1, v2;
	_ =	sdelay $0x1  }
0x4fb: {  	[tilespmem:$0x76C0] =	vst v1;
	v1 =	vmul.f32 v5, v5  }
0x4fc: {  	v2 =	vld.idx.msk [tilespmem:v3+s4+$0x0], $0xffff  }
0x4fd: {  	v3 =	vmul.f32 v1, v1  }
0x4fe: {  	v4 =	vshrl.u32 v0, $0x10;
	v5 =	vld [tilespmem:$0x4760]  }
0x4ff: {  	v1 =	vmul.f32 v3, v1;
	v3 =	vand.u32 $0xF, v4;
	_ =	sdelay $0x1  }
0x500: {  	v1 =	vadd.f32 v1, v2;
	_ =	sdelay $0x1  }
0x501: {  	[tilespmem:$0x7E90] =	vst v1;
	v1 =	vmul.f32 v5, v5  }
0x502: {  	v2 =	vld.idx.msk [tilespmem:v3+s4+$0x0], $0xffff  }
0x503: {  	v3 =	vmul.f32 v1, v1  }
0x504: {  	v0 =	vshrl.u32 v0, $0x18;
	v4 =	vld [tilespmem:$0x4F30]  }
0x505: {  	v0 =	vand.u32 $0xF, v0;
	v1 =	vmul.f32 v3, v1;
	_ =	sdelay $0x1  }
0x506: {  	v1 =	vadd.f32 v1, v2;
	_ =	sdelay $0x1  }
0x507: {  	[tilespmem:$0x8660] =	vst v1;
	v1 =	vmul.f32 v4, v4  }
0x508: {  	v0 =	vld.idx.msk [tilespmem:v0+s4+$0x0], $0xffff  }
0x509: {  	v2 =	vmul.f32 v1, v1;
	_ =	sdelay $0x1  }
0x50a: {  	v1 =	vmul.f32 v2, v1;
	_ =	sdelay $0x1  }
0x50b: {  	s7 =	sld [smem:$0x7FA];
	v0 =	vadd.f32 v1, v0;
	_ =	sdelay $0x1  }
0x50c: {  	s31 =	simm.s32 $0x6F00;
	s8 =	sld [smem:$0x7FB];
	[tilespmem:$0x8E30] =	vst v0  }
0x50d: {  	[hbm4b:s7+s4] =	stream.linear.scatter [tilespmem:s31], [sflag:$0x4], $0x7D0, $0x38;
	[tilespmem:$0x8E80] =	vst v63  }
0x50e: {  	s10 =	simm.s32 $0x76D0;
	s11 =	sld [smem:$0x7FC]  }
0x50f: {  	[hbm4b:s8+s4] =	stream.linear.scatter [tilespmem:s10], [sflag:$0x4], $0x7D0, $0x38;
	[tilespmem:$0x8E80] =	vst v63  }
0x510: {  	s17 =	simm.s32 $0x7EA0;
	s18 =	sld [smem:$0x7FD]  }
0x511: {  	[hbm4b:s11+s4] =	stream.linear.scatter [tilespmem:s17], [sflag:$0x4], $0x7D0, $0x38;
	[tilespmem:$0x8E80] =	vst v63  }
0x512: {  	s19 =	simm.s32 $0x8670  }
0x513: {  	[hbm4b:s18+s4] =	stream.linear.scatter [tilespmem:s19], [sflag:$0x4], $0x7D0, $0x38;
	[tilespmem:$0x8E80] =	vst v63  }
0x514: {  	_ =	swait.ge [sflag:s22], $0x7D0  }
0x515: {  	[sflag:s22] =	ssyncset.done $0x0  }
0x516: {  	[sflag:s22] =	ssyncadd.s32 $0xFFFFF830  }
0x517: {  	_ =	swait.ge [sflag:s22], $0x7D0  }
0x518: {  	[sflag:s22] =	ssyncset.done $0x0  }
0x519: {  	[sflag:s22] =	ssyncadd.s32 $0xFFFFF830  }
0x51a: {  	_ =	swait.ge [sflag:s22], $0x7D0  }
0x51b: {  	[sflag:s22] =	ssyncset.done $0x0  }
0x51c: {  	[sflag:s22] =	ssyncadd.s32 $0xFFFFF830  }
0x51d: {  	_ =	swait.ge [sflag:s22], $0x7D0  }
0x51e: {  	[sflag:s22] =	ssyncset.done $0x0  }
0x51f: {  	[sflag:s22] =	ssyncadd.s32 $0xFFFFF830  }
0x520: {  	_ =	swait.ge [sflag:s22], $0x7D0  }
0x521: {  	[sflag:s22] =	ssyncset.done $0x0  }
0x522: {  	[sflag:s22] =	ssyncadd.s32 $0xFFFFF830  }
0x523: {  	_ =	swait.ge [sflag:s1], $0x7D0  }
0x524: {  	[sflag:s1] =	ssyncset.done $0x0  }
0x525: {  	[sflag:s1] =	ssyncadd.s32 $0xFFFFF830  }
0x526: {  	_ =	swait.ge [sflag:s1], $0x7D0  }
0x527: {  	[sflag:s1] =	ssyncset.done $0x0  }
0x528: {  	[sflag:s1] =	ssyncadd.s32 $0xFFFFF830  }
0x529: {  	_ =	swait.ge [sflag:s1], $0x7D0  }
0x52a: {  	[sflag:s1] =	ssyncset.done $0x0  }
0x52b: {  	[sflag:s1] =	ssyncadd.s32 $0xFFFFF830  }
0x52c: {  	_ =	swait.ge [sflag:s1], $0x7D0  }
0x52d: {  	[sflag:s1] =	ssyncset.done $0x0  }
0x52e: {  	s20 =	simm.s32 $0xA0;
	[sflag:s1] =	ssyncadd.s32 $0xFFFFF830  }
0x52f: {  	v0 =	vld [tilespmem:s20+$0x0];
	_ =	sdelay $0x2  }
0x530: {  	s21 =	simm.s32 $0x2020;
	v1 =	vld [tilespmem:s20+$0x10]  }
0x531: {  	v2 =	vld [tilespmem:s21+$0xFFFFF080]  }
0x532: {  	v4 =	vld [tilespmem:s20+$0xFFFFFFE0];
	v3 =	vand.u32 $0xF, v0  }
0x533: {  	v5 =	vld [tilespmem:s20+$0xFFFFFFF0]  }
0x534: {  	v6 =	vld [tilespmem:s21+$0xFFFFF090]  }
0x535: {  	v8 =	vld [tilespmem:s21+$0xFFFFF060];
	v7 =	vand.u32 $0xF, v1  }
0x536: {  	v9 =	vld [tilespmem:s21+$0xFFFFF070];
	v2 =	vmul.f32 v2, v2  }
0x537: {  	v10 =	vand.u32 $0xF, v4;
	v3 =	vld.idx.msk [tilespmem:v3+s4+$0x0], $0xffff  }
0x538: {  	v12 =	vand.u32 $0xF, v5;
	v11 =	vmul.f32 v2, v2  }
0x539: {  	v6 =	vmul.f32 v6, v6  }
0x53a: {  	v2 =	vmul.f32 v11, v2;
	v7 =	vld.idx.msk [tilespmem:v7+s4+$0x0], $0xffff  }
0x53b: {  	v8 =	vmul.f32 v8, v8;
	v11 =	vmul.f32 v6, v6  }
0x53c: {  	v2 =	vadd.f32 v2, v3;
	v3 =	vmul.f32 v9, v9;
	v9 =	vld.idx.msk [tilespmem:v10+s4+$0x0], $0xffff  }
0x53d: {  	s11 =	simm.s32 $0x5F20;
	v6 =	vmul.f32 v11, v6;
	v11 =	vld.idx.msk [tilespmem:v12+s4+$0x0], $0xffff;
	v12 =	vmul.f32 v8, v8;
	v10 =	vshrl.u32 v0, $0x8  }
0x53e: {  	v10 =	vand.u32 $0xF, v10;
	[tilespmem:s11+$0xFFFFF080] =	vst v2;
	v2 =	vmul.f32 v3, v3  }
0x53f: {  	v6 =	vadd.f32 v6, v7;
	v7 =	vmul.f32 v12, v8;
	v13 =	vld [tilespmem:s21+$0xFFFFF850]  }
0x540: {  	v2 =	vmul.f32 v2, v3  }
0x541: {  	[tilespmem:s11+$0xFFFFF090] =	vst v6;
	v7 =	vadd.f32 v7, v9  }
0x542: {  	v9 =	vld [tilespmem:s21+$0xFFFFF860];
	v2 =	vadd.f32 v2, v11  }
0x543: {  	v8 =	vshrl.u32 v1, $0x8;
	[tilespmem:s11+$0xFFFFF060] =	vst v7;
	v7 =	vld.idx.msk [tilespmem:v10+s4+$0x0], $0xffff  }
0x544: {  	s19 =	simm.s32 $0xE0;
	v8 =	vand.u32 $0xF, v8;
	v10 =	vmul.f32 v13, v13;
	[tilespmem:s11+$0xFFFFF070] =	vst v2;
	v2 =	vld [tilespmem:s21+$0xFFFFF830]  }
0x545: {  	s17 =	simm.s32 $0x2060;
	v15 =	vld [tilespmem:s19+$0x0];
	v6 =	vshrl.u32 v4, $0x8  }
0x546: {  	v17 =	vld [tilespmem:s17+$0xFFFFF090];
	v6 =	vand.u32 $0xF, v6;
	v11 =	vmul.f32 v10, v10  }
0x547: {  	v20 =	vld [tilespmem:s19+$0xFFFFFFF0];
	v14 =	vshrl.u32 v5, $0x8  }
0x548: {  	v3 =	vand.u32 $0xF, v14;
	v12 =	vld [tilespmem:s21+$0xFFFFF840];
	v9 =	vmul.f32 v9, v9;
	v10 =	vmul.f32 v11, v10  }
0x549: {  	v8 =	vld.idx.msk [tilespmem:v8+s4+$0x0], $0xffff;
	v11 =	vshrl.u32 v0, $0x10;
	v2 =	vmul.f32 v2, v2  }
0x54a: {  	v14 =	vld [tilespmem:s19+$0x10];
	v7 =	vadd.f32 v10, v7;
	v10 =	vand.u32 $0xF, v11;
	v11 =	vmul.f32 v9, v9  }
0x54b: {  	v6 =	vld.idx.msk [tilespmem:v6+s4+$0x0], $0xffff  }
0x54c: {  	v13 =	vld [tilespmem:s17+$0xFFFFF070];
	[tilespmem:s11+$0xFFFFF850] =	vst v7;
	v7 =	vshrl.u32 v1, $0x10;
	v9 =	vmul.f32 v11, v9;
	v11 =	vmul.f32 v2, v2  }
0x54d: {  	v3 =	vld.idx.msk [tilespmem:v3+s4+$0x0], $0xffff;
	v12 =	vmul.f32 v12, v12;
	v7 =	vand.u32 $0xF, v7  }
0x54e: {  	v16 =	vld [tilespmem:s21+$0x20];
	v2 =	vmul.f32 v11, v2;
	v8 =	vadd.f32 v9, v8  }
0x54f: {  	v21 =	vld [tilespmem:s17+$0xFFFFF080];
	v19 =	vshrl.u32 v5, $0x10;
	v18 =	vmul.f32 v12, v12  }
0x550: {  	v17 =	vmul.f32 v17, v17;
	v11 =	vld [tilespmem:s19+$0xFFFFFFE0];
	v2 =	vadd.f32 v2, v6;
	v6 =	vand.u32 $0xF, v14;
	[tilespmem:s11+$0xFFFFF860] =	vst v8  }
0x551: {  	v22 =	vand.u32 $0xF, v20;
	v59 =	vshrl.u32 v15, $0x8;
	v8 =	vmul.f32 v18, v12;
	v12 =	vld [tilespmem:s21+$0x30]  }
0x552: {  	v9 =	vshrl.u32 v4, $0x10;
	v18 =	vshrl.u32 v5, $0x18;
	v5 =	vmul.f32 v13, v13;
	[tilespmem:s11+$0xFFFFF830] =	vst v2;
	v2 =	vld.idx.msk [tilespmem:v7+s4+$0x0], $0xffff  }
0x553: {  	v3 =	vadd.f32 v8, v3;
	v7 =	vmul.f32 v16, v16;
	v8 =	vand.u32 $0xF, v9;
	v9 =	vld [tilespmem:s21+$0x0]  }
0x554: {  	v21 =	vmul.f32 v21, v21;
	v61 =	vand.u32 $0xF, v59;
	v10 =	vld.idx.msk [tilespmem:v10+s4+$0x0], $0xffff;
	v13 =	vmul.f32 v5, v5  }
0x555: {  	v57 =	vmul.f32 v17, v17;
	v16 =	vand.u32 $0xF, v15;
	[tilespmem:s11+$0xFFFFF840] =	vst v3;
	v3 =	vmul.f32 v7, v7;
	v23 =	vld.idx.msk [tilespmem:v6+s4+$0x0], $0xffff  }
0x556: {  	v13 =	vmul.f32 v13, v5;
	v5 =	vand.u32 $0xF, v19;
	v6 =	vld [tilespmem:s21+$0x10];
	v12 =	vmul.f32 v12, v12  }
0x557: {  	v17 =	vmul.f32 v57, v17;
	v22 =	vld.idx.msk [tilespmem:v22+s4+$0x0], $0xffff;
	v0 =	vshrl.u32 v0, $0x18;
	v3 =	vmul.f32 v3, v7  }
0x558: {  	v0 =	vand.u32 $0xF, v0;
	v7 =	vld [tilespmem:s17+$0xFFFFF060];
	v9 =	vmul.f32 v9, v9;
	v58 =	vmul.f32 v12, v12  }
0x559: {  	v1 =	vshrl.u32 v1, $0x18;
	v26 =	vand.u32 $0xF, v11;
	v8 =	vld.idx.msk [tilespmem:v8+s4+$0x0], $0xffff;
	v10 =	vadd.f32 v3, v10  }
0x55a: {  	v1 =	vand.u32 $0xF, v1;
	v16 =	vld.idx.msk [tilespmem:v16+s4+$0x0], $0xffff;
	v27 =	vmul.f32 v9, v9;
	v12 =	vmul.f32 v58, v12  }
0x55b: {  	v4 =	vshrl.u32 v4, $0x18;
	v28 =	vld.idx.msk [tilespmem:v5+s4+$0x0], $0xffff;
	[tilespmem:s11+$0x20] =	vst v10;
	v10 =	vmul.f32 v21, v21;
	v5 =	vmul.f32 v6, v6  }
0x55c: {  	v29 =	vand.u32 $0xF, v4;
	v60 =	vld [tilespmem:s21+$0x7F0];
	v4 =	vmul.f32 v27, v9;
	v2 =	vadd.f32 v12, v2  }
0x55d: {  	v31 =	vshrl.u32 v11, $0x8;
	v30 =	vld.idx.msk [tilespmem:v0+s4+$0x0], $0xffff;
	v9 =	vmul.f32 v10, v21;
	v10 =	vmul.f32 v5, v5  }
0x55e: {  	v19 =	vshrl.u32 v14, $0x8;
	v0 =	vmul.f32 v7, v7;
	v7 =	vld.idx.msk [tilespmem:v26+s4+$0x0], $0xffff;
	v8 =	vadd.f32 v4, v8;
	[tilespmem:s11+$0x30] =	vst v2  }
0x55f: {  	v3 =	vshrl.u32 v14, $0x10;
	v2 =	vadd.f32 v9, v16;
	v10 =	vmul.f32 v10, v5;
	v12 =	vld [tilespmem:s21+$0x800]  }
0x560: {  	s18 =	simm.s32 $0x5F60;
	v6 =	vshrl.u32 v15, $0x10;
	v21 =	vmul.f32 v0, v0;
	v4 =	vshrl.u32 v11, $0x10;
	v9 =	vld.idx.msk [tilespmem:v1+s4+$0x0], $0xffff;
	[tilespmem:s11+$0x0] =	vst v8  }
0x561: {  	v16 =	vshrl.u32 v20, $0x8;
	v5 =	vshrl.u32 v20, $0x10;
	[tilespmem:s18+$0xFFFFF080] =	vst v2;
	v2 =	vadd.f32 v10, v28;
	v8 =	vld.idx.msk [tilespmem:v29+s4+$0x0], $0xffff  }
0x562: {  	s31 =	simm.s32 $0x0;
	v10 =	vadd.f32 v17, v23;
	v17 =	vmul.f32 v21, v0;
	v21 =	vmul.f32 v60, v60;
	v23 =	vld [tilespmem:s17+$0xFFFFF850]  }
0x563: {  	s8 =	sand.u32 $0x7C0, s31;
	v1 =	vshrl.u32 v11, $0x18;
	v0 =	vshrl.u32 v15, $0x18;
	v15 =	vand.u32 $0xF, v16;
	v62 =	vld [tilespmem:s21+$0x7D0];
	[tilespmem:s11+$0x10] =	vst v2  }
0x564: {  	v16 =	vmul.f32 v21, v21;
	v26 =	vadd.f32 v17, v7;
	[tilespmem:s18+$0xFFFFF090] =	vst v10;
	v11 =	vld [tilespmem:s8+$0x2800];
	v63 =	vmul.f32 v12, v12  }
0x565: {  	v7 =	vshrl.u32 v14, $0x18;
	v10 =	vadd.f32 v13, v22;
	v17 =	vld [tilespmem:s17+$0xFFFFF860];
	v12 =	vand.u32 $0xF, v18  }
0x566: {  	v13 =	vmul.f32 v16, v21;
	[tilespmem:s18+$0xFFFFF060] =	vst v26;
	v16 =	vld.idx.msk [tilespmem:v61+s4+$0x0], $0xffff;
	v21 =	vand.u32 $0xF, v19;
	v22 =	vmul.f32 v63, v63  }
0x567: {  	v2 =	vshrl.u32 v20, $0x18;
	v20 =	vand.u32 $0xF, v31;
	[tilespmem:s18+$0xFFFFF070] =	vst v10;
	v18 =	vld [tilespmem:s17+$0xFFFFF830];
	v19 =	vmul.f32 v23, v23  }
0x568: {  	s7 =	simm.s32 $0x2060;
	s10 =	simm.s32 $0x40;
	s20 =	simm.s32 $0x40;
	v14 =	vld.idx.msk [tilespmem:v15+s4+$0x0], $0xffff;
	v10 =	vadd.f32 v13, v30;
	v13 =	vmul.f32 v62, v62;
	v15 =	vmul.f32 v22, v63  }
.LBB2_16:
0x569: {  	s10 =	sadd.s32 $0x40, s10;
	v22 =	vld [tilespmem:s17+$0xFFFFF840];
	v23 =	vmul.f32 v19, v19  }
0x56a: {  	p0 =	slt.u32 s10, $0x780;
	v17 =	vmul.f32 v17, v17;
	v24 =	vmul.f32 v13, v13;
	v12 =	vld.idx.msk [tilespmem:v12+s4+$0x0], $0xffff;
	v9 =	vadd.f32 v15, v9  }
0x56b: {  	v11 =	vmul.f32 v11, v11;
	v15 =	vmul.f32 v23, v19;
	v19 =	vld.idx.msk [tilespmem:v21+s4+$0x0], $0xffff  }
0x56c: {  	v6 =	vand.u32 $0xF, v6;
	s17 =	sadd.s32 $0x40, s17;
	v20 =	vld.idx.msk [tilespmem:v20+s4+$0x0], $0xffff;
	v21 =	vmul.f32 v17, v17;
	v13 =	vmul.f32 v24, v13;
	[tilespmem:s11+$0x800] =	vst v9  }
0x56d: {  	s19 =	sadd.s32 $0x40, s19;
	v18 =	vmul.f32 v18, v18;
	v9 =	vld [tilespmem:s17+$0xFFFFF070];
	v15 =	vadd.f32 v15, v16;
	v16 =	vmul.f32 v11, v11  }
0x56e: {  	v23 =	vld [tilespmem:s19+$0x10];
	v22 =	vmul.f32 v22, v22;
	v17 =	vmul.f32 v21, v17;
	v8 =	vadd.f32 v13, v8  }
0x56f: {  	v21 =	vmul.f32 v18, v18;
	v13 =	vld [tilespmem:s19+$0x0];
	[tilespmem:s18+$0xFFFFF850] =	vst v15;
	v11 =	vmul.f32 v16, v11  }
0x570: {  	v24 =	vand.u32 $0xF, v3;
	v15 =	vmul.f32 v22, v22;
	v16 =	vld [tilespmem:s7+$0x20];
	[tilespmem:s11+$0x7D0] =	vst v8  }
0x571: {  	v18 =	vmul.f32 v21, v18;
	v17 =	vadd.f32 v17, v19;
	v8 =	vld [tilespmem:s17+$0xFFFFF090];
	v11 =	vadd.f32 v11, v12  }
0x572: {  	v19 =	vand.u32 $0xF, v7;
	v12 =	vld [tilespmem:s19+$0xFFFFFFE0];
	v9 =	vmul.f32 v9, v9;
	v15 =	vmul.f32 v15, v22;
	[tilespmem:s11+$0x7F0] =	vst v10;
	s11 =	smov.u32 s18  }
0x573: {  	v7 =	vadd.f32 v18, v20;
	v10 =	vshrl.u32 v23, $0x8;
	v3 =	vshrl.u32 v23, $0x10;
	v18 =	vld.idx.msk [tilespmem:v6+s4+$0x0], $0xffff;
	[tilespmem:s8+$0x6700] =	vst v11  }
0x574: {  	v21 =	vand.u32 $0xF, v23;
	v11 =	vld [tilespmem:s19+$0xFFFFFFF0];
	v20 =	vmul.f32 v9, v9;
	v14 =	vadd.f32 v15, v14;
	[tilespmem:s18+$0xFFFFF860] =	vst v17  }
0x575: {  	v15 =	vshrl.u32 v13, $0x8;
	v6 =	vshrl.u32 v13, $0x10;
	[tilespmem:s18+$0xFFFFF830] =	vst v7;
	v7 =	vmul.f32 v16, v16;
	v16 =	vld [tilespmem:s7+$0x30]  }
0x576: {  	v17 =	vand.u32 $0xF, v4;
	v9 =	vmul.f32 v20, v9;
	v8 =	vmul.f32 v8, v8;
	[tilespmem:s18+$0xFFFFF840] =	vst v14;
	v14 =	vld.idx.msk [tilespmem:v24+s4+$0x0], $0xffff  }
0x577: {  	v20 =	vshrl.u32 v12, $0x8;
	v4 =	vshrl.u32 v12, $0x10;
	v22 =	vld [tilespmem:s7+$0x0];
	v24 =	vmul.f32 v7, v7  }
0x578: {  	v28 =	vand.u32 $0xF, v5;
	v25 =	vand.u32 $0xF, v13;
	v26 =	vld [tilespmem:s17+$0xFFFFF080];
	v27 =	vmul.f32 v8, v8  }
0x579: {  	v29 =	vand.u32 $0xF, v11;
	v30 =	vshrl.u32 v11, $0x8;
	v21 =	vld.idx.msk [tilespmem:v21+s4+$0x0], $0xffff;
	v7 =	vmul.f32 v24, v7  }
0x57a: {  	v24 =	vand.u32 $0xF, v12;
	v8 =	vmul.f32 v27, v8;
	v27 =	vld [tilespmem:s7+$0x10];
	v16 =	vmul.f32 v16, v16  }
0x57b: {  	v13 =	vshrl.u32 v13, $0x18;
	v5 =	vshrl.u32 v11, $0x10;
	v31 =	vld [tilespmem:s17+$0xFFFFF060];
	v18 =	vadd.f32 v7, v18  }
0x57c: {  	v32 =	vand.u32 $0xF, v0;
	v0 =	vmovc v13;
	v17 =	vld.idx.msk [tilespmem:v17+s4+$0x0], $0xffff;
	v22 =	vmul.f32 v22, v22;
	v33 =	vmul.f32 v16, v16  }
0x57d: {  	v12 =	vshrl.u32 v12, $0x18;
	v7 =	vshrl.u32 v23, $0x18;
	v13 =	vld.idx.msk [tilespmem:v25+s4+$0x0], $0xffff;
	v25 =	vmul.f32 v26, v26;
	[tilespmem:s18+$0x20] =	vst v18  }
0x57e: {  	v26 =	vand.u32 $0xF, v1;
	v1 =	vmovc v12;
	v18 =	vld.idx.msk [tilespmem:v29+s4+$0x0], $0xffff;
	v23 =	vmul.f32 v22, v22;
	v16 =	vmul.f32 v33, v16  }
0x57f: {  	v21 =	vadd.f32 v8, v21;
	v12 =	vmul.f32 v25, v25;
	v28 =	vld.idx.msk [tilespmem:v28+s4+$0x0], $0xffff;
	v8 =	vmul.f32 v27, v27  }
0x580: {  	v27 =	vmul.f32 v31, v31;
	v22 =	vmul.f32 v23, v22;
	v23 =	vld [tilespmem:s7+$0x7F0];
	v14 =	vadd.f32 v16, v14  }
0x581: {  	v16 =	vshrl.u32 v11, $0x18;
	v11 =	vmul.f32 v12, v25;
	v12 =	vmul.f32 v8, v8;
	v25 =	vld.idx.msk [tilespmem:v32+s4+$0x0], $0xffff  }
0x582: {  	v24 =	vld.idx.msk [tilespmem:v24+s4+$0x0], $0xffff;
	v29 =	vmul.f32 v27, v27;
	v17 =	vadd.f32 v22, v17;
	[tilespmem:s18+$0x30] =	vst v14  }
0x583: {  	v11 =	vadd.f32 v11, v13;
	v12 =	vmul.f32 v12, v8;
	v13 =	vld [tilespmem:s7+$0x800]  }
0x584: {  	s18 =	sadd.s32 $0x40, s18;
	v18 =	vadd.f32 v9, v18;
	v14 =	vmul.f32 v29, v27;
	[tilespmem:s11+$0x0] =	vst v17;
	v9 =	vld.idx.msk [tilespmem:v19+s4+$0x0], $0xffff  }
0x585: {  	v15 =	vand.u32 $0xF, v15;
	[tilespmem:s18+$0xFFFFF080] =	vst v11;
	v8 =	vld.idx.msk [tilespmem:v26+s4+$0x0], $0xffff;
	v11 =	vadd.f32 v12, v28;
	v19 =	vmul.f32 v23, v23  }
0x586: {  	[tilespmem:s18+$0xFFFFF070] =	vst v18;
	v22 =	vld [tilespmem:s17+$0xFFFFF850]  }
0x587: {  	s8 =	sand.u32 $0x7C0, s20;
	s20 =	smov.u32 s10;
	v23 =	vand.u32 $0xF, v30;
	v26 =	vld [tilespmem:s7+$0x7D0];
	[tilespmem:s11+$0x10] =	vst v11;
	v18 =	vmul.f32 v19, v19;
	s7 =	smov.u32 s17  }
.Ltmp7:
0x588: {  	v14 =	vadd.f32 v14, v24;
	[tilespmem:s18+$0xFFFFF090] =	vst v21;
	v11 =	vld [tilespmem:s8+$0x2800];
	v24 =	vmul.f32 v13, v13;
	(pc) =	sbr.rel @p0 .LBB2_16-.Ltmp7, $4  }
0x589: {  	v12 =	vand.u32 $0xF, v2;
	v2 =	vmov v16;
	v17 =	vld [tilespmem:s17+$0xFFFFF860];
	v13 =	vmul.f32 v18, v19  }
0x58a: {  	v21 =	vand.u32 $0xF, v10;
	[tilespmem:s18+$0xFFFFF060] =	vst v14;
	v16 =	vld.idx.msk [tilespmem:v15+s4+$0x0], $0xffff;
	v15 =	vmul.f32 v24, v24  }
0x58b: {  	v20 =	vand.u32 $0xF, v20;
	v18 =	vld [tilespmem:s17+$0xFFFFF830];
	v19 =	vmul.f32 v22, v22;
	v10 =	vadd.f32 v13, v25  }
0x58c: {  	v14 =	vld.idx.msk [tilespmem:v23+s4+$0x0], $0xffff;
	v13 =	vmul.f32 v26, v26;
	v15 =	vmul.f32 v15, v24  }
0x58d: {  	v22 =	vld [tilespmem:s17+$0xFFFFF840];
	_ =	sdelay $0x2  }
0x58e: {  	v17 =	vmul.f32 v17, v17  }
0x58f: {  	v21 =	vld.idx.msk [tilespmem:v21+s4+$0x0], $0xffff;
	v62 =	vmul.f32 v19, v19;
	v18 =	vmul.f32 v18, v18  }
0x590: {  	v20 =	vld.idx.msk [tilespmem:v20+s4+$0x0], $0xffff;
	v23 =	vmul.f32 v17, v17;
	v22 =	vmul.f32 v22, v22  }
0x591: {  	v19 =	vmul.f32 v62, v19;
	v24 =	vmul.f32 v18, v18  }
0x592: {  	v17 =	vmul.f32 v23, v17;
	v63 =	vmul.f32 v22, v22  }
0x593: {  	v16 =	vadd.f32 v19, v16;
	v18 =	vmul.f32 v24, v18  }
0x594: {  	v17 =	vadd.f32 v17, v21;
	v24 =	vmul.f32 v63, v22  }
0x595: {  	[tilespmem:s18+$0xFFFFF850] =	vst v16;
	v18 =	vadd.f32 v18, v20  }
0x596: {  	v26 =	vld [tilespmem:s7+$0x20];
	[tilespmem:s18+$0xFFFFF860] =	vst v17;
	v14 =	vadd.f32 v24, v14  }
0x597: {  	v6 =	vand.u32 $0xF, v6;
	v17 =	vld [tilespmem:s7+$0x30];
	[tilespmem:s18+$0xFFFFF830] =	vst v18  }
0x598: {  	v3 =	vand.u32 $0xF, v3;
	v25 =	vld [tilespmem:s7+$0x0];
	[tilespmem:s18+$0xFFFFF840] =	vst v14  }
0x599: {  	v4 =	vand.u32 $0xF, v4;
	v14 =	vld [tilespmem:s7+$0x10]  }
0x59a: {  	v5 =	vand.u32 $0xF, v5  }
0x59b: {  	v18 =	vmul.f32 v26, v26  }
0x59c: {  	v6 =	vld.idx.msk [tilespmem:v6+s4+$0x0], $0xffff;
	v17 =	vmul.f32 v17, v17  }
0x59d: {  	v3 =	vld.idx.msk [tilespmem:v3+s4+$0x0], $0xffff;
	v29 =	vmul.f32 v18, v18;
	v16 =	vmul.f32 v25, v25  }
0x59e: {  	v4 =	vld.idx.msk [tilespmem:v4+s4+$0x0], $0xffff;
	v27 =	vmul.f32 v17, v17;
	v14 =	vmul.f32 v14, v14  }
0x59f: {  	v5 =	vld.idx.msk [tilespmem:v5+s4+$0x0], $0xffff;
	v18 =	vmul.f32 v29, v18;
	v28 =	vmul.f32 v16, v16  }
0x5a0: {  	v17 =	vmul.f32 v27, v17;
	v30 =	vmul.f32 v14, v14  }
0x5a1: {  	v6 =	vadd.f32 v18, v6;
	v16 =	vmul.f32 v28, v16  }
0x5a2: {  	v3 =	vadd.f32 v17, v3;
	v14 =	vmul.f32 v30, v14  }
0x5a3: {  	[tilespmem:s18+$0x20] =	vst v6;
	v4 =	vadd.f32 v16, v4  }
0x5a4: {  	v35 =	vld [tilespmem:s7+$0x7F0];
	[tilespmem:s18+$0x30] =	vst v3;
	v31 =	vadd.f32 v14, v5  }
0x5a5: {  	v34 =	vmul.f32 v11, v11;
	v0 =	vand.u32 $0xF, v0;
	v3 =	vld [tilespmem:s7+$0x800];
	[tilespmem:s18+$0x0] =	vst v4  }
0x5a6: {  	v32 =	vand.u32 $0xF, v7;
	s17 =	sand.u32 $0x7C0, s20;
	v33 =	vld [tilespmem:s7+$0x7D0];
	[tilespmem:s18+$0x10] =	vst v31  }
0x5a7: {  	v1 =	vand.u32 $0xF, v1;
	v38 =	vmul.f32 v34, v34;
	v37 =	vld [tilespmem:s17+$0x2800]  }
0x5a8: {  	v2 =	vand.u32 $0xF, v2;
	v12 =	vld.idx.msk [tilespmem:v12+s4+$0x0], $0xffff;
	v36 =	vmul.f32 v13, v13  }
0x5a9: {  	v7 =	vmul.f32 v38, v34;
	v11 =	vmul.f32 v35, v35  }
0x5aa: {  	v0 =	vld.idx.msk [tilespmem:v0+s4+$0x0], $0xffff;
	v4 =	vmul.f32 v36, v13;
	v3 =	vmul.f32 v3, v3  }
0x5ab: {  	[tilespmem:s11+$0x7F0] =	vst v10;
	v5 =	vld.idx.msk [tilespmem:v32+s4+$0x0], $0xffff;
	v41 =	vmul.f32 v11, v11;
	v6 =	vmul.f32 v33, v33  }
0x5ac: {  	v9 =	vadd.f32 v15, v9;
	v1 =	vld.idx.msk [tilespmem:v1+s4+$0x0], $0xffff;
	v39 =	vmul.f32 v3, v3;
	v14 =	vmul.f32 v37, v37  }
0x5ad: {  	v42 =	vadd.f32 v7, v12;
	v2 =	vld.idx.msk [tilespmem:v2+s4+$0x0], $0xffff;
	v44 =	vmul.f32 v41, v11;
	v40 =	vmul.f32 v6, v6  }
0x5ae: {  	[tilespmem:s11+$0x800] =	vst v9;
	v4 =	vadd.f32 v4, v8;
	v3 =	vmul.f32 v39, v3;
	v43 =	vmul.f32 v14, v14  }
0x5af: {  	[tilespmem:s8+$0x6700] =	vst v42;
	v0 =	vadd.f32 v44, v0;
	v6 =	vmul.f32 v40, v6  }
0x5b0: {  	[tilespmem:s11+$0x7D0] =	vst v4;
	v3 =	vadd.f32 v3, v5;
	v45 =	vmul.f32 v43, v14  }
0x5b1: {  	[tilespmem:s18+$0x7F0] =	vst v0;
	v1 =	vadd.f32 v6, v1  }
0x5b2: {  	[tilespmem:s18+$0x800] =	vst v3;
	v46 =	vadd.f32 v45, v2  }
0x5b3: {  	[tilespmem:s18+$0x7D0] =	vst v1  }
0x5b4: {  	[tilespmem:s17+$0x6700] =	vst v46  }
0x5b5: {  	v0 =	vld [tilespmem:$0x840];
	_ =	sdelay $0x3  }
0x5b6: {  	v1 =	vld [tilespmem:$0x1840]  }
0x5b7: {  	v47 =	vand.u32 $0xF, v0;
	_ =	sdelay $0x3  }
0x5b8: {  	v1 =	vmul.f32 v1, v1  }
0x5b9: {  	v2 =	vld.idx.msk [tilespmem:v47+s4+$0x0], $0xffff  }
0x5ba: {  	v48 =	vmul.f32 v1, v1  }
0x5bb: {  	v50 =	vld [tilespmem:$0x2010];
	v49 =	vshrl.u32 v0, $0x8  }
0x5bc: {  	v51 =	vand.u32 $0xF, v49;
	v1 =	vmul.f32 v48, v1;
	_ =	sdelay $0x1  }
0x5bd: {  	v1 =	vadd.f32 v1, v2;
	_ =	sdelay $0x1  }
0x5be: {  	v52 =	vmul.f32 v50, v50;
	[tilespmem:$0x5740] =	vst v1  }
0x5bf: {  	v53 =	vld.idx.msk [tilespmem:v51+s4+$0x0], $0xffff  }
0x5c0: {  	v54 =	vmul.f32 v52, v52  }
0x5c1: {  	v56 =	vld [tilespmem:$0x27E0];
	v55 =	vshrl.u32 v0, $0x10  }
0x5c2: {  	v57 =	vand.u32 $0xF, v55;
	v1 =	vmul.f32 v54, v52;
	_ =	sdelay $0x1  }
0x5c3: {  	v1 =	vadd.f32 v1, v53;
	_ =	sdelay $0x1  }
0x5c4: {  	v58 =	vmul.f32 v56, v56;
	[tilespmem:$0x5F10] =	vst v1  }
0x5c5: {  	v59 =	vld.idx.msk [tilespmem:v57+s4+$0x0], $0xffff  }
0x5c6: {  	v60 =	vmul.f32 v58, v58  }
0x5c7: {  	v61 =	vld [tilespmem:$0x2FB0];
	v0 =	vshrl.u32 v0, $0x18  }
0x5c8: {  	v0 =	vand.u32 $0xF, v0;
	v1 =	vmul.f32 v60, v58;
	_ =	sdelay $0x1  }
0x5c9: {  	v1 =	vadd.f32 v1, v59;
	_ =	sdelay $0x1  }
0x5ca: {  	v62 =	vmul.f32 v61, v61;
	[tilespmem:$0x66E0] =	vst v1  }
0x5cb: {  	v0 =	vld.idx.msk [tilespmem:v0+s4+$0x0], $0xffff  }
0x5cc: {  	v63 =	vmul.f32 v62, v62;
	_ =	sdelay $0x1  }
0x5cd: {  	v1 =	vmul.f32 v63, v62;
	_ =	sdelay $0x1  }
0x5ce: {  	v0 =	vadd.f32 v1, v0  }
0x5cf: {  	s7 =	rddreg [dreg:$0x1d]  }
0x5d0: {  	s18 =	rddreg [dreg:$0x1f];
	[tilespmem:$0x6EB0] =	vst v0  }
0x5d1: {  	[hbm4b:s7+s4] =	stream.linear.scatter [tilespmem:s23], [sflag:$0x3], $0x7D0, $0x38;
	[tilespmem:$0x8E80] =	vst v63  }
0x5d2: {  	s19 =	sld [smem:$0x7EC]  }
0x5d3: {  	[hbm4b:s18+s4] =	stream.linear.scatter [tilespmem:s24], [sflag:$0x3], $0x7D0, $0x38;
	[tilespmem:$0x8E80] =	vst v63  }
0x5d4: {  	s20 =	sld [smem:$0x7EE]  }
0x5d5: {  	[hbm4b:s19+s4] =	stream.linear.scatter [tilespmem:s26], [sflag:$0x3], $0x7D0, $0x38;
	[tilespmem:$0x8E80] =	vst v63  }
0x5d6: {  	_ = 	snop  }
0x5d7: {  	[hbm4b:s20+s4] =	stream.linear.scatter [tilespmem:s28], [sflag:$0x3], $0x7D0, $0x38;
	[tilespmem:$0x8E80] =	vst v63  }
0x5d8: {  	_ =	swait.ge [sflag:s0], $0x7D0  }
0x5d9: {  	[sflag:s0] =	ssyncset.done $0x0  }
0x5da: {  	[sflag:s0] =	ssyncadd.s32 $0xFFFFF830  }
0x5db: {  	_ =	swait.ge [sflag:s0], $0x7D0  }
0x5dc: {  	[sflag:s0] =	ssyncset.done $0x0  }
0x5dd: {  	[sflag:s0] =	ssyncadd.s32 $0xFFFFF830  }
0x5de: {  	_ =	swait.ge [sflag:s0], $0x7D0  }
0x5df: {  	[sflag:s0] =	ssyncset.done $0x0  }
0x5e0: {  	[sflag:s0] =	ssyncadd.s32 $0xFFFFF830  }
0x5e1: {  	_ =	swait.ge [sflag:s0], $0x7D0  }
0x5e2: {  	[sflag:s0] =	ssyncset.done $0x0  }
0x5e3: {  	[sflag:s0] =	ssyncadd.s32 $0xFFFFF830  }
0x5e4: {  	_ =	swait.ge [sflag:s1], $0x7D0  }
0x5e5: {  	[sflag:s1] =	ssyncset.done $0x0  }
0x5e6: {  	[sflag:s1] =	ssyncadd.s32 $0xFFFFF830  }
0x5e7: {  	_ =	swait.ge [sflag:s1], $0x7D0  }
0x5e8: {  	[sflag:s1] =	ssyncset.done $0x0  }
0x5e9: {  	[sflag:s1] =	ssyncadd.s32 $0xFFFFF830  }
0x5ea: {  	_ =	swait.ge [sflag:s1], $0x7D0  }
0x5eb: {  	[sflag:s1] =	ssyncset.done $0x0  }
0x5ec: {  	[sflag:s1] =	ssyncadd.s32 $0xFFFFF830  }
0x5ed: {  	_ =	swait.ge [sflag:s1], $0x7D0  }
0x5ee: {  	s21 =	sld [smem:$0x7EA]  }
0x5ef: {  	s31 =	sld [smem:$0x7EF];
	_ =	sdelay $0x1  }
0x5f0: {  	s8 =	sadd.s32 $0x1, s21  }
0x5f1: {  	p0 =	sne.s32 s8, s31  }
.Ltmp8:
0x5f2: {  	_ = 	snop;
	(pc) =	sbr.rel @p0 .LBB2_1-.Ltmp8, $3  }
0x5f3: {  	_ =	sdelay $0x1  }
0x5f4: {  	[sflag:s1] =	ssyncset.done $0x0  }
0x5f5: {  	[sflag:s1] =	ssyncadd.s32 $0xFFFFF830  }
0x5f6: {  	_ =	sfence.sel $0x180000  }
0x5f7: {  	[bflag:$0x0] =	sbarrier.arrive $0xFFFF  }
0x5f8: {  	_ =	strace $0x90000047  }
0x5f9: {  	s0 =	stileid.u32;
	[bflag:$0x2] =	sbarrier.arrive $0xFFFF  }
0x5fa: {  	p0 =	sne.s32 s0, $0x0;
	s0 =	rddreg [dreg:$0x3]  }
0x5fb: {  	s0 =	sadd.s32 @!p0 $0x100000, s0  }
0x5fc: {  	[sflag:s0] =	ssyncadd.tile.s32 @!p0 $0x1;
	_ =	shalt  }
.Lfunc_end2:
_tile_overlayer_lowered:
.L_overlay_start_2:
0x5fd: {  	(tag) =	ssettag $0x2  }
0x5fe: {  	s0 =	rddreg [dreg:$0x0];
	s2 =	stileid.u32  }
0x5ff: {  	s1 =	rddreg [dreg:$0x1];
	p0 =	sne.s32 s2, $0x0  }
0x600: {  	s3 =	rddreg [dreg:$0x2];
	[bflag:$0x3] =	sbarrier.arrive $0xFFFF;
	s2 =	simm.s32 @!p0 $0x1C05  }
0x601: {  	[timem:s3], [sflag:s2] =	dma.local @!p0 [hbm:s0], s1  }
0x602: {  	s0 =	simm.s32 @!p0 $0x5  }
0x603: {  	_ =	swait.ge @!p0 [sflag:s0], s1  }
0x604: {  	s1 =	ssub.s32 @!p0 $0x0, s1;
	[sflag:s0] =	ssyncset.done @!p0 $0x0  }
0x605: {  	[sflag:s0] =	ssyncadd.s32 @!p0 s1  }
0x606: {  	[bflag:$0x3] =	sbarrier.arrive $0xFFFF  }
0x607: {  	_ =	shalt  }

</sc_bundles>
